<compile_context>
chip_gen: v7x
topology: tpu7x:2x2x1
jax: 0.10.2.dev20260603
libtpu: 0.0.44.dev20260713+nightly
codegen_flags: <defaults>
</compile_context>

<pallas_src>
import jax
import jax.numpy as jnp
from jax import lax
from jax.experimental import pallas as pl
from jax.experimental.pallas import tpu as pltpu
from jax.experimental.pallas import tpu_sc as plsc

EMBED_DIM = 64
SEQ = 50
BATCH = 4096
NC, NS, L = 2, 16, 16
NW = NC * NS
BLK = BATCH // NW
GB = BLK // L
ER, ES = EMBED_DIM // 8, 8
NBUF = 3


def _sc_body(tok_hbm, unk_hbm, w_hbm, out_hbm, idx_raw, idx_adj, unk_v,
             rows, trows, gsem, ssem):
    wid = lax.axis_index("s") * NC + lax.axis_index("c")
    pltpu.sync_copy(tok_hbm.at[:, pl.ds(wid * BLK, BLK)], idx_raw)
    pltpu.sync_copy(unk_hbm, unk_v)
    iota16 = lax.iota(jnp.int32, L)

    def adjust(s, _):
        for g in range(GB):
            v = idx_raw[s, pl.ds(g * L, L)]
            idx_adj[s, pl.ds(g * L, L)] = jnp.maximum(v - 2, 0)
        return 0

    def sg(s, b):
        pltpu.async_copy(w_hbm.at[idx_adj.at[s]], rows.at[b], gsem.at[b])

    def wg(s, b):
        pltpu.make_async_copy(w_hbm.at[idx_adj.at[s]], rows.at[b],
                              gsem.at[b]).wait()

    def ss(s, b):
        pltpu.async_copy(trows.at[b], out_hbm.at[s, :, wid], ssem.at[b])

    def ws(s, b):
        pltpu.make_async_copy(trows.at[b], out_hbm.at[s, :, wid],
                              ssem.at[b]).wait()

    def transpose(s, b, with_fix):
        rb = rows.at[b]
        tb = trows.at[b]

        def erow_body(erow, _):
            for esub in range(ES):
                e = erow * ES + esub
                ev = jnp.full((L,), e, jnp.int32)
                if with_fix:
                    unk_e = plsc.load_gather(unk_v, [ev])
                for g in range(GB):
                    bv = g * L + iota16
                    tval = plsc.load_gather(rb, [bv, ev])
                    if with_fix:
                        v = idx_raw[s, pl.ds(g * L, L)]
                        tval = jnp.where(v < 2,
                                         unk_e * v.astype(jnp.float32), tval)
                    tb[erow, esub, pl.ds(g * L, L)] = tval
            return 0

        lax.fori_loop(0, ER, erow_body, 0)

    def step(s, _):
        bg = lax.rem(s, NBUF)
        wg(s, bg)
        lax.cond(s >= NBUF, lambda: ws(s - NBUF, bg), lambda: None)
        bad = jnp.zeros((L,), jnp.bool_)
        for g in range(GB):
            v = idx_raw[s, pl.ds(g * L, L)]
            bad = jnp.logical_or(bad, v < 2)
        nbad = plsc.all_reduce_population_count(bad)
        lax.cond(nbad[0] == 0,
                 lambda: transpose(s, bg, False),
                 lambda: transpose(s, bg, True))
        ss(s, bg)
        lax.cond(s + NBUF < SEQ, lambda: sg(s + NBUF, bg), lambda: None)
        return 0

    lax.fori_loop(0, NBUF, adjust, 0)
    for b in range(NBUF):
        sg(b, b)
    lax.fori_loop(NBUF, SEQ, adjust, 0)

    lax.fori_loop(0, SEQ, step, 0)
    for s in range(SEQ - NBUF, SEQ):
        ws(s, s % NBUF)


@jax.jit
def kernel(tokens, unk, weights):
    tok_t = tokens.T.astype(jnp.int32)
    unk1 = unk.reshape(EMBED_DIM)
    mesh = plsc.VectorSubcoreMesh(core_axis_name="c", subcore_axis_name="s")
    out_lin = pl.kernel(
        _sc_body,
        out_type=jax.ShapeDtypeStruct((SEQ, ER, NW, ES, BLK), jnp.float32),
        mesh=mesh,
        compiler_params=pltpu.CompilerParams(needs_layout_passes=False,
                                             use_tc_tiling_on_sc=False),
        scratch_types=[
            pltpu.VMEM((SEQ, BLK), jnp.int32),
            pltpu.VMEM((SEQ, BLK), jnp.int32),
            pltpu.VMEM((EMBED_DIM,), jnp.float32),
            pltpu.VMEM((NBUF, BLK, EMBED_DIM), jnp.float32),
            pltpu.VMEM((NBUF, ER, ES, BLK), jnp.float32),
            pltpu.SemaphoreType.DMA((NBUF,)),
            pltpu.SemaphoreType.DMA((NBUF,)),
        ],
    )(tok_t, unk1, weights)
    return out_lin.transpose(2, 4, 0, 1, 3).reshape(BATCH, SEQ, EMBED_DIM)

# --- scband reference (transcript-rebuilt; emitter-appended) ---
"""Pipeline reference for scband-token-embedding-21440476741806 (READ-ONLY COPY).

The authoritative reference and input builder live on the scoring server;
editing this copy changes nothing except your own understanding.
"""

import jax, jax.numpy as jnp
import numpy as np

TOKEN_SIZE = 100000
EMBED_DIM = 64

def setup_inputs(seed: int = 0) -> dict:
    key = jax.random.key(seed)
    k1, k2, k3 = jax.random.split(key, 3)
    tokens = jax.random.randint(k1, (4096, 50), 0, TOKEN_SIZE, dtype=jnp.int64 if jax.config.jax_enable_x64 else jnp.int32)
    # with_pad consumes 1 row (zeros), with_unk consumes 1 row (variable),
    # remaining token_size - 2 rows are learned 'weights'
    unk = jax.random.normal(k2, (1, EMBED_DIM), dtype=jnp.float32) * 0.02
    weights = jax.random.normal(k3, (TOKEN_SIZE - 2, EMBED_DIM), dtype=jnp.float32) * 0.02
    return {"tokens": tokens, "unk": unk, "weights": weights}

def reference(tokens, unk, weights):
    pad = jnp.zeros((1, EMBED_DIM), dtype=jnp.float32)
    embedding_map = jnp.concatenate([pad, unk, weights], axis=0)  # [TOKEN_SIZE, EMBED_DIM]
    return jnp.take(embedding_map, tokens, axis=0)  # [4096, 50, EMBED_DIM]

if __name__ == "__main__":
    import jax
    _d = setup_inputs()
    print(jax.jit(kernel)(*tuple(_d.values())))

</pallas_src>

<mosaic_0001>
#map = affine_map<(d0, d1) -> (0, 0)>
#map1 = affine_map<(d0, d1) -> (0)>
#map2 = affine_map<(d0, d1) -> (0, 0, 0, 0, 0)>
module attributes {stable_mosaic.version = 14 : i64} {
  func.func @_sc_body(%arg0: i32, %arg1: i32, %arg2: memref<50x4096xi32, #tpu.memory_space<hbm>>, %arg3: memref<64xf32, #tpu.memory_space<hbm>>, %arg4: memref<99998x64xf32, #tpu.memory_space<hbm>>, %arg5: memref<50x8x32x8x128xf32, #tpu.memory_space<hbm>>, %arg6: memref<50x128xi32, #tpu.memory_space<vmem>>, %arg7: memref<50x128xi32, #tpu.memory_space<vmem>>, %arg8: memref<64xf32, #tpu.memory_space<vmem>>, %arg9: memref<3x128x64xf32, #tpu.memory_space<vmem>>, %arg10: memref<3x8x8x128xf32, #tpu.memory_space<vmem>>, %arg11: memref<3x!tpu.dma_semaphore, #tpu.memory_space<semaphore_mem>>, %arg12: memref<3x!tpu.dma_semaphore, #tpu.memory_space<semaphore_mem>>) attributes {dimension_semantics = [#tpu.dimension_semantics<core_parallel>, #tpu.dimension_semantics<subcore_parallel>], iteration_bounds = array<i64: 2, 16>, scalar_prefetch = 0 : i64, scratch_operands = 7 : i64, tpu.core_type = #tpu.core_type<sc_vector_subcore>, window_params = [{transform_indices = #map}, {transform_indices = #map1}, {transform_indices = #map}, {transform_indices = #map2}]} {
    %mul3A = arith.constant 2 : i32
    %mul3A_0 = arith.muli %arg1, %mul3A : i32
    %add3A = arith.addi %mul3A_0, %arg0 : i32
    %mul3A_1 = arith.constant 128 : i32
    %mul3A_2 = arith.muli %add3A, %mul3A_1 : i32
    "tpu.region"() ({
      %run_scoped3A = tpu.sem_alloc : memref<!tpu.dma_semaphore, #tpu.memory_space<semaphore_mem>>
      %dma_start3A_141 = arith.constant 0 : i32
      %dma_start3A_142 = tpu.memref_slice %arg2[%dma_start3A_141, %mul3A_2] : memref<50x4096xi32, #tpu.memory_space<hbm>> -> memref<50x128xi32, #tpu.memory_space<hbm>>
      %dma_start3A_143 = arith.constant 0 : i32
      %dma_start3A_144 = tpu.memref_slice %arg2[%dma_start3A_143, %mul3A_2] : memref<50x4096xi32, #tpu.memory_space<hbm>> -> memref<50x128xi32, #tpu.memory_space<hbm>>
      tpu.enqueue_dma source(%dma_start3A_144 : memref<50x128xi32, #tpu.memory_space<hbm>>) target(%arg6 : memref<50x128xi32, #tpu.memory_space<vmem>>) target_semaphore(%run_scoped3A : memref<!tpu.dma_semaphore, #tpu.memory_space<semaphore_mem>>)
      %dma_wait3A_145 = arith.constant 0 : i32
      %dma_wait3A_146 = tpu.memref_slice %arg2[%dma_wait3A_145, %mul3A_2] : memref<50x4096xi32, #tpu.memory_space<hbm>> -> memref<50x128xi32, #tpu.memory_space<hbm>>
      %dma_wait3A_147 = arith.constant 0 : i32
      %dma_wait3A_148 = tpu.memref_slice %arg2[%dma_wait3A_147, %mul3A_2] : memref<50x4096xi32, #tpu.memory_space<hbm>> -> memref<50x128xi32, #tpu.memory_space<hbm>>
      tpu.wait_dma2 semaphore(%run_scoped3A : memref<!tpu.dma_semaphore, #tpu.memory_space<semaphore_mem>>) src(%dma_wait3A_148 : memref<50x128xi32, #tpu.memory_space<hbm>>) dst(%arg6 : memref<50x128xi32, #tpu.memory_space<vmem>>)
      tpu.yield
    }) : () -> ()
    "tpu.region"() ({
      %run_scoped3A = tpu.sem_alloc : memref<!tpu.dma_semaphore, #tpu.memory_space<semaphore_mem>>
      tpu.enqueue_dma source(%arg3 : memref<64xf32, #tpu.memory_space<hbm>>) target(%arg8 : memref<64xf32, #tpu.memory_space<vmem>>) target_semaphore(%run_scoped3A : memref<!tpu.dma_semaphore, #tpu.memory_space<semaphore_mem>>)
      tpu.wait_dma2 semaphore(%run_scoped3A : memref<!tpu.dma_semaphore, #tpu.memory_space<semaphore_mem>>) src(%arg3 : memref<64xf32, #tpu.memory_space<hbm>>) dst(%arg8 : memref<64xf32, #tpu.memory_space<vmem>>)
      tpu.yield
    }) : () -> ()
    %iota3A = tpu.iota {dimensions = array<i32: 0>} : vector<16xi32>
    %scan3A = arith.constant 0 : i32
    %scan3A_3 = arith.constant 0 : i32
    %scan3A_4 = arith.constant 3 : i32
    %scan3A_5 = arith.addi %scan3A_3, %scan3A_4 : i32
    %scan3A_6 = arith.constant 1 : i32
    %scan3A_7 = scf.for %scan3A_141 = %scan3A_3 to %scan3A_5 step %scan3A_6 iter_args(%scan3A_142 = %scan3A) -> (i32)  : i32 {
      %get3A = arith.index_cast %scan3A_141 : i32 to index
      %get3A_143 = arith.constant 0 : index
      %get3A_144 = tpu.vector_load %arg6[%get3A, %get3A_143] {strides = array<i32>} : memref<50x128xi32, #tpu.memory_space<vmem>>, vector<16xi32>,
      %sub3A = arith.constant 2 : i32
      %sub3A_145 = vector.broadcast %sub3A : i32 to vector<16xi32>
      %sub3A_146 = arith.subi %get3A_144, %sub3A_145 : vector<16xi32>
      %max3A = arith.constant 0 : i32
      %max3A_147 = vector.broadcast %max3A : i32 to vector<16xi32>
      %max3A_148 = arith.maxsi %sub3A_146, %max3A_147 : vector<16xi32>
      %swap3A = arith.index_cast %scan3A_141 : i32 to index
      %swap3A_149 = arith.constant 0 : index
      %swap3A_150 = tpu.vector_load %arg7[%swap3A, %swap3A_149] {strides = array<i32>} : memref<50x128xi32, #tpu.memory_space<vmem>>, vector<16xi32>,
      tpu.vector_store %arg7[%swap3A, %swap3A_149], %max3A_148 {strides = array<i32>} : memref<50x128xi32, #tpu.memory_space<vmem>>, vector<16xi32>,
      %get3A_151 = arith.index_cast %scan3A_141 : i32 to index
      %get3A_152 = arith.constant 16 : index
      %get3A_153 = tpu.vector_load %arg6[%get3A_151, %get3A_152] {strides = array<i32>} : memref<50x128xi32, #tpu.memory_space<vmem>>, vector<16xi32>,
      %sub3A_154 = arith.constant 2 : i32
      %sub3A_155 = vector.broadcast %sub3A_154 : i32 to vector<16xi32>
      %sub3A_156 = arith.subi %get3A_153, %sub3A_155 : vector<16xi32>
      %max3A_157 = arith.constant 0 : i32
      %max3A_158 = vector.broadcast %max3A_157 : i32 to vector<16xi32>
      %max3A_159 = arith.maxsi %sub3A_156, %max3A_158 : vector<16xi32>
      %swap3A_160 = arith.index_cast %scan3A_141 : i32 to index
      %swap3A_161 = arith.constant 16 : index
      %swap3A_162 = tpu.vector_load %arg7[%swap3A_160, %swap3A_161] {strides = array<i32>} : memref<50x128xi32, #tpu.memory_space<vmem>>, vector<16xi32>,
      tpu.vector_store %arg7[%swap3A_160, %swap3A_161], %max3A_159 {strides = array<i32>} : memref<50x128xi32, #tpu.memory_space<vmem>>, vector<16xi32>,
      %get3A_163 = arith.index_cast %scan3A_141 : i32 to index
      %get3A_164 = arith.constant 32 : index
      %get3A_165 = tpu.vector_load %arg6[%get3A_163, %get3A_164] {strides = array<i32>} : memref<50x128xi32, #tpu.memory_space<vmem>>, vector<16xi32>,
      %sub3A_166 = arith.constant 2 : i32
      %sub3A_167 = vector.broadcast %sub3A_166 : i32 to vector<16xi32>
      %sub3A_168 = arith.subi %get3A_165, %sub3A_167 : vector<16xi32>
      %max3A_169 = arith.constant 0 : i32
      %max3A_170 = vector.broadcast %max3A_169 : i32 to vector<16xi32>
      %max3A_171 = arith.maxsi %sub3A_168, %max3A_170 : vector<16xi32>
      %swap3A_172 = arith.index_cast %scan3A_141 : i32 to index
      %swap3A_173 = arith.constant 32 : index
      %swap3A_174 = tpu.vector_load %arg7[%swap3A_172, %swap3A_173] {strides = array<i32>} : memref<50x128xi32, #tpu.memory_space<vmem>>, vector<16xi32>,
      tpu.vector_store %arg7[%swap3A_172, %swap3A_173], %max3A_171 {strides = array<i32>} : memref<50x128xi32, #tpu.memory_space<vmem>>, vector<16xi32>,
      %get3A_175 = arith.index_cast %scan3A_141 : i32 to index
      %get3A_176 = arith.constant 48 : index
      %get3A_177 = tpu.vector_load %arg6[%get3A_175, %get3A_176] {strides = array<i32>} : memref<50x128xi32, #tpu.memory_space<vmem>>, vector<16xi32>,
      %sub3A_178 = arith.constant 2 : i32
      %sub3A_179 = vector.broadcast %sub3A_178 : i32 to vector<16xi32>
      %sub3A_180 = arith.subi %get3A_177, %sub3A_179 : vector<16xi32>
      %max3A_181 = arith.constant 0 : i32
      %max3A_182 = vector.broadcast %max3A_181 : i32 to vector<16xi32>
      %max3A_183 = arith.maxsi %sub3A_180, %max3A_182 : vector<16xi32>
      %swap3A_184 = arith.index_cast %scan3A_141 : i32 to index
      %swap3A_185 = arith.constant 48 : index
      %swap3A_186 = tpu.vector_load %arg7[%swap3A_184, %swap3A_185] {strides = array<i32>} : memref<50x128xi32, #tpu.memory_space<vmem>>, vector<16xi32>,
      tpu.vector_store %arg7[%swap3A_184, %swap3A_185], %max3A_183 {strides = array<i32>} : memref<50x128xi32, #tpu.memory_space<vmem>>, vector<16xi32>,
      %get3A_187 = arith.index_cast %scan3A_141 : i32 to index
      %get3A_188 = arith.constant 64 : index
      %get3A_189 = tpu.vector_load %arg6[%get3A_187, %get3A_188] {strides = array<i32>} : memref<50x128xi32, #tpu.memory_space<vmem>>, vector<16xi32>,
      %sub3A_190 = arith.constant 2 : i32
      %sub3A_191 = vector.broadcast %sub3A_190 : i32 to vector<16xi32>
      %sub3A_192 = arith.subi %get3A_189, %sub3A_191 : vector<16xi32>
      %max3A_193 = arith.constant 0 : i32
      %max3A_194 = vector.broadcast %max3A_193 : i32 to vector<16xi32>
      %max3A_195 = arith.maxsi %sub3A_192, %max3A_194 : vector<16xi32>
      %swap3A_196 = arith.index_cast %scan3A_141 : i32 to index
      %swap3A_197 = arith.constant 64 : index
      %swap3A_198 = tpu.vector_load %arg7[%swap3A_196, %swap3A_197] {strides = array<i32>} : memref<50x128xi32, #tpu.memory_space<vmem>>, vector<16xi32>,
      tpu.vector_store %arg7[%swap3A_196, %swap3A_197], %max3A_195 {strides = array<i32>} : memref<50x128xi32, #tpu.memory_space<vmem>>, vector<16xi32>,
      %get3A_199 = arith.index_cast %scan3A_141 : i32 to index
      %get3A_200 = arith.constant 80 : index
      %get3A_201 = tpu.vector_load %arg6[%get3A_199, %get3A_200] {strides = array<i32>} : memref<50x128xi32, #tpu.memory_space<vmem>>, vector<16xi32>,
      %sub3A_202 = arith.constant 2 : i32
      %sub3A_203 = vector.broadcast %sub3A_202 : i32 to vector<16xi32>
      %sub3A_204 = arith.subi %get3A_201, %sub3A_203 : vector<16xi32>
      %max3A_205 = arith.constant 0 : i32
      %max3A_206 = vector.broadcast %max3A_205 : i32 to vector<16xi32>
      %max3A_207 = arith.maxsi %sub3A_204, %max3A_206 : vector<16xi32>
      %swap3A_208 = arith.index_cast %scan3A_141 : i32 to index
      %swap3A_209 = arith.constant 80 : index
      %swap3A_210 = tpu.vector_load %arg7[%swap3A_208, %swap3A_209] {strides = array<i32>} : memref<50x128xi32, #tpu.memory_space<vmem>>, vector<16xi32>,
      tpu.vector_store %arg7[%swap3A_208, %swap3A_209], %max3A_207 {strides = array<i32>} : memref<50x128xi32, #tpu.memory_space<vmem>>, vector<16xi32>,
      %get3A_211 = arith.index_cast %scan3A_141 : i32 to index
      %get3A_212 = arith.constant 96 : index
      %get3A_213 = tpu.vector_load %arg6[%get3A_211, %get3A_212] {strides = array<i32>} : memref<50x128xi32, #tpu.memory_space<vmem>>, vector<16xi32>,
      %sub3A_214 = arith.constant 2 : i32
      %sub3A_215 = vector.broadcast %sub3A_214 : i32 to vector<16xi32>
      %sub3A_216 = arith.subi %get3A_213, %sub3A_215 : vector<16xi32>
      %max3A_217 = arith.constant 0 : i32
      %max3A_218 = vector.broadcast %max3A_217 : i32 to vector<16xi32>
      %max3A_219 = arith.maxsi %sub3A_216, %max3A_218 : vector<16xi32>
      %swap3A_220 = arith.index_cast %scan3A_141 : i32 to index
      %swap3A_221 = arith.constant 96 : index
      %swap3A_222 = tpu.vector_load %arg7[%swap3A_220, %swap3A_221] {strides = array<i32>} : memref<50x128xi32, #tpu.memory_space<vmem>>, vector<16xi32>,
      tpu.vector_store %arg7[%swap3A_220, %swap3A_221], %max3A_219 {strides = array<i32>} : memref<50x128xi32, #tpu.memory_space<vmem>>, vector<16xi32>,
      %get3A_223 = arith.index_cast %scan3A_141 : i32 to index
      %get3A_224 = arith.constant 112 : index
      %get3A_225 = tpu.vector_load %arg6[%get3A_223, %get3A_224] {strides = array<i32>} : memref<50x128xi32, #tpu.memory_space<vmem>>, vector<16xi32>,
      %sub3A_226 = arith.constant 2 : i32
      %sub3A_227 = vector.broadcast %sub3A_226 : i32 to vector<16xi32>
      %sub3A_228 = arith.subi %get3A_225, %sub3A_227 : vector<16xi32>
      %max3A_229 = arith.constant 0 : i32
      %max3A_230 = vector.broadcast %max3A_229 : i32 to vector<16xi32>
      %max3A_231 = arith.maxsi %sub3A_228, %max3A_230 : vector<16xi32>
      %swap3A_232 = arith.index_cast %scan3A_141 : i32 to index
      %swap3A_233 = arith.constant 112 : index
      %swap3A_234 = tpu.vector_load %arg7[%swap3A_232, %swap3A_233] {strides = array<i32>} : memref<50x128xi32, #tpu.memory_space<vmem>>, vector<16xi32>,
      tpu.vector_store %arg7[%swap3A_232, %swap3A_233], %max3A_231 {strides = array<i32>} : memref<50x128xi32, #tpu.memory_space<vmem>>, vector<16xi32>,
      %scan3A_235 = arith.constant 0 : i32
      scf.yield %scan3A_235 : i32
    }
    %scan3A_8 = arith.constant 3 : i32
    %dma_start3A = arith.constant 0 : i32
    %dma_start3A_9 = arith.constant 0 : i32
    %dma_start3A_10 = arith.constant 0 : i32
    %dma_start3A_11 = arith.constant 0 : i32
    %dma_start3A_12 = arith.constant 0 : i32
    %dma_start3A_13 = tpu.memref_slice %arg9[%dma_start3A_9, %dma_start3A_11, %dma_start3A_12] : memref<3x128x64xf32, #tpu.memory_space<vmem>> -> memref<1x128x64xf32, #tpu.memory_space<vmem>>
    %dma_start3A_14 = tpu.memref_squeeze %dma_start3A_13 : memref<1x128x64xf32, #tpu.memory_space<vmem>> -> memref<128x64xf32, #tpu.memory_space<vmem>>
    %dma_start3A_15 = arith.constant 0 : i32
    %dma_start3A_16 = tpu.memref_slice %arg7[%dma_start3A, %dma_start3A_15] : memref<50x128xi32, #tpu.memory_space<vmem>> -> memref<1x128xi32, #tpu.memory_space<vmem>>
    %dma_start3A_17 = tpu.memref_squeeze %dma_start3A_16 : memref<1x128xi32, #tpu.memory_space<vmem>> -> memref<128xi32, #tpu.memory_space<vmem>>
    %dma_start3A_18 = arith.constant 0 : i32
    %dma_start3A_19 = arith.constant 0 : i32
    %dma_start3A_20 = tpu.memref_slice %arg4[%dma_start3A_18, %dma_start3A_19] : memref<99998x64xf32, #tpu.memory_space<hbm>> -> memref<99998x64xf32, #tpu.memory_space<hbm>>
    %dma_start3A_21 = tpu.memref_slice %arg11[%dma_start3A_10] : memref<3x!tpu.dma_semaphore, #tpu.memory_space<semaphore_mem>> -> memref<1x!tpu.dma_semaphore, #tpu.memory_space<semaphore_mem>>
    %dma_start3A_22 = tpu.memref_squeeze %dma_start3A_21 : memref<1x!tpu.dma_semaphore, #tpu.memory_space<semaphore_mem>> -> memref<!tpu.dma_semaphore, #tpu.memory_space<semaphore_mem>>
    tpu.enqueue_indirect_dma source(%dma_start3A_20 : memref<99998x64xf32, #tpu.memory_space<hbm>>) target(%dma_start3A_14 : memref<128x64xf32, #tpu.memory_space<vmem>>) offsets(%dma_start3A_17 : memref<128xi32, #tpu.memory_space<vmem>>) semaphore(%dma_start3A_22 : memref<!tpu.dma_semaphore, #tpu.memory_space<semaphore_mem>>)
    %dma_start3A_23 = arith.constant 1 : i32
    %dma_start3A_24 = arith.constant 1 : i32
    %dma_start3A_25 = arith.constant 1 : i32
    %dma_start3A_26 = arith.constant 0 : i32
    %dma_start3A_27 = arith.constant 0 : i32
    %dma_start3A_28 = tpu.memref_slice %arg9[%dma_start3A_24, %dma_start3A_26, %dma_start3A_27] : memref<3x128x64xf32, #tpu.memory_space<vmem>> -> memref<1x128x64xf32, #tpu.memory_space<vmem>>
    %dma_start3A_29 = tpu.memref_squeeze %dma_start3A_28 : memref<1x128x64xf32, #tpu.memory_space<vmem>> -> memref<128x64xf32, #tpu.memory_space<vmem>>
    %dma_start3A_30 = arith.constant 0 : i32
    %dma_start3A_31 = tpu.memref_slice %arg7[%dma_start3A_23, %dma_start3A_30] : memref<50x128xi32, #tpu.memory_space<vmem>> -> memref<1x128xi32, #tpu.memory_space<vmem>>
    %dma_start3A_32 = tpu.memref_squeeze %dma_start3A_31 : memref<1x128xi32, #tpu.memory_space<vmem>> -> memref<128xi32, #tpu.memory_space<vmem>>
    %dma_start3A_33 = arith.constant 0 : i32
    %dma_start3A_34 = arith.constant 0 : i32
    %dma_start3A_35 = tpu.memref_slice %arg4[%dma_start3A_33, %dma_start3A_34] : memref<99998x64xf32, #tpu.memory_space<hbm>> -> memref<99998x64xf32, #tpu.memory_space<hbm>>
    %dma_start3A_36 = tpu.memref_slice %arg11[%dma_start3A_25] : memref<3x!tpu.dma_semaphore, #tpu.memory_space<semaphore_mem>> -> memref<1x!tpu.dma_semaphore, #tpu.memory_space<semaphore_mem>>
    %dma_start3A_37 = tpu.memref_squeeze %dma_start3A_36 : memref<1x!tpu.dma_semaphore, #tpu.memory_space<semaphore_mem>> -> memref<!tpu.dma_semaphore, #tpu.memory_space<semaphore_mem>>
    tpu.enqueue_indirect_dma source(%dma_start3A_35 : memref<99998x64xf32, #tpu.memory_space<hbm>>) target(%dma_start3A_29 : memref<128x64xf32, #tpu.memory_space<vmem>>) offsets(%dma_start3A_32 : memref<128xi32, #tpu.memory_space<vmem>>) semaphore(%dma_start3A_37 : memref<!tpu.dma_semaphore, #tpu.memory_space<semaphore_mem>>)
    %dma_start3A_38 = arith.constant 2 : i32
    %dma_start3A_39 = arith.constant 2 : i32
    %dma_start3A_40 = arith.constant 2 : i32
    %dma_start3A_41 = arith.constant 0 : i32
    %dma_start3A_42 = arith.constant 0 : i32
    %dma_start3A_43 = tpu.memref_slice %arg9[%dma_start3A_39, %dma_start3A_41, %dma_start3A_42] : memref<3x128x64xf32, #tpu.memory_space<vmem>> -> memref<1x128x64xf32, #tpu.memory_space<vmem>>
    %dma_start3A_44 = tpu.memref_squeeze %dma_start3A_43 : memref<1x128x64xf32, #tpu.memory_space<vmem>> -> memref<128x64xf32, #tpu.memory_space<vmem>>
    %dma_start3A_45 = arith.constant 0 : i32
    %dma_start3A_46 = tpu.memref_slice %arg7[%dma_start3A_38, %dma_start3A_45] : memref<50x128xi32, #tpu.memory_space<vmem>> -> memref<1x128xi32, #tpu.memory_space<vmem>>
    %dma_start3A_47 = tpu.memref_squeeze %dma_start3A_46 : memref<1x128xi32, #tpu.memory_space<vmem>> -> memref<128xi32, #tpu.memory_space<vmem>>
    %dma_start3A_48 = arith.constant 0 : i32
    %dma_start3A_49 = arith.constant 0 : i32
    %dma_start3A_50 = tpu.memref_slice %arg4[%dma_start3A_48, %dma_start3A_49] : memref<99998x64xf32, #tpu.memory_space<hbm>> -> memref<99998x64xf32, #tpu.memory_space<hbm>>
    %dma_start3A_51 = tpu.memref_slice %arg11[%dma_start3A_40] : memref<3x!tpu.dma_semaphore, #tpu.memory_space<semaphore_mem>> -> memref<1x!tpu.dma_semaphore, #tpu.memory_space<semaphore_mem>>
    %dma_start3A_52 = tpu.memref_squeeze %dma_start3A_51 : memref<1x!tpu.dma_semaphore, #tpu.memory_space<semaphore_mem>> -> memref<!tpu.dma_semaphore, #tpu.memory_space<semaphore_mem>>
    tpu.enqueue_indirect_dma source(%dma_start3A_50 : memref<99998x64xf32, #tpu.memory_space<hbm>>) target(%dma_start3A_44 : memref<128x64xf32, #tpu.memory_space<vmem>>) offsets(%dma_start3A_47 : memref<128xi32, #tpu.memory_space<vmem>>) semaphore(%dma_start3A_52 : memref<!tpu.dma_semaphore, #tpu.memory_space<semaphore_mem>>)
    %scan3A_53 = arith.constant 0 : i32
    %scan3A_54 = arith.constant 3 : i32
    %scan3A_55 = arith.constant 47 : i32
    %scan3A_56 = arith.addi %scan3A_54, %scan3A_55 : i32
    %scan3A_57 = arith.constant 1 : i32
    %scan3A_58 = scf.for %scan3A_141 = %scan3A_54 to %scan3A_56 step %scan3A_57 iter_args(%scan3A_142 = %scan3A_53) -> (i32)  : i32 {
      %get3A = arith.index_cast %scan3A_141 : i32 to index
      %get3A_143 = arith.constant 0 : index
      %get3A_144 = tpu.vector_load %arg6[%get3A, %get3A_143] {strides = array<i32>} : memref<50x128xi32, #tpu.memory_space<vmem>>, vector<16xi32>,
      %sub3A = arith.constant 2 : i32
      %sub3A_145 = vector.broadcast %sub3A : i32 to vector<16xi32>
      %sub3A_146 = arith.subi %get3A_144, %sub3A_145 : vector<16xi32>
      %max3A = arith.constant 0 : i32
      %max3A_147 = vector.broadcast %max3A : i32 to vector<16xi32>
      %max3A_148 = arith.maxsi %sub3A_146, %max3A_147 : vector<16xi32>
      %swap3A = arith.index_cast %scan3A_141 : i32 to index
      %swap3A_149 = arith.constant 0 : index
      %swap3A_150 = tpu.vector_load %arg7[%swap3A, %swap3A_149] {strides = array<i32>} : memref<50x128xi32, #tpu.memory_space<vmem>>, vector<16xi32>,
      tpu.vector_store %arg7[%swap3A, %swap3A_149], %max3A_148 {strides = array<i32>} : memref<50x128xi32, #tpu.memory_space<vmem>>, vector<16xi32>,
      %get3A_151 = arith.index_cast %scan3A_141 : i32 to index
      %get3A_152 = arith.constant 16 : index
      %get3A_153 = tpu.vector_load %arg6[%get3A_151, %get3A_152] {strides = array<i32>} : memref<50x128xi32, #tpu.memory_space<vmem>>, vector<16xi32>,
      %sub3A_154 = arith.constant 2 : i32
      %sub3A_155 = vector.broadcast %sub3A_154 : i32 to vector<16xi32>
      %sub3A_156 = arith.subi %get3A_153, %sub3A_155 : vector<16xi32>
      %max3A_157 = arith.constant 0 : i32
      %max3A_158 = vector.broadcast %max3A_157 : i32 to vector<16xi32>
      %max3A_159 = arith.maxsi %sub3A_156, %max3A_158 : vector<16xi32>
      %swap3A_160 = arith.index_cast %scan3A_141 : i32 to index
      %swap3A_161 = arith.constant 16 : index
      %swap3A_162 = tpu.vector_load %arg7[%swap3A_160, %swap3A_161] {strides = array<i32>} : memref<50x128xi32, #tpu.memory_space<vmem>>, vector<16xi32>,
      tpu.vector_store %arg7[%swap3A_160, %swap3A_161], %max3A_159 {strides = array<i32>} : memref<50x128xi32, #tpu.memory_space<vmem>>, vector<16xi32>,
      %get3A_163 = arith.index_cast %scan3A_141 : i32 to index
      %get3A_164 = arith.constant 32 : index
      %get3A_165 = tpu.vector_load %arg6[%get3A_163, %get3A_164] {strides = array<i32>} : memref<50x128xi32, #tpu.memory_space<vmem>>, vector<16xi32>,
      %sub3A_166 = arith.constant 2 : i32
      %sub3A_167 = vector.broadcast %sub3A_166 : i32 to vector<16xi32>
      %sub3A_168 = arith.subi %get3A_165, %sub3A_167 : vector<16xi32>
      %max3A_169 = arith.constant 0 : i32
      %max3A_170 = vector.broadcast %max3A_169 : i32 to vector<16xi32>
      %max3A_171 = arith.maxsi %sub3A_168, %max3A_170 : vector<16xi32>
      %swap3A_172 = arith.index_cast %scan3A_141 : i32 to index
      %swap3A_173 = arith.constant 32 : index
      %swap3A_174 = tpu.vector_load %arg7[%swap3A_172, %swap3A_173] {strides = array<i32>} : memref<50x128xi32, #tpu.memory_space<vmem>>, vector<16xi32>,
      tpu.vector_store %arg7[%swap3A_172, %swap3A_173], %max3A_171 {strides = array<i32>} : memref<50x128xi32, #tpu.memory_space<vmem>>, vector<16xi32>,
      %get3A_175 = arith.index_cast %scan3A_141 : i32 to index
      %get3A_176 = arith.constant 48 : index
      %get3A_177 = tpu.vector_load %arg6[%get3A_175, %get3A_176] {strides = array<i32>} : memref<50x128xi32, #tpu.memory_space<vmem>>, vector<16xi32>,
      %sub3A_178 = arith.constant 2 : i32
      %sub3A_179 = vector.broadcast %sub3A_178 : i32 to vector<16xi32>
      %sub3A_180 = arith.subi %get3A_177, %sub3A_179 : vector<16xi32>
      %max3A_181 = arith.constant 0 : i32
      %max3A_182 = vector.broadcast %max3A_181 : i32 to vector<16xi32>
      %max3A_183 = arith.maxsi %sub3A_180, %max3A_182 : vector<16xi32>
      %swap3A_184 = arith.index_cast %scan3A_141 : i32 to index
      %swap3A_185 = arith.constant 48 : index
      %swap3A_186 = tpu.vector_load %arg7[%swap3A_184, %swap3A_185] {strides = array<i32>} : memref<50x128xi32, #tpu.memory_space<vmem>>, vector<16xi32>,
      tpu.vector_store %arg7[%swap3A_184, %swap3A_185], %max3A_183 {strides = array<i32>} : memref<50x128xi32, #tpu.memory_space<vmem>>, vector<16xi32>,
      %get3A_187 = arith.index_cast %scan3A_141 : i32 to index
      %get3A_188 = arith.constant 64 : index
      %get3A_189 = tpu.vector_load %arg6[%get3A_187, %get3A_188] {strides = array<i32>} : memref<50x128xi32, #tpu.memory_space<vmem>>, vector<16xi32>,
      %sub3A_190 = arith.constant 2 : i32
      %sub3A_191 = vector.broadcast %sub3A_190 : i32 to vector<16xi32>
      %sub3A_192 = arith.subi %get3A_189, %sub3A_191 : vector<16xi32>
      %max3A_193 = arith.constant 0 : i32
      %max3A_194 = vector.broadcast %max3A_193 : i32 to vector<16xi32>
      %max3A_195 = arith.maxsi %sub3A_192, %max3A_194 : vector<16xi32>
      %swap3A_196 = arith.index_cast %scan3A_141 : i32 to index
      %swap3A_197 = arith.constant 64 : index
      %swap3A_198 = tpu.vector_load %arg7[%swap3A_196, %swap3A_197] {strides = array<i32>} : memref<50x128xi32, #tpu.memory_space<vmem>>, vector<16xi32>,
      tpu.vector_store %arg7[%swap3A_196, %swap3A_197], %max3A_195 {strides = array<i32>} : memref<50x128xi32, #tpu.memory_space<vmem>>, vector<16xi32>,
      %get3A_199 = arith.index_cast %scan3A_141 : i32 to index
      %get3A_200 = arith.constant 80 : index
      %get3A_201 = tpu.vector_load %arg6[%get3A_199, %get3A_200] {strides = array<i32>} : memref<50x128xi32, #tpu.memory_space<vmem>>, vector<16xi32>,
      %sub3A_202 = arith.constant 2 : i32
      %sub3A_203 = vector.broadcast %sub3A_202 : i32 to vector<16xi32>
      %sub3A_204 = arith.subi %get3A_201, %sub3A_203 : vector<16xi32>
      %max3A_205 = arith.constant 0 : i32
      %max3A_206 = vector.broadcast %max3A_205 : i32 to vector<16xi32>
      %max3A_207 = arith.maxsi %sub3A_204, %max3A_206 : vector<16xi32>
      %swap3A_208 = arith.index_cast %scan3A_141 : i32 to index
      %swap3A_209 = arith.constant 80 : index
      %swap3A_210 = tpu.vector_load %arg7[%swap3A_208, %swap3A_209] {strides = array<i32>} : memref<50x128xi32, #tpu.memory_space<vmem>>, vector<16xi32>,
      tpu.vector_store %arg7[%swap3A_208, %swap3A_209], %max3A_207 {strides = array<i32>} : memref<50x128xi32, #tpu.memory_space<vmem>>, vector<16xi32>,
      %get3A_211 = arith.index_cast %scan3A_141 : i32 to index
      %get3A_212 = arith.constant 96 : index
      %get3A_213 = tpu.vector_load %arg6[%get3A_211, %get3A_212] {strides = array<i32>} : memref<50x128xi32, #tpu.memory_space<vmem>>, vector<16xi32>,
      %sub3A_214 = arith.constant 2 : i32
      %sub3A_215 = vector.broadcast %sub3A_214 : i32 to vector<16xi32>
      %sub3A_216 = arith.subi %get3A_213, %sub3A_215 : vector<16xi32>
      %max3A_217 = arith.constant 0 : i32
      %max3A_218 = vector.broadcast %max3A_217 : i32 to vector<16xi32>
      %max3A_219 = arith.maxsi %sub3A_216, %max3A_218 : vector<16xi32>
      %swap3A_220 = arith.index_cast %scan3A_141 : i32 to index
      %swap3A_221 = arith.constant 96 : index
      %swap3A_222 = tpu.vector_load %arg7[%swap3A_220, %swap3A_221] {strides = array<i32>} : memref<50x128xi32, #tpu.memory_space<vmem>>, vector<16xi32>,
      tpu.vector_store %arg7[%swap3A_220, %swap3A_221], %max3A_219 {strides = array<i32>} : memref<50x128xi32, #tpu.memory_space<vmem>>, vector<16xi32>,
      %get3A_223 = arith.index_cast %scan3A_141 : i32 to index
      %get3A_224 = arith.constant 112 : index
      %get3A_225 = tpu.vector_load %arg6[%get3A_223, %get3A_224] {strides = array<i32>} : memref<50x128xi32, #tpu.memory_space<vmem>>, vector<16xi32>,
      %sub3A_226 = arith.constant 2 : i32
      %sub3A_227 = vector.broadcast %sub3A_226 : i32 to vector<16xi32>
      %sub3A_228 = arith.subi %get3A_225, %sub3A_227 : vector<16xi32>
      %max3A_229 = arith.constant 0 : i32
      %max3A_230 = vector.broadcast %max3A_229 : i32 to vector<16xi32>
      %max3A_231 = arith.maxsi %sub3A_228, %max3A_230 : vector<16xi32>
      %swap3A_232 = arith.index_cast %scan3A_141 : i32 to index
      %swap3A_233 = arith.constant 112 : index
      %swap3A_234 = tpu.vector_load %arg7[%swap3A_232, %swap3A_233] {strides = array<i32>} : memref<50x128xi32, #tpu.memory_space<vmem>>, vector<16xi32>,
      tpu.vector_store %arg7[%swap3A_232, %swap3A_233], %max3A_231 {strides = array<i32>} : memref<50x128xi32, #tpu.memory_space<vmem>>, vector<16xi32>,
      %scan3A_235 = arith.constant 0 : i32
      scf.yield %scan3A_235 : i32
    }
    %scan3A_59 = arith.constant 47 : i32
    %scan3A_60 = arith.constant 0 : i32
    %scan3A_61 = arith.constant 0 : i32
    %scan3A_62 = arith.constant 50 : i32
    %scan3A_63 = arith.addi %scan3A_61, %scan3A_62 : i32
    %scan3A_64 = arith.constant 1 : i32
    %scan3A_65 = scf.for %scan3A_141 = %scan3A_61 to %scan3A_63 step %scan3A_64 iter_args(%scan3A_142 = %scan3A_60) -> (i32)  : i32 {
      %rem3A = arith.constant 3 : i32
      %rem3A_143 = arith.remsi %scan3A_141, %rem3A : i32
      %dma_wait3A_144 = arith.constant 0 : i32
      %dma_wait3A_145 = arith.constant 0 : i32
      %dma_wait3A_146 = tpu.memref_slice %arg9[%rem3A_143, %dma_wait3A_144, %dma_wait3A_145] : memref<3x128x64xf32, #tpu.memory_space<vmem>> -> memref<1x128x64xf32, #tpu.memory_space<vmem>>
      %dma_wait3A_147 = tpu.memref_squeeze %dma_wait3A_146 : memref<1x128x64xf32, #tpu.memory_space<vmem>> -> memref<128x64xf32, #tpu.memory_space<vmem>>
      %dma_wait3A_148 = arith.constant 0 : i32
      %dma_wait3A_149 = tpu.memref_slice %arg7[%scan3A_141, %dma_wait3A_148] : memref<50x128xi32, #tpu.memory_space<vmem>> -> memref<1x128xi32, #tpu.memory_space<vmem>>
      %dma_wait3A_150 = tpu.memref_squeeze %dma_wait3A_149 : memref<1x128xi32, #tpu.memory_space<vmem>> -> memref<128xi32, #tpu.memory_space<vmem>>
      %dma_wait3A_151 = arith.constant 0 : i32
      %dma_wait3A_152 = arith.constant 0 : i32
      %dma_wait3A_153 = tpu.memref_slice %arg4[%dma_wait3A_151, %dma_wait3A_152] : memref<99998x64xf32, #tpu.memory_space<hbm>> -> memref<99998x64xf32, #tpu.memory_space<hbm>>
      %dma_wait3A_154 = tpu.memref_slice %arg11[%rem3A_143] : memref<3x!tpu.dma_semaphore, #tpu.memory_space<semaphore_mem>> -> memref<1x!tpu.dma_semaphore, #tpu.memory_space<semaphore_mem>>
      %dma_wait3A_155 = tpu.memref_squeeze %dma_wait3A_154 : memref<1x!tpu.dma_semaphore, #tpu.memory_space<semaphore_mem>> -> memref<!tpu.dma_semaphore, #tpu.memory_space<semaphore_mem>>
      tpu.wait_indirect_dma semaphore(%dma_wait3A_155 : memref<!tpu.dma_semaphore, #tpu.memory_space<semaphore_mem>>) src(%dma_wait3A_153 : memref<99998x64xf32, #tpu.memory_space<hbm>>) dst(%dma_wait3A_147 : memref<128x64xf32, #tpu.memory_space<vmem>>)
      %ge3A = arith.constant 3 : i32
      %ge3A_156 = arith.cmpi sge, %scan3A_141, %ge3A : i32
      %convert_element_type3A = arith.extui %ge3A_156 : i1 to i32
      %cond3A = arith.constant 0 : i32
      %cond3A_157 = arith.cmpi ne, %convert_element_type3A, %cond3A : i32
      scf.if %cond3A_157 {
        %sub3A = arith.constant 3 : i32
        %sub3A_246 = arith.subi %scan3A_141, %sub3A : i32
        %dma_wait3A_247 = arith.constant 0 : i32
        %dma_wait3A_248 = arith.constant 0 : i32
        %dma_wait3A_249 = arith.constant 0 : i32
        %dma_wait3A_250 = tpu.memref_slice %arg10[%rem3A_143, %dma_wait3A_247, %dma_wait3A_248, %dma_wait3A_249] : memref<3x8x8x128xf32, #tpu.memory_space<vmem>> -> memref<1x8x8x128xf32, #tpu.memory_space<vmem>>
        %dma_wait3A_251 = tpu.memref_squeeze %dma_wait3A_250 : memref<1x8x8x128xf32, #tpu.memory_space<vmem>> -> memref<8x8x128xf32, #tpu.memory_space<vmem>>
        %dma_wait3A_252 = arith.constant 0 : i32
        %dma_wait3A_253 = arith.constant 0 : i32
        %dma_wait3A_254 = arith.constant 0 : i32
        %dma_wait3A_255 = tpu.memref_slice %arg5[%sub3A_246, %dma_wait3A_252, %add3A, %dma_wait3A_253, %dma_wait3A_254] : memref<50x8x32x8x128xf32, #tpu.memory_space<hbm>> -> memref<1x8x1x8x128xf32, #tpu.memory_space<hbm>>
        %dma_wait3A_256 = tpu.memref_squeeze %dma_wait3A_255 : memref<1x8x1x8x128xf32, #tpu.memory_space<hbm>> -> memref<8x8x128xf32, #tpu.memory_space<hbm>>
        %dma_wait3A_257 = tpu.memref_slice %arg12[%rem3A_143] : memref<3x!tpu.dma_semaphore, #tpu.memory_space<semaphore_mem>> -> memref<1x!tpu.dma_semaphore, #tpu.memory_space<semaphore_mem>>
        %dma_wait3A_258 = tpu.memref_squeeze %dma_wait3A_257 : memref<1x!tpu.dma_semaphore, #tpu.memory_space<semaphore_mem>> -> memref<!tpu.dma_semaphore, #tpu.memory_space<semaphore_mem>>
        %dma_wait3A_259 = arith.constant 0 : i32
        %dma_wait3A_260 = arith.constant 0 : i32
        %dma_wait3A_261 = arith.constant 0 : i32
        %dma_wait3A_262 = tpu.memref_slice %arg5[%sub3A_246, %dma_wait3A_259, %add3A, %dma_wait3A_260, %dma_wait3A_261] : memref<50x8x32x8x128xf32, #tpu.memory_space<hbm>> -> memref<1x8x1x8x128xf32, #tpu.memory_space<hbm>>
        %dma_wait3A_263 = tpu.memref_squeeze %dma_wait3A_262 : memref<1x8x1x8x128xf32, #tpu.memory_space<hbm>> -> memref<8x8x128xf32, #tpu.memory_space<hbm>>
        %dma_wait3A_264 = arith.constant 0 : i32
        %dma_wait3A_265 = arith.constant 0 : i32
        %dma_wait3A_266 = arith.constant 0 : i32
        %dma_wait3A_267 = tpu.memref_slice %arg10[%rem3A_143, %dma_wait3A_264, %dma_wait3A_265, %dma_wait3A_266] : memref<3x8x8x128xf32, #tpu.memory_space<vmem>> -> memref<1x8x8x128xf32, #tpu.memory_space<vmem>>
        %dma_wait3A_268 = tpu.memref_squeeze %dma_wait3A_267 : memref<1x8x8x128xf32, #tpu.memory_space<vmem>> -> memref<8x8x128xf32, #tpu.memory_space<vmem>>
        tpu.wait_dma2 semaphore(%dma_wait3A_258 : memref<!tpu.dma_semaphore, #tpu.memory_space<semaphore_mem>>) src(%dma_wait3A_268 : memref<8x8x128xf32, #tpu.memory_space<vmem>>) dst(%dma_wait3A_263 : memref<8x8x128xf32, #tpu.memory_space<hbm>>)
      } else {
      }
      %broadcast_in_dim3A = arith.constant false
      %broadcast_in_dim3A_158 = vector.broadcast %broadcast_in_dim3A : i1 to vector<16xi1>
      %get3A = arith.index_cast %scan3A_141 : i32 to index
      %get3A_159 = arith.constant 0 : index
      %get3A_160 = tpu.vector_load %arg6[%get3A, %get3A_159] {strides = array<i32>} : memref<50x128xi32, #tpu.memory_space<vmem>>, vector<16xi32>,
      %lt3A = arith.constant 2 : i32
      %lt3A_161 = vector.broadcast %lt3A : i32 to vector<16xi32>
      %lt3A_162 = arith.cmpi slt, %get3A_160, %lt3A_161 : vector<16xi32>
      %or3A = arith.ori %broadcast_in_dim3A_158, %lt3A_162 : vector<16xi1>
      %get3A_163 = arith.index_cast %scan3A_141 : i32 to index
      %get3A_164 = arith.constant 16 : index
      %get3A_165 = tpu.vector_load %arg6[%get3A_163, %get3A_164] {strides = array<i32>} : memref<50x128xi32, #tpu.memory_space<vmem>>, vector<16xi32>,
      %lt3A_166 = arith.constant 2 : i32
      %lt3A_167 = vector.broadcast %lt3A_166 : i32 to vector<16xi32>
      %lt3A_168 = arith.cmpi slt, %get3A_165, %lt3A_167 : vector<16xi32>
      %or3A_169 = arith.ori %or3A, %lt3A_168 : vector<16xi1>
      %get3A_170 = arith.index_cast %scan3A_141 : i32 to index
      %get3A_171 = arith.constant 32 : index
      %get3A_172 = tpu.vector_load %arg6[%get3A_170, %get3A_171] {strides = array<i32>} : memref<50x128xi32, #tpu.memory_space<vmem>>, vector<16xi32>,
      %lt3A_173 = arith.constant 2 : i32
      %lt3A_174 = vector.broadcast %lt3A_173 : i32 to vector<16xi32>
      %lt3A_175 = arith.cmpi slt, %get3A_172, %lt3A_174 : vector<16xi32>
      %or3A_176 = arith.ori %or3A_169, %lt3A_175 : vector<16xi1>
      %get3A_177 = arith.index_cast %scan3A_141 : i32 to index
      %get3A_178 = arith.constant 48 : index
      %get3A_179 = tpu.vector_load %arg6[%get3A_177, %get3A_178] {strides = array<i32>} : memref<50x128xi32, #tpu.memory_space<vmem>>, vector<16xi32>,
      %lt3A_180 = arith.constant 2 : i32
      %lt3A_181 = vector.broadcast %lt3A_180 : i32 to vector<16xi32>
      %lt3A_182 = arith.cmpi slt, %get3A_179, %lt3A_181 : vector<16xi32>
      %or3A_183 = arith.ori %or3A_176, %lt3A_182 : vector<16xi1>
      %get3A_184 = arith.index_cast %scan3A_141 : i32 to index
      %get3A_185 = arith.constant 64 : index
      %get3A_186 = tpu.vector_load %arg6[%get3A_184, %get3A_185] {strides = array<i32>} : memref<50x128xi32, #tpu.memory_space<vmem>>, vector<16xi32>,
      %lt3A_187 = arith.constant 2 : i32
      %lt3A_188 = vector.broadcast %lt3A_187 : i32 to vector<16xi32>
      %lt3A_189 = arith.cmpi slt, %get3A_186, %lt3A_188 : vector<16xi32>
      %or3A_190 = arith.ori %or3A_183, %lt3A_189 : vector<16xi1>
      %get3A_191 = arith.index_cast %scan3A_141 : i32 to index
      %get3A_192 = arith.constant 80 : index
      %get3A_193 = tpu.vector_load %arg6[%get3A_191, %get3A_192] {strides = array<i32>} : memref<50x128xi32, #tpu.memory_space<vmem>>, vector<16xi32>,
      %lt3A_194 = arith.constant 2 : i32
      %lt3A_195 = vector.broadcast %lt3A_194 : i32 to vector<16xi32>
      %lt3A_196 = arith.cmpi slt, %get3A_193, %lt3A_195 : vector<16xi32>
      %or3A_197 = arith.ori %or3A_190, %lt3A_196 : vector<16xi1>
      %get3A_198 = arith.index_cast %scan3A_141 : i32 to index
      %get3A_199 = arith.constant 96 : index
      %get3A_200 = tpu.vector_load %arg6[%get3A_198, %get3A_199] {strides = array<i32>} : memref<50x128xi32, #tpu.memory_space<vmem>>, vector<16xi32>,
      %lt3A_201 = arith.constant 2 : i32
      %lt3A_202 = vector.broadcast %lt3A_201 : i32 to vector<16xi32>
      %lt3A_203 = arith.cmpi slt, %get3A_200, %lt3A_202 : vector<16xi32>
      %or3A_204 = arith.ori %or3A_197, %lt3A_203 : vector<16xi1>
      %get3A_205 = arith.index_cast %scan3A_141 : i32 to index
      %get3A_206 = arith.constant 112 : index
      %get3A_207 = tpu.vector_load %arg6[%get3A_205, %get3A_206] {strides = array<i32>} : memref<50x128xi32, #tpu.memory_space<vmem>>, vector<16xi32>,
      %lt3A_208 = arith.constant 2 : i32
      %lt3A_209 = vector.broadcast %lt3A_208 : i32 to vector<16xi32>
      %lt3A_210 = arith.cmpi slt, %get3A_207, %lt3A_209 : vector<16xi32>
      %or3A_211 = arith.ori %or3A_204, %lt3A_210 : vector<16xi1>
      %all_reduce_population_count3A = tpu.all_reduce %or3A_211 {dim = 0 : i64, kind = #tpu.reduction_kind<sum>} : vector<16xi1> -> vector<16xi32>
      %slice3A = vector.extract_strided_slice %all_reduce_population_count3A {offsets = [0], sizes = [1], strides = [1]} : vector<16xi32> to vector<1xi32>
      %squeeze3A = vector.extract %slice3A[0] : i32 from vector<1xi32>
      %eq3A = arith.constant 0 : i32
      %eq3A_212 = arith.cmpi eq, %squeeze3A, %eq3A : i32
      %convert_element_type3A_213 = arith.extui %eq3A_212 : i1 to i32
      %cond3A_214 = arith.constant 0 : i32
      %cond3A_215 = arith.cmpi ne, %convert_element_type3A_213, %cond3A_214 : i32
      scf.if %cond3A_215 {
        %scan3A_246 = arith.constant 0 : i32
        %scan3A_247 = arith.constant 0 : i32
        %scan3A_248 = arith.constant 8 : i32
        %scan3A_249 = arith.addi %scan3A_247, %scan3A_248 : i32
        %scan3A_250 = arith.constant 1 : i32
        %scan3A_251 = scf.for %scan3A_253 = %scan3A_247 to %scan3A_249 step %scan3A_250 iter_args(%scan3A_254 = %scan3A_246) -> (i32)  : i32 {
          %mul3A_255 = arith.constant 8 : i32
          %mul3A_256 = arith.muli %scan3A_253, %mul3A_255 : i32
          %add3A_257 = arith.constant 0 : i32
          %add3A_258 = arith.addi %mul3A_256, %add3A_257 : i32
          %broadcast_in_dim3A_259 = vector.broadcast %add3A_258 : i32 to vector<16xi32>
          %add3A_260 = arith.constant 0 : i32
          %add3A_261 = vector.broadcast %add3A_260 : i32 to vector<16xi32>
          %add3A_262 = arith.addi %add3A_261, %iota3A : vector<16xi32>
          %gather3A = arith.constant 0 : i32
          %gather3A_263 = arith.constant 0 : i32
          %gather3A_264 = tpu.memref_slice %arg9[%rem3A_143, %gather3A, %gather3A_263] : memref<3x128x64xf32, #tpu.memory_space<vmem>> -> memref<1x128x64xf32, #tpu.memory_space<vmem>>
          %gather3A_265 = tpu.memref_squeeze %gather3A_264 : memref<1x128x64xf32, #tpu.memory_space<vmem>> -> memref<128x64xf32, #tpu.memory_space<vmem>>
          %gather3A_266 = tpu.vector_load_idx %gather3A_265[%add3A_262, %broadcast_in_dim3A_259] : memref<128x64xf32, #tpu.memory_space<vmem>>[vector<16xi32>, vector<16xi32>], vector<16xf32>,
          %swap3A = arith.constant 0 : i32
          %swap3A_267 = arith.constant 0 : i32
          %swap3A_268 = arith.constant 0 : i32
          %swap3A_269 = arith.constant 0 : i32
          %swap3A_270 = tpu.memref_slice %arg10[%rem3A_143, %swap3A_267, %swap3A_268, %swap3A_269] : memref<3x8x8x128xf32, #tpu.memory_space<vmem>> -> memref<1x8x8x128xf32, #tpu.memory_space<vmem>>
          %swap3A_271 = tpu.memref_squeeze %swap3A_270 : memref<1x8x8x128xf32, #tpu.memory_space<vmem>> -> memref<8x8x128xf32, #tpu.memory_space<vmem>>
          %swap3A_272 = arith.index_cast %scan3A_253 : i32 to index
          %swap3A_273 = arith.index_cast %swap3A : i32 to index
          %swap3A_274 = arith.constant 0 : index
          %swap3A_275 = tpu.vector_load %swap3A_271[%swap3A_272, %swap3A_273, %swap3A_274] {strides = array<i32>} : memref<8x8x128xf32, #tpu.memory_space<vmem>>, vector<16xf32>,
          tpu.vector_store %swap3A_271[%swap3A_272, %swap3A_273, %swap3A_274], %gather3A_266 {strides = array<i32>} : memref<8x8x128xf32, #tpu.memory_space<vmem>>, vector<16xf32>,
          %add3A_276 = arith.constant 16 : i32
          %add3A_277 = vector.broadcast %add3A_276 : i32 to vector<16xi32>
          %add3A_278 = arith.addi %add3A_277, %iota3A : vector<16xi32>
          %gather3A_279 = arith.constant 0 : i32
          %gather3A_280 = arith.constant 0 : i32
          %gather3A_281 = tpu.memref_slice %arg9[%rem3A_143, %gather3A_279, %gather3A_280] : memref<3x128x64xf32, #tpu.memory_space<vmem>> -> memref<1x128x64xf32, #tpu.memory_space<vmem>>
          %gather3A_282 = tpu.memref_squeeze %gather3A_281 : memref<1x128x64xf32, #tpu.memory_space<vmem>> -> memref<128x64xf32, #tpu.memory_space<vmem>>
          %gather3A_283 = tpu.vector_load_idx %gather3A_282[%add3A_278, %broadcast_in_dim3A_259] : memref<128x64xf32, #tpu.memory_space<vmem>>[vector<16xi32>, vector<16xi32>], vector<16xf32>,
          %swap3A_284 = arith.constant 0 : i32
          %swap3A_285 = arith.constant 0 : i32
          %swap3A_286 = arith.constant 0 : i32
          %swap3A_287 = arith.constant 0 : i32
          %swap3A_288 = tpu.memref_slice %arg10[%rem3A_143, %swap3A_285, %swap3A_286, %swap3A_287] : memref<3x8x8x128xf32, #tpu.memory_space<vmem>> -> memref<1x8x8x128xf32, #tpu.memory_space<vmem>>
          %swap3A_289 = tpu.memref_squeeze %swap3A_288 : memref<1x8x8x128xf32, #tpu.memory_space<vmem>> -> memref<8x8x128xf32, #tpu.memory_space<vmem>>
          %swap3A_290 = arith.index_cast %scan3A_253 : i32 to index
          %swap3A_291 = arith.index_cast %swap3A_284 : i32 to index
          %swap3A_292 = arith.constant 16 : index
          %swap3A_293 = tpu.vector_load %swap3A_289[%swap3A_290, %swap3A_291, %swap3A_292] {strides = array<i32>} : memref<8x8x128xf32, #tpu.memory_space<vmem>>, vector<16xf32>,
          tpu.vector_store %swap3A_289[%swap3A_290, %swap3A_291, %swap3A_292], %gather3A_283 {strides = array<i32>} : memref<8x8x128xf32, #tpu.memory_space<vmem>>, vector<16xf32>,
          %add3A_294 = arith.constant 32 : i32
          %add3A_295 = vector.broadcast %add3A_294 : i32 to vector<16xi32>
          %add3A_296 = arith.addi %add3A_295, %iota3A : vector<16xi32>
          %gather3A_297 = arith.constant 0 : i32
          %gather3A_298 = arith.constant 0 : i32
          %gather3A_299 = tpu.memref_slice %arg9[%rem3A_143, %gather3A_297, %gather3A_298] : memref<3x128x64xf32, #tpu.memory_space<vmem>> -> memref<1x128x64xf32, #tpu.memory_space<vmem>>
          %gather3A_300 = tpu.memref_squeeze %gather3A_299 : memref<1x128x64xf32, #tpu.memory_space<vmem>> -> memref<128x64xf32, #tpu.memory_space<vmem>>
          %gather3A_301 = tpu.vector_load_idx %gather3A_300[%add3A_296, %broadcast_in_dim3A_259] : memref<128x64xf32, #tpu.memory_space<vmem>>[vector<16xi32>, vector<16xi32>], vector<16xf32>,
          %swap3A_302 = arith.constant 0 : i32
          %swap3A_303 = arith.constant 0 : i32
          %swap3A_304 = arith.constant 0 : i32
          %swap3A_305 = arith.constant 0 : i32
          %swap3A_306 = tpu.memref_slice %arg10[%rem3A_143, %swap3A_303, %swap3A_304, %swap3A_305] : memref<3x8x8x128xf32, #tpu.memory_space<vmem>> -> memref<1x8x8x128xf32, #tpu.memory_space<vmem>>
          %swap3A_307 = tpu.memref_squeeze %swap3A_306 : memref<1x8x8x128xf32, #tpu.memory_space<vmem>> -> memref<8x8x128xf32, #tpu.memory_space<vmem>>
          %swap3A_308 = arith.index_cast %scan3A_253 : i32 to index
          %swap3A_309 = arith.index_cast %swap3A_302 : i32 to index
          %swap3A_310 = arith.constant 32 : index
          %swap3A_311 = tpu.vector_load %swap3A_307[%swap3A_308, %swap3A_309, %swap3A_310] {strides = array<i32>} : memref<8x8x128xf32, #tpu.memory_space<vmem>>, vector<16xf32>,
          tpu.vector_store %swap3A_307[%swap3A_308, %swap3A_309, %swap3A_310], %gather3A_301 {strides = array<i32>} : memref<8x8x128xf32, #tpu.memory_space<vmem>>, vector<16xf32>,
          %add3A_312 = arith.constant 48 : i32
          %add3A_313 = vector.broadcast %add3A_312 : i32 to vector<16xi32>
          %add3A_314 = arith.addi %add3A_313, %iota3A : vector<16xi32>
          %gather3A_315 = arith.constant 0 : i32
          %gather3A_316 = arith.constant 0 : i32
          %gather3A_317 = tpu.memref_slice %arg9[%rem3A_143, %gather3A_315, %gather3A_316] : memref<3x128x64xf32, #tpu.memory_space<vmem>> -> memref<1x128x64xf32, #tpu.memory_space<vmem>>
          %gather3A_318 = tpu.memref_squeeze %gather3A_317 : memref<1x128x64xf32, #tpu.memory_space<vmem>> -> memref<128x64xf32, #tpu.memory_space<vmem>>
          %gather3A_319 = tpu.vector_load_idx %gather3A_318[%add3A_314, %broadcast_in_dim3A_259] : memref<128x64xf32, #tpu.memory_space<vmem>>[vector<16xi32>, vector<16xi32>], vector<16xf32>,
          %swap3A_320 = arith.constant 0 : i32
          %swap3A_321 = arith.constant 0 : i32
          %swap3A_322 = arith.constant 0 : i32
          %swap3A_323 = arith.constant 0 : i32
          %swap3A_324 = tpu.memref_slice %arg10[%rem3A_143, %swap3A_321, %swap3A_322, %swap3A_323] : memref<3x8x8x128xf32, #tpu.memory_space<vmem>> -> memref<1x8x8x128xf32, #tpu.memory_space<vmem>>
          %swap3A_325 = tpu.memref_squeeze %swap3A_324 : memref<1x8x8x128xf32, #tpu.memory_space<vmem>> -> memref<8x8x128xf32, #tpu.memory_space<vmem>>
          %swap3A_326 = arith.index_cast %scan3A_253 : i32 to index
          %swap3A_327 = arith.index_cast %swap3A_320 : i32 to index
          %swap3A_328 = arith.constant 48 : index
          %swap3A_329 = tpu.vector_load %swap3A_325[%swap3A_326, %swap3A_327, %swap3A_328] {strides = array<i32>} : memref<8x8x128xf32, #tpu.memory_space<vmem>>, vector<16xf32>,
          tpu.vector_store %swap3A_325[%swap3A_326, %swap3A_327, %swap3A_328], %gather3A_319 {strides = array<i32>} : memref<8x8x128xf32, #tpu.memory_space<vmem>>, vector<16xf32>,
          %add3A_330 = arith.constant 64 : i32
          %add3A_331 = vector.broadcast %add3A_330 : i32 to vector<16xi32>
          %add3A_332 = arith.addi %add3A_331, %iota3A : vector<16xi32>
          %gather3A_333 = arith.constant 0 : i32
          %gather3A_334 = arith.constant 0 : i32
          %gather3A_335 = tpu.memref_slice %arg9[%rem3A_143, %gather3A_333, %gather3A_334] : memref<3x128x64xf32, #tpu.memory_space<vmem>> -> memref<1x128x64xf32, #tpu.memory_space<vmem>>
          %gather3A_336 = tpu.memref_squeeze %gather3A_335 : memref<1x128x64xf32, #tpu.memory_space<vmem>> -> memref<128x64xf32, #tpu.memory_space<vmem>>
          %gather3A_337 = tpu.vector_load_idx %gather3A_336[%add3A_332, %broadcast_in_dim3A_259] : memref<128x64xf32, #tpu.memory_space<vmem>>[vector<16xi32>, vector<16xi32>], vector<16xf32>,
          %swap3A_338 = arith.constant 0 : i32
          %swap3A_339 = arith.constant 0 : i32
          %swap3A_340 = arith.constant 0 : i32
          %swap3A_341 = arith.constant 0 : i32
          %swap3A_342 = tpu.memref_slice %arg10[%rem3A_143, %swap3A_339, %swap3A_340, %swap3A_341] : memref<3x8x8x128xf32, #tpu.memory_space<vmem>> -> memref<1x8x8x128xf32, #tpu.memory_space<vmem>>
          %swap3A_343 = tpu.memref_squeeze %swap3A_342 : memref<1x8x8x128xf32, #tpu.memory_space<vmem>> -> memref<8x8x128xf32, #tpu.memory_space<vmem>>
          %swap3A_344 = arith.index_cast %scan3A_253 : i32 to index
          %swap3A_345 = arith.index_cast %swap3A_338 : i32 to index
          %swap3A_346 = arith.constant 64 : index
          %swap3A_347 = tpu.vector_load %swap3A_343[%swap3A_344, %swap3A_345, %swap3A_346] {strides = array<i32>} : memref<8x8x128xf32, #tpu.memory_space<vmem>>, vector<16xf32>,
          tpu.vector_store %swap3A_343[%swap3A_344, %swap3A_345, %swap3A_346], %gather3A_337 {strides = array<i32>} : memref<8x8x128xf32, #tpu.memory_space<vmem>>, vector<16xf32>,
          %add3A_348 = arith.constant 80 : i32
          %add3A_349 = vector.broadcast %add3A_348 : i32 to vector<16xi32>
          %add3A_350 = arith.addi %add3A_349, %iota3A : vector<16xi32>
          %gather3A_351 = arith.constant 0 : i32
          %gather3A_352 = arith.constant 0 : i32
          %gather3A_353 = tpu.memref_slice %arg9[%rem3A_143, %gather3A_351, %gather3A_352] : memref<3x128x64xf32, #tpu.memory_space<vmem>> -> memref<1x128x64xf32, #tpu.memory_space<vmem>>
          %gather3A_354 = tpu.memref_squeeze %gather3A_353 : memref<1x128x64xf32, #tpu.memory_space<vmem>> -> memref<128x64xf32, #tpu.memory_space<vmem>>
          %gather3A_355 = tpu.vector_load_idx %gather3A_354[%add3A_350, %broadcast_in_dim3A_259] : memref<128x64xf32, #tpu.memory_space<vmem>>[vector<16xi32>, vector<16xi32>], vector<16xf32>,
          %swap3A_356 = arith.constant 0 : i32
          %swap3A_357 = arith.constant 0 : i32
          %swap3A_358 = arith.constant 0 : i32
          %swap3A_359 = arith.constant 0 : i32
          %swap3A_360 = tpu.memref_slice %arg10[%rem3A_143, %swap3A_357, %swap3A_358, %swap3A_359] : memref<3x8x8x128xf32, #tpu.memory_space<vmem>> -> memref<1x8x8x128xf32, #tpu.memory_space<vmem>>
          %swap3A_361 = tpu.memref_squeeze %swap3A_360 : memref<1x8x8x128xf32, #tpu.memory_space<vmem>> -> memref<8x8x128xf32, #tpu.memory_space<vmem>>
          %swap3A_362 = arith.index_cast %scan3A_253 : i32 to index
          %swap3A_363 = arith.index_cast %swap3A_356 : i32 to index
          %swap3A_364 = arith.constant 80 : index
          %swap3A_365 = tpu.vector_load %swap3A_361[%swap3A_362, %swap3A_363, %swap3A_364] {strides = array<i32>} : memref<8x8x128xf32, #tpu.memory_space<vmem>>, vector<16xf32>,
          tpu.vector_store %swap3A_361[%swap3A_362, %swap3A_363, %swap3A_364], %gather3A_355 {strides = array<i32>} : memref<8x8x128xf32, #tpu.memory_space<vmem>>, vector<16xf32>,
          %add3A_366 = arith.constant 96 : i32
          %add3A_367 = vector.broadcast %add3A_366 : i32 to vector<16xi32>
          %add3A_368 = arith.addi %add3A_367, %iota3A : vector<16xi32>
          %gather3A_369 = arith.constant 0 : i32
          %gather3A_370 = arith.constant 0 : i32
          %gather3A_371 = tpu.memref_slice %arg9[%rem3A_143, %gather3A_369, %gather3A_370] : memref<3x128x64xf32, #tpu.memory_space<vmem>> -> memref<1x128x64xf32, #tpu.memory_space<vmem>>
          %gather3A_372 = tpu.memref_squeeze %gather3A_371 : memref<1x128x64xf32, #tpu.memory_space<vmem>> -> memref<128x64xf32, #tpu.memory_space<vmem>>
          %gather3A_373 = tpu.vector_load_idx %gather3A_372[%add3A_368, %broadcast_in_dim3A_259] : memref<128x64xf32, #tpu.memory_space<vmem>>[vector<16xi32>, vector<16xi32>], vector<16xf32>,
          %swap3A_374 = arith.constant 0 : i32
          %swap3A_375 = arith.constant 0 : i32
          %swap3A_376 = arith.constant 0 : i32
          %swap3A_377 = arith.constant 0 : i32
          %swap3A_378 = tpu.memref_slice %arg10[%rem3A_143, %swap3A_375, %swap3A_376, %swap3A_377] : memref<3x8x8x128xf32, #tpu.memory_space<vmem>> -> memref<1x8x8x128xf32, #tpu.memory_space<vmem>>
          %swap3A_379 = tpu.memref_squeeze %swap3A_378 : memref<1x8x8x128xf32, #tpu.memory_space<vmem>> -> memref<8x8x128xf32, #tpu.memory_space<vmem>>
          %swap3A_380 = arith.index_cast %scan3A_253 : i32 to index
          %swap3A_381 = arith.index_cast %swap3A_374 : i32 to index
          %swap3A_382 = arith.constant 96 : index
          %swap3A_383 = tpu.vector_load %swap3A_379[%swap3A_380, %swap3A_381, %swap3A_382] {strides = array<i32>} : memref<8x8x128xf32, #tpu.memory_space<vmem>>, vector<16xf32>,
          tpu.vector_store %swap3A_379[%swap3A_380, %swap3A_381, %swap3A_382], %gather3A_373 {strides = array<i32>} : memref<8x8x128xf32, #tpu.memory_space<vmem>>, vector<16xf32>,
          %add3A_384 = arith.constant 112 : i32
          %add3A_385 = vector.broadcast %add3A_384 : i32 to vector<16xi32>
          %add3A_386 = arith.addi %add3A_385, %iota3A : vector<16xi32>
          %gather3A_387 = arith.constant 0 : i32
          %gather3A_388 = arith.constant 0 : i32
          %gather3A_389 = tpu.memref_slice %arg9[%rem3A_143, %gather3A_387, %gather3A_388] : memref<3x128x64xf32, #tpu.memory_space<vmem>> -> memref<1x128x64xf32, #tpu.memory_space<vmem>>
          %gather3A_390 = tpu.memref_squeeze %gather3A_389 : memref<1x128x64xf32, #tpu.memory_space<vmem>> -> memref<128x64xf32, #tpu.memory_space<vmem>>
          %gather3A_391 = tpu.vector_load_idx %gather3A_390[%add3A_386, %broadcast_in_dim3A_259] : memref<128x64xf32, #tpu.memory_space<vmem>>[vector<16xi32>, vector<16xi32>], vector<16xf32>,
          %swap3A_392 = arith.constant 0 : i32
          %swap3A_393 = arith.constant 0 : i32
          %swap3A_394 = arith.constant 0 : i32
          %swap3A_395 = arith.constant 0 : i32
          %swap3A_396 = tpu.memref_slice %arg10[%rem3A_143, %swap3A_393, %swap3A_394, %swap3A_395] : memref<3x8x8x128xf32, #tpu.memory_space<vmem>> -> memref<1x8x8x128xf32, #tpu.memory_space<vmem>>
          %swap3A_397 = tpu.memref_squeeze %swap3A_396 : memref<1x8x8x128xf32, #tpu.memory_space<vmem>> -> memref<8x8x128xf32, #tpu.memory_space<vmem>>
          %swap3A_398 = arith.index_cast %scan3A_253 : i32 to index
          %swap3A_399 = arith.index_cast %swap3A_392 : i32 to index
          %swap3A_400 = arith.constant 112 : index
          %swap3A_401 = tpu.vector_load %swap3A_397[%swap3A_398, %swap3A_399, %swap3A_400] {strides = array<i32>} : memref<8x8x128xf32, #tpu.memory_space<vmem>>, vector<16xf32>,
          tpu.vector_store %swap3A_397[%swap3A_398, %swap3A_399, %swap3A_400], %gather3A_391 {strides = array<i32>} : memref<8x8x128xf32, #tpu.memory_space<vmem>>, vector<16xf32>,
          %mul3A_402 = arith.constant 8 : i32
          %mul3A_403 = arith.muli %scan3A_253, %mul3A_402 : i32
          %add3A_404 = arith.constant 1 : i32
          %add3A_405 = arith.addi %mul3A_403, %add3A_404 : i32
          %broadcast_in_dim3A_406 = vector.broadcast %add3A_405 : i32 to vector<16xi32>
          %add3A_407 = arith.constant 0 : i32
          %add3A_408 = vector.broadcast %add3A_407 : i32 to vector<16xi32>
          %add3A_409 = arith.addi %add3A_408, %iota3A : vector<16xi32>
          %gather3A_410 = arith.constant 0 : i32
          %gather3A_411 = arith.constant 0 : i32
          %gather3A_412 = tpu.memref_slice %arg9[%rem3A_143, %gather3A_410, %gather3A_411] : memref<3x128x64xf32, #tpu.memory_space<vmem>> -> memref<1x128x64xf32, #tpu.memory_space<vmem>>
          %gather3A_413 = tpu.memref_squeeze %gather3A_412 : memref<1x128x64xf32, #tpu.memory_space<vmem>> -> memref<128x64xf32, #tpu.memory_space<vmem>>
          %gather3A_414 = tpu.vector_load_idx %gather3A_413[%add3A_409, %broadcast_in_dim3A_406] : memref<128x64xf32, #tpu.memory_space<vmem>>[vector<16xi32>, vector<16xi32>], vector<16xf32>,
          %swap3A_415 = arith.constant 1 : i32
          %swap3A_416 = arith.constant 0 : i32
          %swap3A_417 = arith.constant 0 : i32
          %swap3A_418 = arith.constant 0 : i32
          %swap3A_419 = tpu.memref_slice %arg10[%rem3A_143, %swap3A_416, %swap3A_417, %swap3A_418] : memref<3x8x8x128xf32, #tpu.memory_space<vmem>> -> memref<1x8x8x128xf32, #tpu.memory_space<vmem>>
          %swap3A_420 = tpu.memref_squeeze %swap3A_419 : memref<1x8x8x128xf32, #tpu.memory_space<vmem>> -> memref<8x8x128xf32, #tpu.memory_space<vmem>>
          %swap3A_421 = arith.index_cast %scan3A_253 : i32 to index
          %swap3A_422 = arith.index_cast %swap3A_415 : i32 to index
          %swap3A_423 = arith.constant 0 : index
          %swap3A_424 = tpu.vector_load %swap3A_420[%swap3A_421, %swap3A_422, %swap3A_423] {strides = array<i32>} : memref<8x8x128xf32, #tpu.memory_space<vmem>>, vector<16xf32>,
          tpu.vector_store %swap3A_420[%swap3A_421, %swap3A_422, %swap3A_423], %gather3A_414 {strides = array<i32>} : memref<8x8x128xf32, #tpu.memory_space<vmem>>, vector<16xf32>,
          %add3A_425 = arith.constant 16 : i32
          %add3A_426 = vector.broadcast %add3A_425 : i32 to vector<16xi32>
          %add3A_427 = arith.addi %add3A_426, %iota3A : vector<16xi32>
          %gather3A_428 = arith.constant 0 : i32
          %gather3A_429 = arith.constant 0 : i32
          %gather3A_430 = tpu.memref_slice %arg9[%rem3A_143, %gather3A_428, %gather3A_429] : memref<3x128x64xf32, #tpu.memory_space<vmem>> -> memref<1x128x64xf32, #tpu.memory_space<vmem>>
          %gather3A_431 = tpu.memref_squeeze %gather3A_430 : memref<1x128x64xf32, #tpu.memory_space<vmem>> -> memref<128x64xf32, #tpu.memory_space<vmem>>
          %gather3A_432 = tpu.vector_load_idx %gather3A_431[%add3A_427, %broadcast_in_dim3A_406] : memref<128x64xf32, #tpu.memory_space<vmem>>[vector<16xi32>, vector<16xi32>], vector<16xf32>,
          %swap3A_433 = arith.constant 1 : i32
          %swap3A_434 = arith.constant 0 : i32
          %swap3A_435 = arith.constant 0 : i32
          %swap3A_436 = arith.constant 0 : i32
          %swap3A_437 = tpu.memref_slice %arg10[%rem3A_143, %swap3A_434, %swap3A_435, %swap3A_436] : memref<3x8x8x128xf32, #tpu.memory_space<vmem>> -> memref<1x8x8x128xf32, #tpu.memory_space<vmem>>
          %swap3A_438 = tpu.memref_squeeze %swap3A_437 : memref<1x8x8x128xf32, #tpu.memory_space<vmem>> -> memref<8x8x128xf32, #tpu.memory_space<vmem>>
          %swap3A_439 = arith.index_cast %scan3A_253 : i32 to index
          %swap3A_440 = arith.index_cast %swap3A_433 : i32 to index
          %swap3A_441 = arith.constant 16 : index
          %swap3A_442 = tpu.vector_load %swap3A_438[%swap3A_439, %swap3A_440, %swap3A_441] {strides = array<i32>} : memref<8x8x128xf32, #tpu.memory_space<vmem>>, vector<16xf32>,
          tpu.vector_store %swap3A_438[%swap3A_439, %swap3A_440, %swap3A_441], %gather3A_432 {strides = array<i32>} : memref<8x8x128xf32, #tpu.memory_space<vmem>>, vector<16xf32>,
          %add3A_443 = arith.constant 32 : i32
          %add3A_444 = vector.broadcast %add3A_443 : i32 to vector<16xi32>
          %add3A_445 = arith.addi %add3A_444, %iota3A : vector<16xi32>
          %gather3A_446 = arith.constant 0 : i32
          %gather3A_447 = arith.constant 0 : i32
          %gather3A_448 = tpu.memref_slice %arg9[%rem3A_143, %gather3A_446, %gather3A_447] : memref<3x128x64xf32, #tpu.memory_space<vmem>> -> memref<1x128x64xf32, #tpu.memory_space<vmem>>
          %gather3A_449 = tpu.memref_squeeze %gather3A_448 : memref<1x128x64xf32, #tpu.memory_space<vmem>> -> memref<128x64xf32, #tpu.memory_space<vmem>>
          %gather3A_450 = tpu.vector_load_idx %gather3A_449[%add3A_445, %broadcast_in_dim3A_406] : memref<128x64xf32, #tpu.memory_space<vmem>>[vector<16xi32>, vector<16xi32>], vector<16xf32>,
          %swap3A_451 = arith.constant 1 : i32
          %swap3A_452 = arith.constant 0 : i32
          %swap3A_453 = arith.constant 0 : i32
          %swap3A_454 = arith.constant 0 : i32
          %swap3A_455 = tpu.memref_slice %arg10[%rem3A_143, %swap3A_452, %swap3A_453, %swap3A_454] : memref<3x8x8x128xf32, #tpu.memory_space<vmem>> -> memref<1x8x8x128xf32, #tpu.memory_space<vmem>>
          %swap3A_456 = tpu.memref_squeeze %swap3A_455 : memref<1x8x8x128xf32, #tpu.memory_space<vmem>> -> memref<8x8x128xf32, #tpu.memory_space<vmem>>
          %swap3A_457 = arith.index_cast %scan3A_253 : i32 to index
          %swap3A_458 = arith.index_cast %swap3A_451 : i32 to index
          %swap3A_459 = arith.constant 32 : index
          %swap3A_460 = tpu.vector_load %swap3A_456[%swap3A_457, %swap3A_458, %swap3A_459] {strides = array<i32>} : memref<8x8x128xf32, #tpu.memory_space<vmem>>, vector<16xf32>,
          tpu.vector_store %swap3A_456[%swap3A_457, %swap3A_458, %swap3A_459], %gather3A_450 {strides = array<i32>} : memref<8x8x128xf32, #tpu.memory_space<vmem>>, vector<16xf32>,
          %add3A_461 = arith.constant 48 : i32
          %add3A_462 = vector.broadcast %add3A_461 : i32 to vector<16xi32>
          %add3A_463 = arith.addi %add3A_462, %iota3A : vector<16xi32>
          %gather3A_464 = arith.constant 0 : i32
          %gather3A_465 = arith.constant 0 : i32
          %gather3A_466 = tpu.memref_slice %arg9[%rem3A_143, %gather3A_464, %gather3A_465] : memref<3x128x64xf32, #tpu.memory_space<vmem>> -> memref<1x128x64xf32, #tpu.memory_space<vmem>>
          %gather3A_467 = tpu.memref_squeeze %gather3A_466 : memref<1x128x64xf32, #tpu.memory_space<vmem>> -> memref<128x64xf32, #tpu.memory_space<vmem>>
          %gather3A_468 = tpu.vector_load_idx %gather3A_467[%add3A_463, %broadcast_in_dim3A_406] : memref<128x64xf32, #tpu.memory_space<vmem>>[vector<16xi32>, vector<16xi32>], vector<16xf32>,
          %swap3A_469 = arith.constant 1 : i32
          %swap3A_470 = arith.constant 0 : i32
          %swap3A_471 = arith.constant 0 : i32
          %swap3A_472 = arith.constant 0 : i32
          %swap3A_473 = tpu.memref_slice %arg10[%rem3A_143, %swap3A_470, %swap3A_471, %swap3A_472] : memref<3x8x8x128xf32, #tpu.memory_space<vmem>> -> memref<1x8x8x128xf32, #tpu.memory_space<vmem>>
          %swap3A_474 = tpu.memref_squeeze %swap3A_473 : memref<1x8x8x128xf32, #tpu.memory_space<vmem>> -> memref<8x8x128xf32, #tpu.memory_space<vmem>>
          %swap3A_475 = arith.index_cast %scan3A_253 : i32 to index
          %swap3A_476 = arith.index_cast %swap3A_469 : i32 to index
          %swap3A_477 = arith.constant 48 : index
          %swap3A_478 = tpu.vector_load %swap3A_474[%swap3A_475, %swap3A_476, %swap3A_477] {strides = array<i32>} : memref<8x8x128xf32, #tpu.memory_space<vmem>>, vector<16xf32>,
          tpu.vector_store %swap3A_474[%swap3A_475, %swap3A_476, %swap3A_477], %gather3A_468 {strides = array<i32>} : memref<8x8x128xf32, #tpu.memory_space<vmem>>, vector<16xf32>,
          %add3A_479 = arith.constant 64 : i32
          %add3A_480 = vector.broadcast %add3A_479 : i32 to vector<16xi32>
          %add3A_481 = arith.addi %add3A_480, %iota3A : vector<16xi32>
          %gather3A_482 = arith.constant 0 : i32
          %gather3A_483 = arith.constant 0 : i32
          %gather3A_484 = tpu.memref_slice %arg9[%rem3A_143, %gather3A_482, %gather3A_483] : memref<3x128x64xf32, #tpu.memory_space<vmem>> -> memref<1x128x64xf32, #tpu.memory_space<vmem>>
          %gather3A_485 = tpu.memref_squeeze %gather3A_484 : memref<1x128x64xf32, #tpu.memory_space<vmem>> -> memref<128x64xf32, #tpu.memory_space<vmem>>
          %gather3A_486 = tpu.vector_load_idx %gather3A_485[%add3A_481, %broadcast_in_dim3A_406] : memref<128x64xf32, #tpu.memory_space<vmem>>[vector<16xi32>, vector<16xi32>], vector<16xf32>,
          %swap3A_487 = arith.constant 1 : i32
          %swap3A_488 = arith.constant 0 : i32
          %swap3A_489 = arith.constant 0 : i32
          %swap3A_490 = arith.constant 0 : i32
          %swap3A_491 = tpu.memref_slice %arg10[%rem3A_143, %swap3A_488, %swap3A_489, %swap3A_490] : memref<3x8x8x128xf32, #tpu.memory_space<vmem>> -> memref<1x8x8x128xf32, #tpu.memory_space<vmem>>
          %swap3A_492 = tpu.memref_squeeze %swap3A_491 : memref<1x8x8x128xf32, #tpu.memory_space<vmem>> -> memref<8x8x128xf32, #tpu.memory_space<vmem>>
          %swap3A_493 = arith.index_cast %scan3A_253 : i32 to index
          %swap3A_494 = arith.index_cast %swap3A_487 : i32 to index
          %swap3A_495 = arith.constant 64 : index
          %swap3A_496 = tpu.vector_load %swap3A_492[%swap3A_493, %swap3A_494, %swap3A_495] {strides = array<i32>} : memref<8x8x128xf32, #tpu.memory_space<vmem>>, vector<16xf32>,
          tpu.vector_store %swap3A_492[%swap3A_493, %swap3A_494, %swap3A_495], %gather3A_486 {strides = array<i32>} : memref<8x8x128xf32, #tpu.memory_space<vmem>>, vector<16xf32>,
          %add3A_497 = arith.constant 80 : i32
          %add3A_498 = vector.broadcast %add3A_497 : i32 to vector<16xi32>
          %add3A_499 = arith.addi %add3A_498, %iota3A : vector<16xi32>
          %gather3A_500 = arith.constant 0 : i32
          %gather3A_501 = arith.constant 0 : i32
          %gather3A_502 = tpu.memref_slice %arg9[%rem3A_143, %gather3A_500, %gather3A_501] : memref<3x128x64xf32, #tpu.memory_space<vmem>> -> memref<1x128x64xf32, #tpu.memory_space<vmem>>
          %gather3A_503 = tpu.memref_squeeze %gather3A_502 : memref<1x128x64xf32, #tpu.memory_space<vmem>> -> memref<128x64xf32, #tpu.memory_space<vmem>>
          %gather3A_504 = tpu.vector_load_idx %gather3A_503[%add3A_499, %broadcast_in_dim3A_406] : memref<128x64xf32, #tpu.memory_space<vmem>>[vector<16xi32>, vector<16xi32>], vector<16xf32>,
          %swap3A_505 = arith.constant 1 : i32
          %swap3A_506 = arith.constant 0 : i32
          %swap3A_507 = arith.constant 0 : i32
          %swap3A_508 = arith.constant 0 : i32
          %swap3A_509 = tpu.memref_slice %arg10[%rem3A_143, %swap3A_506, %swap3A_507, %swap3A_508] : memref<3x8x8x128xf32, #tpu.memory_space<vmem>> -> memref<1x8x8x128xf32, #tpu.memory_space<vmem>>
          %swap3A_510 = tpu.memref_squeeze %swap3A_509 : memref<1x8x8x128xf32, #tpu.memory_space<vmem>> -> memref<8x8x128xf32, #tpu.memory_space<vmem>>
          %swap3A_511 = arith.index_cast %scan3A_253 : i32 to index
          %swap3A_512 = arith.index_cast %swap3A_505 : i32 to index
          %swap3A_513 = arith.constant 80 : index
          %swap3A_514 = tpu.vector_load %swap3A_510[%swap3A_511, %swap3A_512, %swap3A_513] {strides = array<i32>} : memref<8x8x128xf32, #tpu.memory_space<vmem>>, vector<16xf32>,
          tpu.vector_store %swap3A_510[%swap3A_511, %swap3A_512, %swap3A_513], %gather3A_504 {strides = array<i32>} : memref<8x8x128xf32, #tpu.memory_space<vmem>>, vector<16xf32>,
          %add3A_515 = arith.constant 96 : i32
          %add3A_516 = vector.broadcast %add3A_515 : i32 to vector<16xi32>
          %add3A_517 = arith.addi %add3A_516, %iota3A : vector<16xi32>
          %gather3A_518 = arith.constant 0 : i32
          %gather3A_519 = arith.constant 0 : i32
          %gather3A_520 = tpu.memref_slice %arg9[%rem3A_143, %gather3A_518, %gather3A_519] : memref<3x128x64xf32, #tpu.memory_space<vmem>> -> memref<1x128x64xf32, #tpu.memory_space<vmem>>
          %gather3A_521 = tpu.memref_squeeze %gather3A_520 : memref<1x128x64xf32, #tpu.memory_space<vmem>> -> memref<128x64xf32, #tpu.memory_space<vmem>>
          %gather3A_522 = tpu.vector_load_idx %gather3A_521[%add3A_517, %broadcast_in_dim3A_406] : memref<128x64xf32, #tpu.memory_space<vmem>>[vector<16xi32>, vector<16xi32>], vector<16xf32>,
          %swap3A_523 = arith.constant 1 : i32
          %swap3A_524 = arith.constant 0 : i32
          %swap3A_525 = arith.constant 0 : i32
          %swap3A_526 = arith.constant 0 : i32
          %swap3A_527 = tpu.memref_slice %arg10[%rem3A_143, %swap3A_524, %swap3A_525, %swap3A_526] : memref<3x8x8x128xf32, #tpu.memory_space<vmem>> -> memref<1x8x8x128xf32, #tpu.memory_space<vmem>>
          %swap3A_528 = tpu.memref_squeeze %swap3A_527 : memref<1x8x8x128xf32, #tpu.memory_space<vmem>> -> memref<8x8x128xf32, #tpu.memory_space<vmem>>
          %swap3A_529 = arith.index_cast %scan3A_253 : i32 to index
          %swap3A_530 = arith.index_cast %swap3A_523 : i32 to index
          %swap3A_531 = arith.constant 96 : index
          %swap3A_532 = tpu.vector_load %swap3A_528[%swap3A_529, %swap3A_530, %swap3A_531] {strides = array<i32>} : memref<8x8x128xf32, #tpu.memory_space<vmem>>, vector<16xf32>,
          tpu.vector_store %swap3A_528[%swap3A_529, %swap3A_530, %swap3A_531], %gather3A_522 {strides = array<i32>} : memref<8x8x128xf32, #tpu.memory_space<vmem>>, vector<16xf32>,
          %add3A_533 = arith.constant 112 : i32
          %add3A_534 = vector.broadcast %add3A_533 : i32 to vector<16xi32>
          %add3A_535 = arith.addi %add3A_534, %iota3A : vector<16xi32>
          %gather3A_536 = arith.constant 0 : i32
          %gather3A_537 = arith.constant 0 : i32
          %gather3A_538 = tpu.memref_slice %arg9[%rem3A_143, %gather3A_536, %gather3A_537] : memref<3x128x64xf32, #tpu.memory_space<vmem>> -> memref<1x128x64xf32, #tpu.memory_space<vmem>>
          %gather3A_539 = tpu.memref_squeeze %gather3A_538 : memref<1x128x64xf32, #tpu.memory_space<vmem>> -> memref<128x64xf32, #tpu.memory_space<vmem>>
          %gather3A_540 = tpu.vector_load_idx %gather3A_539[%add3A_535, %broadcast_in_dim3A_406] : memref<128x64xf32, #tpu.memory_space<vmem>>[vector<16xi32>, vector<16xi32>], vector<16xf32>,
          %swap3A_541 = arith.constant 1 : i32
          %swap3A_542 = arith.constant 0 : i32
          %swap3A_543 = arith.constant 0 : i32
          %swap3A_544 = arith.constant 0 : i32
          %swap3A_545 = tpu.memref_slice %arg10[%rem3A_143, %swap3A_542, %swap3A_543, %swap3A_544] : memref<3x8x8x128xf32, #tpu.memory_space<vmem>> -> memref<1x8x8x128xf32, #tpu.memory_space<vmem>>
          %swap3A_546 = tpu.memref_squeeze %swap3A_545 : memref<1x8x8x128xf32, #tpu.memory_space<vmem>> -> memref<8x8x128xf32, #tpu.memory_space<vmem>>
          %swap3A_547 = arith.index_cast %scan3A_253 : i32 to index
          %swap3A_548 = arith.index_cast %swap3A_541 : i32 to index
          %swap3A_549 = arith.constant 112 : index
          %swap3A_550 = tpu.vector_load %swap3A_546[%swap3A_547, %swap3A_548, %swap3A_549] {strides = array<i32>} : memref<8x8x128xf32, #tpu.memory_space<vmem>>, vector<16xf32>,
          tpu.vector_store %swap3A_546[%swap3A_547, %swap3A_548, %swap3A_549], %gather3A_540 {strides = array<i32>} : memref<8x8x128xf32, #tpu.memory_space<vmem>>, vector<16xf32>,
          %mul3A_551 = arith.constant 8 : i32
          %mul3A_552 = arith.muli %scan3A_253, %mul3A_551 : i32
          %add3A_553 = arith.constant 2 : i32
          %add3A_554 = arith.addi %mul3A_552, %add3A_553 : i32
          %broadcast_in_dim3A_555 = vector.broadcast %add3A_554 : i32 to vector<16xi32>
          %add3A_556 = arith.constant 0 : i32
          %add3A_557 = vector.broadcast %add3A_556 : i32 to vector<16xi32>
          %add3A_558 = arith.addi %add3A_557, %iota3A : vector<16xi32>
          %gather3A_559 = arith.constant 0 : i32
          %gather3A_560 = arith.constant 0 : i32
          %gather3A_561 = tpu.memref_slice %arg9[%rem3A_143, %gather3A_559, %gather3A_560] : memref<3x128x64xf32, #tpu.memory_space<vmem>> -> memref<1x128x64xf32, #tpu.memory_space<vmem>>
          %gather3A_562 = tpu.memref_squeeze %gather3A_561 : memref<1x128x64xf32, #tpu.memory_space<vmem>> -> memref<128x64xf32, #tpu.memory_space<vmem>>
          %gather3A_563 = tpu.vector_load_idx %gather3A_562[%add3A_558, %broadcast_in_dim3A_555] : memref<128x64xf32, #tpu.memory_space<vmem>>[vector<16xi32>, vector<16xi32>], vector<16xf32>,
          %swap3A_564 = arith.constant 2 : i32
          %swap3A_565 = arith.constant 0 : i32
          %swap3A_566 = arith.constant 0 : i32
          %swap3A_567 = arith.constant 0 : i32
          %swap3A_568 = tpu.memref_slice %arg10[%rem3A_143, %swap3A_565, %swap3A_566, %swap3A_567] : memref<3x8x8x128xf32, #tpu.memory_space<vmem>> -> memref<1x8x8x128xf32, #tpu.memory_space<vmem>>
          %swap3A_569 = tpu.memref_squeeze %swap3A_568 : memref<1x8x8x128xf32, #tpu.memory_space<vmem>> -> memref<8x8x128xf32, #tpu.memory_space<vmem>>
          %swap3A_570 = arith.index_cast %scan3A_253 : i32 to index
          %swap3A_571 = arith.index_cast %swap3A_564 : i32 to index
          %swap3A_572 = arith.constant 0 : index
          %swap3A_573 = tpu.vector_load %swap3A_569[%swap3A_570, %swap3A_571, %swap3A_572] {strides = array<i32>} : memref<8x8x128xf32, #tpu.memory_space<vmem>>, vector<16xf32>,
          tpu.vector_store %swap3A_569[%swap3A_570, %swap3A_571, %swap3A_572], %gather3A_563 {strides = array<i32>} : memref<8x8x128xf32, #tpu.memory_space<vmem>>, vector<16xf32>,
          %add3A_574 = arith.constant 16 : i32
          %add3A_575 = vector.broadcast %add3A_574 : i32 to vector<16xi32>
          %add3A_576 = arith.addi %add3A_575, %iota3A : vector<16xi32>
          %gather3A_577 = arith.constant 0 : i32
          %gather3A_578 = arith.constant 0 : i32
          %gather3A_579 = tpu.memref_slice %arg9[%rem3A_143, %gather3A_577, %gather3A_578] : memref<3x128x64xf32, #tpu.memory_space<vmem>> -> memref<1x128x64xf32, #tpu.memory_space<vmem>>
          %gather3A_580 = tpu.memref_squeeze %gather3A_579 : memref<1x128x64xf32, #tpu.memory_space<vmem>> -> memref<128x64xf32, #tpu.memory_space<vmem>>
          %gather3A_581 = tpu.vector_load_idx %gather3A_580[%add3A_576, %broadcast_in_dim3A_555] : memref<128x64xf32, #tpu.memory_space<vmem>>[vector<16xi32>, vector<16xi32>], vector<16xf32>,
          %swap3A_582 = arith.constant 2 : i32
          %swap3A_583 = arith.constant 0 : i32
          %swap3A_584 = arith.constant 0 : i32
          %swap3A_585 = arith.constant 0 : i32
          %swap3A_586 = tpu.memref_slice %arg10[%rem3A_143, %swap3A_583, %swap3A_584, %swap3A_585] : memref<3x8x8x128xf32, #tpu.memory_space<vmem>> -> memref<1x8x8x128xf32, #tpu.memory_space<vmem>>
          %swap3A_587 = tpu.memref_squeeze %swap3A_586 : memref<1x8x8x128xf32, #tpu.memory_space<vmem>> -> memref<8x8x128xf32, #tpu.memory_space<vmem>>
          %swap3A_588 = arith.index_cast %scan3A_253 : i32 to index
          %swap3A_589 = arith.index_cast %swap3A_582 : i32 to index
          %swap3A_590 = arith.constant 16 : index
          %swap3A_591 = tpu.vector_load %swap3A_587[%swap3A_588, %swap3A_589, %swap3A_590] {strides = array<i32>} : memref<8x8x128xf32, #tpu.memory_space<vmem>>, vector<16xf32>,
          tpu.vector_store %swap3A_587[%swap3A_588, %swap3A_589, %swap3A_590], %gather3A_581 {strides = array<i32>} : memref<8x8x128xf32, #tpu.memory_space<vmem>>, vector<16xf32>,
          %add3A_592 = arith.constant 32 : i32
          %add3A_593 = vector.broadcast %add3A_592 : i32 to vector<16xi32>
          %add3A_594 = arith.addi %add3A_593, %iota3A : vector<16xi32>
          %gather3A_595 = arith.constant 0 : i32
          %gather3A_596 = arith.constant 0 : i32
          %gather3A_597 = tpu.memref_slice %arg9[%rem3A_143, %gather3A_595, %gather3A_596] : memref<3x128x64xf32, #tpu.memory_space<vmem>> -> memref<1x128x64xf32, #tpu.memory_space<vmem>>
          %gather3A_598 = tpu.memref_squeeze %gather3A_597 : memref<1x128x64xf32, #tpu.memory_space<vmem>> -> memref<128x64xf32, #tpu.memory_space<vmem>>
          %gather3A_599 = tpu.vector_load_idx %gather3A_598[%add3A_594, %broadcast_in_dim3A_555] : memref<128x64xf32, #tpu.memory_space<vmem>>[vector<16xi32>, vector<16xi32>], vector<16xf32>,
          %swap3A_600 = arith.constant 2 : i32
          %swap3A_601 = arith.constant 0 : i32
          %swap3A_602 = arith.constant 0 : i32
          %swap3A_603 = arith.constant 0 : i32
          %swap3A_604 = tpu.memref_slice %arg10[%rem3A_143, %swap3A_601, %swap3A_602, %swap3A_603] : memref<3x8x8x128xf32, #tpu.memory_space<vmem>> -> memref<1x8x8x128xf32, #tpu.memory_space<vmem>>
          %swap3A_605 = tpu.memref_squeeze %swap3A_604 : memref<1x8x8x128xf32, #tpu.memory_space<vmem>> -> memref<8x8x128xf32, #tpu.memory_space<vmem>>
          %swap3A_606 = arith.index_cast %scan3A_253 : i32 to index
          %swap3A_607 = arith.index_cast %swap3A_600 : i32 to index
          %swap3A_608 = arith.constant 32 : index
          %swap3A_609 = tpu.vector_load %swap3A_605[%swap3A_606, %swap3A_607, %swap3A_608] {strides = array<i32>} : memref<8x8x128xf32, #tpu.memory_space<vmem>>, vector<16xf32>,
          tpu.vector_store %swap3A_605[%swap3A_606, %swap3A_607, %swap3A_608], %gather3A_599 {strides = array<i32>} : memref<8x8x128xf32, #tpu.memory_space<vmem>>, vector<16xf32>,
          %add3A_610 = arith.constant 48 : i32
          %add3A_611 = vector.broadcast %add3A_610 : i32 to vector<16xi32>
          %add3A_612 = arith.addi %add3A_611, %iota3A : vector<16xi32>
          %gather3A_613 = arith.constant 0 : i32
          %gather3A_614 = arith.constant 0 : i32
          %gather3A_615 = tpu.memref_slice %arg9[%rem3A_143, %gather3A_613, %gather3A_614] : memref<3x128x64xf32, #tpu.memory_space<vmem>> -> memref<1x128x64xf32, #tpu.memory_space<vmem>>
          %gather3A_616 = tpu.memref_squeeze %gather3A_615 : memref<1x128x64xf32, #tpu.memory_space<vmem>> -> memref<128x64xf32, #tpu.memory_space<vmem>>
          %gather3A_617 = tpu.vector_load_idx %gather3A_616[%add3A_612, %broadcast_in_dim3A_555] : memref<128x64xf32, #tpu.memory_space<vmem>>[vector<16xi32>, vector<16xi32>], vector<16xf32>,
          %swap3A_618 = arith.constant 2 : i32
          %swap3A_619 = arith.constant 0 : i32
          %swap3A_620 = arith.constant 0 : i32
          %swap3A_621 = arith.constant 0 : i32
          %swap3A_622 = tpu.memref_slice %arg10[%rem3A_143, %swap3A_619, %swap3A_620, %swap3A_621] : memref<3x8x8x128xf32, #tpu.memory_space<vmem>> -> memref<1x8x8x128xf32, #tpu.memory_space<vmem>>
          %swap3A_623 = tpu.memref_squeeze %swap3A_622 : memref<1x8x8x128xf32, #tpu.memory_space<vmem>> -> memref<8x8x128xf32, #tpu.memory_space<vmem>>
          %swap3A_624 = arith.index_cast %scan3A_253 : i32 to index
          %swap3A_625 = arith.index_cast %swap3A_618 : i32 to index
          %swap3A_626 = arith.constant 48 : index
          %swap3A_627 = tpu.vector_load %swap3A_623[%swap3A_624, %swap3A_625, %swap3A_626] {strides = array<i32>} : memref<8x8x128xf32, #tpu.memory_space<vmem>>, vector<16xf32>,
          tpu.vector_store %swap3A_623[%swap3A_624, %swap3A_625, %swap3A_626], %gather3A_617 {strides = array<i32>} : memref<8x8x128xf32, #tpu.memory_space<vmem>>, vector<16xf32>,
          %add3A_628 = arith.constant 64 : i32
          %add3A_629 = vector.broadcast %add3A_628 : i32 to vector<16xi32>
          %add3A_630 = arith.addi %add3A_629, %iota3A : vector<16xi32>
          %gather3A_631 = arith.constant 0 : i32
          %gather3A_632 = arith.constant 0 : i32
          %gather3A_633 = tpu.memref_slice %arg9[%rem3A_143, %gather3A_631, %gather3A_632] : memref<3x128x64xf32, #tpu.memory_space<vmem>> -> memref<1x128x64xf32, #tpu.memory_space<vmem>>
          %gather3A_634 = tpu.memref_squeeze %gather3A_633 : memref<1x128x64xf32, #tpu.memory_space<vmem>> -> memref<128x64xf32, #tpu.memory_space<vmem>>
          %gather3A_635 = tpu.vector_load_idx %gather3A_634[%add3A_630, %broadcast_in_dim3A_555] : memref<128x64xf32, #tpu.memory_space<vmem>>[vector<16xi32>, vector<16xi32>], vector<16xf32>,
          %swap3A_636 = arith.constant 2 : i32
          %swap3A_637 = arith.constant 0 : i32
          %swap3A_638 = arith.constant 0 : i32
          %swap3A_639 = arith.constant 0 : i32
          %swap3A_640 = tpu.memref_slice %arg10[%rem3A_143, %swap3A_637, %swap3A_638, %swap3A_639] : memref<3x8x8x128xf32, #tpu.memory_space<vmem>> -> memref<1x8x8x128xf32, #tpu.memory_space<vmem>>
          %swap3A_641 = tpu.memref_squeeze %swap3A_640 : memref<1x8x8x128xf32, #tpu.memory_space<vmem>> -> memref<8x8x128xf32, #tpu.memory_space<vmem>>
          %swap3A_642 = arith.index_cast %scan3A_253 : i32 to index
          %swap3A_643 = arith.index_cast %swap3A_636 : i32 to index
          %swap3A_644 = arith.constant 64 : index
          %swap3A_645 = tpu.vector_load %swap3A_641[%swap3A_642, %swap3A_643, %swap3A_644] {strides = array<i32>} : memref<8x8x128xf32, #tpu.memory_space<vmem>>, vector<16xf32>,
          tpu.vector_store %swap3A_641[%swap3A_642, %swap3A_643, %swap3A_644], %gather3A_635 {strides = array<i32>} : memref<8x8x128xf32, #tpu.memory_space<vmem>>, vector<16xf32>,
          %add3A_646 = arith.constant 80 : i32
          %add3A_647 = vector.broadcast %add3A_646 : i32 to vector<16xi32>
          %add3A_648 = arith.addi %add3A_647, %iota3A : vector<16xi32>
          %gather3A_649 = arith.constant 0 : i32
          %gather3A_650 = arith.constant 0 : i32
          %gather3A_651 = tpu.memref_slice %arg9[%rem3A_143, %gather3A_649, %gather3A_650] : memref<3x128x64xf32, #tpu.memory_space<vmem>> -> memref<1x128x64xf32, #tpu.memory_space<vmem>>
          %gather3A_652 = tpu.memref_squeeze %gather3A_651 : memref<1x128x64xf32, #tpu.memory_space<vmem>> -> memref<128x64xf32, #tpu.memory_space<vmem>>
          %gather3A_653 = tpu.vector_load_idx %gather3A_652[%add3A_648, %broadcast_in_dim3A_555] : memref<128x64xf32, #tpu.memory_space<vmem>>[vector<16xi32>, vector<16xi32>], vector<16xf32>,
          %swap3A_654 = arith.constant 2 : i32
          %swap3A_655 = arith.constant 0 : i32
          %swap3A_656 = arith.constant 0 : i32
          %swap3A_657 = arith.constant 0 : i32
          %swap3A_658 = tpu.memref_slice %arg10[%rem3A_143, %swap3A_655, %swap3A_656, %swap3A_657] : memref<3x8x8x128xf32, #tpu.memory_space<vmem>> -> memref<1x8x8x128xf32, #tpu.memory_space<vmem>>
          %swap3A_659 = tpu.memref_squeeze %swap3A_658 : memref<1x8x8x128xf32, #tpu.memory_space<vmem>> -> memref<8x8x128xf32, #tpu.memory_space<vmem>>
          %swap3A_660 = arith.index_cast %scan3A_253 : i32 to index
          %swap3A_661 = arith.index_cast %swap3A_654 : i32 to index
          %swap3A_662 = arith.constant 80 : index
          %swap3A_663 = tpu.vector_load %swap3A_659[%swap3A_660, %swap3A_661, %swap3A_662] {strides = array<i32>} : memref<8x8x128xf32, #tpu.memory_space<vmem>>, vector<16xf32>,
          tpu.vector_store %swap3A_659[%swap3A_660, %swap3A_661, %swap3A_662], %gather3A_653 {strides = array<i32>} : memref<8x8x128xf32, #tpu.memory_space<vmem>>, vector<16xf32>,
          %add3A_664 = arith.constant 96 : i32
          %add3A_665 = vector.broadcast %add3A_664 : i32 to vector<16xi32>
          %add3A_666 = arith.addi %add3A_665, %iota3A : vector<16xi32>
          %gather3A_667 = arith.constant 0 : i32
          %gather3A_668 = arith.constant 0 : i32
          %gather3A_669 = tpu.memref_slice %arg9[%rem3A_143, %gather3A_667, %gather3A_668] : memref<3x128x64xf32, #tpu.memory_space<vmem>> -> memref<1x128x64xf32, #tpu.memory_space<vmem>>
          %gather3A_670 = tpu.memref_squeeze %gather3A_669 : memref<1x128x64xf32, #tpu.memory_space<vmem>> -> memref<128x64xf32, #tpu.memory_space<vmem>>
          %gather3A_671 = tpu.vector_load_idx %gather3A_670[%add3A_666, %broadcast_in_dim3A_555] : memref<128x64xf32, #tpu.memory_space<vmem>>[vector<16xi32>, vector<16xi32>], vector<16xf32>,
          %swap3A_672 = arith.constant 2 : i32
          %swap3A_673 = arith.constant 0 : i32
          %swap3A_674 = arith.constant 0 : i32
          %swap3A_675 = arith.constant 0 : i32
          %swap3A_676 = tpu.memref_slice %arg10[%rem3A_143, %swap3A_673, %swap3A_674, %swap3A_675] : memref<3x8x8x128xf32, #tpu.memory_space<vmem>> -> memref<1x8x8x128xf32, #tpu.memory_space<vmem>>
          %swap3A_677 = tpu.memref_squeeze %swap3A_676 : memref<1x8x8x128xf32, #tpu.memory_space<vmem>> -> memref<8x8x128xf32, #tpu.memory_space<vmem>>
          %swap3A_678 = arith.index_cast %scan3A_253 : i32 to index
          %swap3A_679 = arith.index_cast %swap3A_672 : i32 to index
          %swap3A_680 = arith.constant 96 : index
          %swap3A_681 = tpu.vector_load %swap3A_677[%swap3A_678, %swap3A_679, %swap3A_680] {strides = array<i32>} : memref<8x8x128xf32, #tpu.memory_space<vmem>>, vector<16xf32>,
          tpu.vector_store %swap3A_677[%swap3A_678, %swap3A_679, %swap3A_680], %gather3A_671 {strides = array<i32>} : memref<8x8x128xf32, #tpu.memory_space<vmem>>, vector<16xf32>,
          %add3A_682 = arith.constant 112 : i32
          %add3A_683 = vector.broadcast %add3A_682 : i32 to vector<16xi32>
          %add3A_684 = arith.addi %add3A_683, %iota3A : vector<16xi32>
          %gather3A_685 = arith.constant 0 : i32
          %gather3A_686 = arith.constant 0 : i32
          %gather3A_687 = tpu.memref_slice %arg9[%rem3A_143, %gather3A_685, %gather3A_686] : memref<3x128x64xf32, #tpu.memory_space<vmem>> -> memref<1x128x64xf32, #tpu.memory_space<vmem>>
          %gather3A_688 = tpu.memref_squeeze %gather3A_687 : memref<1x128x64xf32, #tpu.memory_space<vmem>> -> memref<128x64xf32, #tpu.memory_space<vmem>>
          %gather3A_689 = tpu.vector_load_idx %gather3A_688[%add3A_684, %broadcast_in_dim3A_555] : memref<128x64xf32, #tpu.memory_space<vmem>>[vector<16xi32>, vector<16xi32>], vector<16xf32>,
          %swap3A_690 = arith.constant 2 : i32
          %swap3A_691 = arith.constant 0 : i32
          %swap3A_692 = arith.constant 0 : i32
          %swap3A_693 = arith.constant 0 : i32
          %swap3A_694 = tpu.memref_slice %arg10[%rem3A_143, %swap3A_691, %swap3A_692, %swap3A_693] : memref<3x8x8x128xf32, #tpu.memory_space<vmem>> -> memref<1x8x8x128xf32, #tpu.memory_space<vmem>>
          %swap3A_695 = tpu.memref_squeeze %swap3A_694 : memref<1x8x8x128xf32, #tpu.memory_space<vmem>> -> memref<8x8x128xf32, #tpu.memory_space<vmem>>
          %swap3A_696 = arith.index_cast %scan3A_253 : i32 to index
          %swap3A_697 = arith.index_cast %swap3A_690 : i32 to index
          %swap3A_698 = arith.constant 112 : index
          %swap3A_699 = tpu.vector_load %swap3A_695[%swap3A_696, %swap3A_697, %swap3A_698] {strides = array<i32>} : memref<8x8x128xf32, #tpu.memory_space<vmem>>, vector<16xf32>,
          tpu.vector_store %swap3A_695[%swap3A_696, %swap3A_697, %swap3A_698], %gather3A_689 {strides = array<i32>} : memref<8x8x128xf32, #tpu.memory_space<vmem>>, vector<16xf32>,
          %mul3A_700 = arith.constant 8 : i32
          %mul3A_701 = arith.muli %scan3A_253, %mul3A_700 : i32
          %add3A_702 = arith.constant 3 : i32
          %add3A_703 = arith.addi %mul3A_701, %add3A_702 : i32
          %broadcast_in_dim3A_704 = vector.broadcast %add3A_703 : i32 to vector<16xi32>
          %add3A_705 = arith.constant 0 : i32
          %add3A_706 = vector.broadcast %add3A_705 : i32 to vector<16xi32>
          %add3A_707 = arith.addi %add3A_706, %iota3A : vector<16xi32>
          %gather3A_708 = arith.constant 0 : i32
          %gather3A_709 = arith.constant 0 : i32
          %gather3A_710 = tpu.memref_slice %arg9[%rem3A_143, %gather3A_708, %gather3A_709] : memref<3x128x64xf32, #tpu.memory_space<vmem>> -> memref<1x128x64xf32, #tpu.memory_space<vmem>>
          %gather3A_711 = tpu.memref_squeeze %gather3A_710 : memref<1x128x64xf32, #tpu.memory_space<vmem>> -> memref<128x64xf32, #tpu.memory_space<vmem>>
          %gather3A_712 = tpu.vector_load_idx %gather3A_711[%add3A_707, %broadcast_in_dim3A_704] : memref<128x64xf32, #tpu.memory_space<vmem>>[vector<16xi32>, vector<16xi32>], vector<16xf32>,
          %swap3A_713 = arith.constant 3 : i32
          %swap3A_714 = arith.constant 0 : i32
          %swap3A_715 = arith.constant 0 : i32
          %swap3A_716 = arith.constant 0 : i32
          %swap3A_717 = tpu.memref_slice %arg10[%rem3A_143, %swap3A_714, %swap3A_715, %swap3A_716] : memref<3x8x8x128xf32, #tpu.memory_space<vmem>> -> memref<1x8x8x128xf32, #tpu.memory_space<vmem>>
          %swap3A_718 = tpu.memref_squeeze %swap3A_717 : memref<1x8x8x128xf32, #tpu.memory_space<vmem>> -> memref<8x8x128xf32, #tpu.memory_space<vmem>>
          %swap3A_719 = arith.index_cast %scan3A_253 : i32 to index
          %swap3A_720 = arith.index_cast %swap3A_713 : i32 to index
          %swap3A_721 = arith.constant 0 : index
          %swap3A_722 = tpu.vector_load %swap3A_718[%swap3A_719, %swap3A_720, %swap3A_721] {strides = array<i32>} : memref<8x8x128xf32, #tpu.memory_space<vmem>>, vector<16xf32>,
          tpu.vector_store %swap3A_718[%swap3A_719, %swap3A_720, %swap3A_721], %gather3A_712 {strides = array<i32>} : memref<8x8x128xf32, #tpu.memory_space<vmem>>, vector<16xf32>,
          %add3A_723 = arith.constant 16 : i32
          %add3A_724 = vector.broadcast %add3A_723 : i32 to vector<16xi32>
          %add3A_725 = arith.addi %add3A_724, %iota3A : vector<16xi32>
          %gather3A_726 = arith.constant 0 : i32
          %gather3A_727 = arith.constant 0 : i32
          %gather3A_728 = tpu.memref_slice %arg9[%rem3A_143, %gather3A_726, %gather3A_727] : memref<3x128x64xf32, #tpu.memory_space<vmem>> -> memref<1x128x64xf32, #tpu.memory_space<vmem>>
          %gather3A_729 = tpu.memref_squeeze %gather3A_728 : memref<1x128x64xf32, #tpu.memory_space<vmem>> -> memref<128x64xf32, #tpu.memory_space<vmem>>
          %gather3A_730 = tpu.vector_load_idx %gather3A_729[%add3A_725, %broadcast_in_dim3A_704] : memref<128x64xf32, #tpu.memory_space<vmem>>[vector<16xi32>, vector<16xi32>], vector<16xf32>,
          %swap3A_731 = arith.constant 3 : i32
          %swap3A_732 = arith.constant 0 : i32
          %swap3A_733 = arith.constant 0 : i32
          %swap3A_734 = arith.constant 0 : i32
          %swap3A_735 = tpu.memref_slice %arg10[%rem3A_143, %swap3A_732, %swap3A_733, %swap3A_734] : memref<3x8x8x128xf32, #tpu.memory_space<vmem>> -> memref<1x8x8x128xf32, #tpu.memory_space<vmem>>
          %swap3A_736 = tpu.memref_squeeze %swap3A_735 : memref<1x8x8x128xf32, #tpu.memory_space<vmem>> -> memref<8x8x128xf32, #tpu.memory_space<vmem>>
          %swap3A_737 = arith.index_cast %scan3A_253 : i32 to index
          %swap3A_738 = arith.index_cast %swap3A_731 : i32 to index
          %swap3A_739 = arith.constant 16 : index
          %swap3A_740 = tpu.vector_load %swap3A_736[%swap3A_737, %swap3A_738, %swap3A_739] {strides = array<i32>} : memref<8x8x128xf32, #tpu.memory_space<vmem>>, vector<16xf32>,
          tpu.vector_store %swap3A_736[%swap3A_737, %swap3A_738, %swap3A_739], %gather3A_730 {strides = array<i32>} : memref<8x8x128xf32, #tpu.memory_space<vmem>>, vector<16xf32>,
          %add3A_741 = arith.constant 32 : i32
          %add3A_742 = vector.broadcast %add3A_741 : i32 to vector<16xi32>
          %add3A_743 = arith.addi %add3A_742, %iota3A : vector<16xi32>
          %gather3A_744 = arith.constant 0 : i32
          %gather3A_745 = arith.constant 0 : i32
          %gather3A_746 = tpu.memref_slice %arg9[%rem3A_143, %gather3A_744, %gather3A_745] : memref<3x128x64xf32, #tpu.memory_space<vmem>> -> memref<1x128x64xf32, #tpu.memory_space<vmem>>
          %gather3A_747 = tpu.memref_squeeze %gather3A_746 : memref<1x128x64xf32, #tpu.memory_space<vmem>> -> memref<128x64xf32, #tpu.memory_space<vmem>>
          %gather3A_748 = tpu.vector_load_idx %gather3A_747[%add3A_743, %broadcast_in_dim3A_704] : memref<128x64xf32, #tpu.memory_space<vmem>>[vector<16xi32>, vector<16xi32>], vector<16xf32>,
          %swap3A_749 = arith.constant 3 : i32
          %swap3A_750 = arith.constant 0 : i32
          %swap3A_751 = arith.constant 0 : i32
          %swap3A_752 = arith.constant 0 : i32
          %swap3A_753 = tpu.memref_slice %arg10[%rem3A_143, %swap3A_750, %swap3A_751, %swap3A_752] : memref<3x8x8x128xf32, #tpu.memory_space<vmem>> -> memref<1x8x8x128xf32, #tpu.memory_space<vmem>>
          %swap3A_754 = tpu.memref_squeeze %swap3A_753 : memref<1x8x8x128xf32, #tpu.memory_space<vmem>> -> memref<8x8x128xf32, #tpu.memory_space<vmem>>
          %swap3A_755 = arith.index_cast %scan3A_253 : i32 to index
          %swap3A_756 = arith.index_cast %swap3A_749 : i32 to index
          %swap3A_757 = arith.constant 32 : index
          %swap3A_758 = tpu.vector_load %swap3A_754[%swap3A_755, %swap3A_756, %swap3A_757] {strides = array<i32>} : memref<8x8x128xf32, #tpu.memory_space<vmem>>, vector<16xf32>,
          tpu.vector_store %swap3A_754[%swap3A_755, %swap3A_756, %swap3A_757], %gather3A_748 {strides = array<i32>} : memref<8x8x128xf32, #tpu.memory_space<vmem>>, vector<16xf32>,
          %add3A_759 = arith.constant 48 : i32
          %add3A_760 = vector.broadcast %add3A_759 : i32 to vector<16xi32>
          %add3A_761 = arith.addi %add3A_760, %iota3A : vector<16xi32>
          %gather3A_762 = arith.constant 0 : i32
          %gather3A_763 = arith.constant 0 : i32
          %gather3A_764 = tpu.memref_slice %arg9[%rem3A_143, %gather3A_762, %gather3A_763] : memref<3x128x64xf32, #tpu.memory_space<vmem>> -> memref<1x128x64xf32, #tpu.memory_space<vmem>>
          %gather3A_765 = tpu.memref_squeeze %gather3A_764 : memref<1x128x64xf32, #tpu.memory_space<vmem>> -> memref<128x64xf32, #tpu.memory_space<vmem>>
          %gather3A_766 = tpu.vector_load_idx %gather3A_765[%add3A_761, %broadcast_in_dim3A_704] : memref<128x64xf32, #tpu.memory_space<vmem>>[vector<16xi32>, vector<16xi32>], vector<16xf32>,
          %swap3A_767 = arith.constant 3 : i32
          %swap3A_768 = arith.constant 0 : i32
          %swap3A_769 = arith.constant 0 : i32
          %swap3A_770 = arith.constant 0 : i32
          %swap3A_771 = tpu.memref_slice %arg10[%rem3A_143, %swap3A_768, %swap3A_769, %swap3A_770] : memref<3x8x8x128xf32, #tpu.memory_space<vmem>> -> memref<1x8x8x128xf32, #tpu.memory_space<vmem>>
          %swap3A_772 = tpu.memref_squeeze %swap3A_771 : memref<1x8x8x128xf32, #tpu.memory_space<vmem>> -> memref<8x8x128xf32, #tpu.memory_space<vmem>>
          %swap3A_773 = arith.index_cast %scan3A_253 : i32 to index
          %swap3A_774 = arith.index_cast %swap3A_767 : i32 to index
          %swap3A_775 = arith.constant 48 : index
          %swap3A_776 = tpu.vector_load %swap3A_772[%swap3A_773, %swap3A_774, %swap3A_775] {strides = array<i32>} : memref<8x8x128xf32, #tpu.memory_space<vmem>>, vector<16xf32>,
          tpu.vector_store %swap3A_772[%swap3A_773, %swap3A_774, %swap3A_775], %gather3A_766 {strides = array<i32>} : memref<8x8x128xf32, #tpu.memory_space<vmem>>, vector<16xf32>,
          %add3A_777 = arith.constant 64 : i32
          %add3A_778 = vector.broadcast %add3A_777 : i32 to vector<16xi32>
          %add3A_779 = arith.addi %add3A_778, %iota3A : vector<16xi32>
          %gather3A_780 = arith.constant 0 : i32
          %gather3A_781 = arith.constant 0 : i32
          %gather3A_782 = tpu.memref_slice %arg9[%rem3A_143, %gather3A_780, %gather3A_781] : memref<3x128x64xf32, #tpu.memory_space<vmem>> -> memref<1x128x64xf32, #tpu.memory_space<vmem>>
          %gather3A_783 = tpu.memref_squeeze %gather3A_782 : memref<1x128x64xf32, #tpu.memory_space<vmem>> -> memref<128x64xf32, #tpu.memory_space<vmem>>
          %gather3A_784 = tpu.vector_load_idx %gather3A_783[%add3A_779, %broadcast_in_dim3A_704] : memref<128x64xf32, #tpu.memory_space<vmem>>[vector<16xi32>, vector<16xi32>], vector<16xf32>,
          %swap3A_785 = arith.constant 3 : i32
          %swap3A_786 = arith.constant 0 : i32
          %swap3A_787 = arith.constant 0 : i32
          %swap3A_788 = arith.constant 0 : i32
          %swap3A_789 = tpu.memref_slice %arg10[%rem3A_143, %swap3A_786, %swap3A_787, %swap3A_788] : memref<3x8x8x128xf32, #tpu.memory_space<vmem>> -> memref<1x8x8x128xf32, #tpu.memory_space<vmem>>
          %swap3A_790 = tpu.memref_squeeze %swap3A_789 : memref<1x8x8x128xf32, #tpu.memory_space<vmem>> -> memref<8x8x128xf32, #tpu.memory_space<vmem>>
          %swap3A_791 = arith.index_cast %scan3A_253 : i32 to index
          %swap3A_792 = arith.index_cast %swap3A_785 : i32 to index
          %swap3A_793 = arith.constant 64 : index
          %swap3A_794 = tpu.vector_load %swap3A_790[%swap3A_791, %swap3A_792, %swap3A_793] {strides = array<i32>} : memref<8x8x128xf32, #tpu.memory_space<vmem>>, vector<16xf32>,
          tpu.vector_store %swap3A_790[%swap3A_791, %swap3A_792, %swap3A_793], %gather3A_784 {strides = array<i32>} : memref<8x8x128xf32, #tpu.memory_space<vmem>>, vector<16xf32>,
          %add3A_795 = arith.constant 80 : i32
          %add3A_796 = vector.broadcast %add3A_795 : i32 to vector<16xi32>
          %add3A_797 = arith.addi %add3A_796, %iota3A : vector<16xi32>
          %gather3A_798 = arith.constant 0 : i32
          %gather3A_799 = arith.constant 0 : i32
          %gather3A_800 = tpu.memref_slice %arg9[%rem3A_143, %gather3A_798, %gather3A_799] : memref<3x128x64xf32, #tpu.memory_space<vmem>> -> memref<1x128x64xf32, #tpu.memory_space<vmem>>
          %gather3A_801 = tpu.memref_squeeze %gather3A_800 : memref<1x128x64xf32, #tpu.memory_space<vmem>> -> memref<128x64xf32, #tpu.memory_space<vmem>>
          %gather3A_802 = tpu.vector_load_idx %gather3A_801[%add3A_797, %broadcast_in_dim3A_704] : memref<128x64xf32, #tpu.memory_space<vmem>>[vector<16xi32>, vector<16xi32>], vector<16xf32>,
          %swap3A_803 = arith.constant 3 : i32
          %swap3A_804 = arith.constant 0 : i32
          %swap3A_805 = arith.constant 0 : i32
          %swap3A_806 = arith.constant 0 : i32
          %swap3A_807 = tpu.memref_slice %arg10[%rem3A_143, %swap3A_804, %swap3A_805, %swap3A_806] : memref<3x8x8x128xf32, #tpu.memory_space<vmem>> -> memref<1x8x8x128xf32, #tpu.memory_space<vmem>>
          %swap3A_808 = tpu.memref_squeeze %swap3A_807 : memref<1x8x8x128xf32, #tpu.memory_space<vmem>> -> memref<8x8x128xf32, #tpu.memory_space<vmem>>
          %swap3A_809 = arith.index_cast %scan3A_253 : i32 to index
          %swap3A_810 = arith.index_cast %swap3A_803 : i32 to index
          %swap3A_811 = arith.constant 80 : index
          %swap3A_812 = tpu.vector_load %swap3A_808[%swap3A_809, %swap3A_810, %swap3A_811] {strides = array<i32>} : memref<8x8x128xf32, #tpu.memory_space<vmem>>, vector<16xf32>,
          tpu.vector_store %swap3A_808[%swap3A_809, %swap3A_810, %swap3A_811], %gather3A_802 {strides = array<i32>} : memref<8x8x128xf32, #tpu.memory_space<vmem>>, vector<16xf32>,
          %add3A_813 = arith.constant 96 : i32
          %add3A_814 = vector.broadcast %add3A_813 : i32 to vector<16xi32>
          %add3A_815 = arith.addi %add3A_814, %iota3A : vector<16xi32>
          %gather3A_816 = arith.constant 0 : i32
          %gather3A_817 = arith.constant 0 : i32
          %gather3A_818 = tpu.memref_slice %arg9[%rem3A_143, %gather3A_816, %gather3A_817] : memref<3x128x64xf32, #tpu.memory_space<vmem>> -> memref<1x128x64xf32, #tpu.memory_space<vmem>>
          %gather3A_819 = tpu.memref_squeeze %gather3A_818 : memref<1x128x64xf32, #tpu.memory_space<vmem>> -> memref<128x64xf32, #tpu.memory_space<vmem>>
          %gather3A_820 = tpu.vector_load_idx %gather3A_819[%add3A_815, %broadcast_in_dim3A_704] : memref<128x64xf32, #tpu.memory_space<vmem>>[vector<16xi32>, vector<16xi32>], vector<16xf32>,
          %swap3A_821 = arith.constant 3 : i32
          %swap3A_822 = arith.constant 0 : i32
          %swap3A_823 = arith.constant 0 : i32
          %swap3A_824 = arith.constant 0 : i32
          %swap3A_825 = tpu.memref_slice %arg10[%rem3A_143, %swap3A_822, %swap3A_823, %swap3A_824] : memref<3x8x8x128xf32, #tpu.memory_space<vmem>> -> memref<1x8x8x128xf32, #tpu.memory_space<vmem>>
          %swap3A_826 = tpu.memref_squeeze %swap3A_825 : memref<1x8x8x128xf32, #tpu.memory_space<vmem>> -> memref<8x8x128xf32, #tpu.memory_space<vmem>>
          %swap3A_827 = arith.index_cast %scan3A_253 : i32 to index
          %swap3A_828 = arith.index_cast %swap3A_821 : i32 to index
          %swap3A_829 = arith.constant 96 : index
          %swap3A_830 = tpu.vector_load %swap3A_826[%swap3A_827, %swap3A_828, %swap3A_829] {strides = array<i32>} : memref<8x8x128xf32, #tpu.memory_space<vmem>>, vector<16xf32>,
          tpu.vector_store %swap3A_826[%swap3A_827, %swap3A_828, %swap3A_829], %gather3A_820 {strides = array<i32>} : memref<8x8x128xf32, #tpu.memory_space<vmem>>, vector<16xf32>,
          %add3A_831 = arith.constant 112 : i32
          %add3A_832 = vector.broadcast %add3A_831 : i32 to vector<16xi32>
          %add3A_833 = arith.addi %add3A_832, %iota3A : vector<16xi32>
          %gather3A_834 = arith.constant 0 : i32
          %gather3A_835 = arith.constant 0 : i32
          %gather3A_836 = tpu.memref_slice %arg9[%rem3A_143, %gather3A_834, %gather3A_835] : memref<3x128x64xf32, #tpu.memory_space<vmem>> -> memref<1x128x64xf32, #tpu.memory_space<vmem>>
          %gather3A_837 = tpu.memref_squeeze %gather3A_836 : memref<1x128x64xf32, #tpu.memory_space<vmem>> -> memref<128x64xf32, #tpu.memory_space<vmem>>
          %gather3A_838 = tpu.vector_load_idx %gather3A_837[%add3A_833, %broadcast_in_dim3A_704] : memref<128x64xf32, #tpu.memory_space<vmem>>[vector<16xi32>, vector<16xi32>], vector<16xf32>,
          %swap3A_839 = arith.constant 3 : i32
          %swap3A_840 = arith.constant 0 : i32
          %swap3A_841 = arith.constant 0 : i32
          %swap3A_842 = arith.constant 0 : i32
          %swap3A_843 = tpu.memref_slice %arg10[%rem3A_143, %swap3A_840, %swap3A_841, %swap3A_842] : memref<3x8x8x128xf32, #tpu.memory_space<vmem>> -> memref<1x8x8x128xf32, #tpu.memory_space<vmem>>
          %swap3A_844 = tpu.memref_squeeze %swap3A_843 : memref<1x8x8x128xf32, #tpu.memory_space<vmem>> -> memref<8x8x128xf32, #tpu.memory_space<vmem>>
          %swap3A_845 = arith.index_cast %scan3A_253 : i32 to index
          %swap3A_846 = arith.index_cast %swap3A_839 : i32 to index
          %swap3A_847 = arith.constant 112 : index
          %swap3A_848 = tpu.vector_load %swap3A_844[%swap3A_845, %swap3A_846, %swap3A_847] {strides = array<i32>} : memref<8x8x128xf32, #tpu.memory_space<vmem>>, vector<16xf32>,
          tpu.vector_store %swap3A_844[%swap3A_845, %swap3A_846, %swap3A_847], %gather3A_838 {strides = array<i32>} : memref<8x8x128xf32, #tpu.memory_space<vmem>>, vector<16xf32>,
          %mul3A_849 = arith.constant 8 : i32
          %mul3A_850 = arith.muli %scan3A_253, %mul3A_849 : i32
          %add3A_851 = arith.constant 4 : i32
          %add3A_852 = arith.addi %mul3A_850, %add3A_851 : i32
          %broadcast_in_dim3A_853 = vector.broadcast %add3A_852 : i32 to vector<16xi32>
          %add3A_854 = arith.constant 0 : i32
          %add3A_855 = vector.broadcast %add3A_854 : i32 to vector<16xi32>
          %add3A_856 = arith.addi %add3A_855, %iota3A : vector<16xi32>
          %gather3A_857 = arith.constant 0 : i32
          %gather3A_858 = arith.constant 0 : i32
          %gather3A_859 = tpu.memref_slice %arg9[%rem3A_143, %gather3A_857, %gather3A_858] : memref<3x128x64xf32, #tpu.memory_space<vmem>> -> memref<1x128x64xf32, #tpu.memory_space<vmem>>
          %gather3A_860 = tpu.memref_squeeze %gather3A_859 : memref<1x128x64xf32, #tpu.memory_space<vmem>> -> memref<128x64xf32, #tpu.memory_space<vmem>>
          %gather3A_861 = tpu.vector_load_idx %gather3A_860[%add3A_856, %broadcast_in_dim3A_853] : memref<128x64xf32, #tpu.memory_space<vmem>>[vector<16xi32>, vector<16xi32>], vector<16xf32>,
          %swap3A_862 = arith.constant 4 : i32
          %swap3A_863 = arith.constant 0 : i32
          %swap3A_864 = arith.constant 0 : i32
          %swap3A_865 = arith.constant 0 : i32
          %swap3A_866 = tpu.memref_slice %arg10[%rem3A_143, %swap3A_863, %swap3A_864, %swap3A_865] : memref<3x8x8x128xf32, #tpu.memory_space<vmem>> -> memref<1x8x8x128xf32, #tpu.memory_space<vmem>>
          %swap3A_867 = tpu.memref_squeeze %swap3A_866 : memref<1x8x8x128xf32, #tpu.memory_space<vmem>> -> memref<8x8x128xf32, #tpu.memory_space<vmem>>
          %swap3A_868 = arith.index_cast %scan3A_253 : i32 to index
          %swap3A_869 = arith.index_cast %swap3A_862 : i32 to index
          %swap3A_870 = arith.constant 0 : index
          %swap3A_871 = tpu.vector_load %swap3A_867[%swap3A_868, %swap3A_869, %swap3A_870] {strides = array<i32>} : memref<8x8x128xf32, #tpu.memory_space<vmem>>, vector<16xf32>,
          tpu.vector_store %swap3A_867[%swap3A_868, %swap3A_869, %swap3A_870], %gather3A_861 {strides = array<i32>} : memref<8x8x128xf32, #tpu.memory_space<vmem>>, vector<16xf32>,
          %add3A_872 = arith.constant 16 : i32
          %add3A_873 = vector.broadcast %add3A_872 : i32 to vector<16xi32>
          %add3A_874 = arith.addi %add3A_873, %iota3A : vector<16xi32>
          %gather3A_875 = arith.constant 0 : i32
          %gather3A_876 = arith.constant 0 : i32
          %gather3A_877 = tpu.memref_slice %arg9[%rem3A_143, %gather3A_875, %gather3A_876] : memref<3x128x64xf32, #tpu.memory_space<vmem>> -> memref<1x128x64xf32, #tpu.memory_space<vmem>>
          %gather3A_878 = tpu.memref_squeeze %gather3A_877 : memref<1x128x64xf32, #tpu.memory_space<vmem>> -> memref<128x64xf32, #tpu.memory_space<vmem>>
          %gather3A_879 = tpu.vector_load_idx %gather3A_878[%add3A_874, %broadcast_in_dim3A_853] : memref<128x64xf32, #tpu.memory_space<vmem>>[vector<16xi32>, vector<16xi32>], vector<16xf32>,
          %swap3A_880 = arith.constant 4 : i32
          %swap3A_881 = arith.constant 0 : i32
          %swap3A_882 = arith.constant 0 : i32
          %swap3A_883 = arith.constant 0 : i32
          %swap3A_884 = tpu.memref_slice %arg10[%rem3A_143, %swap3A_881, %swap3A_882, %swap3A_883] : memref<3x8x8x128xf32, #tpu.memory_space<vmem>> -> memref<1x8x8x128xf32, #tpu.memory_space<vmem>>
          %swap3A_885 = tpu.memref_squeeze %swap3A_884 : memref<1x8x8x128xf32, #tpu.memory_space<vmem>> -> memref<8x8x128xf32, #tpu.memory_space<vmem>>
          %swap3A_886 = arith.index_cast %scan3A_253 : i32 to index
          %swap3A_887 = arith.index_cast %swap3A_880 : i32 to index
          %swap3A_888 = arith.constant 16 : index
          %swap3A_889 = tpu.vector_load %swap3A_885[%swap3A_886, %swap3A_887, %swap3A_888] {strides = array<i32>} : memref<8x8x128xf32, #tpu.memory_space<vmem>>, vector<16xf32>,
          tpu.vector_store %swap3A_885[%swap3A_886, %swap3A_887, %swap3A_888], %gather3A_879 {strides = array<i32>} : memref<8x8x128xf32, #tpu.memory_space<vmem>>, vector<16xf32>,
          %add3A_890 = arith.constant 32 : i32
          %add3A_891 = vector.broadcast %add3A_890 : i32 to vector<16xi32>
          %add3A_892 = arith.addi %add3A_891, %iota3A : vector<16xi32>
          %gather3A_893 = arith.constant 0 : i32
          %gather3A_894 = arith.constant 0 : i32
          %gather3A_895 = tpu.memref_slice %arg9[%rem3A_143, %gather3A_893, %gather3A_894] : memref<3x128x64xf32, #tpu.memory_space<vmem>> -> memref<1x128x64xf32, #tpu.memory_space<vmem>>
          %gather3A_896 = tpu.memref_squeeze %gather3A_895 : memref<1x128x64xf32, #tpu.memory_space<vmem>> -> memref<128x64xf32, #tpu.memory_space<vmem>>
          %gather3A_897 = tpu.vector_load_idx %gather3A_896[%add3A_892, %broadcast_in_dim3A_853] : memref<128x64xf32, #tpu.memory_space<vmem>>[vector<16xi32>, vector<16xi32>], vector<16xf32>,
          %swap3A_898 = arith.constant 4 : i32
          %swap3A_899 = arith.constant 0 : i32
          %swap3A_900 = arith.constant 0 : i32
          %swap3A_901 = arith.constant 0 : i32
          %swap3A_902 = tpu.memref_slice %arg10[%rem3A_143, %swap3A_899, %swap3A_900, %swap3A_901] : memref<3x8x8x128xf32, #tpu.memory_space<vmem>> -> memref<1x8x8x128xf32, #tpu.memory_space<vmem>>
          %swap3A_903 = tpu.memref_squeeze %swap3A_902 : memref<1x8x8x128xf32, #tpu.memory_space<vmem>> -> memref<8x8x128xf32, #tpu.memory_space<vmem>>
          %swap3A_904 = arith.index_cast %scan3A_253 : i32 to index
          %swap3A_905 = arith.index_cast %swap3A_898 : i32 to index
          %swap3A_906 = arith.constant 32 : index
          %swap3A_907 = tpu.vector_load %swap3A_903[%swap3A_904, %swap3A_905, %swap3A_906] {strides = array<i32>} : memref<8x8x128xf32, #tpu.memory_space<vmem>>, vector<16xf32>,
          tpu.vector_store %swap3A_903[%swap3A_904, %swap3A_905, %swap3A_906], %gather3A_897 {strides = array<i32>} : memref<8x8x128xf32, #tpu.memory_space<vmem>>, vector<16xf32>,
          %add3A_908 = arith.constant 48 : i32
          %add3A_909 = vector.broadcast %add3A_908 : i32 to vector<16xi32>
          %add3A_910 = arith.addi %add3A_909, %iota3A : vector<16xi32>
          %gather3A_911 = arith.constant 0 : i32
          %gather3A_912 = arith.constant 0 : i32
          %gather3A_913 = tpu.memref_slice %arg9[%rem3A_143, %gather3A_911, %gather3A_912] : memref<3x128x64xf32, #tpu.memory_space<vmem>> -> memref<1x128x64xf32, #tpu.memory_space<vmem>>
          %gather3A_914 = tpu.memref_squeeze %gather3A_913 : memref<1x128x64xf32, #tpu.memory_space<vmem>> -> memref<128x64xf32, #tpu.memory_space<vmem>>
          %gather3A_915 = tpu.vector_load_idx %gather3A_914[%add3A_910, %broadcast_in_dim3A_853] : memref<128x64xf32, #tpu.memory_space<vmem>>[vector<16xi32>, vector<16xi32>], vector<16xf32>,
          %swap3A_916 = arith.constant 4 : i32
          %swap3A_917 = arith.constant 0 : i32
          %swap3A_918 = arith.constant 0 : i32
          %swap3A_919 = arith.constant 0 : i32
          %swap3A_920 = tpu.memref_slice %arg10[%rem3A_143, %swap3A_917, %swap3A_918, %swap3A_919] : memref<3x8x8x128xf32, #tpu.memory_space<vmem>> -> memref<1x8x8x128xf32, #tpu.memory_space<vmem>>
          %swap3A_921 = tpu.memref_squeeze %swap3A_920 : memref<1x8x8x128xf32, #tpu.memory_space<vmem>> -> memref<8x8x128xf32, #tpu.memory_space<vmem>>
          %swap3A_922 = arith.index_cast %scan3A_253 : i32 to index
          %swap3A_923 = arith.index_cast %swap3A_916 : i32 to index
          %swap3A_924 = arith.constant 48 : index
          %swap3A_925 = tpu.vector_load %swap3A_921[%swap3A_922, %swap3A_923, %swap3A_924] {strides = array<i32>} : memref<8x8x128xf32, #tpu.memory_space<vmem>>, vector<16xf32>,
          tpu.vector_store %swap3A_921[%swap3A_922, %swap3A_923, %swap3A_924], %gather3A_915 {strides = array<i32>} : memref<8x8x128xf32, #tpu.memory_space<vmem>>, vector<16xf32>,
          %add3A_926 = arith.constant 64 : i32
          %add3A_927 = vector.broadcast %add3A_926 : i32 to vector<16xi32>
          %add3A_928 = arith.addi %add3A_927, %iota3A : vector<16xi32>
          %gather3A_929 = arith.constant 0 : i32
          %gather3A_930 = arith.constant 0 : i32
          %gather3A_931 = tpu.memref_slice %arg9[%rem3A_143, %gather3A_929, %gather3A_930] : memref<3x128x64xf32, #tpu.memory_space<vmem>> -> memref<1x128x64xf32, #tpu.memory_space<vmem>>
          %gather3A_932 = tpu.memref_squeeze %gather3A_931 : memref<1x128x64xf32, #tpu.memory_space<vmem>> -> memref<128x64xf32, #tpu.memory_space<vmem>>
          %gather3A_933 = tpu.vector_load_idx %gather3A_932[%add3A_928, %broadcast_in_dim3A_853] : memref<128x64xf32, #tpu.memory_space<vmem>>[vector<16xi32>, vector<16xi32>], vector<16xf32>,
          %swap3A_934 = arith.constant 4 : i32
          %swap3A_935 = arith.constant 0 : i32
          %swap3A_936 = arith.constant 0 : i32
          %swap3A_937 = arith.constant 0 : i32
          %swap3A_938 = tpu.memref_slice %arg10[%rem3A_143, %swap3A_935, %swap3A_936, %swap3A_937] : memref<3x8x8x128xf32, #tpu.memory_space<vmem>> -> memref<1x8x8x128xf32, #tpu.memory_space<vmem>>
          %swap3A_939 = tpu.memref_squeeze %swap3A_938 : memref<1x8x8x128xf32, #tpu.memory_space<vmem>> -> memref<8x8x128xf32, #tpu.memory_space<vmem>>
          %swap3A_940 = arith.index_cast %scan3A_253 : i32 to index
          %swap3A_941 = arith.index_cast %swap3A_934 : i32 to index
          %swap3A_942 = arith.constant 64 : index
          %swap3A_943 = tpu.vector_load %swap3A_939[%swap3A_940, %swap3A_941, %swap3A_942] {strides = array<i32>} : memref<8x8x128xf32, #tpu.memory_space<vmem>>, vector<16xf32>,
          tpu.vector_store %swap3A_939[%swap3A_940, %swap3A_941, %swap3A_942], %gather3A_933 {strides = array<i32>} : memref<8x8x128xf32, #tpu.memory_space<vmem>>, vector<16xf32>,
          %add3A_944 = arith.constant 80 : i32
          %add3A_945 = vector.broadcast %add3A_944 : i32 to vector<16xi32>
          %add3A_946 = arith.addi %add3A_945, %iota3A : vector<16xi32>
          %gather3A_947 = arith.constant 0 : i32
          %gather3A_948 = arith.constant 0 : i32
          %gather3A_949 = tpu.memref_slice %arg9[%rem3A_143, %gather3A_947, %gather3A_948] : memref<3x128x64xf32, #tpu.memory_space<vmem>> -> memref<1x128x64xf32, #tpu.memory_space<vmem>>
          %gather3A_950 = tpu.memref_squeeze %gather3A_949 : memref<1x128x64xf32, #tpu.memory_space<vmem>> -> memref<128x64xf32, #tpu.memory_space<vmem>>
          %gather3A_951 = tpu.vector_load_idx %gather3A_950[%add3A_946, %broadcast_in_dim3A_853] : memref<128x64xf32, #tpu.memory_space<vmem>>[vector<16xi32>, vector<16xi32>], vector<16xf32>,
          %swap3A_952 = arith.constant 4 : i32
          %swap3A_953 = arith.constant 0 : i32
          %swap3A_954 = arith.constant 0 : i32
          %swap3A_955 = arith.constant 0 : i32
          %swap3A_956 = tpu.memref_slice %arg10[%rem3A_143, %swap3A_953, %swap3A_954, %swap3A_955] : memref<3x8x8x128xf32, #tpu.memory_space<vmem>> -> memref<1x8x8x128xf32, #tpu.memory_space<vmem>>
          %swap3A_957 = tpu.memref_squeeze %swap3A_956 : memref<1x8x8x128xf32, #tpu.memory_space<vmem>> -> memref<8x8x128xf32, #tpu.memory_space<vmem>>
          %swap3A_958 = arith.index_cast %scan3A_253 : i32 to index
          %swap3A_959 = arith.index_cast %swap3A_952 : i32 to index
          %swap3A_960 = arith.constant 80 : index
          %swap3A_961 = tpu.vector_load %swap3A_957[%swap3A_958, %swap3A_959, %swap3A_960] {strides = array<i32>} : memref<8x8x128xf32, #tpu.memory_space<vmem>>, vector<16xf32>,
          tpu.vector_store %swap3A_957[%swap3A_958, %swap3A_959, %swap3A_960], %gather3A_951 {strides = array<i32>} : memref<8x8x128xf32, #tpu.memory_space<vmem>>, vector<16xf32>,
          %add3A_962 = arith.constant 96 : i32
          %add3A_963 = vector.broadcast %add3A_962 : i32 to vector<16xi32>
          %add3A_964 = arith.addi %add3A_963, %iota3A : vector<16xi32>
          %gather3A_965 = arith.constant 0 : i32
          %gather3A_966 = arith.constant 0 : i32
          %gather3A_967 = tpu.memref_slice %arg9[%rem3A_143, %gather3A_965, %gather3A_966] : memref<3x128x64xf32, #tpu.memory_space<vmem>> -> memref<1x128x64xf32, #tpu.memory_space<vmem>>
          %gather3A_968 = tpu.memref_squeeze %gather3A_967 : memref<1x128x64xf32, #tpu.memory_space<vmem>> -> memref<128x64xf32, #tpu.memory_space<vmem>>
          %gather3A_969 = tpu.vector_load_idx %gather3A_968[%add3A_964, %broadcast_in_dim3A_853] : memref<128x64xf32, #tpu.memory_space<vmem>>[vector<16xi32>, vector<16xi32>], vector<16xf32>,
          %swap3A_970 = arith.constant 4 : i32
          %swap3A_971 = arith.constant 0 : i32
          %swap3A_972 = arith.constant 0 : i32
          %swap3A_973 = arith.constant 0 : i32
          %swap3A_974 = tpu.memref_slice %arg10[%rem3A_143, %swap3A_971, %swap3A_972, %swap3A_973] : memref<3x8x8x128xf32, #tpu.memory_space<vmem>> -> memref<1x8x8x128xf32, #tpu.memory_space<vmem>>
          %swap3A_975 = tpu.memref_squeeze %swap3A_974 : memref<1x8x8x128xf32, #tpu.memory_space<vmem>> -> memref<8x8x128xf32, #tpu.memory_space<vmem>>
          %swap3A_976 = arith.index_cast %scan3A_253 : i32 to index
          %swap3A_977 = arith.index_cast %swap3A_970 : i32 to index
          %swap3A_978 = arith.constant 96 : index
          %swap3A_979 = tpu.vector_load %swap3A_975[%swap3A_976, %swap3A_977, %swap3A_978] {strides = array<i32>} : memref<8x8x128xf32, #tpu.memory_space<vmem>>, vector<16xf32>,
          tpu.vector_store %swap3A_975[%swap3A_976, %swap3A_977, %swap3A_978], %gather3A_969 {strides = array<i32>} : memref<8x8x128xf32, #tpu.memory_space<vmem>>, vector<16xf32>,
          %add3A_980 = arith.constant 112 : i32
          %add3A_981 = vector.broadcast %add3A_980 : i32 to vector<16xi32>
          %add3A_982 = arith.addi %add3A_981, %iota3A : vector<16xi32>
          %gather3A_983 = arith.constant 0 : i32
          %gather3A_984 = arith.constant 0 : i32
          %gather3A_985 = tpu.memref_slice %arg9[%rem3A_143, %gather3A_983, %gather3A_984] : memref<3x128x64xf32, #tpu.memory_space<vmem>> -> memref<1x128x64xf32, #tpu.memory_space<vmem>>
          %gather3A_986 = tpu.memref_squeeze %gather3A_985 : memref<1x128x64xf32, #tpu.memory_space<vmem>> -> memref<128x64xf32, #tpu.memory_space<vmem>>
          %gather3A_987 = tpu.vector_load_idx %gather3A_986[%add3A_982, %broadcast_in_dim3A_853] : memref<128x64xf32, #tpu.memory_space<vmem>>[vector<16xi32>, vector<16xi32>], vector<16xf32>,
          %swap3A_988 = arith.constant 4 : i32
          %swap3A_989 = arith.constant 0 : i32
          %swap3A_990 = arith.constant 0 : i32
          %swap3A_991 = arith.constant 0 : i32
          %swap3A_992 = tpu.memref_slice %arg10[%rem3A_143, %swap3A_989, %swap3A_990, %swap3A_991] : memref<3x8x8x128xf32, #tpu.memory_space<vmem>> -> memref<1x8x8x128xf32, #tpu.memory_space<vmem>>
          %swap3A_993 = tpu.memref_squeeze %swap3A_992 : memref<1x8x8x128xf32, #tpu.memory_space<vmem>> -> memref<8x8x128xf32, #tpu.memory_space<vmem>>
          %swap3A_994 = arith.index_cast %scan3A_253 : i32 to index
          %swap3A_995 = arith.index_cast %swap3A_988 : i32 to index
          %swap3A_996 = arith.constant 112 : index
          %swap3A_997 = tpu.vector_load %swap3A_993[%swap3A_994, %swap3A_995, %swap3A_996] {strides = array<i32>} : memref<8x8x128xf32, #tpu.memory_space<vmem>>, vector<16xf32>,
          tpu.vector_store %swap3A_993[%swap3A_994, %swap3A_995, %swap3A_996], %gather3A_987 {strides = array<i32>} : memref<8x8x128xf32, #tpu.memory_space<vmem>>, vector<16xf32>,
          %mul3A_998 = arith.constant 8 : i32
          %mul3A_999 = arith.muli %scan3A_253, %mul3A_998 : i32
          %add3A_1000 = arith.constant 5 : i32
          %add3A_1001 = arith.addi %mul3A_999, %add3A_1000 : i32
          %broadcast_in_dim3A_1002 = vector.broadcast %add3A_1001 : i32 to vector<16xi32>
          %add3A_1003 = arith.constant 0 : i32
          %add3A_1004 = vector.broadcast %add3A_1003 : i32 to vector<16xi32>
          %add3A_1005 = arith.addi %add3A_1004, %iota3A : vector<16xi32>
          %gather3A_1006 = arith.constant 0 : i32
          %gather3A_1007 = arith.constant 0 : i32
          %gather3A_1008 = tpu.memref_slice %arg9[%rem3A_143, %gather3A_1006, %gather3A_1007] : memref<3x128x64xf32, #tpu.memory_space<vmem>> -> memref<1x128x64xf32, #tpu.memory_space<vmem>>
          %gather3A_1009 = tpu.memref_squeeze %gather3A_1008 : memref<1x128x64xf32, #tpu.memory_space<vmem>> -> memref<128x64xf32, #tpu.memory_space<vmem>>
          %gather3A_1010 = tpu.vector_load_idx %gather3A_1009[%add3A_1005, %broadcast_in_dim3A_1002] : memref<128x64xf32, #tpu.memory_space<vmem>>[vector<16xi32>, vector<16xi32>], vector<16xf32>,
          %swap3A_1011 = arith.constant 5 : i32
          %swap3A_1012 = arith.constant 0 : i32
          %swap3A_1013 = arith.constant 0 : i32
          %swap3A_1014 = arith.constant 0 : i32
          %swap3A_1015 = tpu.memref_slice %arg10[%rem3A_143, %swap3A_1012, %swap3A_1013, %swap3A_1014] : memref<3x8x8x128xf32, #tpu.memory_space<vmem>> -> memref<1x8x8x128xf32, #tpu.memory_space<vmem>>
          %swap3A_1016 = tpu.memref_squeeze %swap3A_1015 : memref<1x8x8x128xf32, #tpu.memory_space<vmem>> -> memref<8x8x128xf32, #tpu.memory_space<vmem>>
          %swap3A_1017 = arith.index_cast %scan3A_253 : i32 to index
          %swap3A_1018 = arith.index_cast %swap3A_1011 : i32 to index
          %swap3A_1019 = arith.constant 0 : index
          %swap3A_1020 = tpu.vector_load %swap3A_1016[%swap3A_1017, %swap3A_1018, %swap3A_1019] {strides = array<i32>} : memref<8x8x128xf32, #tpu.memory_space<vmem>>, vector<16xf32>,
          tpu.vector_store %swap3A_1016[%swap3A_1017, %swap3A_1018, %swap3A_1019], %gather3A_1010 {strides = array<i32>} : memref<8x8x128xf32, #tpu.memory_space<vmem>>, vector<16xf32>,
          %add3A_1021 = arith.constant 16 : i32
          %add3A_1022 = vector.broadcast %add3A_1021 : i32 to vector<16xi32>
          %add3A_1023 = arith.addi %add3A_1022, %iota3A : vector<16xi32>
          %gather3A_1024 = arith.constant 0 : i32
          %gather3A_1025 = arith.constant 0 : i32
          %gather3A_1026 = tpu.memref_slice %arg9[%rem3A_143, %gather3A_1024, %gather3A_1025] : memref<3x128x64xf32, #tpu.memory_space<vmem>> -> memref<1x128x64xf32, #tpu.memory_space<vmem>>
          %gather3A_1027 = tpu.memref_squeeze %gather3A_1026 : memref<1x128x64xf32, #tpu.memory_space<vmem>> -> memref<128x64xf32, #tpu.memory_space<vmem>>
          %gather3A_1028 = tpu.vector_load_idx %gather3A_1027[%add3A_1023, %broadcast_in_dim3A_1002] : memref<128x64xf32, #tpu.memory_space<vmem>>[vector<16xi32>, vector<16xi32>], vector<16xf32>,
          %swap3A_1029 = arith.constant 5 : i32
          %swap3A_1030 = arith.constant 0 : i32
          %swap3A_1031 = arith.constant 0 : i32
          %swap3A_1032 = arith.constant 0 : i32
          %swap3A_1033 = tpu.memref_slice %arg10[%rem3A_143, %swap3A_1030, %swap3A_1031, %swap3A_1032] : memref<3x8x8x128xf32, #tpu.memory_space<vmem>> -> memref<1x8x8x128xf32, #tpu.memory_space<vmem>>
          %swap3A_1034 = tpu.memref_squeeze %swap3A_1033 : memref<1x8x8x128xf32, #tpu.memory_space<vmem>> -> memref<8x8x128xf32, #tpu.memory_space<vmem>>
          %swap3A_1035 = arith.index_cast %scan3A_253 : i32 to index
          %swap3A_1036 = arith.index_cast %swap3A_1029 : i32 to index
          %swap3A_1037 = arith.constant 16 : index
          %swap3A_1038 = tpu.vector_load %swap3A_1034[%swap3A_1035, %swap3A_1036, %swap3A_1037] {strides = array<i32>} : memref<8x8x128xf32, #tpu.memory_space<vmem>>, vector<16xf32>,
          tpu.vector_store %swap3A_1034[%swap3A_1035, %swap3A_1036, %swap3A_1037], %gather3A_1028 {strides = array<i32>} : memref<8x8x128xf32, #tpu.memory_space<vmem>>, vector<16xf32>,
          %add3A_1039 = arith.constant 32 : i32
          %add3A_1040 = vector.broadcast %add3A_1039 : i32 to vector<16xi32>
          %add3A_1041 = arith.addi %add3A_1040, %iota3A : vector<16xi32>
          %gather3A_1042 = arith.constant 0 : i32
          %gather3A_1043 = arith.constant 0 : i32
          %gather3A_1044 = tpu.memref_slice %arg9[%rem3A_143, %gather3A_1042, %gather3A_1043] : memref<3x128x64xf32, #tpu.memory_space<vmem>> -> memref<1x128x64xf32, #tpu.memory_space<vmem>>
          %gather3A_1045 = tpu.memref_squeeze %gather3A_1044 : memref<1x128x64xf32, #tpu.memory_space<vmem>> -> memref<128x64xf32, #tpu.memory_space<vmem>>
          %gather3A_1046 = tpu.vector_load_idx %gather3A_1045[%add3A_1041, %broadcast_in_dim3A_1002] : memref<128x64xf32, #tpu.memory_space<vmem>>[vector<16xi32>, vector<16xi32>], vector<16xf32>,
          %swap3A_1047 = arith.constant 5 : i32
          %swap3A_1048 = arith.constant 0 : i32
          %swap3A_1049 = arith.constant 0 : i32
          %swap3A_1050 = arith.constant 0 : i32
          %swap3A_1051 = tpu.memref_slice %arg10[%rem3A_143, %swap3A_1048, %swap3A_1049, %swap3A_1050] : memref<3x8x8x128xf32, #tpu.memory_space<vmem>> -> memref<1x8x8x128xf32, #tpu.memory_space<vmem>>
          %swap3A_1052 = tpu.memref_squeeze %swap3A_1051 : memref<1x8x8x128xf32, #tpu.memory_space<vmem>> -> memref<8x8x128xf32, #tpu.memory_space<vmem>>
          %swap3A_1053 = arith.index_cast %scan3A_253 : i32 to index
          %swap3A_1054 = arith.index_cast %swap3A_1047 : i32 to index
          %swap3A_1055 = arith.constant 32 : index
          %swap3A_1056 = tpu.vector_load %swap3A_1052[%swap3A_1053, %swap3A_1054, %swap3A_1055] {strides = array<i32>} : memref<8x8x128xf32, #tpu.memory_space<vmem>>, vector<16xf32>,
          tpu.vector_store %swap3A_1052[%swap3A_1053, %swap3A_1054, %swap3A_1055], %gather3A_1046 {strides = array<i32>} : memref<8x8x128xf32, #tpu.memory_space<vmem>>, vector<16xf32>,
          %add3A_1057 = arith.constant 48 : i32
          %add3A_1058 = vector.broadcast %add3A_1057 : i32 to vector<16xi32>
          %add3A_1059 = arith.addi %add3A_1058, %iota3A : vector<16xi32>
          %gather3A_1060 = arith.constant 0 : i32
          %gather3A_1061 = arith.constant 0 : i32
          %gather3A_1062 = tpu.memref_slice %arg9[%rem3A_143, %gather3A_1060, %gather3A_1061] : memref<3x128x64xf32, #tpu.memory_space<vmem>> -> memref<1x128x64xf32, #tpu.memory_space<vmem>>
          %gather3A_1063 = tpu.memref_squeeze %gather3A_1062 : memref<1x128x64xf32, #tpu.memory_space<vmem>> -> memref<128x64xf32, #tpu.memory_space<vmem>>
          %gather3A_1064 = tpu.vector_load_idx %gather3A_1063[%add3A_1059, %broadcast_in_dim3A_1002] : memref<128x64xf32, #tpu.memory_space<vmem>>[vector<16xi32>, vector<16xi32>], vector<16xf32>,
          %swap3A_1065 = arith.constant 5 : i32
          %swap3A_1066 = arith.constant 0 : i32
          %swap3A_1067 = arith.constant 0 : i32
          %swap3A_1068 = arith.constant 0 : i32
          %swap3A_1069 = tpu.memref_slice %arg10[%rem3A_143, %swap3A_1066, %swap3A_1067, %swap3A_1068] : memref<3x8x8x128xf32, #tpu.memory_space<vmem>> -> memref<1x8x8x128xf32, #tpu.memory_space<vmem>>
          %swap3A_1070 = tpu.memref_squeeze %swap3A_1069 : memref<1x8x8x128xf32, #tpu.memory_space<vmem>> -> memref<8x8x128xf32, #tpu.memory_space<vmem>>
          %swap3A_1071 = arith.index_cast %scan3A_253 : i32 to index
          %swap3A_1072 = arith.index_cast %swap3A_1065 : i32 to index
          %swap3A_1073 = arith.constant 48 : index
          %swap3A_1074 = tpu.vector_load %swap3A_1070[%swap3A_1071, %swap3A_1072, %swap3A_1073] {strides = array<i32>} : memref<8x8x128xf32, #tpu.memory_space<vmem>>, vector<16xf32>,
          tpu.vector_store %swap3A_1070[%swap3A_1071, %swap3A_1072, %swap3A_1073], %gather3A_1064 {strides = array<i32>} : memref<8x8x128xf32, #tpu.memory_space<vmem>>, vector<16xf32>,
          %add3A_1075 = arith.constant 64 : i32
          %add3A_1076 = vector.broadcast %add3A_1075 : i32 to vector<16xi32>
          %add3A_1077 = arith.addi %add3A_1076, %iota3A : vector<16xi32>
          %gather3A_1078 = arith.constant 0 : i32
          %gather3A_1079 = arith.constant 0 : i32
          %gather3A_1080 = tpu.memref_slice %arg9[%rem3A_143, %gather3A_1078, %gather3A_1079] : memref<3x128x64xf32, #tpu.memory_space<vmem>> -> memref<1x128x64xf32, #tpu.memory_space<vmem>>
          %gather3A_1081 = tpu.memref_squeeze %gather3A_1080 : memref<1x128x64xf32, #tpu.memory_space<vmem>> -> memref<128x64xf32, #tpu.memory_space<vmem>>
          %gather3A_1082 = tpu.vector_load_idx %gather3A_1081[%add3A_1077, %broadcast_in_dim3A_1002] : memref<128x64xf32, #tpu.memory_space<vmem>>[vector<16xi32>, vector<16xi32>], vector<16xf32>,
          %swap3A_1083 = arith.constant 5 : i32
          %swap3A_1084 = arith.constant 0 : i32
          %swap3A_1085 = arith.constant 0 : i32
          %swap3A_1086 = arith.constant 0 : i32
          %swap3A_1087 = tpu.memref_slice %arg10[%rem3A_143, %swap3A_1084, %swap3A_1085, %swap3A_1086] : memref<3x8x8x128xf32, #tpu.memory_space<vmem>> -> memref<1x8x8x128xf32, #tpu.memory_space<vmem>>
          %swap3A_1088 = tpu.memref_squeeze %swap3A_1087 : memref<1x8x8x128xf32, #tpu.memory_space<vmem>> -> memref<8x8x128xf32, #tpu.memory_space<vmem>>
          %swap3A_1089 = arith.index_cast %scan3A_253 : i32 to index
          %swap3A_1090 = arith.index_cast %swap3A_1083 : i32 to index
          %swap3A_1091 = arith.constant 64 : index
          %swap3A_1092 = tpu.vector_load %swap3A_1088[%swap3A_1089, %swap3A_1090, %swap3A_1091] {strides = array<i32>} : memref<8x8x128xf32, #tpu.memory_space<vmem>>, vector<16xf32>,
          tpu.vector_store %swap3A_1088[%swap3A_1089, %swap3A_1090, %swap3A_1091], %gather3A_1082 {strides = array<i32>} : memref<8x8x128xf32, #tpu.memory_space<vmem>>, vector<16xf32>,
          %add3A_1093 = arith.constant 80 : i32
          %add3A_1094 = vector.broadcast %add3A_1093 : i32 to vector<16xi32>
          %add3A_1095 = arith.addi %add3A_1094, %iota3A : vector<16xi32>
          %gather3A_1096 = arith.constant 0 : i32
          %gather3A_1097 = arith.constant 0 : i32
          %gather3A_1098 = tpu.memref_slice %arg9[%rem3A_143, %gather3A_1096, %gather3A_1097] : memref<3x128x64xf32, #tpu.memory_space<vmem>> -> memref<1x128x64xf32, #tpu.memory_space<vmem>>
          %gather3A_1099 = tpu.memref_squeeze %gather3A_1098 : memref<1x128x64xf32, #tpu.memory_space<vmem>> -> memref<128x64xf32, #tpu.memory_space<vmem>>
          %gather3A_1100 = tpu.vector_load_idx %gather3A_1099[%add3A_1095, %broadcast_in_dim3A_1002] : memref<128x64xf32, #tpu.memory_space<vmem>>[vector<16xi32>, vector<16xi32>], vector<16xf32>,
          %swap3A_1101 = arith.constant 5 : i32
          %swap3A_1102 = arith.constant 0 : i32
          %swap3A_1103 = arith.constant 0 : i32
          %swap3A_1104 = arith.constant 0 : i32
          %swap3A_1105 = tpu.memref_slice %arg10[%rem3A_143, %swap3A_1102, %swap3A_1103, %swap3A_1104] : memref<3x8x8x128xf32, #tpu.memory_space<vmem>> -> memref<1x8x8x128xf32, #tpu.memory_space<vmem>>
          %swap3A_1106 = tpu.memref_squeeze %swap3A_1105 : memref<1x8x8x128xf32, #tpu.memory_space<vmem>> -> memref<8x8x128xf32, #tpu.memory_space<vmem>>
          %swap3A_1107 = arith.index_cast %scan3A_253 : i32 to index
          %swap3A_1108 = arith.index_cast %swap3A_1101 : i32 to index
          %swap3A_1109 = arith.constant 80 : index
          %swap3A_1110 = tpu.vector_load %swap3A_1106[%swap3A_1107, %swap3A_1108, %swap3A_1109] {strides = array<i32>} : memref<8x8x128xf32, #tpu.memory_space<vmem>>, vector<16xf32>,
          tpu.vector_store %swap3A_1106[%swap3A_1107, %swap3A_1108, %swap3A_1109], %gather3A_1100 {strides = array<i32>} : memref<8x8x128xf32, #tpu.memory_space<vmem>>, vector<16xf32>,
          %add3A_1111 = arith.constant 96 : i32
          %add3A_1112 = vector.broadcast %add3A_1111 : i32 to vector<16xi32>
          %add3A_1113 = arith.addi %add3A_1112, %iota3A : vector<16xi32>
          %gather3A_1114 = arith.constant 0 : i32
          %gather3A_1115 = arith.constant 0 : i32
          %gather3A_1116 = tpu.memref_slice %arg9[%rem3A_143, %gather3A_1114, %gather3A_1115] : memref<3x128x64xf32, #tpu.memory_space<vmem>> -> memref<1x128x64xf32, #tpu.memory_space<vmem>>
          %gather3A_1117 = tpu.memref_squeeze %gather3A_1116 : memref<1x128x64xf32, #tpu.memory_space<vmem>> -> memref<128x64xf32, #tpu.memory_space<vmem>>
          %gather3A_1118 = tpu.vector_load_idx %gather3A_1117[%add3A_1113, %broadcast_in_dim3A_1002] : memref<128x64xf32, #tpu.memory_space<vmem>>[vector<16xi32>, vector<16xi32>], vector<16xf32>,
          %swap3A_1119 = arith.constant 5 : i32
          %swap3A_1120 = arith.constant 0 : i32
          %swap3A_1121 = arith.constant 0 : i32
          %swap3A_1122 = arith.constant 0 : i32
          %swap3A_1123 = tpu.memref_slice %arg10[%rem3A_143, %swap3A_1120, %swap3A_1121, %swap3A_1122] : memref<3x8x8x128xf32, #tpu.memory_space<vmem>> -> memref<1x8x8x128xf32, #tpu.memory_space<vmem>>
          %swap3A_1124 = tpu.memref_squeeze %swap3A_1123 : memref<1x8x8x128xf32, #tpu.memory_space<vmem>> -> memref<8x8x128xf32, #tpu.memory_space<vmem>>
          %swap3A_1125 = arith.index_cast %scan3A_253 : i32 to index
          %swap3A_1126 = arith.index_cast %swap3A_1119 : i32 to index
          %swap3A_1127 = arith.constant 96 : index
          %swap3A_1128 = tpu.vector_load %swap3A_1124[%swap3A_1125, %swap3A_1126, %swap3A_1127] {strides = array<i32>} : memref<8x8x128xf32, #tpu.memory_space<vmem>>, vector<16xf32>,
          tpu.vector_store %swap3A_1124[%swap3A_1125, %swap3A_1126, %swap3A_1127], %gather3A_1118 {strides = array<i32>} : memref<8x8x128xf32, #tpu.memory_space<vmem>>, vector<16xf32>,
          %add3A_1129 = arith.constant 112 : i32
          %add3A_1130 = vector.broadcast %add3A_1129 : i32 to vector<16xi32>
          %add3A_1131 = arith.addi %add3A_1130, %iota3A : vector<16xi32>
          %gather3A_1132 = arith.constant 0 : i32
          %gather3A_1133 = arith.constant 0 : i32
          %gather3A_1134 = tpu.memref_slice %arg9[%rem3A_143, %gather3A_1132, %gather3A_1133] : memref<3x128x64xf32, #tpu.memory_space<vmem>> -> memref<1x128x64xf32, #tpu.memory_space<vmem>>
          %gather3A_1135 = tpu.memref_squeeze %gather3A_1134 : memref<1x128x64xf32, #tpu.memory_space<vmem>> -> memref<128x64xf32, #tpu.memory_space<vmem>>
          %gather3A_1136 = tpu.vector_load_idx %gather3A_1135[%add3A_1131, %broadcast_in_dim3A_1002] : memref<128x64xf32, #tpu.memory_space<vmem>>[vector<16xi32>, vector<16xi32>], vector<16xf32>,
          %swap3A_1137 = arith.constant 5 : i32
          %swap3A_1138 = arith.constant 0 : i32
          %swap3A_1139 = arith.constant 0 : i32
          %swap3A_1140 = arith.constant 0 : i32
          %swap3A_1141 = tpu.memref_slice %arg10[%rem3A_143, %swap3A_1138, %swap3A_1139, %swap3A_1140] : memref<3x8x8x128xf32, #tpu.memory_space<vmem>> -> memref<1x8x8x128xf32, #tpu.memory_space<vmem>>
          %swap3A_1142 = tpu.memref_squeeze %swap3A_1141 : memref<1x8x8x128xf32, #tpu.memory_space<vmem>> -> memref<8x8x128xf32, #tpu.memory_space<vmem>>
          %swap3A_1143 = arith.index_cast %scan3A_253 : i32 to index
          %swap3A_1144 = arith.index_cast %swap3A_1137 : i32 to index
          %swap3A_1145 = arith.constant 112 : index
          %swap3A_1146 = tpu.vector_load %swap3A_1142[%swap3A_1143, %swap3A_1144, %swap3A_1145] {strides = array<i32>} : memref<8x8x128xf32, #tpu.memory_space<vmem>>, vector<16xf32>,
          tpu.vector_store %swap3A_1142[%swap3A_1143, %swap3A_1144, %swap3A_1145], %gather3A_1136 {strides = array<i32>} : memref<8x8x128xf32, #tpu.memory_space<vmem>>, vector<16xf32>,
          %mul3A_1147 = arith.constant 8 : i32
          %mul3A_1148 = arith.muli %scan3A_253, %mul3A_1147 : i32
          %add3A_1149 = arith.constant 6 : i32
          %add3A_1150 = arith.addi %mul3A_1148, %add3A_1149 : i32
          %broadcast_in_dim3A_1151 = vector.broadcast %add3A_1150 : i32 to vector<16xi32>
          %add3A_1152 = arith.constant 0 : i32
          %add3A_1153 = vector.broadcast %add3A_1152 : i32 to vector<16xi32>
          %add3A_1154 = arith.addi %add3A_1153, %iota3A : vector<16xi32>
          %gather3A_1155 = arith.constant 0 : i32
          %gather3A_1156 = arith.constant 0 : i32
          %gather3A_1157 = tpu.memref_slice %arg9[%rem3A_143, %gather3A_1155, %gather3A_1156] : memref<3x128x64xf32, #tpu.memory_space<vmem>> -> memref<1x128x64xf32, #tpu.memory_space<vmem>>
          %gather3A_1158 = tpu.memref_squeeze %gather3A_1157 : memref<1x128x64xf32, #tpu.memory_space<vmem>> -> memref<128x64xf32, #tpu.memory_space<vmem>>
          %gather3A_1159 = tpu.vector_load_idx %gather3A_1158[%add3A_1154, %broadcast_in_dim3A_1151] : memref<128x64xf32, #tpu.memory_space<vmem>>[vector<16xi32>, vector<16xi32>], vector<16xf32>,
          %swap3A_1160 = arith.constant 6 : i32
          %swap3A_1161 = arith.constant 0 : i32
          %swap3A_1162 = arith.constant 0 : i32
          %swap3A_1163 = arith.constant 0 : i32
          %swap3A_1164 = tpu.memref_slice %arg10[%rem3A_143, %swap3A_1161, %swap3A_1162, %swap3A_1163] : memref<3x8x8x128xf32, #tpu.memory_space<vmem>> -> memref<1x8x8x128xf32, #tpu.memory_space<vmem>>
          %swap3A_1165 = tpu.memref_squeeze %swap3A_1164 : memref<1x8x8x128xf32, #tpu.memory_space<vmem>> -> memref<8x8x128xf32, #tpu.memory_space<vmem>>
          %swap3A_1166 = arith.index_cast %scan3A_253 : i32 to index
          %swap3A_1167 = arith.index_cast %swap3A_1160 : i32 to index
          %swap3A_1168 = arith.constant 0 : index
          %swap3A_1169 = tpu.vector_load %swap3A_1165[%swap3A_1166, %swap3A_1167, %swap3A_1168] {strides = array<i32>} : memref<8x8x128xf32, #tpu.memory_space<vmem>>, vector<16xf32>,
          tpu.vector_store %swap3A_1165[%swap3A_1166, %swap3A_1167, %swap3A_1168], %gather3A_1159 {strides = array<i32>} : memref<8x8x128xf32, #tpu.memory_space<vmem>>, vector<16xf32>,
          %add3A_1170 = arith.constant 16 : i32
          %add3A_1171 = vector.broadcast %add3A_1170 : i32 to vector<16xi32>
          %add3A_1172 = arith.addi %add3A_1171, %iota3A : vector<16xi32>
          %gather3A_1173 = arith.constant 0 : i32
          %gather3A_1174 = arith.constant 0 : i32
          %gather3A_1175 = tpu.memref_slice %arg9[%rem3A_143, %gather3A_1173, %gather3A_1174] : memref<3x128x64xf32, #tpu.memory_space<vmem>> -> memref<1x128x64xf32, #tpu.memory_space<vmem>>
          %gather3A_1176 = tpu.memref_squeeze %gather3A_1175 : memref<1x128x64xf32, #tpu.memory_space<vmem>> -> memref<128x64xf32, #tpu.memory_space<vmem>>
          %gather3A_1177 = tpu.vector_load_idx %gather3A_1176[%add3A_1172, %broadcast_in_dim3A_1151] : memref<128x64xf32, #tpu.memory_space<vmem>>[vector<16xi32>, vector<16xi32>], vector<16xf32>,
          %swap3A_1178 = arith.constant 6 : i32
          %swap3A_1179 = arith.constant 0 : i32
          %swap3A_1180 = arith.constant 0 : i32
          %swap3A_1181 = arith.constant 0 : i32
          %swap3A_1182 = tpu.memref_slice %arg10[%rem3A_143, %swap3A_1179, %swap3A_1180, %swap3A_1181] : memref<3x8x8x128xf32, #tpu.memory_space<vmem>> -> memref<1x8x8x128xf32, #tpu.memory_space<vmem>>
          %swap3A_1183 = tpu.memref_squeeze %swap3A_1182 : memref<1x8x8x128xf32, #tpu.memory_space<vmem>> -> memref<8x8x128xf32, #tpu.memory_space<vmem>>
          %swap3A_1184 = arith.index_cast %scan3A_253 : i32 to index
          %swap3A_1185 = arith.index_cast %swap3A_1178 : i32 to index
          %swap3A_1186 = arith.constant 16 : index
          %swap3A_1187 = tpu.vector_load %swap3A_1183[%swap3A_1184, %swap3A_1185, %swap3A_1186] {strides = array<i32>} : memref<8x8x128xf32, #tpu.memory_space<vmem>>, vector<16xf32>,
          tpu.vector_store %swap3A_1183[%swap3A_1184, %swap3A_1185, %swap3A_1186], %gather3A_1177 {strides = array<i32>} : memref<8x8x128xf32, #tpu.memory_space<vmem>>, vector<16xf32>,
          %add3A_1188 = arith.constant 32 : i32
          %add3A_1189 = vector.broadcast %add3A_1188 : i32 to vector<16xi32>
          %add3A_1190 = arith.addi %add3A_1189, %iota3A : vector<16xi32>
          %gather3A_1191 = arith.constant 0 : i32
          %gather3A_1192 = arith.constant 0 : i32
          %gather3A_1193 = tpu.memref_slice %arg9[%rem3A_143, %gather3A_1191, %gather3A_1192] : memref<3x128x64xf32, #tpu.memory_space<vmem>> -> memref<1x128x64xf32, #tpu.memory_space<vmem>>
          %gather3A_1194 = tpu.memref_squeeze %gather3A_1193 : memref<1x128x64xf32, #tpu.memory_space<vmem>> -> memref<128x64xf32, #tpu.memory_space<vmem>>
          %gather3A_1195 = tpu.vector_load_idx %gather3A_1194[%add3A_1190, %broadcast_in_dim3A_1151] : memref<128x64xf32, #tpu.memory_space<vmem>>[vector<16xi32>, vector<16xi32>], vector<16xf32>,
          %swap3A_1196 = arith.constant 6 : i32
          %swap3A_1197 = arith.constant 0 : i32
          %swap3A_1198 = arith.constant 0 : i32
          %swap3A_1199 = arith.constant 0 : i32
          %swap3A_1200 = tpu.memref_slice %arg10[%rem3A_143, %swap3A_1197, %swap3A_1198, %swap3A_1199] : memref<3x8x8x128xf32, #tpu.memory_space<vmem>> -> memref<1x8x8x128xf32, #tpu.memory_space<vmem>>
          %swap3A_1201 = tpu.memref_squeeze %swap3A_1200 : memref<1x8x8x128xf32, #tpu.memory_space<vmem>> -> memref<8x8x128xf32, #tpu.memory_space<vmem>>
          %swap3A_1202 = arith.index_cast %scan3A_253 : i32 to index
          %swap3A_1203 = arith.index_cast %swap3A_1196 : i32 to index
          %swap3A_1204 = arith.constant 32 : index
          %swap3A_1205 = tpu.vector_load %swap3A_1201[%swap3A_1202, %swap3A_1203, %swap3A_1204] {strides = array<i32>} : memref<8x8x128xf32, #tpu.memory_space<vmem>>, vector<16xf32>,
          tpu.vector_store %swap3A_1201[%swap3A_1202, %swap3A_1203, %swap3A_1204], %gather3A_1195 {strides = array<i32>} : memref<8x8x128xf32, #tpu.memory_space<vmem>>, vector<16xf32>,
          %add3A_1206 = arith.constant 48 : i32
          %add3A_1207 = vector.broadcast %add3A_1206 : i32 to vector<16xi32>
          %add3A_1208 = arith.addi %add3A_1207, %iota3A : vector<16xi32>
          %gather3A_1209 = arith.constant 0 : i32
          %gather3A_1210 = arith.constant 0 : i32
          %gather3A_1211 = tpu.memref_slice %arg9[%rem3A_143, %gather3A_1209, %gather3A_1210] : memref<3x128x64xf32, #tpu.memory_space<vmem>> -> memref<1x128x64xf32, #tpu.memory_space<vmem>>
          %gather3A_1212 = tpu.memref_squeeze %gather3A_1211 : memref<1x128x64xf32, #tpu.memory_space<vmem>> -> memref<128x64xf32, #tpu.memory_space<vmem>>
          %gather3A_1213 = tpu.vector_load_idx %gather3A_1212[%add3A_1208, %broadcast_in_dim3A_1151] : memref<128x64xf32, #tpu.memory_space<vmem>>[vector<16xi32>, vector<16xi32>], vector<16xf32>,
          %swap3A_1214 = arith.constant 6 : i32
          %swap3A_1215 = arith.constant 0 : i32
          %swap3A_1216 = arith.constant 0 : i32
          %swap3A_1217 = arith.constant 0 : i32
          %swap3A_1218 = tpu.memref_slice %arg10[%rem3A_143, %swap3A_1215, %swap3A_1216, %swap3A_1217] : memref<3x8x8x128xf32, #tpu.memory_space<vmem>> -> memref<1x8x8x128xf32, #tpu.memory_space<vmem>>
          %swap3A_1219 = tpu.memref_squeeze %swap3A_1218 : memref<1x8x8x128xf32, #tpu.memory_space<vmem>> -> memref<8x8x128xf32, #tpu.memory_space<vmem>>
          %swap3A_1220 = arith.index_cast %scan3A_253 : i32 to index
          %swap3A_1221 = arith.index_cast %swap3A_1214 : i32 to index
          %swap3A_1222 = arith.constant 48 : index
          %swap3A_1223 = tpu.vector_load %swap3A_1219[%swap3A_1220, %swap3A_1221, %swap3A_1222] {strides = array<i32>} : memref<8x8x128xf32, #tpu.memory_space<vmem>>, vector<16xf32>,
          tpu.vector_store %swap3A_1219[%swap3A_1220, %swap3A_1221, %swap3A_1222], %gather3A_1213 {strides = array<i32>} : memref<8x8x128xf32, #tpu.memory_space<vmem>>, vector<16xf32>,
          %add3A_1224 = arith.constant 64 : i32
          %add3A_1225 = vector.broadcast %add3A_1224 : i32 to vector<16xi32>
          %add3A_1226 = arith.addi %add3A_1225, %iota3A : vector<16xi32>
          %gather3A_1227 = arith.constant 0 : i32
          %gather3A_1228 = arith.constant 0 : i32
          %gather3A_1229 = tpu.memref_slice %arg9[%rem3A_143, %gather3A_1227, %gather3A_1228] : memref<3x128x64xf32, #tpu.memory_space<vmem>> -> memref<1x128x64xf32, #tpu.memory_space<vmem>>
          %gather3A_1230 = tpu.memref_squeeze %gather3A_1229 : memref<1x128x64xf32, #tpu.memory_space<vmem>> -> memref<128x64xf32, #tpu.memory_space<vmem>>
          %gather3A_1231 = tpu.vector_load_idx %gather3A_1230[%add3A_1226, %broadcast_in_dim3A_1151] : memref<128x64xf32, #tpu.memory_space<vmem>>[vector<16xi32>, vector<16xi32>], vector<16xf32>,
          %swap3A_1232 = arith.constant 6 : i32
          %swap3A_1233 = arith.constant 0 : i32
          %swap3A_1234 = arith.constant 0 : i32
          %swap3A_1235 = arith.constant 0 : i32
          %swap3A_1236 = tpu.memref_slice %arg10[%rem3A_143, %swap3A_1233, %swap3A_1234, %swap3A_1235] : memref<3x8x8x128xf32, #tpu.memory_space<vmem>> -> memref<1x8x8x128xf32, #tpu.memory_space<vmem>>
          %swap3A_1237 = tpu.memref_squeeze %swap3A_1236 : memref<1x8x8x128xf32, #tpu.memory_space<vmem>> -> memref<8x8x128xf32, #tpu.memory_space<vmem>>
          %swap3A_1238 = arith.index_cast %scan3A_253 : i32 to index
          %swap3A_1239 = arith.index_cast %swap3A_1232 : i32 to index
          %swap3A_1240 = arith.constant 64 : index
          %swap3A_1241 = tpu.vector_load %swap3A_1237[%swap3A_1238, %swap3A_1239, %swap3A_1240] {strides = array<i32>} : memref<8x8x128xf32, #tpu.memory_space<vmem>>, vector<16xf32>,
          tpu.vector_store %swap3A_1237[%swap3A_1238, %swap3A_1239, %swap3A_1240], %gather3A_1231 {strides = array<i32>} : memref<8x8x128xf32, #tpu.memory_space<vmem>>, vector<16xf32>,
          %add3A_1242 = arith.constant 80 : i32
          %add3A_1243 = vector.broadcast %add3A_1242 : i32 to vector<16xi32>
          %add3A_1244 = arith.addi %add3A_1243, %iota3A : vector<16xi32>
          %gather3A_1245 = arith.constant 0 : i32
          %gather3A_1246 = arith.constant 0 : i32
          %gather3A_1247 = tpu.memref_slice %arg9[%rem3A_143, %gather3A_1245, %gather3A_1246] : memref<3x128x64xf32, #tpu.memory_space<vmem>> -> memref<1x128x64xf32, #tpu.memory_space<vmem>>
          %gather3A_1248 = tpu.memref_squeeze %gather3A_1247 : memref<1x128x64xf32, #tpu.memory_space<vmem>> -> memref<128x64xf32, #tpu.memory_space<vmem>>
          %gather3A_1249 = tpu.vector_load_idx %gather3A_1248[%add3A_1244, %broadcast_in_dim3A_1151] : memref<128x64xf32, #tpu.memory_space<vmem>>[vector<16xi32>, vector<16xi32>], vector<16xf32>,
          %swap3A_1250 = arith.constant 6 : i32
          %swap3A_1251 = arith.constant 0 : i32
          %swap3A_1252 = arith.constant 0 : i32
          %swap3A_1253 = arith.constant 0 : i32
          %swap3A_1254 = tpu.memref_slice %arg10[%rem3A_143, %swap3A_1251, %swap3A_1252, %swap3A_1253] : memref<3x8x8x128xf32, #tpu.memory_space<vmem>> -> memref<1x8x8x128xf32, #tpu.memory_space<vmem>>
          %swap3A_1255 = tpu.memref_squeeze %swap3A_1254 : memref<1x8x8x128xf32, #tpu.memory_space<vmem>> -> memref<8x8x128xf32, #tpu.memory_space<vmem>>
          %swap3A_1256 = arith.index_cast %scan3A_253 : i32 to index
          %swap3A_1257 = arith.index_cast %swap3A_1250 : i32 to index
          %swap3A_1258 = arith.constant 80 : index
          %swap3A_1259 = tpu.vector_load %swap3A_1255[%swap3A_1256, %swap3A_1257, %swap3A_1258] {strides = array<i32>} : memref<8x8x128xf32, #tpu.memory_space<vmem>>, vector<16xf32>,
          tpu.vector_store %swap3A_1255[%swap3A_1256, %swap3A_1257, %swap3A_1258], %gather3A_1249 {strides = array<i32>} : memref<8x8x128xf32, #tpu.memory_space<vmem>>, vector<16xf32>,
          %add3A_1260 = arith.constant 96 : i32
          %add3A_1261 = vector.broadcast %add3A_1260 : i32 to vector<16xi32>
          %add3A_1262 = arith.addi %add3A_1261, %iota3A : vector<16xi32>
          %gather3A_1263 = arith.constant 0 : i32
          %gather3A_1264 = arith.constant 0 : i32
          %gather3A_1265 = tpu.memref_slice %arg9[%rem3A_143, %gather3A_1263, %gather3A_1264] : memref<3x128x64xf32, #tpu.memory_space<vmem>> -> memref<1x128x64xf32, #tpu.memory_space<vmem>>
          %gather3A_1266 = tpu.memref_squeeze %gather3A_1265 : memref<1x128x64xf32, #tpu.memory_space<vmem>> -> memref<128x64xf32, #tpu.memory_space<vmem>>
          %gather3A_1267 = tpu.vector_load_idx %gather3A_1266[%add3A_1262, %broadcast_in_dim3A_1151] : memref<128x64xf32, #tpu.memory_space<vmem>>[vector<16xi32>, vector<16xi32>], vector<16xf32>,
          %swap3A_1268 = arith.constant 6 : i32
          %swap3A_1269 = arith.constant 0 : i32
          %swap3A_1270 = arith.constant 0 : i32
          %swap3A_1271 = arith.constant 0 : i32
          %swap3A_1272 = tpu.memref_slice %arg10[%rem3A_143, %swap3A_1269, %swap3A_1270, %swap3A_1271] : memref<3x8x8x128xf32, #tpu.memory_space<vmem>> -> memref<1x8x8x128xf32, #tpu.memory_space<vmem>>
          %swap3A_1273 = tpu.memref_squeeze %swap3A_1272 : memref<1x8x8x128xf32, #tpu.memory_space<vmem>> -> memref<8x8x128xf32, #tpu.memory_space<vmem>>
          %swap3A_1274 = arith.index_cast %scan3A_253 : i32 to index
          %swap3A_1275 = arith.index_cast %swap3A_1268 : i32 to index
          %swap3A_1276 = arith.constant 96 : index
          %swap3A_1277 = tpu.vector_load %swap3A_1273[%swap3A_1274, %swap3A_1275, %swap3A_1276] {strides = array<i32>} : memref<8x8x128xf32, #tpu.memory_space<vmem>>, vector<16xf32>,
          tpu.vector_store %swap3A_1273[%swap3A_1274, %swap3A_1275, %swap3A_1276], %gather3A_1267 {strides = array<i32>} : memref<8x8x128xf32, #tpu.memory_space<vmem>>, vector<16xf32>,
          %add3A_1278 = arith.constant 112 : i32
          %add3A_1279 = vector.broadcast %add3A_1278 : i32 to vector<16xi32>
          %add3A_1280 = arith.addi %add3A_1279, %iota3A : vector<16xi32>
          %gather3A_1281 = arith.constant 0 : i32
          %gather3A_1282 = arith.constant 0 : i32
          %gather3A_1283 = tpu.memref_slice %arg9[%rem3A_143, %gather3A_1281, %gather3A_1282] : memref<3x128x64xf32, #tpu.memory_space<vmem>> -> memref<1x128x64xf32, #tpu.memory_space<vmem>>
          %gather3A_1284 = tpu.memref_squeeze %gather3A_1283 : memref<1x128x64xf32, #tpu.memory_space<vmem>> -> memref<128x64xf32, #tpu.memory_space<vmem>>
          %gather3A_1285 = tpu.vector_load_idx %gather3A_1284[%add3A_1280, %broadcast_in_dim3A_1151] : memref<128x64xf32, #tpu.memory_space<vmem>>[vector<16xi32>, vector<16xi32>], vector<16xf32>,
          %swap3A_1286 = arith.constant 6 : i32
          %swap3A_1287 = arith.constant 0 : i32
          %swap3A_1288 = arith.constant 0 : i32
          %swap3A_1289 = arith.constant 0 : i32
          %swap3A_1290 = tpu.memref_slice %arg10[%rem3A_143, %swap3A_1287, %swap3A_1288, %swap3A_1289] : memref<3x8x8x128xf32, #tpu.memory_space<vmem>> -> memref<1x8x8x128xf32, #tpu.memory_space<vmem>>
          %swap3A_1291 = tpu.memref_squeeze %swap3A_1290 : memref<1x8x8x128xf32, #tpu.memory_space<vmem>> -> memref<8x8x128xf32, #tpu.memory_space<vmem>>
          %swap3A_1292 = arith.index_cast %scan3A_253 : i32 to index
          %swap3A_1293 = arith.index_cast %swap3A_1286 : i32 to index
          %swap3A_1294 = arith.constant 112 : index
          %swap3A_1295 = tpu.vector_load %swap3A_1291[%swap3A_1292, %swap3A_1293, %swap3A_1294] {strides = array<i32>} : memref<8x8x128xf32, #tpu.memory_space<vmem>>, vector<16xf32>,
          tpu.vector_store %swap3A_1291[%swap3A_1292, %swap3A_1293, %swap3A_1294], %gather3A_1285 {strides = array<i32>} : memref<8x8x128xf32, #tpu.memory_space<vmem>>, vector<16xf32>,
          %mul3A_1296 = arith.constant 8 : i32
          %mul3A_1297 = arith.muli %scan3A_253, %mul3A_1296 : i32
          %add3A_1298 = arith.constant 7 : i32
          %add3A_1299 = arith.addi %mul3A_1297, %add3A_1298 : i32
          %broadcast_in_dim3A_1300 = vector.broadcast %add3A_1299 : i32 to vector<16xi32>
          %add3A_1301 = arith.constant 0 : i32
          %add3A_1302 = vector.broadcast %add3A_1301 : i32 to vector<16xi32>
          %add3A_1303 = arith.addi %add3A_1302, %iota3A : vector<16xi32>
          %gather3A_1304 = arith.constant 0 : i32
          %gather3A_1305 = arith.constant 0 : i32
          %gather3A_1306 = tpu.memref_slice %arg9[%rem3A_143, %gather3A_1304, %gather3A_1305] : memref<3x128x64xf32, #tpu.memory_space<vmem>> -> memref<1x128x64xf32, #tpu.memory_space<vmem>>
          %gather3A_1307 = tpu.memref_squeeze %gather3A_1306 : memref<1x128x64xf32, #tpu.memory_space<vmem>> -> memref<128x64xf32, #tpu.memory_space<vmem>>
          %gather3A_1308 = tpu.vector_load_idx %gather3A_1307[%add3A_1303, %broadcast_in_dim3A_1300] : memref<128x64xf32, #tpu.memory_space<vmem>>[vector<16xi32>, vector<16xi32>], vector<16xf32>,
          %swap3A_1309 = arith.constant 7 : i32
          %swap3A_1310 = arith.constant 0 : i32
          %swap3A_1311 = arith.constant 0 : i32
          %swap3A_1312 = arith.constant 0 : i32
          %swap3A_1313 = tpu.memref_slice %arg10[%rem3A_143, %swap3A_1310, %swap3A_1311, %swap3A_1312] : memref<3x8x8x128xf32, #tpu.memory_space<vmem>> -> memref<1x8x8x128xf32, #tpu.memory_space<vmem>>
          %swap3A_1314 = tpu.memref_squeeze %swap3A_1313 : memref<1x8x8x128xf32, #tpu.memory_space<vmem>> -> memref<8x8x128xf32, #tpu.memory_space<vmem>>
          %swap3A_1315 = arith.index_cast %scan3A_253 : i32 to index
          %swap3A_1316 = arith.index_cast %swap3A_1309 : i32 to index
          %swap3A_1317 = arith.constant 0 : index
          %swap3A_1318 = tpu.vector_load %swap3A_1314[%swap3A_1315, %swap3A_1316, %swap3A_1317] {strides = array<i32>} : memref<8x8x128xf32, #tpu.memory_space<vmem>>, vector<16xf32>,
          tpu.vector_store %swap3A_1314[%swap3A_1315, %swap3A_1316, %swap3A_1317], %gather3A_1308 {strides = array<i32>} : memref<8x8x128xf32, #tpu.memory_space<vmem>>, vector<16xf32>,
          %add3A_1319 = arith.constant 16 : i32
          %add3A_1320 = vector.broadcast %add3A_1319 : i32 to vector<16xi32>
          %add3A_1321 = arith.addi %add3A_1320, %iota3A : vector<16xi32>
          %gather3A_1322 = arith.constant 0 : i32
          %gather3A_1323 = arith.constant 0 : i32
          %gather3A_1324 = tpu.memref_slice %arg9[%rem3A_143, %gather3A_1322, %gather3A_1323] : memref<3x128x64xf32, #tpu.memory_space<vmem>> -> memref<1x128x64xf32, #tpu.memory_space<vmem>>
          %gather3A_1325 = tpu.memref_squeeze %gather3A_1324 : memref<1x128x64xf32, #tpu.memory_space<vmem>> -> memref<128x64xf32, #tpu.memory_space<vmem>>
          %gather3A_1326 = tpu.vector_load_idx %gather3A_1325[%add3A_1321, %broadcast_in_dim3A_1300] : memref<128x64xf32, #tpu.memory_space<vmem>>[vector<16xi32>, vector<16xi32>], vector<16xf32>,
          %swap3A_1327 = arith.constant 7 : i32
          %swap3A_1328 = arith.constant 0 : i32
          %swap3A_1329 = arith.constant 0 : i32
          %swap3A_1330 = arith.constant 0 : i32
          %swap3A_1331 = tpu.memref_slice %arg10[%rem3A_143, %swap3A_1328, %swap3A_1329, %swap3A_1330] : memref<3x8x8x128xf32, #tpu.memory_space<vmem>> -> memref<1x8x8x128xf32, #tpu.memory_space<vmem>>
          %swap3A_1332 = tpu.memref_squeeze %swap3A_1331 : memref<1x8x8x128xf32, #tpu.memory_space<vmem>> -> memref<8x8x128xf32, #tpu.memory_space<vmem>>
          %swap3A_1333 = arith.index_cast %scan3A_253 : i32 to index
          %swap3A_1334 = arith.index_cast %swap3A_1327 : i32 to index
          %swap3A_1335 = arith.constant 16 : index
          %swap3A_1336 = tpu.vector_load %swap3A_1332[%swap3A_1333, %swap3A_1334, %swap3A_1335] {strides = array<i32>} : memref<8x8x128xf32, #tpu.memory_space<vmem>>, vector<16xf32>,
          tpu.vector_store %swap3A_1332[%swap3A_1333, %swap3A_1334, %swap3A_1335], %gather3A_1326 {strides = array<i32>} : memref<8x8x128xf32, #tpu.memory_space<vmem>>, vector<16xf32>,
          %add3A_1337 = arith.constant 32 : i32
          %add3A_1338 = vector.broadcast %add3A_1337 : i32 to vector<16xi32>
          %add3A_1339 = arith.addi %add3A_1338, %iota3A : vector<16xi32>
          %gather3A_1340 = arith.constant 0 : i32
          %gather3A_1341 = arith.constant 0 : i32
          %gather3A_1342 = tpu.memref_slice %arg9[%rem3A_143, %gather3A_1340, %gather3A_1341] : memref<3x128x64xf32, #tpu.memory_space<vmem>> -> memref<1x128x64xf32, #tpu.memory_space<vmem>>
          %gather3A_1343 = tpu.memref_squeeze %gather3A_1342 : memref<1x128x64xf32, #tpu.memory_space<vmem>> -> memref<128x64xf32, #tpu.memory_space<vmem>>
          %gather3A_1344 = tpu.vector_load_idx %gather3A_1343[%add3A_1339, %broadcast_in_dim3A_1300] : memref<128x64xf32, #tpu.memory_space<vmem>>[vector<16xi32>, vector<16xi32>], vector<16xf32>,
          %swap3A_1345 = arith.constant 7 : i32
          %swap3A_1346 = arith.constant 0 : i32
          %swap3A_1347 = arith.constant 0 : i32
          %swap3A_1348 = arith.constant 0 : i32
          %swap3A_1349 = tpu.memref_slice %arg10[%rem3A_143, %swap3A_1346, %swap3A_1347, %swap3A_1348] : memref<3x8x8x128xf32, #tpu.memory_space<vmem>> -> memref<1x8x8x128xf32, #tpu.memory_space<vmem>>
          %swap3A_1350 = tpu.memref_squeeze %swap3A_1349 : memref<1x8x8x128xf32, #tpu.memory_space<vmem>> -> memref<8x8x128xf32, #tpu.memory_space<vmem>>
          %swap3A_1351 = arith.index_cast %scan3A_253 : i32 to index
          %swap3A_1352 = arith.index_cast %swap3A_1345 : i32 to index
          %swap3A_1353 = arith.constant 32 : index
          %swap3A_1354 = tpu.vector_load %swap3A_1350[%swap3A_1351, %swap3A_1352, %swap3A_1353] {strides = array<i32>} : memref<8x8x128xf32, #tpu.memory_space<vmem>>, vector<16xf32>,
          tpu.vector_store %swap3A_1350[%swap3A_1351, %swap3A_1352, %swap3A_1353], %gather3A_1344 {strides = array<i32>} : memref<8x8x128xf32, #tpu.memory_space<vmem>>, vector<16xf32>,
          %add3A_1355 = arith.constant 48 : i32
          %add3A_1356 = vector.broadcast %add3A_1355 : i32 to vector<16xi32>
          %add3A_1357 = arith.addi %add3A_1356, %iota3A : vector<16xi32>
          %gather3A_1358 = arith.constant 0 : i32
          %gather3A_1359 = arith.constant 0 : i32
          %gather3A_1360 = tpu.memref_slice %arg9[%rem3A_143, %gather3A_1358, %gather3A_1359] : memref<3x128x64xf32, #tpu.memory_space<vmem>> -> memref<1x128x64xf32, #tpu.memory_space<vmem>>
          %gather3A_1361 = tpu.memref_squeeze %gather3A_1360 : memref<1x128x64xf32, #tpu.memory_space<vmem>> -> memref<128x64xf32, #tpu.memory_space<vmem>>
          %gather3A_1362 = tpu.vector_load_idx %gather3A_1361[%add3A_1357, %broadcast_in_dim3A_1300] : memref<128x64xf32, #tpu.memory_space<vmem>>[vector<16xi32>, vector<16xi32>], vector<16xf32>,
          %swap3A_1363 = arith.constant 7 : i32
          %swap3A_1364 = arith.constant 0 : i32
          %swap3A_1365 = arith.constant 0 : i32
          %swap3A_1366 = arith.constant 0 : i32
          %swap3A_1367 = tpu.memref_slice %arg10[%rem3A_143, %swap3A_1364, %swap3A_1365, %swap3A_1366] : memref<3x8x8x128xf32, #tpu.memory_space<vmem>> -> memref<1x8x8x128xf32, #tpu.memory_space<vmem>>
          %swap3A_1368 = tpu.memref_squeeze %swap3A_1367 : memref<1x8x8x128xf32, #tpu.memory_space<vmem>> -> memref<8x8x128xf32, #tpu.memory_space<vmem>>
          %swap3A_1369 = arith.index_cast %scan3A_253 : i32 to index
          %swap3A_1370 = arith.index_cast %swap3A_1363 : i32 to index
          %swap3A_1371 = arith.constant 48 : index
          %swap3A_1372 = tpu.vector_load %swap3A_1368[%swap3A_1369, %swap3A_1370, %swap3A_1371] {strides = array<i32>} : memref<8x8x128xf32, #tpu.memory_space<vmem>>, vector<16xf32>,
          tpu.vector_store %swap3A_1368[%swap3A_1369, %swap3A_1370, %swap3A_1371], %gather3A_1362 {strides = array<i32>} : memref<8x8x128xf32, #tpu.memory_space<vmem>>, vector<16xf32>,
          %add3A_1373 = arith.constant 64 : i32
          %add3A_1374 = vector.broadcast %add3A_1373 : i32 to vector<16xi32>
          %add3A_1375 = arith.addi %add3A_1374, %iota3A : vector<16xi32>
          %gather3A_1376 = arith.constant 0 : i32
          %gather3A_1377 = arith.constant 0 : i32
          %gather3A_1378 = tpu.memref_slice %arg9[%rem3A_143, %gather3A_1376, %gather3A_1377] : memref<3x128x64xf32, #tpu.memory_space<vmem>> -> memref<1x128x64xf32, #tpu.memory_space<vmem>>
          %gather3A_1379 = tpu.memref_squeeze %gather3A_1378 : memref<1x128x64xf32, #tpu.memory_space<vmem>> -> memref<128x64xf32, #tpu.memory_space<vmem>>
          %gather3A_1380 = tpu.vector_load_idx %gather3A_1379[%add3A_1375, %broadcast_in_dim3A_1300] : memref<128x64xf32, #tpu.memory_space<vmem>>[vector<16xi32>, vector<16xi32>], vector<16xf32>,
          %swap3A_1381 = arith.constant 7 : i32
          %swap3A_1382 = arith.constant 0 : i32
          %swap3A_1383 = arith.constant 0 : i32
          %swap3A_1384 = arith.constant 0 : i32
          %swap3A_1385 = tpu.memref_slice %arg10[%rem3A_143, %swap3A_1382, %swap3A_1383, %swap3A_1384] : memref<3x8x8x128xf32, #tpu.memory_space<vmem>> -> memref<1x8x8x128xf32, #tpu.memory_space<vmem>>
          %swap3A_1386 = tpu.memref_squeeze %swap3A_1385 : memref<1x8x8x128xf32, #tpu.memory_space<vmem>> -> memref<8x8x128xf32, #tpu.memory_space<vmem>>
          %swap3A_1387 = arith.index_cast %scan3A_253 : i32 to index
          %swap3A_1388 = arith.index_cast %swap3A_1381 : i32 to index
          %swap3A_1389 = arith.constant 64 : index
          %swap3A_1390 = tpu.vector_load %swap3A_1386[%swap3A_1387, %swap3A_1388, %swap3A_1389] {strides = array<i32>} : memref<8x8x128xf32, #tpu.memory_space<vmem>>, vector<16xf32>,
          tpu.vector_store %swap3A_1386[%swap3A_1387, %swap3A_1388, %swap3A_1389], %gather3A_1380 {strides = array<i32>} : memref<8x8x128xf32, #tpu.memory_space<vmem>>, vector<16xf32>,
          %add3A_1391 = arith.constant 80 : i32
          %add3A_1392 = vector.broadcast %add3A_1391 : i32 to vector<16xi32>
          %add3A_1393 = arith.addi %add3A_1392, %iota3A : vector<16xi32>
          %gather3A_1394 = arith.constant 0 : i32
          %gather3A_1395 = arith.constant 0 : i32
          %gather3A_1396 = tpu.memref_slice %arg9[%rem3A_143, %gather3A_1394, %gather3A_1395] : memref<3x128x64xf32, #tpu.memory_space<vmem>> -> memref<1x128x64xf32, #tpu.memory_space<vmem>>
          %gather3A_1397 = tpu.memref_squeeze %gather3A_1396 : memref<1x128x64xf32, #tpu.memory_space<vmem>> -> memref<128x64xf32, #tpu.memory_space<vmem>>
          %gather3A_1398 = tpu.vector_load_idx %gather3A_1397[%add3A_1393, %broadcast_in_dim3A_1300] : memref<128x64xf32, #tpu.memory_space<vmem>>[vector<16xi32>, vector<16xi32>], vector<16xf32>,
          %swap3A_1399 = arith.constant 7 : i32
          %swap3A_1400 = arith.constant 0 : i32
          %swap3A_1401 = arith.constant 0 : i32
          %swap3A_1402 = arith.constant 0 : i32
          %swap3A_1403 = tpu.memref_slice %arg10[%rem3A_143, %swap3A_1400, %swap3A_1401, %swap3A_1402] : memref<3x8x8x128xf32, #tpu.memory_space<vmem>> -> memref<1x8x8x128xf32, #tpu.memory_space<vmem>>
          %swap3A_1404 = tpu.memref_squeeze %swap3A_1403 : memref<1x8x8x128xf32, #tpu.memory_space<vmem>> -> memref<8x8x128xf32, #tpu.memory_space<vmem>>
          %swap3A_1405 = arith.index_cast %scan3A_253 : i32 to index
          %swap3A_1406 = arith.index_cast %swap3A_1399 : i32 to index
          %swap3A_1407 = arith.constant 80 : index
          %swap3A_1408 = tpu.vector_load %swap3A_1404[%swap3A_1405, %swap3A_1406, %swap3A_1407] {strides = array<i32>} : memref<8x8x128xf32, #tpu.memory_space<vmem>>, vector<16xf32>,
          tpu.vector_store %swap3A_1404[%swap3A_1405, %swap3A_1406, %swap3A_1407], %gather3A_1398 {strides = array<i32>} : memref<8x8x128xf32, #tpu.memory_space<vmem>>, vector<16xf32>,
          %add3A_1409 = arith.constant 96 : i32
          %add3A_1410 = vector.broadcast %add3A_1409 : i32 to vector<16xi32>
          %add3A_1411 = arith.addi %add3A_1410, %iota3A : vector<16xi32>
          %gather3A_1412 = arith.constant 0 : i32
          %gather3A_1413 = arith.constant 0 : i32
          %gather3A_1414 = tpu.memref_slice %arg9[%rem3A_143, %gather3A_1412, %gather3A_1413] : memref<3x128x64xf32, #tpu.memory_space<vmem>> -> memref<1x128x64xf32, #tpu.memory_space<vmem>>
          %gather3A_1415 = tpu.memref_squeeze %gather3A_1414 : memref<1x128x64xf32, #tpu.memory_space<vmem>> -> memref<128x64xf32, #tpu.memory_space<vmem>>
          %gather3A_1416 = tpu.vector_load_idx %gather3A_1415[%add3A_1411, %broadcast_in_dim3A_1300] : memref<128x64xf32, #tpu.memory_space<vmem>>[vector<16xi32>, vector<16xi32>], vector<16xf32>,
          %swap3A_1417 = arith.constant 7 : i32
          %swap3A_1418 = arith.constant 0 : i32
          %swap3A_1419 = arith.constant 0 : i32
          %swap3A_1420 = arith.constant 0 : i32
          %swap3A_1421 = tpu.memref_slice %arg10[%rem3A_143, %swap3A_1418, %swap3A_1419, %swap3A_1420] : memref<3x8x8x128xf32, #tpu.memory_space<vmem>> -> memref<1x8x8x128xf32, #tpu.memory_space<vmem>>
          %swap3A_1422 = tpu.memref_squeeze %swap3A_1421 : memref<1x8x8x128xf32, #tpu.memory_space<vmem>> -> memref<8x8x128xf32, #tpu.memory_space<vmem>>
          %swap3A_1423 = arith.index_cast %scan3A_253 : i32 to index
          %swap3A_1424 = arith.index_cast %swap3A_1417 : i32 to index
          %swap3A_1425 = arith.constant 96 : index
          %swap3A_1426 = tpu.vector_load %swap3A_1422[%swap3A_1423, %swap3A_1424, %swap3A_1425] {strides = array<i32>} : memref<8x8x128xf32, #tpu.memory_space<vmem>>, vector<16xf32>,
          tpu.vector_store %swap3A_1422[%swap3A_1423, %swap3A_1424, %swap3A_1425], %gather3A_1416 {strides = array<i32>} : memref<8x8x128xf32, #tpu.memory_space<vmem>>, vector<16xf32>,
          %add3A_1427 = arith.constant 112 : i32
          %add3A_1428 = vector.broadcast %add3A_1427 : i32 to vector<16xi32>
          %add3A_1429 = arith.addi %add3A_1428, %iota3A : vector<16xi32>
          %gather3A_1430 = arith.constant 0 : i32
          %gather3A_1431 = arith.constant 0 : i32
          %gather3A_1432 = tpu.memref_slice %arg9[%rem3A_143, %gather3A_1430, %gather3A_1431] : memref<3x128x64xf32, #tpu.memory_space<vmem>> -> memref<1x128x64xf32, #tpu.memory_space<vmem>>
          %gather3A_1433 = tpu.memref_squeeze %gather3A_1432 : memref<1x128x64xf32, #tpu.memory_space<vmem>> -> memref<128x64xf32, #tpu.memory_space<vmem>>
          %gather3A_1434 = tpu.vector_load_idx %gather3A_1433[%add3A_1429, %broadcast_in_dim3A_1300] : memref<128x64xf32, #tpu.memory_space<vmem>>[vector<16xi32>, vector<16xi32>], vector<16xf32>,
          %swap3A_1435 = arith.constant 7 : i32
          %swap3A_1436 = arith.constant 0 : i32
          %swap3A_1437 = arith.constant 0 : i32
          %swap3A_1438 = arith.constant 0 : i32
          %swap3A_1439 = tpu.memref_slice %arg10[%rem3A_143, %swap3A_1436, %swap3A_1437, %swap3A_1438] : memref<3x8x8x128xf32, #tpu.memory_space<vmem>> -> memref<1x8x8x128xf32, #tpu.memory_space<vmem>>
          %swap3A_1440 = tpu.memref_squeeze %swap3A_1439 : memref<1x8x8x128xf32, #tpu.memory_space<vmem>> -> memref<8x8x128xf32, #tpu.memory_space<vmem>>
          %swap3A_1441 = arith.index_cast %scan3A_253 : i32 to index
          %swap3A_1442 = arith.index_cast %swap3A_1435 : i32 to index
          %swap3A_1443 = arith.constant 112 : index
          %swap3A_1444 = tpu.vector_load %swap3A_1440[%swap3A_1441, %swap3A_1442, %swap3A_1443] {strides = array<i32>} : memref<8x8x128xf32, #tpu.memory_space<vmem>>, vector<16xf32>,
          tpu.vector_store %swap3A_1440[%swap3A_1441, %swap3A_1442, %swap3A_1443], %gather3A_1434 {strides = array<i32>} : memref<8x8x128xf32, #tpu.memory_space<vmem>>, vector<16xf32>,
          %scan3A_1445 = arith.constant 0 : i32
          scf.yield %scan3A_1445 : i32
        }
        %scan3A_252 = arith.constant 8 : i32
      } else {
        %scan3A_246 = arith.constant 0 : i32
        %scan3A_247 = arith.constant 0 : i32
        %scan3A_248 = arith.constant 8 : i32
        %scan3A_249 = arith.addi %scan3A_247, %scan3A_248 : i32
        %scan3A_250 = arith.constant 1 : i32
        %scan3A_251 = scf.for %scan3A_253 = %scan3A_247 to %scan3A_249 step %scan3A_250 iter_args(%scan3A_254 = %scan3A_246) -> (i32)  : i32 {
          %mul3A_255 = arith.constant 8 : i32
          %mul3A_256 = arith.muli %scan3A_253, %mul3A_255 : i32
          %add3A_257 = arith.constant 0 : i32
          %add3A_258 = arith.addi %mul3A_256, %add3A_257 : i32
          %broadcast_in_dim3A_259 = vector.broadcast %add3A_258 : i32 to vector<16xi32>
          %gather3A = tpu.vector_load_idx %arg8[%broadcast_in_dim3A_259] : memref<64xf32, #tpu.memory_space<vmem>>[vector<16xi32>], vector<16xf32>,
          %add3A_260 = arith.constant 0 : i32
          %add3A_261 = vector.broadcast %add3A_260 : i32 to vector<16xi32>
          %add3A_262 = arith.addi %add3A_261, %iota3A : vector<16xi32>
          %gather3A_263 = arith.constant 0 : i32
          %gather3A_264 = arith.constant 0 : i32
          %gather3A_265 = tpu.memref_slice %arg9[%rem3A_143, %gather3A_263, %gather3A_264] : memref<3x128x64xf32, #tpu.memory_space<vmem>> -> memref<1x128x64xf32, #tpu.memory_space<vmem>>
          %gather3A_266 = tpu.memref_squeeze %gather3A_265 : memref<1x128x64xf32, #tpu.memory_space<vmem>> -> memref<128x64xf32, #tpu.memory_space<vmem>>
          %gather3A_267 = tpu.vector_load_idx %gather3A_266[%add3A_262, %broadcast_in_dim3A_259] : memref<128x64xf32, #tpu.memory_space<vmem>>[vector<16xi32>, vector<16xi32>], vector<16xf32>,
          %get3A_268 = arith.index_cast %scan3A_141 : i32 to index
          %get3A_269 = arith.constant 0 : index
          %get3A_270 = tpu.vector_load %arg6[%get3A_268, %get3A_269] {strides = array<i32>} : memref<50x128xi32, #tpu.memory_space<vmem>>, vector<16xi32>,
          %lt3A_271 = arith.constant 2 : i32
          %lt3A_272 = vector.broadcast %lt3A_271 : i32 to vector<16xi32>
          %lt3A_273 = arith.cmpi slt, %get3A_270, %lt3A_272 : vector<16xi32>
          %convert_element_type3A_274 = arith.sitofp %get3A_270 : vector<16xi32> to vector<16xf32>
          %mul3A_275 = arith.mulf %gather3A, %convert_element_type3A_274 : vector<16xf32>
          %select_n3A = arith.select %lt3A_273, %mul3A_275, %gather3A_267 : vector<16xi1>, vector<16xf32>
          %swap3A = arith.constant 0 : i32
          %swap3A_276 = arith.constant 0 : i32
          %swap3A_277 = arith.constant 0 : i32
          %swap3A_278 = arith.constant 0 : i32
          %swap3A_279 = tpu.memref_slice %arg10[%rem3A_143, %swap3A_276, %swap3A_277, %swap3A_278] : memref<3x8x8x128xf32, #tpu.memory_space<vmem>> -> memref<1x8x8x128xf32, #tpu.memory_space<vmem>>
          %swap3A_280 = tpu.memref_squeeze %swap3A_279 : memref<1x8x8x128xf32, #tpu.memory_space<vmem>> -> memref<8x8x128xf32, #tpu.memory_space<vmem>>
          %swap3A_281 = arith.index_cast %scan3A_253 : i32 to index
          %swap3A_282 = arith.index_cast %swap3A : i32 to index
          %swap3A_283 = arith.constant 0 : index
          %swap3A_284 = tpu.vector_load %swap3A_280[%swap3A_281, %swap3A_282, %swap3A_283] {strides = array<i32>} : memref<8x8x128xf32, #tpu.memory_space<vmem>>, vector<16xf32>,
          tpu.vector_store %swap3A_280[%swap3A_281, %swap3A_282, %swap3A_283], %select_n3A {strides = array<i32>} : memref<8x8x128xf32, #tpu.memory_space<vmem>>, vector<16xf32>,
          %add3A_285 = arith.constant 16 : i32
          %add3A_286 = vector.broadcast %add3A_285 : i32 to vector<16xi32>
          %add3A_287 = arith.addi %add3A_286, %iota3A : vector<16xi32>
          %gather3A_288 = arith.constant 0 : i32
          %gather3A_289 = arith.constant 0 : i32
          %gather3A_290 = tpu.memref_slice %arg9[%rem3A_143, %gather3A_288, %gather3A_289] : memref<3x128x64xf32, #tpu.memory_space<vmem>> -> memref<1x128x64xf32, #tpu.memory_space<vmem>>
          %gather3A_291 = tpu.memref_squeeze %gather3A_290 : memref<1x128x64xf32, #tpu.memory_space<vmem>> -> memref<128x64xf32, #tpu.memory_space<vmem>>
          %gather3A_292 = tpu.vector_load_idx %gather3A_291[%add3A_287, %broadcast_in_dim3A_259] : memref<128x64xf32, #tpu.memory_space<vmem>>[vector<16xi32>, vector<16xi32>], vector<16xf32>,
          %get3A_293 = arith.index_cast %scan3A_141 : i32 to index
          %get3A_294 = arith.constant 16 : index
          %get3A_295 = tpu.vector_load %arg6[%get3A_293, %get3A_294] {strides = array<i32>} : memref<50x128xi32, #tpu.memory_space<vmem>>, vector<16xi32>,
          %lt3A_296 = arith.constant 2 : i32
          %lt3A_297 = vector.broadcast %lt3A_296 : i32 to vector<16xi32>
          %lt3A_298 = arith.cmpi slt, %get3A_295, %lt3A_297 : vector<16xi32>
          %convert_element_type3A_299 = arith.sitofp %get3A_295 : vector<16xi32> to vector<16xf32>
          %mul3A_300 = arith.mulf %gather3A, %convert_element_type3A_299 : vector<16xf32>
          %select_n3A_301 = arith.select %lt3A_298, %mul3A_300, %gather3A_292 : vector<16xi1>, vector<16xf32>
          %swap3A_302 = arith.constant 0 : i32
          %swap3A_303 = arith.constant 0 : i32
          %swap3A_304 = arith.constant 0 : i32
          %swap3A_305 = arith.constant 0 : i32
          %swap3A_306 = tpu.memref_slice %arg10[%rem3A_143, %swap3A_303, %swap3A_304, %swap3A_305] : memref<3x8x8x128xf32, #tpu.memory_space<vmem>> -> memref<1x8x8x128xf32, #tpu.memory_space<vmem>>
          %swap3A_307 = tpu.memref_squeeze %swap3A_306 : memref<1x8x8x128xf32, #tpu.memory_space<vmem>> -> memref<8x8x128xf32, #tpu.memory_space<vmem>>
          %swap3A_308 = arith.index_cast %scan3A_253 : i32 to index
          %swap3A_309 = arith.index_cast %swap3A_302 : i32 to index
          %swap3A_310 = arith.constant 16 : index
          %swap3A_311 = tpu.vector_load %swap3A_307[%swap3A_308, %swap3A_309, %swap3A_310] {strides = array<i32>} : memref<8x8x128xf32, #tpu.memory_space<vmem>>, vector<16xf32>,
          tpu.vector_store %swap3A_307[%swap3A_308, %swap3A_309, %swap3A_310], %select_n3A_301 {strides = array<i32>} : memref<8x8x128xf32, #tpu.memory_space<vmem>>, vector<16xf32>,
          %add3A_312 = arith.constant 32 : i32
          %add3A_313 = vector.broadcast %add3A_312 : i32 to vector<16xi32>
          %add3A_314 = arith.addi %add3A_313, %iota3A : vector<16xi32>
          %gather3A_315 = arith.constant 0 : i32
          %gather3A_316 = arith.constant 0 : i32
          %gather3A_317 = tpu.memref_slice %arg9[%rem3A_143, %gather3A_315, %gather3A_316] : memref<3x128x64xf32, #tpu.memory_space<vmem>> -> memref<1x128x64xf32, #tpu.memory_space<vmem>>
          %gather3A_318 = tpu.memref_squeeze %gather3A_317 : memref<1x128x64xf32, #tpu.memory_space<vmem>> -> memref<128x64xf32, #tpu.memory_space<vmem>>
          %gather3A_319 = tpu.vector_load_idx %gather3A_318[%add3A_314, %broadcast_in_dim3A_259] : memref<128x64xf32, #tpu.memory_space<vmem>>[vector<16xi32>, vector<16xi32>], vector<16xf32>,
          %get3A_320 = arith.index_cast %scan3A_141 : i32 to index
          %get3A_321 = arith.constant 32 : index
          %get3A_322 = tpu.vector_load %arg6[%get3A_320, %get3A_321] {strides = array<i32>} : memref<50x128xi32, #tpu.memory_space<vmem>>, vector<16xi32>,
          %lt3A_323 = arith.constant 2 : i32
          %lt3A_324 = vector.broadcast %lt3A_323 : i32 to vector<16xi32>
          %lt3A_325 = arith.cmpi slt, %get3A_322, %lt3A_324 : vector<16xi32>
          %convert_element_type3A_326 = arith.sitofp %get3A_322 : vector<16xi32> to vector<16xf32>
          %mul3A_327 = arith.mulf %gather3A, %convert_element_type3A_326 : vector<16xf32>
          %select_n3A_328 = arith.select %lt3A_325, %mul3A_327, %gather3A_319 : vector<16xi1>, vector<16xf32>
          %swap3A_329 = arith.constant 0 : i32
          %swap3A_330 = arith.constant 0 : i32
          %swap3A_331 = arith.constant 0 : i32
          %swap3A_332 = arith.constant 0 : i32
          %swap3A_333 = tpu.memref_slice %arg10[%rem3A_143, %swap3A_330, %swap3A_331, %swap3A_332] : memref<3x8x8x128xf32, #tpu.memory_space<vmem>> -> memref<1x8x8x128xf32, #tpu.memory_space<vmem>>
          %swap3A_334 = tpu.memref_squeeze %swap3A_333 : memref<1x8x8x128xf32, #tpu.memory_space<vmem>> -> memref<8x8x128xf32, #tpu.memory_space<vmem>>
          %swap3A_335 = arith.index_cast %scan3A_253 : i32 to index
          %swap3A_336 = arith.index_cast %swap3A_329 : i32 to index
          %swap3A_337 = arith.constant 32 : index
          %swap3A_338 = tpu.vector_load %swap3A_334[%swap3A_335, %swap3A_336, %swap3A_337] {strides = array<i32>} : memref<8x8x128xf32, #tpu.memory_space<vmem>>, vector<16xf32>,
          tpu.vector_store %swap3A_334[%swap3A_335, %swap3A_336, %swap3A_337], %select_n3A_328 {strides = array<i32>} : memref<8x8x128xf32, #tpu.memory_space<vmem>>, vector<16xf32>,
          %add3A_339 = arith.constant 48 : i32
          %add3A_340 = vector.broadcast %add3A_339 : i32 to vector<16xi32>
          %add3A_341 = arith.addi %add3A_340, %iota3A : vector<16xi32>
          %gather3A_342 = arith.constant 0 : i32
          %gather3A_343 = arith.constant 0 : i32
          %gather3A_344 = tpu.memref_slice %arg9[%rem3A_143, %gather3A_342, %gather3A_343] : memref<3x128x64xf32, #tpu.memory_space<vmem>> -> memref<1x128x64xf32, #tpu.memory_space<vmem>>
          %gather3A_345 = tpu.memref_squeeze %gather3A_344 : memref<1x128x64xf32, #tpu.memory_space<vmem>> -> memref<128x64xf32, #tpu.memory_space<vmem>>
          %gather3A_346 = tpu.vector_load_idx %gather3A_345[%add3A_341, %broadcast_in_dim3A_259] : memref<128x64xf32, #tpu.memory_space<vmem>>[vector<16xi32>, vector<16xi32>], vector<16xf32>,
          %get3A_347 = arith.index_cast %scan3A_141 : i32 to index
          %get3A_348 = arith.constant 48 : index
          %get3A_349 = tpu.vector_load %arg6[%get3A_347, %get3A_348] {strides = array<i32>} : memref<50x128xi32, #tpu.memory_space<vmem>>, vector<16xi32>,
          %lt3A_350 = arith.constant 2 : i32
          %lt3A_351 = vector.broadcast %lt3A_350 : i32 to vector<16xi32>
          %lt3A_352 = arith.cmpi slt, %get3A_349, %lt3A_351 : vector<16xi32>
          %convert_element_type3A_353 = arith.sitofp %get3A_349 : vector<16xi32> to vector<16xf32>
          %mul3A_354 = arith.mulf %gather3A, %convert_element_type3A_353 : vector<16xf32>
          %select_n3A_355 = arith.select %lt3A_352, %mul3A_354, %gather3A_346 : vector<16xi1>, vector<16xf32>
          %swap3A_356 = arith.constant 0 : i32
          %swap3A_357 = arith.constant 0 : i32
          %swap3A_358 = arith.constant 0 : i32
          %swap3A_359 = arith.constant 0 : i32
          %swap3A_360 = tpu.memref_slice %arg10[%rem3A_143, %swap3A_357, %swap3A_358, %swap3A_359] : memref<3x8x8x128xf32, #tpu.memory_space<vmem>> -> memref<1x8x8x128xf32, #tpu.memory_space<vmem>>
          %swap3A_361 = tpu.memref_squeeze %swap3A_360 : memref<1x8x8x128xf32, #tpu.memory_space<vmem>> -> memref<8x8x128xf32, #tpu.memory_space<vmem>>
          %swap3A_362 = arith.index_cast %scan3A_253 : i32 to index
          %swap3A_363 = arith.index_cast %swap3A_356 : i32 to index
          %swap3A_364 = arith.constant 48 : index
          %swap3A_365 = tpu.vector_load %swap3A_361[%swap3A_362, %swap3A_363, %swap3A_364] {strides = array<i32>} : memref<8x8x128xf32, #tpu.memory_space<vmem>>, vector<16xf32>,
          tpu.vector_store %swap3A_361[%swap3A_362, %swap3A_363, %swap3A_364], %select_n3A_355 {strides = array<i32>} : memref<8x8x128xf32, #tpu.memory_space<vmem>>, vector<16xf32>,
          %add3A_366 = arith.constant 64 : i32
          %add3A_367 = vector.broadcast %add3A_366 : i32 to vector<16xi32>
          %add3A_368 = arith.addi %add3A_367, %iota3A : vector<16xi32>
          %gather3A_369 = arith.constant 0 : i32
          %gather3A_370 = arith.constant 0 : i32
          %gather3A_371 = tpu.memref_slice %arg9[%rem3A_143, %gather3A_369, %gather3A_370] : memref<3x128x64xf32, #tpu.memory_space<vmem>> -> memref<1x128x64xf32, #tpu.memory_space<vmem>>
          %gather3A_372 = tpu.memref_squeeze %gather3A_371 : memref<1x128x64xf32, #tpu.memory_space<vmem>> -> memref<128x64xf32, #tpu.memory_space<vmem>>
          %gather3A_373 = tpu.vector_load_idx %gather3A_372[%add3A_368, %broadcast_in_dim3A_259] : memref<128x64xf32, #tpu.memory_space<vmem>>[vector<16xi32>, vector<16xi32>], vector<16xf32>,
          %get3A_374 = arith.index_cast %scan3A_141 : i32 to index
          %get3A_375 = arith.constant 64 : index
          %get3A_376 = tpu.vector_load %arg6[%get3A_374, %get3A_375] {strides = array<i32>} : memref<50x128xi32, #tpu.memory_space<vmem>>, vector<16xi32>,
          %lt3A_377 = arith.constant 2 : i32
          %lt3A_378 = vector.broadcast %lt3A_377 : i32 to vector<16xi32>
          %lt3A_379 = arith.cmpi slt, %get3A_376, %lt3A_378 : vector<16xi32>
          %convert_element_type3A_380 = arith.sitofp %get3A_376 : vector<16xi32> to vector<16xf32>
          %mul3A_381 = arith.mulf %gather3A, %convert_element_type3A_380 : vector<16xf32>
          %select_n3A_382 = arith.select %lt3A_379, %mul3A_381, %gather3A_373 : vector<16xi1>, vector<16xf32>
          %swap3A_383 = arith.constant 0 : i32
          %swap3A_384 = arith.constant 0 : i32
          %swap3A_385 = arith.constant 0 : i32
          %swap3A_386 = arith.constant 0 : i32
          %swap3A_387 = tpu.memref_slice %arg10[%rem3A_143, %swap3A_384, %swap3A_385, %swap3A_386] : memref<3x8x8x128xf32, #tpu.memory_space<vmem>> -> memref<1x8x8x128xf32, #tpu.memory_space<vmem>>
          %swap3A_388 = tpu.memref_squeeze %swap3A_387 : memref<1x8x8x128xf32, #tpu.memory_space<vmem>> -> memref<8x8x128xf32, #tpu.memory_space<vmem>>
          %swap3A_389 = arith.index_cast %scan3A_253 : i32 to index
          %swap3A_390 = arith.index_cast %swap3A_383 : i32 to index
          %swap3A_391 = arith.constant 64 : index
          %swap3A_392 = tpu.vector_load %swap3A_388[%swap3A_389, %swap3A_390, %swap3A_391] {strides = array<i32>} : memref<8x8x128xf32, #tpu.memory_space<vmem>>, vector<16xf32>,
          tpu.vector_store %swap3A_388[%swap3A_389, %swap3A_390, %swap3A_391], %select_n3A_382 {strides = array<i32>} : memref<8x8x128xf32, #tpu.memory_space<vmem>>, vector<16xf32>,
          %add3A_393 = arith.constant 80 : i32
          %add3A_394 = vector.broadcast %add3A_393 : i32 to vector<16xi32>
          %add3A_395 = arith.addi %add3A_394, %iota3A : vector<16xi32>
          %gather3A_396 = arith.constant 0 : i32
          %gather3A_397 = arith.constant 0 : i32
          %gather3A_398 = tpu.memref_slice %arg9[%rem3A_143, %gather3A_396, %gather3A_397] : memref<3x128x64xf32, #tpu.memory_space<vmem>> -> memref<1x128x64xf32, #tpu.memory_space<vmem>>
          %gather3A_399 = tpu.memref_squeeze %gather3A_398 : memref<1x128x64xf32, #tpu.memory_space<vmem>> -> memref<128x64xf32, #tpu.memory_space<vmem>>
          %gather3A_400 = tpu.vector_load_idx %gather3A_399[%add3A_395, %broadcast_in_dim3A_259] : memref<128x64xf32, #tpu.memory_space<vmem>>[vector<16xi32>, vector<16xi32>], vector<16xf32>,
          %get3A_401 = arith.index_cast %scan3A_141 : i32 to index
          %get3A_402 = arith.constant 80 : index
          %get3A_403 = tpu.vector_load %arg6[%get3A_401, %get3A_402] {strides = array<i32>} : memref<50x128xi32, #tpu.memory_space<vmem>>, vector<16xi32>,
          %lt3A_404 = arith.constant 2 : i32
          %lt3A_405 = vector.broadcast %lt3A_404 : i32 to vector<16xi32>
          %lt3A_406 = arith.cmpi slt, %get3A_403, %lt3A_405 : vector<16xi32>
          %convert_element_type3A_407 = arith.sitofp %get3A_403 : vector<16xi32> to vector<16xf32>
          %mul3A_408 = arith.mulf %gather3A, %convert_element_type3A_407 : vector<16xf32>
          %select_n3A_409 = arith.select %lt3A_406, %mul3A_408, %gather3A_400 : vector<16xi1>, vector<16xf32>
          %swap3A_410 = arith.constant 0 : i32
          %swap3A_411 = arith.constant 0 : i32
          %swap3A_412 = arith.constant 0 : i32
          %swap3A_413 = arith.constant 0 : i32
          %swap3A_414 = tpu.memref_slice %arg10[%rem3A_143, %swap3A_411, %swap3A_412, %swap3A_413] : memref<3x8x8x128xf32, #tpu.memory_space<vmem>> -> memref<1x8x8x128xf32, #tpu.memory_space<vmem>>
          %swap3A_415 = tpu.memref_squeeze %swap3A_414 : memref<1x8x8x128xf32, #tpu.memory_space<vmem>> -> memref<8x8x128xf32, #tpu.memory_space<vmem>>
          %swap3A_416 = arith.index_cast %scan3A_253 : i32 to index
          %swap3A_417 = arith.index_cast %swap3A_410 : i32 to index
          %swap3A_418 = arith.constant 80 : index
          %swap3A_419 = tpu.vector_load %swap3A_415[%swap3A_416, %swap3A_417, %swap3A_418] {strides = array<i32>} : memref<8x8x128xf32, #tpu.memory_space<vmem>>, vector<16xf32>,
          tpu.vector_store %swap3A_415[%swap3A_416, %swap3A_417, %swap3A_418], %select_n3A_409 {strides = array<i32>} : memref<8x8x128xf32, #tpu.memory_space<vmem>>, vector<16xf32>,
          %add3A_420 = arith.constant 96 : i32
          %add3A_421 = vector.broadcast %add3A_420 : i32 to vector<16xi32>
          %add3A_422 = arith.addi %add3A_421, %iota3A : vector<16xi32>
          %gather3A_423 = arith.constant 0 : i32
          %gather3A_424 = arith.constant 0 : i32
          %gather3A_425 = tpu.memref_slice %arg9[%rem3A_143, %gather3A_423, %gather3A_424] : memref<3x128x64xf32, #tpu.memory_space<vmem>> -> memref<1x128x64xf32, #tpu.memory_space<vmem>>
          %gather3A_426 = tpu.memref_squeeze %gather3A_425 : memref<1x128x64xf32, #tpu.memory_space<vmem>> -> memref<128x64xf32, #tpu.memory_space<vmem>>
          %gather3A_427 = tpu.vector_load_idx %gather3A_426[%add3A_422, %broadcast_in_dim3A_259] : memref<128x64xf32, #tpu.memory_space<vmem>>[vector<16xi32>, vector<16xi32>], vector<16xf32>,
          %get3A_428 = arith.index_cast %scan3A_141 : i32 to index
          %get3A_429 = arith.constant 96 : index
          %get3A_430 = tpu.vector_load %arg6[%get3A_428, %get3A_429] {strides = array<i32>} : memref<50x128xi32, #tpu.memory_space<vmem>>, vector<16xi32>,
          %lt3A_431 = arith.constant 2 : i32
          %lt3A_432 = vector.broadcast %lt3A_431 : i32 to vector<16xi32>
          %lt3A_433 = arith.cmpi slt, %get3A_430, %lt3A_432 : vector<16xi32>
          %convert_element_type3A_434 = arith.sitofp %get3A_430 : vector<16xi32> to vector<16xf32>
          %mul3A_435 = arith.mulf %gather3A, %convert_element_type3A_434 : vector<16xf32>
          %select_n3A_436 = arith.select %lt3A_433, %mul3A_435, %gather3A_427 : vector<16xi1>, vector<16xf32>
          %swap3A_437 = arith.constant 0 : i32
          %swap3A_438 = arith.constant 0 : i32
          %swap3A_439 = arith.constant 0 : i32
          %swap3A_440 = arith.constant 0 : i32
          %swap3A_441 = tpu.memref_slice %arg10[%rem3A_143, %swap3A_438, %swap3A_439, %swap3A_440] : memref<3x8x8x128xf32, #tpu.memory_space<vmem>> -> memref<1x8x8x128xf32, #tpu.memory_space<vmem>>
          %swap3A_442 = tpu.memref_squeeze %swap3A_441 : memref<1x8x8x128xf32, #tpu.memory_space<vmem>> -> memref<8x8x128xf32, #tpu.memory_space<vmem>>
          %swap3A_443 = arith.index_cast %scan3A_253 : i32 to index
          %swap3A_444 = arith.index_cast %swap3A_437 : i32 to index
          %swap3A_445 = arith.constant 96 : index
          %swap3A_446 = tpu.vector_load %swap3A_442[%swap3A_443, %swap3A_444, %swap3A_445] {strides = array<i32>} : memref<8x8x128xf32, #tpu.memory_space<vmem>>, vector<16xf32>,
          tpu.vector_store %swap3A_442[%swap3A_443, %swap3A_444, %swap3A_445], %select_n3A_436 {strides = array<i32>} : memref<8x8x128xf32, #tpu.memory_space<vmem>>, vector<16xf32>,
          %add3A_447 = arith.constant 112 : i32
          %add3A_448 = vector.broadcast %add3A_447 : i32 to vector<16xi32>
          %add3A_449 = arith.addi %add3A_448, %iota3A : vector<16xi32>
          %gather3A_450 = arith.constant 0 : i32
          %gather3A_451 = arith.constant 0 : i32
          %gather3A_452 = tpu.memref_slice %arg9[%rem3A_143, %gather3A_450, %gather3A_451] : memref<3x128x64xf32, #tpu.memory_space<vmem>> -> memref<1x128x64xf32, #tpu.memory_space<vmem>>
          %gather3A_453 = tpu.memref_squeeze %gather3A_452 : memref<1x128x64xf32, #tpu.memory_space<vmem>> -> memref<128x64xf32, #tpu.memory_space<vmem>>
          %gather3A_454 = tpu.vector_load_idx %gather3A_453[%add3A_449, %broadcast_in_dim3A_259] : memref<128x64xf32, #tpu.memory_space<vmem>>[vector<16xi32>, vector<16xi32>], vector<16xf32>,
          %get3A_455 = arith.index_cast %scan3A_141 : i32 to index
          %get3A_456 = arith.constant 112 : index
          %get3A_457 = tpu.vector_load %arg6[%get3A_455, %get3A_456] {strides = array<i32>} : memref<50x128xi32, #tpu.memory_space<vmem>>, vector<16xi32>,
          %lt3A_458 = arith.constant 2 : i32
          %lt3A_459 = vector.broadcast %lt3A_458 : i32 to vector<16xi32>
          %lt3A_460 = arith.cmpi slt, %get3A_457, %lt3A_459 : vector<16xi32>
          %convert_element_type3A_461 = arith.sitofp %get3A_457 : vector<16xi32> to vector<16xf32>
          %mul3A_462 = arith.mulf %gather3A, %convert_element_type3A_461 : vector<16xf32>
          %select_n3A_463 = arith.select %lt3A_460, %mul3A_462, %gather3A_454 : vector<16xi1>, vector<16xf32>
          %swap3A_464 = arith.constant 0 : i32
          %swap3A_465 = arith.constant 0 : i32
          %swap3A_466 = arith.constant 0 : i32
          %swap3A_467 = arith.constant 0 : i32
          %swap3A_468 = tpu.memref_slice %arg10[%rem3A_143, %swap3A_465, %swap3A_466, %swap3A_467] : memref<3x8x8x128xf32, #tpu.memory_space<vmem>> -> memref<1x8x8x128xf32, #tpu.memory_space<vmem>>
          %swap3A_469 = tpu.memref_squeeze %swap3A_468 : memref<1x8x8x128xf32, #tpu.memory_space<vmem>> -> memref<8x8x128xf32, #tpu.memory_space<vmem>>
          %swap3A_470 = arith.index_cast %scan3A_253 : i32 to index
          %swap3A_471 = arith.index_cast %swap3A_464 : i32 to index
          %swap3A_472 = arith.constant 112 : index
          %swap3A_473 = tpu.vector_load %swap3A_469[%swap3A_470, %swap3A_471, %swap3A_472] {strides = array<i32>} : memref<8x8x128xf32, #tpu.memory_space<vmem>>, vector<16xf32>,
          tpu.vector_store %swap3A_469[%swap3A_470, %swap3A_471, %swap3A_472], %select_n3A_463 {strides = array<i32>} : memref<8x8x128xf32, #tpu.memory_space<vmem>>, vector<16xf32>,
          %mul3A_474 = arith.constant 8 : i32
          %mul3A_475 = arith.muli %scan3A_253, %mul3A_474 : i32
          %add3A_476 = arith.constant 1 : i32
          %add3A_477 = arith.addi %mul3A_475, %add3A_476 : i32
          %broadcast_in_dim3A_478 = vector.broadcast %add3A_477 : i32 to vector<16xi32>
          %gather3A_479 = tpu.vector_load_idx %arg8[%broadcast_in_dim3A_478] : memref<64xf32, #tpu.memory_space<vmem>>[vector<16xi32>], vector<16xf32>,
          %add3A_480 = arith.constant 0 : i32
          %add3A_481 = vector.broadcast %add3A_480 : i32 to vector<16xi32>
          %add3A_482 = arith.addi %add3A_481, %iota3A : vector<16xi32>
          %gather3A_483 = arith.constant 0 : i32
          %gather3A_484 = arith.constant 0 : i32
          %gather3A_485 = tpu.memref_slice %arg9[%rem3A_143, %gather3A_483, %gather3A_484] : memref<3x128x64xf32, #tpu.memory_space<vmem>> -> memref<1x128x64xf32, #tpu.memory_space<vmem>>
          %gather3A_486 = tpu.memref_squeeze %gather3A_485 : memref<1x128x64xf32, #tpu.memory_space<vmem>> -> memref<128x64xf32, #tpu.memory_space<vmem>>
          %gather3A_487 = tpu.vector_load_idx %gather3A_486[%add3A_482, %broadcast_in_dim3A_478] : memref<128x64xf32, #tpu.memory_space<vmem>>[vector<16xi32>, vector<16xi32>], vector<16xf32>,
          %get3A_488 = arith.index_cast %scan3A_141 : i32 to index
          %get3A_489 = arith.constant 0 : index
          %get3A_490 = tpu.vector_load %arg6[%get3A_488, %get3A_489] {strides = array<i32>} : memref<50x128xi32, #tpu.memory_space<vmem>>, vector<16xi32>,
          %lt3A_491 = arith.constant 2 : i32
          %lt3A_492 = vector.broadcast %lt3A_491 : i32 to vector<16xi32>
          %lt3A_493 = arith.cmpi slt, %get3A_490, %lt3A_492 : vector<16xi32>
          %convert_element_type3A_494 = arith.sitofp %get3A_490 : vector<16xi32> to vector<16xf32>
          %mul3A_495 = arith.mulf %gather3A_479, %convert_element_type3A_494 : vector<16xf32>
          %select_n3A_496 = arith.select %lt3A_493, %mul3A_495, %gather3A_487 : vector<16xi1>, vector<16xf32>
          %swap3A_497 = arith.constant 1 : i32
          %swap3A_498 = arith.constant 0 : i32
          %swap3A_499 = arith.constant 0 : i32
          %swap3A_500 = arith.constant 0 : i32
          %swap3A_501 = tpu.memref_slice %arg10[%rem3A_143, %swap3A_498, %swap3A_499, %swap3A_500] : memref<3x8x8x128xf32, #tpu.memory_space<vmem>> -> memref<1x8x8x128xf32, #tpu.memory_space<vmem>>
          %swap3A_502 = tpu.memref_squeeze %swap3A_501 : memref<1x8x8x128xf32, #tpu.memory_space<vmem>> -> memref<8x8x128xf32, #tpu.memory_space<vmem>>
          %swap3A_503 = arith.index_cast %scan3A_253 : i32 to index
          %swap3A_504 = arith.index_cast %swap3A_497 : i32 to index
          %swap3A_505 = arith.constant 0 : index
          %swap3A_506 = tpu.vector_load %swap3A_502[%swap3A_503, %swap3A_504, %swap3A_505] {strides = array<i32>} : memref<8x8x128xf32, #tpu.memory_space<vmem>>, vector<16xf32>,
          tpu.vector_store %swap3A_502[%swap3A_503, %swap3A_504, %swap3A_505], %select_n3A_496 {strides = array<i32>} : memref<8x8x128xf32, #tpu.memory_space<vmem>>, vector<16xf32>,
          %add3A_507 = arith.constant 16 : i32
          %add3A_508 = vector.broadcast %add3A_507 : i32 to vector<16xi32>
          %add3A_509 = arith.addi %add3A_508, %iota3A : vector<16xi32>
          %gather3A_510 = arith.constant 0 : i32
          %gather3A_511 = arith.constant 0 : i32
          %gather3A_512 = tpu.memref_slice %arg9[%rem3A_143, %gather3A_510, %gather3A_511] : memref<3x128x64xf32, #tpu.memory_space<vmem>> -> memref<1x128x64xf32, #tpu.memory_space<vmem>>
          %gather3A_513 = tpu.memref_squeeze %gather3A_512 : memref<1x128x64xf32, #tpu.memory_space<vmem>> -> memref<128x64xf32, #tpu.memory_space<vmem>>
          %gather3A_514 = tpu.vector_load_idx %gather3A_513[%add3A_509, %broadcast_in_dim3A_478] : memref<128x64xf32, #tpu.memory_space<vmem>>[vector<16xi32>, vector<16xi32>], vector<16xf32>,
          %get3A_515 = arith.index_cast %scan3A_141 : i32 to index
          %get3A_516 = arith.constant 16 : index
          %get3A_517 = tpu.vector_load %arg6[%get3A_515, %get3A_516] {strides = array<i32>} : memref<50x128xi32, #tpu.memory_space<vmem>>, vector<16xi32>,
          %lt3A_518 = arith.constant 2 : i32
          %lt3A_519 = vector.broadcast %lt3A_518 : i32 to vector<16xi32>
          %lt3A_520 = arith.cmpi slt, %get3A_517, %lt3A_519 : vector<16xi32>
          %convert_element_type3A_521 = arith.sitofp %get3A_517 : vector<16xi32> to vector<16xf32>
          %mul3A_522 = arith.mulf %gather3A_479, %convert_element_type3A_521 : vector<16xf32>
          %select_n3A_523 = arith.select %lt3A_520, %mul3A_522, %gather3A_514 : vector<16xi1>, vector<16xf32>
          %swap3A_524 = arith.constant 1 : i32
          %swap3A_525 = arith.constant 0 : i32
          %swap3A_526 = arith.constant 0 : i32
          %swap3A_527 = arith.constant 0 : i32
          %swap3A_528 = tpu.memref_slice %arg10[%rem3A_143, %swap3A_525, %swap3A_526, %swap3A_527] : memref<3x8x8x128xf32, #tpu.memory_space<vmem>> -> memref<1x8x8x128xf32, #tpu.memory_space<vmem>>
          %swap3A_529 = tpu.memref_squeeze %swap3A_528 : memref<1x8x8x128xf32, #tpu.memory_space<vmem>> -> memref<8x8x128xf32, #tpu.memory_space<vmem>>
          %swap3A_530 = arith.index_cast %scan3A_253 : i32 to index
          %swap3A_531 = arith.index_cast %swap3A_524 : i32 to index
          %swap3A_532 = arith.constant 16 : index
          %swap3A_533 = tpu.vector_load %swap3A_529[%swap3A_530, %swap3A_531, %swap3A_532] {strides = array<i32>} : memref<8x8x128xf32, #tpu.memory_space<vmem>>, vector<16xf32>,
          tpu.vector_store %swap3A_529[%swap3A_530, %swap3A_531, %swap3A_532], %select_n3A_523 {strides = array<i32>} : memref<8x8x128xf32, #tpu.memory_space<vmem>>, vector<16xf32>,
          %add3A_534 = arith.constant 32 : i32
          %add3A_535 = vector.broadcast %add3A_534 : i32 to vector<16xi32>
          %add3A_536 = arith.addi %add3A_535, %iota3A : vector<16xi32>
          %gather3A_537 = arith.constant 0 : i32
          %gather3A_538 = arith.constant 0 : i32
          %gather3A_539 = tpu.memref_slice %arg9[%rem3A_143, %gather3A_537, %gather3A_538] : memref<3x128x64xf32, #tpu.memory_space<vmem>> -> memref<1x128x64xf32, #tpu.memory_space<vmem>>
          %gather3A_540 = tpu.memref_squeeze %gather3A_539 : memref<1x128x64xf32, #tpu.memory_space<vmem>> -> memref<128x64xf32, #tpu.memory_space<vmem>>
          %gather3A_541 = tpu.vector_load_idx %gather3A_540[%add3A_536, %broadcast_in_dim3A_478] : memref<128x64xf32, #tpu.memory_space<vmem>>[vector<16xi32>, vector<16xi32>], vector<16xf32>,
          %get3A_542 = arith.index_cast %scan3A_141 : i32 to index
          %get3A_543 = arith.constant 32 : index
          %get3A_544 = tpu.vector_load %arg6[%get3A_542, %get3A_543] {strides = array<i32>} : memref<50x128xi32, #tpu.memory_space<vmem>>, vector<16xi32>,
          %lt3A_545 = arith.constant 2 : i32
          %lt3A_546 = vector.broadcast %lt3A_545 : i32 to vector<16xi32>
          %lt3A_547 = arith.cmpi slt, %get3A_544, %lt3A_546 : vector<16xi32>
          %convert_element_type3A_548 = arith.sitofp %get3A_544 : vector<16xi32> to vector<16xf32>
          %mul3A_549 = arith.mulf %gather3A_479, %convert_element_type3A_548 : vector<16xf32>
          %select_n3A_550 = arith.select %lt3A_547, %mul3A_549, %gather3A_541 : vector<16xi1>, vector<16xf32>
          %swap3A_551 = arith.constant 1 : i32
          %swap3A_552 = arith.constant 0 : i32
          %swap3A_553 = arith.constant 0 : i32
          %swap3A_554 = arith.constant 0 : i32
          %swap3A_555 = tpu.memref_slice %arg10[%rem3A_143, %swap3A_552, %swap3A_553, %swap3A_554] : memref<3x8x8x128xf32, #tpu.memory_space<vmem>> -> memref<1x8x8x128xf32, #tpu.memory_space<vmem>>
          %swap3A_556 = tpu.memref_squeeze %swap3A_555 : memref<1x8x8x128xf32, #tpu.memory_space<vmem>> -> memref<8x8x128xf32, #tpu.memory_space<vmem>>
          %swap3A_557 = arith.index_cast %scan3A_253 : i32 to index
          %swap3A_558 = arith.index_cast %swap3A_551 : i32 to index
          %swap3A_559 = arith.constant 32 : index
          %swap3A_560 = tpu.vector_load %swap3A_556[%swap3A_557, %swap3A_558, %swap3A_559] {strides = array<i32>} : memref<8x8x128xf32, #tpu.memory_space<vmem>>, vector<16xf32>,
          tpu.vector_store %swap3A_556[%swap3A_557, %swap3A_558, %swap3A_559], %select_n3A_550 {strides = array<i32>} : memref<8x8x128xf32, #tpu.memory_space<vmem>>, vector<16xf32>,
          %add3A_561 = arith.constant 48 : i32
          %add3A_562 = vector.broadcast %add3A_561 : i32 to vector<16xi32>
          %add3A_563 = arith.addi %add3A_562, %iota3A : vector<16xi32>
          %gather3A_564 = arith.constant 0 : i32
          %gather3A_565 = arith.constant 0 : i32
          %gather3A_566 = tpu.memref_slice %arg9[%rem3A_143, %gather3A_564, %gather3A_565] : memref<3x128x64xf32, #tpu.memory_space<vmem>> -> memref<1x128x64xf32, #tpu.memory_space<vmem>>
          %gather3A_567 = tpu.memref_squeeze %gather3A_566 : memref<1x128x64xf32, #tpu.memory_space<vmem>> -> memref<128x64xf32, #tpu.memory_space<vmem>>
          %gather3A_568 = tpu.vector_load_idx %gather3A_567[%add3A_563, %broadcast_in_dim3A_478] : memref<128x64xf32, #tpu.memory_space<vmem>>[vector<16xi32>, vector<16xi32>], vector<16xf32>,
          %get3A_569 = arith.index_cast %scan3A_141 : i32 to index
          %get3A_570 = arith.constant 48 : index
          %get3A_571 = tpu.vector_load %arg6[%get3A_569, %get3A_570] {strides = array<i32>} : memref<50x128xi32, #tpu.memory_space<vmem>>, vector<16xi32>,
          %lt3A_572 = arith.constant 2 : i32
          %lt3A_573 = vector.broadcast %lt3A_572 : i32 to vector<16xi32>
          %lt3A_574 = arith.cmpi slt, %get3A_571, %lt3A_573 : vector<16xi32>
          %convert_element_type3A_575 = arith.sitofp %get3A_571 : vector<16xi32> to vector<16xf32>
          %mul3A_576 = arith.mulf %gather3A_479, %convert_element_type3A_575 : vector<16xf32>
          %select_n3A_577 = arith.select %lt3A_574, %mul3A_576, %gather3A_568 : vector<16xi1>, vector<16xf32>
          %swap3A_578 = arith.constant 1 : i32
          %swap3A_579 = arith.constant 0 : i32
          %swap3A_580 = arith.constant 0 : i32
          %swap3A_581 = arith.constant 0 : i32
          %swap3A_582 = tpu.memref_slice %arg10[%rem3A_143, %swap3A_579, %swap3A_580, %swap3A_581] : memref<3x8x8x128xf32, #tpu.memory_space<vmem>> -> memref<1x8x8x128xf32, #tpu.memory_space<vmem>>
          %swap3A_583 = tpu.memref_squeeze %swap3A_582 : memref<1x8x8x128xf32, #tpu.memory_space<vmem>> -> memref<8x8x128xf32, #tpu.memory_space<vmem>>
          %swap3A_584 = arith.index_cast %scan3A_253 : i32 to index
          %swap3A_585 = arith.index_cast %swap3A_578 : i32 to index
          %swap3A_586 = arith.constant 48 : index
          %swap3A_587 = tpu.vector_load %swap3A_583[%swap3A_584, %swap3A_585, %swap3A_586] {strides = array<i32>} : memref<8x8x128xf32, #tpu.memory_space<vmem>>, vector<16xf32>,
          tpu.vector_store %swap3A_583[%swap3A_584, %swap3A_585, %swap3A_586], %select_n3A_577 {strides = array<i32>} : memref<8x8x128xf32, #tpu.memory_space<vmem>>, vector<16xf32>,
          %add3A_588 = arith.constant 64 : i32
          %add3A_589 = vector.broadcast %add3A_588 : i32 to vector<16xi32>
          %add3A_590 = arith.addi %add3A_589, %iota3A : vector<16xi32>
          %gather3A_591 = arith.constant 0 : i32
          %gather3A_592 = arith.constant 0 : i32
          %gather3A_593 = tpu.memref_slice %arg9[%rem3A_143, %gather3A_591, %gather3A_592] : memref<3x128x64xf32, #tpu.memory_space<vmem>> -> memref<1x128x64xf32, #tpu.memory_space<vmem>>
          %gather3A_594 = tpu.memref_squeeze %gather3A_593 : memref<1x128x64xf32, #tpu.memory_space<vmem>> -> memref<128x64xf32, #tpu.memory_space<vmem>>
          %gather3A_595 = tpu.vector_load_idx %gather3A_594[%add3A_590, %broadcast_in_dim3A_478] : memref<128x64xf32, #tpu.memory_space<vmem>>[vector<16xi32>, vector<16xi32>], vector<16xf32>,
          %get3A_596 = arith.index_cast %scan3A_141 : i32 to index
          %get3A_597 = arith.constant 64 : index
          %get3A_598 = tpu.vector_load %arg6[%get3A_596, %get3A_597] {strides = array<i32>} : memref<50x128xi32, #tpu.memory_space<vmem>>, vector<16xi32>,
          %lt3A_599 = arith.constant 2 : i32
          %lt3A_600 = vector.broadcast %lt3A_599 : i32 to vector<16xi32>
          %lt3A_601 = arith.cmpi slt, %get3A_598, %lt3A_600 : vector<16xi32>
          %convert_element_type3A_602 = arith.sitofp %get3A_598 : vector<16xi32> to vector<16xf32>
          %mul3A_603 = arith.mulf %gather3A_479, %convert_element_type3A_602 : vector<16xf32>
          %select_n3A_604 = arith.select %lt3A_601, %mul3A_603, %gather3A_595 : vector<16xi1>, vector<16xf32>
          %swap3A_605 = arith.constant 1 : i32
          %swap3A_606 = arith.constant 0 : i32
          %swap3A_607 = arith.constant 0 : i32
          %swap3A_608 = arith.constant 0 : i32
          %swap3A_609 = tpu.memref_slice %arg10[%rem3A_143, %swap3A_606, %swap3A_607, %swap3A_608] : memref<3x8x8x128xf32, #tpu.memory_space<vmem>> -> memref<1x8x8x128xf32, #tpu.memory_space<vmem>>
          %swap3A_610 = tpu.memref_squeeze %swap3A_609 : memref<1x8x8x128xf32, #tpu.memory_space<vmem>> -> memref<8x8x128xf32, #tpu.memory_space<vmem>>
          %swap3A_611 = arith.index_cast %scan3A_253 : i32 to index
          %swap3A_612 = arith.index_cast %swap3A_605 : i32 to index
          %swap3A_613 = arith.constant 64 : index
          %swap3A_614 = tpu.vector_load %swap3A_610[%swap3A_611, %swap3A_612, %swap3A_613] {strides = array<i32>} : memref<8x8x128xf32, #tpu.memory_space<vmem>>, vector<16xf32>,
          tpu.vector_store %swap3A_610[%swap3A_611, %swap3A_612, %swap3A_613], %select_n3A_604 {strides = array<i32>} : memref<8x8x128xf32, #tpu.memory_space<vmem>>, vector<16xf32>,
          %add3A_615 = arith.constant 80 : i32
          %add3A_616 = vector.broadcast %add3A_615 : i32 to vector<16xi32>
          %add3A_617 = arith.addi %add3A_616, %iota3A : vector<16xi32>
          %gather3A_618 = arith.constant 0 : i32
          %gather3A_619 = arith.constant 0 : i32
          %gather3A_620 = tpu.memref_slice %arg9[%rem3A_143, %gather3A_618, %gather3A_619] : memref<3x128x64xf32, #tpu.memory_space<vmem>> -> memref<1x128x64xf32, #tpu.memory_space<vmem>>
          %gather3A_621 = tpu.memref_squeeze %gather3A_620 : memref<1x128x64xf32, #tpu.memory_space<vmem>> -> memref<128x64xf32, #tpu.memory_space<vmem>>
          %gather3A_622 = tpu.vector_load_idx %gather3A_621[%add3A_617, %broadcast_in_dim3A_478] : memref<128x64xf32, #tpu.memory_space<vmem>>[vector<16xi32>, vector<16xi32>], vector<16xf32>,
          %get3A_623 = arith.index_cast %scan3A_141 : i32 to index
          %get3A_624 = arith.constant 80 : index
          %get3A_625 = tpu.vector_load %arg6[%get3A_623, %get3A_624] {strides = array<i32>} : memref<50x128xi32, #tpu.memory_space<vmem>>, vector<16xi32>,
          %lt3A_626 = arith.constant 2 : i32
          %lt3A_627 = vector.broadcast %lt3A_626 : i32 to vector<16xi32>
          %lt3A_628 = arith.cmpi slt, %get3A_625, %lt3A_627 : vector<16xi32>
          %convert_element_type3A_629 = arith.sitofp %get3A_625 : vector<16xi32> to vector<16xf32>
          %mul3A_630 = arith.mulf %gather3A_479, %convert_element_type3A_629 : vector<16xf32>
          %select_n3A_631 = arith.select %lt3A_628, %mul3A_630, %gather3A_622 : vector<16xi1>, vector<16xf32>
          %swap3A_632 = arith.constant 1 : i32
          %swap3A_633 = arith.constant 0 : i32
          %swap3A_634 = arith.constant 0 : i32
          %swap3A_635 = arith.constant 0 : i32
          %swap3A_636 = tpu.memref_slice %arg10[%rem3A_143, %swap3A_633, %swap3A_634, %swap3A_635] : memref<3x8x8x128xf32, #tpu.memory_space<vmem>> -> memref<1x8x8x128xf32, #tpu.memory_space<vmem>>
          %swap3A_637 = tpu.memref_squeeze %swap3A_636 : memref<1x8x8x128xf32, #tpu.memory_space<vmem>> -> memref<8x8x128xf32, #tpu.memory_space<vmem>>
          %swap3A_638 = arith.index_cast %scan3A_253 : i32 to index
          %swap3A_639 = arith.index_cast %swap3A_632 : i32 to index
          %swap3A_640 = arith.constant 80 : index
          %swap3A_641 = tpu.vector_load %swap3A_637[%swap3A_638, %swap3A_639, %swap3A_640] {strides = array<i32>} : memref<8x8x128xf32, #tpu.memory_space<vmem>>, vector<16xf32>,
          tpu.vector_store %swap3A_637[%swap3A_638, %swap3A_639, %swap3A_640], %select_n3A_631 {strides = array<i32>} : memref<8x8x128xf32, #tpu.memory_space<vmem>>, vector<16xf32>,
          %add3A_642 = arith.constant 96 : i32
          %add3A_643 = vector.broadcast %add3A_642 : i32 to vector<16xi32>
          %add3A_644 = arith.addi %add3A_643, %iota3A : vector<16xi32>
          %gather3A_645 = arith.constant 0 : i32
          %gather3A_646 = arith.constant 0 : i32
          %gather3A_647 = tpu.memref_slice %arg9[%rem3A_143, %gather3A_645, %gather3A_646] : memref<3x128x64xf32, #tpu.memory_space<vmem>> -> memref<1x128x64xf32, #tpu.memory_space<vmem>>
          %gather3A_648 = tpu.memref_squeeze %gather3A_647 : memref<1x128x64xf32, #tpu.memory_space<vmem>> -> memref<128x64xf32, #tpu.memory_space<vmem>>
          %gather3A_649 = tpu.vector_load_idx %gather3A_648[%add3A_644, %broadcast_in_dim3A_478] : memref<128x64xf32, #tpu.memory_space<vmem>>[vector<16xi32>, vector<16xi32>], vector<16xf32>,
          %get3A_650 = arith.index_cast %scan3A_141 : i32 to index
          %get3A_651 = arith.constant 96 : index
          %get3A_652 = tpu.vector_load %arg6[%get3A_650, %get3A_651] {strides = array<i32>} : memref<50x128xi32, #tpu.memory_space<vmem>>, vector<16xi32>,
          %lt3A_653 = arith.constant 2 : i32
          %lt3A_654 = vector.broadcast %lt3A_653 : i32 to vector<16xi32>
          %lt3A_655 = arith.cmpi slt, %get3A_652, %lt3A_654 : vector<16xi32>
          %convert_element_type3A_656 = arith.sitofp %get3A_652 : vector<16xi32> to vector<16xf32>
          %mul3A_657 = arith.mulf %gather3A_479, %convert_element_type3A_656 : vector<16xf32>
          %select_n3A_658 = arith.select %lt3A_655, %mul3A_657, %gather3A_649 : vector<16xi1>, vector<16xf32>
          %swap3A_659 = arith.constant 1 : i32
          %swap3A_660 = arith.constant 0 : i32
          %swap3A_661 = arith.constant 0 : i32
          %swap3A_662 = arith.constant 0 : i32
          %swap3A_663 = tpu.memref_slice %arg10[%rem3A_143, %swap3A_660, %swap3A_661, %swap3A_662] : memref<3x8x8x128xf32, #tpu.memory_space<vmem>> -> memref<1x8x8x128xf32, #tpu.memory_space<vmem>>
          %swap3A_664 = tpu.memref_squeeze %swap3A_663 : memref<1x8x8x128xf32, #tpu.memory_space<vmem>> -> memref<8x8x128xf32, #tpu.memory_space<vmem>>
          %swap3A_665 = arith.index_cast %scan3A_253 : i32 to index
          %swap3A_666 = arith.index_cast %swap3A_659 : i32 to index
          %swap3A_667 = arith.constant 96 : index
          %swap3A_668 = tpu.vector_load %swap3A_664[%swap3A_665, %swap3A_666, %swap3A_667] {strides = array<i32>} : memref<8x8x128xf32, #tpu.memory_space<vmem>>, vector<16xf32>,
          tpu.vector_store %swap3A_664[%swap3A_665, %swap3A_666, %swap3A_667], %select_n3A_658 {strides = array<i32>} : memref<8x8x128xf32, #tpu.memory_space<vmem>>, vector<16xf32>,
          %add3A_669 = arith.constant 112 : i32
          %add3A_670 = vector.broadcast %add3A_669 : i32 to vector<16xi32>
          %add3A_671 = arith.addi %add3A_670, %iota3A : vector<16xi32>
          %gather3A_672 = arith.constant 0 : i32
          %gather3A_673 = arith.constant 0 : i32
          %gather3A_674 = tpu.memref_slice %arg9[%rem3A_143, %gather3A_672, %gather3A_673] : memref<3x128x64xf32, #tpu.memory_space<vmem>> -> memref<1x128x64xf32, #tpu.memory_space<vmem>>
          %gather3A_675 = tpu.memref_squeeze %gather3A_674 : memref<1x128x64xf32, #tpu.memory_space<vmem>> -> memref<128x64xf32, #tpu.memory_space<vmem>>
          %gather3A_676 = tpu.vector_load_idx %gather3A_675[%add3A_671, %broadcast_in_dim3A_478] : memref<128x64xf32, #tpu.memory_space<vmem>>[vector<16xi32>, vector<16xi32>], vector<16xf32>,
          %get3A_677 = arith.index_cast %scan3A_141 : i32 to index
          %get3A_678 = arith.constant 112 : index
          %get3A_679 = tpu.vector_load %arg6[%get3A_677, %get3A_678] {strides = array<i32>} : memref<50x128xi32, #tpu.memory_space<vmem>>, vector<16xi32>,
          %lt3A_680 = arith.constant 2 : i32
          %lt3A_681 = vector.broadcast %lt3A_680 : i32 to vector<16xi32>
          %lt3A_682 = arith.cmpi slt, %get3A_679, %lt3A_681 : vector<16xi32>
          %convert_element_type3A_683 = arith.sitofp %get3A_679 : vector<16xi32> to vector<16xf32>
          %mul3A_684 = arith.mulf %gather3A_479, %convert_element_type3A_683 : vector<16xf32>
          %select_n3A_685 = arith.select %lt3A_682, %mul3A_684, %gather3A_676 : vector<16xi1>, vector<16xf32>
          %swap3A_686 = arith.constant 1 : i32
          %swap3A_687 = arith.constant 0 : i32
          %swap3A_688 = arith.constant 0 : i32
          %swap3A_689 = arith.constant 0 : i32
          %swap3A_690 = tpu.memref_slice %arg10[%rem3A_143, %swap3A_687, %swap3A_688, %swap3A_689] : memref<3x8x8x128xf32, #tpu.memory_space<vmem>> -> memref<1x8x8x128xf32, #tpu.memory_space<vmem>>
          %swap3A_691 = tpu.memref_squeeze %swap3A_690 : memref<1x8x8x128xf32, #tpu.memory_space<vmem>> -> memref<8x8x128xf32, #tpu.memory_space<vmem>>
          %swap3A_692 = arith.index_cast %scan3A_253 : i32 to index
          %swap3A_693 = arith.index_cast %swap3A_686 : i32 to index
          %swap3A_694 = arith.constant 112 : index
          %swap3A_695 = tpu.vector_load %swap3A_691[%swap3A_692, %swap3A_693, %swap3A_694] {strides = array<i32>} : memref<8x8x128xf32, #tpu.memory_space<vmem>>, vector<16xf32>,
          tpu.vector_store %swap3A_691[%swap3A_692, %swap3A_693, %swap3A_694], %select_n3A_685 {strides = array<i32>} : memref<8x8x128xf32, #tpu.memory_space<vmem>>, vector<16xf32>,
          %mul3A_696 = arith.constant 8 : i32
          %mul3A_697 = arith.muli %scan3A_253, %mul3A_696 : i32
          %add3A_698 = arith.constant 2 : i32
          %add3A_699 = arith.addi %mul3A_697, %add3A_698 : i32
          %broadcast_in_dim3A_700 = vector.broadcast %add3A_699 : i32 to vector<16xi32>
          %gather3A_701 = tpu.vector_load_idx %arg8[%broadcast_in_dim3A_700] : memref<64xf32, #tpu.memory_space<vmem>>[vector<16xi32>], vector<16xf32>,
          %add3A_702 = arith.constant 0 : i32
          %add3A_703 = vector.broadcast %add3A_702 : i32 to vector<16xi32>
          %add3A_704 = arith.addi %add3A_703, %iota3A : vector<16xi32>
          %gather3A_705 = arith.constant 0 : i32
          %gather3A_706 = arith.constant 0 : i32
          %gather3A_707 = tpu.memref_slice %arg9[%rem3A_143, %gather3A_705, %gather3A_706] : memref<3x128x64xf32, #tpu.memory_space<vmem>> -> memref<1x128x64xf32, #tpu.memory_space<vmem>>
          %gather3A_708 = tpu.memref_squeeze %gather3A_707 : memref<1x128x64xf32, #tpu.memory_space<vmem>> -> memref<128x64xf32, #tpu.memory_space<vmem>>
          %gather3A_709 = tpu.vector_load_idx %gather3A_708[%add3A_704, %broadcast_in_dim3A_700] : memref<128x64xf32, #tpu.memory_space<vmem>>[vector<16xi32>, vector<16xi32>], vector<16xf32>,
          %get3A_710 = arith.index_cast %scan3A_141 : i32 to index
          %get3A_711 = arith.constant 0 : index
          %get3A_712 = tpu.vector_load %arg6[%get3A_710, %get3A_711] {strides = array<i32>} : memref<50x128xi32, #tpu.memory_space<vmem>>, vector<16xi32>,
          %lt3A_713 = arith.constant 2 : i32
          %lt3A_714 = vector.broadcast %lt3A_713 : i32 to vector<16xi32>
          %lt3A_715 = arith.cmpi slt, %get3A_712, %lt3A_714 : vector<16xi32>
          %convert_element_type3A_716 = arith.sitofp %get3A_712 : vector<16xi32> to vector<16xf32>
          %mul3A_717 = arith.mulf %gather3A_701, %convert_element_type3A_716 : vector<16xf32>
          %select_n3A_718 = arith.select %lt3A_715, %mul3A_717, %gather3A_709 : vector<16xi1>, vector<16xf32>
          %swap3A_719 = arith.constant 2 : i32
          %swap3A_720 = arith.constant 0 : i32
          %swap3A_721 = arith.constant 0 : i32
          %swap3A_722 = arith.constant 0 : i32
          %swap3A_723 = tpu.memref_slice %arg10[%rem3A_143, %swap3A_720, %swap3A_721, %swap3A_722] : memref<3x8x8x128xf32, #tpu.memory_space<vmem>> -> memref<1x8x8x128xf32, #tpu.memory_space<vmem>>
          %swap3A_724 = tpu.memref_squeeze %swap3A_723 : memref<1x8x8x128xf32, #tpu.memory_space<vmem>> -> memref<8x8x128xf32, #tpu.memory_space<vmem>>
          %swap3A_725 = arith.index_cast %scan3A_253 : i32 to index
          %swap3A_726 = arith.index_cast %swap3A_719 : i32 to index
          %swap3A_727 = arith.constant 0 : index
          %swap3A_728 = tpu.vector_load %swap3A_724[%swap3A_725, %swap3A_726, %swap3A_727] {strides = array<i32>} : memref<8x8x128xf32, #tpu.memory_space<vmem>>, vector<16xf32>,
          tpu.vector_store %swap3A_724[%swap3A_725, %swap3A_726, %swap3A_727], %select_n3A_718 {strides = array<i32>} : memref<8x8x128xf32, #tpu.memory_space<vmem>>, vector<16xf32>,
          %add3A_729 = arith.constant 16 : i32
          %add3A_730 = vector.broadcast %add3A_729 : i32 to vector<16xi32>
          %add3A_731 = arith.addi %add3A_730, %iota3A : vector<16xi32>
          %gather3A_732 = arith.constant 0 : i32
          %gather3A_733 = arith.constant 0 : i32
          %gather3A_734 = tpu.memref_slice %arg9[%rem3A_143, %gather3A_732, %gather3A_733] : memref<3x128x64xf32, #tpu.memory_space<vmem>> -> memref<1x128x64xf32, #tpu.memory_space<vmem>>
          %gather3A_735 = tpu.memref_squeeze %gather3A_734 : memref<1x128x64xf32, #tpu.memory_space<vmem>> -> memref<128x64xf32, #tpu.memory_space<vmem>>
          %gather3A_736 = tpu.vector_load_idx %gather3A_735[%add3A_731, %broadcast_in_dim3A_700] : memref<128x64xf32, #tpu.memory_space<vmem>>[vector<16xi32>, vector<16xi32>], vector<16xf32>,
          %get3A_737 = arith.index_cast %scan3A_141 : i32 to index
          %get3A_738 = arith.constant 16 : index
          %get3A_739 = tpu.vector_load %arg6[%get3A_737, %get3A_738] {strides = array<i32>} : memref<50x128xi32, #tpu.memory_space<vmem>>, vector<16xi32>,
          %lt3A_740 = arith.constant 2 : i32
          %lt3A_741 = vector.broadcast %lt3A_740 : i32 to vector<16xi32>
          %lt3A_742 = arith.cmpi slt, %get3A_739, %lt3A_741 : vector<16xi32>
          %convert_element_type3A_743 = arith.sitofp %get3A_739 : vector<16xi32> to vector<16xf32>
          %mul3A_744 = arith.mulf %gather3A_701, %convert_element_type3A_743 : vector<16xf32>
          %select_n3A_745 = arith.select %lt3A_742, %mul3A_744, %gather3A_736 : vector<16xi1>, vector<16xf32>
          %swap3A_746 = arith.constant 2 : i32
          %swap3A_747 = arith.constant 0 : i32
          %swap3A_748 = arith.constant 0 : i32
          %swap3A_749 = arith.constant 0 : i32
          %swap3A_750 = tpu.memref_slice %arg10[%rem3A_143, %swap3A_747, %swap3A_748, %swap3A_749] : memref<3x8x8x128xf32, #tpu.memory_space<vmem>> -> memref<1x8x8x128xf32, #tpu.memory_space<vmem>>
          %swap3A_751 = tpu.memref_squeeze %swap3A_750 : memref<1x8x8x128xf32, #tpu.memory_space<vmem>> -> memref<8x8x128xf32, #tpu.memory_space<vmem>>
          %swap3A_752 = arith.index_cast %scan3A_253 : i32 to index
          %swap3A_753 = arith.index_cast %swap3A_746 : i32 to index
          %swap3A_754 = arith.constant 16 : index
          %swap3A_755 = tpu.vector_load %swap3A_751[%swap3A_752, %swap3A_753, %swap3A_754] {strides = array<i32>} : memref<8x8x128xf32, #tpu.memory_space<vmem>>, vector<16xf32>,
          tpu.vector_store %swap3A_751[%swap3A_752, %swap3A_753, %swap3A_754], %select_n3A_745 {strides = array<i32>} : memref<8x8x128xf32, #tpu.memory_space<vmem>>, vector<16xf32>,
          %add3A_756 = arith.constant 32 : i32
          %add3A_757 = vector.broadcast %add3A_756 : i32 to vector<16xi32>
          %add3A_758 = arith.addi %add3A_757, %iota3A : vector<16xi32>
          %gather3A_759 = arith.constant 0 : i32
          %gather3A_760 = arith.constant 0 : i32
          %gather3A_761 = tpu.memref_slice %arg9[%rem3A_143, %gather3A_759, %gather3A_760] : memref<3x128x64xf32, #tpu.memory_space<vmem>> -> memref<1x128x64xf32, #tpu.memory_space<vmem>>
          %gather3A_762 = tpu.memref_squeeze %gather3A_761 : memref<1x128x64xf32, #tpu.memory_space<vmem>> -> memref<128x64xf32, #tpu.memory_space<vmem>>
          %gather3A_763 = tpu.vector_load_idx %gather3A_762[%add3A_758, %broadcast_in_dim3A_700] : memref<128x64xf32, #tpu.memory_space<vmem>>[vector<16xi32>, vector<16xi32>], vector<16xf32>,
          %get3A_764 = arith.index_cast %scan3A_141 : i32 to index
          %get3A_765 = arith.constant 32 : index
          %get3A_766 = tpu.vector_load %arg6[%get3A_764, %get3A_765] {strides = array<i32>} : memref<50x128xi32, #tpu.memory_space<vmem>>, vector<16xi32>,
          %lt3A_767 = arith.constant 2 : i32
          %lt3A_768 = vector.broadcast %lt3A_767 : i32 to vector<16xi32>
          %lt3A_769 = arith.cmpi slt, %get3A_766, %lt3A_768 : vector<16xi32>
          %convert_element_type3A_770 = arith.sitofp %get3A_766 : vector<16xi32> to vector<16xf32>
          %mul3A_771 = arith.mulf %gather3A_701, %convert_element_type3A_770 : vector<16xf32>
          %select_n3A_772 = arith.select %lt3A_769, %mul3A_771, %gather3A_763 : vector<16xi1>, vector<16xf32>
          %swap3A_773 = arith.constant 2 : i32
          %swap3A_774 = arith.constant 0 : i32
          %swap3A_775 = arith.constant 0 : i32
          %swap3A_776 = arith.constant 0 : i32
          %swap3A_777 = tpu.memref_slice %arg10[%rem3A_143, %swap3A_774, %swap3A_775, %swap3A_776] : memref<3x8x8x128xf32, #tpu.memory_space<vmem>> -> memref<1x8x8x128xf32, #tpu.memory_space<vmem>>
          %swap3A_778 = tpu.memref_squeeze %swap3A_777 : memref<1x8x8x128xf32, #tpu.memory_space<vmem>> -> memref<8x8x128xf32, #tpu.memory_space<vmem>>
          %swap3A_779 = arith.index_cast %scan3A_253 : i32 to index
          %swap3A_780 = arith.index_cast %swap3A_773 : i32 to index
          %swap3A_781 = arith.constant 32 : index
          %swap3A_782 = tpu.vector_load %swap3A_778[%swap3A_779, %swap3A_780, %swap3A_781] {strides = array<i32>} : memref<8x8x128xf32, #tpu.memory_space<vmem>>, vector<16xf32>,
          tpu.vector_store %swap3A_778[%swap3A_779, %swap3A_780, %swap3A_781], %select_n3A_772 {strides = array<i32>} : memref<8x8x128xf32, #tpu.memory_space<vmem>>, vector<16xf32>,
          %add3A_783 = arith.constant 48 : i32
          %add3A_784 = vector.broadcast %add3A_783 : i32 to vector<16xi32>
          %add3A_785 = arith.addi %add3A_784, %iota3A : vector<16xi32>
          %gather3A_786 = arith.constant 0 : i32
          %gather3A_787 = arith.constant 0 : i32
          %gather3A_788 = tpu.memref_slice %arg9[%rem3A_143, %gather3A_786, %gather3A_787] : memref<3x128x64xf32, #tpu.memory_space<vmem>> -> memref<1x128x64xf32, #tpu.memory_space<vmem>>
          %gather3A_789 = tpu.memref_squeeze %gather3A_788 : memref<1x128x64xf32, #tpu.memory_space<vmem>> -> memref<128x64xf32, #tpu.memory_space<vmem>>
          %gather3A_790 = tpu.vector_load_idx %gather3A_789[%add3A_785, %broadcast_in_dim3A_700] : memref<128x64xf32, #tpu.memory_space<vmem>>[vector<16xi32>, vector<16xi32>], vector<16xf32>,
          %get3A_791 = arith.index_cast %scan3A_141 : i32 to index
          %get3A_792 = arith.constant 48 : index
          %get3A_793 = tpu.vector_load %arg6[%get3A_791, %get3A_792] {strides = array<i32>} : memref<50x128xi32, #tpu.memory_space<vmem>>, vector<16xi32>,
          %lt3A_794 = arith.constant 2 : i32
          %lt3A_795 = vector.broadcast %lt3A_794 : i32 to vector<16xi32>
          %lt3A_796 = arith.cmpi slt, %get3A_793, %lt3A_795 : vector<16xi32>
          %convert_element_type3A_797 = arith.sitofp %get3A_793 : vector<16xi32> to vector<16xf32>
          %mul3A_798 = arith.mulf %gather3A_701, %convert_element_type3A_797 : vector<16xf32>
          %select_n3A_799 = arith.select %lt3A_796, %mul3A_798, %gather3A_790 : vector<16xi1>, vector<16xf32>
          %swap3A_800 = arith.constant 2 : i32
          %swap3A_801 = arith.constant 0 : i32
          %swap3A_802 = arith.constant 0 : i32
          %swap3A_803 = arith.constant 0 : i32
          %swap3A_804 = tpu.memref_slice %arg10[%rem3A_143, %swap3A_801, %swap3A_802, %swap3A_803] : memref<3x8x8x128xf32, #tpu.memory_space<vmem>> -> memref<1x8x8x128xf32, #tpu.memory_space<vmem>>
          %swap3A_805 = tpu.memref_squeeze %swap3A_804 : memref<1x8x8x128xf32, #tpu.memory_space<vmem>> -> memref<8x8x128xf32, #tpu.memory_space<vmem>>
          %swap3A_806 = arith.index_cast %scan3A_253 : i32 to index
          %swap3A_807 = arith.index_cast %swap3A_800 : i32 to index
          %swap3A_808 = arith.constant 48 : index
          %swap3A_809 = tpu.vector_load %swap3A_805[%swap3A_806, %swap3A_807, %swap3A_808] {strides = array<i32>} : memref<8x8x128xf32, #tpu.memory_space<vmem>>, vector<16xf32>,
          tpu.vector_store %swap3A_805[%swap3A_806, %swap3A_807, %swap3A_808], %select_n3A_799 {strides = array<i32>} : memref<8x8x128xf32, #tpu.memory_space<vmem>>, vector<16xf32>,
          %add3A_810 = arith.constant 64 : i32
          %add3A_811 = vector.broadcast %add3A_810 : i32 to vector<16xi32>
          %add3A_812 = arith.addi %add3A_811, %iota3A : vector<16xi32>
          %gather3A_813 = arith.constant 0 : i32
          %gather3A_814 = arith.constant 0 : i32
          %gather3A_815 = tpu.memref_slice %arg9[%rem3A_143, %gather3A_813, %gather3A_814] : memref<3x128x64xf32, #tpu.memory_space<vmem>> -> memref<1x128x64xf32, #tpu.memory_space<vmem>>
          %gather3A_816 = tpu.memref_squeeze %gather3A_815 : memref<1x128x64xf32, #tpu.memory_space<vmem>> -> memref<128x64xf32, #tpu.memory_space<vmem>>
          %gather3A_817 = tpu.vector_load_idx %gather3A_816[%add3A_812, %broadcast_in_dim3A_700] : memref<128x64xf32, #tpu.memory_space<vmem>>[vector<16xi32>, vector<16xi32>], vector<16xf32>,
          %get3A_818 = arith.index_cast %scan3A_141 : i32 to index
          %get3A_819 = arith.constant 64 : index
          %get3A_820 = tpu.vector_load %arg6[%get3A_818, %get3A_819] {strides = array<i32>} : memref<50x128xi32, #tpu.memory_space<vmem>>, vector<16xi32>,
          %lt3A_821 = arith.constant 2 : i32
          %lt3A_822 = vector.broadcast %lt3A_821 : i32 to vector<16xi32>
          %lt3A_823 = arith.cmpi slt, %get3A_820, %lt3A_822 : vector<16xi32>
          %convert_element_type3A_824 = arith.sitofp %get3A_820 : vector<16xi32> to vector<16xf32>
          %mul3A_825 = arith.mulf %gather3A_701, %convert_element_type3A_824 : vector<16xf32>
          %select_n3A_826 = arith.select %lt3A_823, %mul3A_825, %gather3A_817 : vector<16xi1>, vector<16xf32>
          %swap3A_827 = arith.constant 2 : i32
          %swap3A_828 = arith.constant 0 : i32
          %swap3A_829 = arith.constant 0 : i32
          %swap3A_830 = arith.constant 0 : i32
          %swap3A_831 = tpu.memref_slice %arg10[%rem3A_143, %swap3A_828, %swap3A_829, %swap3A_830] : memref<3x8x8x128xf32, #tpu.memory_space<vmem>> -> memref<1x8x8x128xf32, #tpu.memory_space<vmem>>
          %swap3A_832 = tpu.memref_squeeze %swap3A_831 : memref<1x8x8x128xf32, #tpu.memory_space<vmem>> -> memref<8x8x128xf32, #tpu.memory_space<vmem>>
          %swap3A_833 = arith.index_cast %scan3A_253 : i32 to index
          %swap3A_834 = arith.index_cast %swap3A_827 : i32 to index
          %swap3A_835 = arith.constant 64 : index
          %swap3A_836 = tpu.vector_load %swap3A_832[%swap3A_833, %swap3A_834, %swap3A_835] {strides = array<i32>} : memref<8x8x128xf32, #tpu.memory_space<vmem>>, vector<16xf32>,
          tpu.vector_store %swap3A_832[%swap3A_833, %swap3A_834, %swap3A_835], %select_n3A_826 {strides = array<i32>} : memref<8x8x128xf32, #tpu.memory_space<vmem>>, vector<16xf32>,
          %add3A_837 = arith.constant 80 : i32
          %add3A_838 = vector.broadcast %add3A_837 : i32 to vector<16xi32>
          %add3A_839 = arith.addi %add3A_838, %iota3A : vector<16xi32>
          %gather3A_840 = arith.constant 0 : i32
          %gather3A_841 = arith.constant 0 : i32
          %gather3A_842 = tpu.memref_slice %arg9[%rem3A_143, %gather3A_840, %gather3A_841] : memref<3x128x64xf32, #tpu.memory_space<vmem>> -> memref<1x128x64xf32, #tpu.memory_space<vmem>>
          %gather3A_843 = tpu.memref_squeeze %gather3A_842 : memref<1x128x64xf32, #tpu.memory_space<vmem>> -> memref<128x64xf32, #tpu.memory_space<vmem>>
          %gather3A_844 = tpu.vector_load_idx %gather3A_843[%add3A_839, %broadcast_in_dim3A_700] : memref<128x64xf32, #tpu.memory_space<vmem>>[vector<16xi32>, vector<16xi32>], vector<16xf32>,
          %get3A_845 = arith.index_cast %scan3A_141 : i32 to index
          %get3A_846 = arith.constant 80 : index
          %get3A_847 = tpu.vector_load %arg6[%get3A_845, %get3A_846] {strides = array<i32>} : memref<50x128xi32, #tpu.memory_space<vmem>>, vector<16xi32>,
          %lt3A_848 = arith.constant 2 : i32
          %lt3A_849 = vector.broadcast %lt3A_848 : i32 to vector<16xi32>
          %lt3A_850 = arith.cmpi slt, %get3A_847, %lt3A_849 : vector<16xi32>
          %convert_element_type3A_851 = arith.sitofp %get3A_847 : vector<16xi32> to vector<16xf32>
          %mul3A_852 = arith.mulf %gather3A_701, %convert_element_type3A_851 : vector<16xf32>
          %select_n3A_853 = arith.select %lt3A_850, %mul3A_852, %gather3A_844 : vector<16xi1>, vector<16xf32>
          %swap3A_854 = arith.constant 2 : i32
          %swap3A_855 = arith.constant 0 : i32
          %swap3A_856 = arith.constant 0 : i32
          %swap3A_857 = arith.constant 0 : i32
          %swap3A_858 = tpu.memref_slice %arg10[%rem3A_143, %swap3A_855, %swap3A_856, %swap3A_857] : memref<3x8x8x128xf32, #tpu.memory_space<vmem>> -> memref<1x8x8x128xf32, #tpu.memory_space<vmem>>
          %swap3A_859 = tpu.memref_squeeze %swap3A_858 : memref<1x8x8x128xf32, #tpu.memory_space<vmem>> -> memref<8x8x128xf32, #tpu.memory_space<vmem>>
          %swap3A_860 = arith.index_cast %scan3A_253 : i32 to index
          %swap3A_861 = arith.index_cast %swap3A_854 : i32 to index
          %swap3A_862 = arith.constant 80 : index
          %swap3A_863 = tpu.vector_load %swap3A_859[%swap3A_860, %swap3A_861, %swap3A_862] {strides = array<i32>} : memref<8x8x128xf32, #tpu.memory_space<vmem>>, vector<16xf32>,
          tpu.vector_store %swap3A_859[%swap3A_860, %swap3A_861, %swap3A_862], %select_n3A_853 {strides = array<i32>} : memref<8x8x128xf32, #tpu.memory_space<vmem>>, vector<16xf32>,
          %add3A_864 = arith.constant 96 : i32
          %add3A_865 = vector.broadcast %add3A_864 : i32 to vector<16xi32>
          %add3A_866 = arith.addi %add3A_865, %iota3A : vector<16xi32>
          %gather3A_867 = arith.constant 0 : i32
          %gather3A_868 = arith.constant 0 : i32
          %gather3A_869 = tpu.memref_slice %arg9[%rem3A_143, %gather3A_867, %gather3A_868] : memref<3x128x64xf32, #tpu.memory_space<vmem>> -> memref<1x128x64xf32, #tpu.memory_space<vmem>>
          %gather3A_870 = tpu.memref_squeeze %gather3A_869 : memref<1x128x64xf32, #tpu.memory_space<vmem>> -> memref<128x64xf32, #tpu.memory_space<vmem>>
          %gather3A_871 = tpu.vector_load_idx %gather3A_870[%add3A_866, %broadcast_in_dim3A_700] : memref<128x64xf32, #tpu.memory_space<vmem>>[vector<16xi32>, vector<16xi32>], vector<16xf32>,
          %get3A_872 = arith.index_cast %scan3A_141 : i32 to index
          %get3A_873 = arith.constant 96 : index
          %get3A_874 = tpu.vector_load %arg6[%get3A_872, %get3A_873] {strides = array<i32>} : memref<50x128xi32, #tpu.memory_space<vmem>>, vector<16xi32>,
          %lt3A_875 = arith.constant 2 : i32
          %lt3A_876 = vector.broadcast %lt3A_875 : i32 to vector<16xi32>
          %lt3A_877 = arith.cmpi slt, %get3A_874, %lt3A_876 : vector<16xi32>
          %convert_element_type3A_878 = arith.sitofp %get3A_874 : vector<16xi32> to vector<16xf32>
          %mul3A_879 = arith.mulf %gather3A_701, %convert_element_type3A_878 : vector<16xf32>
          %select_n3A_880 = arith.select %lt3A_877, %mul3A_879, %gather3A_871 : vector<16xi1>, vector<16xf32>
          %swap3A_881 = arith.constant 2 : i32
          %swap3A_882 = arith.constant 0 : i32
          %swap3A_883 = arith.constant 0 : i32
          %swap3A_884 = arith.constant 0 : i32
          %swap3A_885 = tpu.memref_slice %arg10[%rem3A_143, %swap3A_882, %swap3A_883, %swap3A_884] : memref<3x8x8x128xf32, #tpu.memory_space<vmem>> -> memref<1x8x8x128xf32, #tpu.memory_space<vmem>>
          %swap3A_886 = tpu.memref_squeeze %swap3A_885 : memref<1x8x8x128xf32, #tpu.memory_space<vmem>> -> memref<8x8x128xf32, #tpu.memory_space<vmem>>
          %swap3A_887 = arith.index_cast %scan3A_253 : i32 to index
          %swap3A_888 = arith.index_cast %swap3A_881 : i32 to index
          %swap3A_889 = arith.constant 96 : index
          %swap3A_890 = tpu.vector_load %swap3A_886[%swap3A_887, %swap3A_888, %swap3A_889] {strides = array<i32>} : memref<8x8x128xf32, #tpu.memory_space<vmem>>, vector<16xf32>,
          tpu.vector_store %swap3A_886[%swap3A_887, %swap3A_888, %swap3A_889], %select_n3A_880 {strides = array<i32>} : memref<8x8x128xf32, #tpu.memory_space<vmem>>, vector<16xf32>,
          %add3A_891 = arith.constant 112 : i32
          %add3A_892 = vector.broadcast %add3A_891 : i32 to vector<16xi32>
          %add3A_893 = arith.addi %add3A_892, %iota3A : vector<16xi32>
          %gather3A_894 = arith.constant 0 : i32
          %gather3A_895 = arith.constant 0 : i32
          %gather3A_896 = tpu.memref_slice %arg9[%rem3A_143, %gather3A_894, %gather3A_895] : memref<3x128x64xf32, #tpu.memory_space<vmem>> -> memref<1x128x64xf32, #tpu.memory_space<vmem>>
          %gather3A_897 = tpu.memref_squeeze %gather3A_896 : memref<1x128x64xf32, #tpu.memory_space<vmem>> -> memref<128x64xf32, #tpu.memory_space<vmem>>
          %gather3A_898 = tpu.vector_load_idx %gather3A_897[%add3A_893, %broadcast_in_dim3A_700] : memref<128x64xf32, #tpu.memory_space<vmem>>[vector<16xi32>, vector<16xi32>], vector<16xf32>,
          %get3A_899 = arith.index_cast %scan3A_141 : i32 to index
          %get3A_900 = arith.constant 112 : index
          %get3A_901 = tpu.vector_load %arg6[%get3A_899, %get3A_900] {strides = array<i32>} : memref<50x128xi32, #tpu.memory_space<vmem>>, vector<16xi32>,
          %lt3A_902 = arith.constant 2 : i32
          %lt3A_903 = vector.broadcast %lt3A_902 : i32 to vector<16xi32>
          %lt3A_904 = arith.cmpi slt, %get3A_901, %lt3A_903 : vector<16xi32>
          %convert_element_type3A_905 = arith.sitofp %get3A_901 : vector<16xi32> to vector<16xf32>
          %mul3A_906 = arith.mulf %gather3A_701, %convert_element_type3A_905 : vector<16xf32>
          %select_n3A_907 = arith.select %lt3A_904, %mul3A_906, %gather3A_898 : vector<16xi1>, vector<16xf32>
          %swap3A_908 = arith.constant 2 : i32
          %swap3A_909 = arith.constant 0 : i32
          %swap3A_910 = arith.constant 0 : i32
          %swap3A_911 = arith.constant 0 : i32
          %swap3A_912 = tpu.memref_slice %arg10[%rem3A_143, %swap3A_909, %swap3A_910, %swap3A_911] : memref<3x8x8x128xf32, #tpu.memory_space<vmem>> -> memref<1x8x8x128xf32, #tpu.memory_space<vmem>>
          %swap3A_913 = tpu.memref_squeeze %swap3A_912 : memref<1x8x8x128xf32, #tpu.memory_space<vmem>> -> memref<8x8x128xf32, #tpu.memory_space<vmem>>
          %swap3A_914 = arith.index_cast %scan3A_253 : i32 to index
          %swap3A_915 = arith.index_cast %swap3A_908 : i32 to index
          %swap3A_916 = arith.constant 112 : index
          %swap3A_917 = tpu.vector_load %swap3A_913[%swap3A_914, %swap3A_915, %swap3A_916] {strides = array<i32>} : memref<8x8x128xf32, #tpu.memory_space<vmem>>, vector<16xf32>,
          tpu.vector_store %swap3A_913[%swap3A_914, %swap3A_915, %swap3A_916], %select_n3A_907 {strides = array<i32>} : memref<8x8x128xf32, #tpu.memory_space<vmem>>, vector<16xf32>,
          %mul3A_918 = arith.constant 8 : i32
          %mul3A_919 = arith.muli %scan3A_253, %mul3A_918 : i32
          %add3A_920 = arith.constant 3 : i32
          %add3A_921 = arith.addi %mul3A_919, %add3A_920 : i32
          %broadcast_in_dim3A_922 = vector.broadcast %add3A_921 : i32 to vector<16xi32>
          %gather3A_923 = tpu.vector_load_idx %arg8[%broadcast_in_dim3A_922] : memref<64xf32, #tpu.memory_space<vmem>>[vector<16xi32>], vector<16xf32>,
          %add3A_924 = arith.constant 0 : i32
          %add3A_925 = vector.broadcast %add3A_924 : i32 to vector<16xi32>
          %add3A_926 = arith.addi %add3A_925, %iota3A : vector<16xi32>
          %gather3A_927 = arith.constant 0 : i32
          %gather3A_928 = arith.constant 0 : i32
          %gather3A_929 = tpu.memref_slice %arg9[%rem3A_143, %gather3A_927, %gather3A_928] : memref<3x128x64xf32, #tpu.memory_space<vmem>> -> memref<1x128x64xf32, #tpu.memory_space<vmem>>
          %gather3A_930 = tpu.memref_squeeze %gather3A_929 : memref<1x128x64xf32, #tpu.memory_space<vmem>> -> memref<128x64xf32, #tpu.memory_space<vmem>>
          %gather3A_931 = tpu.vector_load_idx %gather3A_930[%add3A_926, %broadcast_in_dim3A_922] : memref<128x64xf32, #tpu.memory_space<vmem>>[vector<16xi32>, vector<16xi32>], vector<16xf32>,
          %get3A_932 = arith.index_cast %scan3A_141 : i32 to index
          %get3A_933 = arith.constant 0 : index
          %get3A_934 = tpu.vector_load %arg6[%get3A_932, %get3A_933] {strides = array<i32>} : memref<50x128xi32, #tpu.memory_space<vmem>>, vector<16xi32>,
          %lt3A_935 = arith.constant 2 : i32
          %lt3A_936 = vector.broadcast %lt3A_935 : i32 to vector<16xi32>
          %lt3A_937 = arith.cmpi slt, %get3A_934, %lt3A_936 : vector<16xi32>
          %convert_element_type3A_938 = arith.sitofp %get3A_934 : vector<16xi32> to vector<16xf32>
          %mul3A_939 = arith.mulf %gather3A_923, %convert_element_type3A_938 : vector<16xf32>
          %select_n3A_940 = arith.select %lt3A_937, %mul3A_939, %gather3A_931 : vector<16xi1>, vector<16xf32>
          %swap3A_941 = arith.constant 3 : i32
          %swap3A_942 = arith.constant 0 : i32
          %swap3A_943 = arith.constant 0 : i32
          %swap3A_944 = arith.constant 0 : i32
          %swap3A_945 = tpu.memref_slice %arg10[%rem3A_143, %swap3A_942, %swap3A_943, %swap3A_944] : memref<3x8x8x128xf32, #tpu.memory_space<vmem>> -> memref<1x8x8x128xf32, #tpu.memory_space<vmem>>
          %swap3A_946 = tpu.memref_squeeze %swap3A_945 : memref<1x8x8x128xf32, #tpu.memory_space<vmem>> -> memref<8x8x128xf32, #tpu.memory_space<vmem>>
          %swap3A_947 = arith.index_cast %scan3A_253 : i32 to index
          %swap3A_948 = arith.index_cast %swap3A_941 : i32 to index
          %swap3A_949 = arith.constant 0 : index
          %swap3A_950 = tpu.vector_load %swap3A_946[%swap3A_947, %swap3A_948, %swap3A_949] {strides = array<i32>} : memref<8x8x128xf32, #tpu.memory_space<vmem>>, vector<16xf32>,
          tpu.vector_store %swap3A_946[%swap3A_947, %swap3A_948, %swap3A_949], %select_n3A_940 {strides = array<i32>} : memref<8x8x128xf32, #tpu.memory_space<vmem>>, vector<16xf32>,
          %add3A_951 = arith.constant 16 : i32
          %add3A_952 = vector.broadcast %add3A_951 : i32 to vector<16xi32>
          %add3A_953 = arith.addi %add3A_952, %iota3A : vector<16xi32>
          %gather3A_954 = arith.constant 0 : i32
          %gather3A_955 = arith.constant 0 : i32
          %gather3A_956 = tpu.memref_slice %arg9[%rem3A_143, %gather3A_954, %gather3A_955] : memref<3x128x64xf32, #tpu.memory_space<vmem>> -> memref<1x128x64xf32, #tpu.memory_space<vmem>>
          %gather3A_957 = tpu.memref_squeeze %gather3A_956 : memref<1x128x64xf32, #tpu.memory_space<vmem>> -> memref<128x64xf32, #tpu.memory_space<vmem>>
          %gather3A_958 = tpu.vector_load_idx %gather3A_957[%add3A_953, %broadcast_in_dim3A_922] : memref<128x64xf32, #tpu.memory_space<vmem>>[vector<16xi32>, vector<16xi32>], vector<16xf32>,
          %get3A_959 = arith.index_cast %scan3A_141 : i32 to index
          %get3A_960 = arith.constant 16 : index
          %get3A_961 = tpu.vector_load %arg6[%get3A_959, %get3A_960] {strides = array<i32>} : memref<50x128xi32, #tpu.memory_space<vmem>>, vector<16xi32>,
          %lt3A_962 = arith.constant 2 : i32
          %lt3A_963 = vector.broadcast %lt3A_962 : i32 to vector<16xi32>
          %lt3A_964 = arith.cmpi slt, %get3A_961, %lt3A_963 : vector<16xi32>
          %convert_element_type3A_965 = arith.sitofp %get3A_961 : vector<16xi32> to vector<16xf32>
          %mul3A_966 = arith.mulf %gather3A_923, %convert_element_type3A_965 : vector<16xf32>
          %select_n3A_967 = arith.select %lt3A_964, %mul3A_966, %gather3A_958 : vector<16xi1>, vector<16xf32>
          %swap3A_968 = arith.constant 3 : i32
          %swap3A_969 = arith.constant 0 : i32
          %swap3A_970 = arith.constant 0 : i32
          %swap3A_971 = arith.constant 0 : i32
          %swap3A_972 = tpu.memref_slice %arg10[%rem3A_143, %swap3A_969, %swap3A_970, %swap3A_971] : memref<3x8x8x128xf32, #tpu.memory_space<vmem>> -> memref<1x8x8x128xf32, #tpu.memory_space<vmem>>
          %swap3A_973 = tpu.memref_squeeze %swap3A_972 : memref<1x8x8x128xf32, #tpu.memory_space<vmem>> -> memref<8x8x128xf32, #tpu.memory_space<vmem>>
          %swap3A_974 = arith.index_cast %scan3A_253 : i32 to index
          %swap3A_975 = arith.index_cast %swap3A_968 : i32 to index
          %swap3A_976 = arith.constant 16 : index
          %swap3A_977 = tpu.vector_load %swap3A_973[%swap3A_974, %swap3A_975, %swap3A_976] {strides = array<i32>} : memref<8x8x128xf32, #tpu.memory_space<vmem>>, vector<16xf32>,
          tpu.vector_store %swap3A_973[%swap3A_974, %swap3A_975, %swap3A_976], %select_n3A_967 {strides = array<i32>} : memref<8x8x128xf32, #tpu.memory_space<vmem>>, vector<16xf32>,
          %add3A_978 = arith.constant 32 : i32
          %add3A_979 = vector.broadcast %add3A_978 : i32 to vector<16xi32>
          %add3A_980 = arith.addi %add3A_979, %iota3A : vector<16xi32>
          %gather3A_981 = arith.constant 0 : i32
          %gather3A_982 = arith.constant 0 : i32
          %gather3A_983 = tpu.memref_slice %arg9[%rem3A_143, %gather3A_981, %gather3A_982] : memref<3x128x64xf32, #tpu.memory_space<vmem>> -> memref<1x128x64xf32, #tpu.memory_space<vmem>>
          %gather3A_984 = tpu.memref_squeeze %gather3A_983 : memref<1x128x64xf32, #tpu.memory_space<vmem>> -> memref<128x64xf32, #tpu.memory_space<vmem>>
          %gather3A_985 = tpu.vector_load_idx %gather3A_984[%add3A_980, %broadcast_in_dim3A_922] : memref<128x64xf32, #tpu.memory_space<vmem>>[vector<16xi32>, vector<16xi32>], vector<16xf32>,
          %get3A_986 = arith.index_cast %scan3A_141 : i32 to index
          %get3A_987 = arith.constant 32 : index
          %get3A_988 = tpu.vector_load %arg6[%get3A_986, %get3A_987] {strides = array<i32>} : memref<50x128xi32, #tpu.memory_space<vmem>>, vector<16xi32>,
          %lt3A_989 = arith.constant 2 : i32
          %lt3A_990 = vector.broadcast %lt3A_989 : i32 to vector<16xi32>
          %lt3A_991 = arith.cmpi slt, %get3A_988, %lt3A_990 : vector<16xi32>
          %convert_element_type3A_992 = arith.sitofp %get3A_988 : vector<16xi32> to vector<16xf32>
          %mul3A_993 = arith.mulf %gather3A_923, %convert_element_type3A_992 : vector<16xf32>
          %select_n3A_994 = arith.select %lt3A_991, %mul3A_993, %gather3A_985 : vector<16xi1>, vector<16xf32>
          %swap3A_995 = arith.constant 3 : i32
          %swap3A_996 = arith.constant 0 : i32
          %swap3A_997 = arith.constant 0 : i32
          %swap3A_998 = arith.constant 0 : i32
          %swap3A_999 = tpu.memref_slice %arg10[%rem3A_143, %swap3A_996, %swap3A_997, %swap3A_998] : memref<3x8x8x128xf32, #tpu.memory_space<vmem>> -> memref<1x8x8x128xf32, #tpu.memory_space<vmem>>
          %swap3A_1000 = tpu.memref_squeeze %swap3A_999 : memref<1x8x8x128xf32, #tpu.memory_space<vmem>> -> memref<8x8x128xf32, #tpu.memory_space<vmem>>
          %swap3A_1001 = arith.index_cast %scan3A_253 : i32 to index
          %swap3A_1002 = arith.index_cast %swap3A_995 : i32 to index
          %swap3A_1003 = arith.constant 32 : index
          %swap3A_1004 = tpu.vector_load %swap3A_1000[%swap3A_1001, %swap3A_1002, %swap3A_1003] {strides = array<i32>} : memref<8x8x128xf32, #tpu.memory_space<vmem>>, vector<16xf32>,
          tpu.vector_store %swap3A_1000[%swap3A_1001, %swap3A_1002, %swap3A_1003], %select_n3A_994 {strides = array<i32>} : memref<8x8x128xf32, #tpu.memory_space<vmem>>, vector<16xf32>,
          %add3A_1005 = arith.constant 48 : i32
          %add3A_1006 = vector.broadcast %add3A_1005 : i32 to vector<16xi32>
          %add3A_1007 = arith.addi %add3A_1006, %iota3A : vector<16xi32>
          %gather3A_1008 = arith.constant 0 : i32
          %gather3A_1009 = arith.constant 0 : i32
          %gather3A_1010 = tpu.memref_slice %arg9[%rem3A_143, %gather3A_1008, %gather3A_1009] : memref<3x128x64xf32, #tpu.memory_space<vmem>> -> memref<1x128x64xf32, #tpu.memory_space<vmem>>
          %gather3A_1011 = tpu.memref_squeeze %gather3A_1010 : memref<1x128x64xf32, #tpu.memory_space<vmem>> -> memref<128x64xf32, #tpu.memory_space<vmem>>
          %gather3A_1012 = tpu.vector_load_idx %gather3A_1011[%add3A_1007, %broadcast_in_dim3A_922] : memref<128x64xf32, #tpu.memory_space<vmem>>[vector<16xi32>, vector<16xi32>], vector<16xf32>,
          %get3A_1013 = arith.index_cast %scan3A_141 : i32 to index
          %get3A_1014 = arith.constant 48 : index
          %get3A_1015 = tpu.vector_load %arg6[%get3A_1013, %get3A_1014] {strides = array<i32>} : memref<50x128xi32, #tpu.memory_space<vmem>>, vector<16xi32>,
          %lt3A_1016 = arith.constant 2 : i32
          %lt3A_1017 = vector.broadcast %lt3A_1016 : i32 to vector<16xi32>
          %lt3A_1018 = arith.cmpi slt, %get3A_1015, %lt3A_1017 : vector<16xi32>
          %convert_element_type3A_1019 = arith.sitofp %get3A_1015 : vector<16xi32> to vector<16xf32>
          %mul3A_1020 = arith.mulf %gather3A_923, %convert_element_type3A_1019 : vector<16xf32>
          %select_n3A_1021 = arith.select %lt3A_1018, %mul3A_1020, %gather3A_1012 : vector<16xi1>, vector<16xf32>
          %swap3A_1022 = arith.constant 3 : i32
          %swap3A_1023 = arith.constant 0 : i32
          %swap3A_1024 = arith.constant 0 : i32
          %swap3A_1025 = arith.constant 0 : i32
          %swap3A_1026 = tpu.memref_slice %arg10[%rem3A_143, %swap3A_1023, %swap3A_1024, %swap3A_1025] : memref<3x8x8x128xf32, #tpu.memory_space<vmem>> -> memref<1x8x8x128xf32, #tpu.memory_space<vmem>>
          %swap3A_1027 = tpu.memref_squeeze %swap3A_1026 : memref<1x8x8x128xf32, #tpu.memory_space<vmem>> -> memref<8x8x128xf32, #tpu.memory_space<vmem>>
          %swap3A_1028 = arith.index_cast %scan3A_253 : i32 to index
          %swap3A_1029 = arith.index_cast %swap3A_1022 : i32 to index
          %swap3A_1030 = arith.constant 48 : index
          %swap3A_1031 = tpu.vector_load %swap3A_1027[%swap3A_1028, %swap3A_1029, %swap3A_1030] {strides = array<i32>} : memref<8x8x128xf32, #tpu.memory_space<vmem>>, vector<16xf32>,
          tpu.vector_store %swap3A_1027[%swap3A_1028, %swap3A_1029, %swap3A_1030], %select_n3A_1021 {strides = array<i32>} : memref<8x8x128xf32, #tpu.memory_space<vmem>>, vector<16xf32>,
          %add3A_1032 = arith.constant 64 : i32
          %add3A_1033 = vector.broadcast %add3A_1032 : i32 to vector<16xi32>
          %add3A_1034 = arith.addi %add3A_1033, %iota3A : vector<16xi32>
          %gather3A_1035 = arith.constant 0 : i32
          %gather3A_1036 = arith.constant 0 : i32
          %gather3A_1037 = tpu.memref_slice %arg9[%rem3A_143, %gather3A_1035, %gather3A_1036] : memref<3x128x64xf32, #tpu.memory_space<vmem>> -> memref<1x128x64xf32, #tpu.memory_space<vmem>>
          %gather3A_1038 = tpu.memref_squeeze %gather3A_1037 : memref<1x128x64xf32, #tpu.memory_space<vmem>> -> memref<128x64xf32, #tpu.memory_space<vmem>>
          %gather3A_1039 = tpu.vector_load_idx %gather3A_1038[%add3A_1034, %broadcast_in_dim3A_922] : memref<128x64xf32, #tpu.memory_space<vmem>>[vector<16xi32>, vector<16xi32>], vector<16xf32>,
          %get3A_1040 = arith.index_cast %scan3A_141 : i32 to index
          %get3A_1041 = arith.constant 64 : index
          %get3A_1042 = tpu.vector_load %arg6[%get3A_1040, %get3A_1041] {strides = array<i32>} : memref<50x128xi32, #tpu.memory_space<vmem>>, vector<16xi32>,
          %lt3A_1043 = arith.constant 2 : i32
          %lt3A_1044 = vector.broadcast %lt3A_1043 : i32 to vector<16xi32>
          %lt3A_1045 = arith.cmpi slt, %get3A_1042, %lt3A_1044 : vector<16xi32>
          %convert_element_type3A_1046 = arith.sitofp %get3A_1042 : vector<16xi32> to vector<16xf32>
          %mul3A_1047 = arith.mulf %gather3A_923, %convert_element_type3A_1046 : vector<16xf32>
          %select_n3A_1048 = arith.select %lt3A_1045, %mul3A_1047, %gather3A_1039 : vector<16xi1>, vector<16xf32>
          %swap3A_1049 = arith.constant 3 : i32
          %swap3A_1050 = arith.constant 0 : i32
          %swap3A_1051 = arith.constant 0 : i32
          %swap3A_1052 = arith.constant 0 : i32
          %swap3A_1053 = tpu.memref_slice %arg10[%rem3A_143, %swap3A_1050, %swap3A_1051, %swap3A_1052] : memref<3x8x8x128xf32, #tpu.memory_space<vmem>> -> memref<1x8x8x128xf32, #tpu.memory_space<vmem>>
          %swap3A_1054 = tpu.memref_squeeze %swap3A_1053 : memref<1x8x8x128xf32, #tpu.memory_space<vmem>> -> memref<8x8x128xf32, #tpu.memory_space<vmem>>
          %swap3A_1055 = arith.index_cast %scan3A_253 : i32 to index
          %swap3A_1056 = arith.index_cast %swap3A_1049 : i32 to index
          %swap3A_1057 = arith.constant 64 : index
          %swap3A_1058 = tpu.vector_load %swap3A_1054[%swap3A_1055, %swap3A_1056, %swap3A_1057] {strides = array<i32>} : memref<8x8x128xf32, #tpu.memory_space<vmem>>, vector<16xf32>,
          tpu.vector_store %swap3A_1054[%swap3A_1055, %swap3A_1056, %swap3A_1057], %select_n3A_1048 {strides = array<i32>} : memref<8x8x128xf32, #tpu.memory_space<vmem>>, vector<16xf32>,
          %add3A_1059 = arith.constant 80 : i32
          %add3A_1060 = vector.broadcast %add3A_1059 : i32 to vector<16xi32>
          %add3A_1061 = arith.addi %add3A_1060, %iota3A : vector<16xi32>
          %gather3A_1062 = arith.constant 0 : i32
          %gather3A_1063 = arith.constant 0 : i32
          %gather3A_1064 = tpu.memref_slice %arg9[%rem3A_143, %gather3A_1062, %gather3A_1063] : memref<3x128x64xf32, #tpu.memory_space<vmem>> -> memref<1x128x64xf32, #tpu.memory_space<vmem>>
          %gather3A_1065 = tpu.memref_squeeze %gather3A_1064 : memref<1x128x64xf32, #tpu.memory_space<vmem>> -> memref<128x64xf32, #tpu.memory_space<vmem>>
          %gather3A_1066 = tpu.vector_load_idx %gather3A_1065[%add3A_1061, %broadcast_in_dim3A_922] : memref<128x64xf32, #tpu.memory_space<vmem>>[vector<16xi32>, vector<16xi32>], vector<16xf32>,
          %get3A_1067 = arith.index_cast %scan3A_141 : i32 to index
          %get3A_1068 = arith.constant 80 : index
          %get3A_1069 = tpu.vector_load %arg6[%get3A_1067, %get3A_1068] {strides = array<i32>} : memref<50x128xi32, #tpu.memory_space<vmem>>, vector<16xi32>,
          %lt3A_1070 = arith.constant 2 : i32
          %lt3A_1071 = vector.broadcast %lt3A_1070 : i32 to vector<16xi32>
          %lt3A_1072 = arith.cmpi slt, %get3A_1069, %lt3A_1071 : vector<16xi32>
          %convert_element_type3A_1073 = arith.sitofp %get3A_1069 : vector<16xi32> to vector<16xf32>
          %mul3A_1074 = arith.mulf %gather3A_923, %convert_element_type3A_1073 : vector<16xf32>
          %select_n3A_1075 = arith.select %lt3A_1072, %mul3A_1074, %gather3A_1066 : vector<16xi1>, vector<16xf32>
          %swap3A_1076 = arith.constant 3 : i32
          %swap3A_1077 = arith.constant 0 : i32
          %swap3A_1078 = arith.constant 0 : i32
          %swap3A_1079 = arith.constant 0 : i32
          %swap3A_1080 = tpu.memref_slice %arg10[%rem3A_143, %swap3A_1077, %swap3A_1078, %swap3A_1079] : memref<3x8x8x128xf32, #tpu.memory_space<vmem>> -> memref<1x8x8x128xf32, #tpu.memory_space<vmem>>
          %swap3A_1081 = tpu.memref_squeeze %swap3A_1080 : memref<1x8x8x128xf32, #tpu.memory_space<vmem>> -> memref<8x8x128xf32, #tpu.memory_space<vmem>>
          %swap3A_1082 = arith.index_cast %scan3A_253 : i32 to index
          %swap3A_1083 = arith.index_cast %swap3A_1076 : i32 to index
          %swap3A_1084 = arith.constant 80 : index
          %swap3A_1085 = tpu.vector_load %swap3A_1081[%swap3A_1082, %swap3A_1083, %swap3A_1084] {strides = array<i32>} : memref<8x8x128xf32, #tpu.memory_space<vmem>>, vector<16xf32>,
          tpu.vector_store %swap3A_1081[%swap3A_1082, %swap3A_1083, %swap3A_1084], %select_n3A_1075 {strides = array<i32>} : memref<8x8x128xf32, #tpu.memory_space<vmem>>, vector<16xf32>,
          %add3A_1086 = arith.constant 96 : i32
          %add3A_1087 = vector.broadcast %add3A_1086 : i32 to vector<16xi32>
          %add3A_1088 = arith.addi %add3A_1087, %iota3A : vector<16xi32>
          %gather3A_1089 = arith.constant 0 : i32
          %gather3A_1090 = arith.constant 0 : i32
          %gather3A_1091 = tpu.memref_slice %arg9[%rem3A_143, %gather3A_1089, %gather3A_1090] : memref<3x128x64xf32, #tpu.memory_space<vmem>> -> memref<1x128x64xf32, #tpu.memory_space<vmem>>
          %gather3A_1092 = tpu.memref_squeeze %gather3A_1091 : memref<1x128x64xf32, #tpu.memory_space<vmem>> -> memref<128x64xf32, #tpu.memory_space<vmem>>
          %gather3A_1093 = tpu.vector_load_idx %gather3A_1092[%add3A_1088, %broadcast_in_dim3A_922] : memref<128x64xf32, #tpu.memory_space<vmem>>[vector<16xi32>, vector<16xi32>], vector<16xf32>,
          %get3A_1094 = arith.index_cast %scan3A_141 : i32 to index
          %get3A_1095 = arith.constant 96 : index
          %get3A_1096 = tpu.vector_load %arg6[%get3A_1094, %get3A_1095] {strides = array<i32>} : memref<50x128xi32, #tpu.memory_space<vmem>>, vector<16xi32>,
          %lt3A_1097 = arith.constant 2 : i32
          %lt3A_1098 = vector.broadcast %lt3A_1097 : i32 to vector<16xi32>
          %lt3A_1099 = arith.cmpi slt, %get3A_1096, %lt3A_1098 : vector<16xi32>
          %convert_element_type3A_1100 = arith.sitofp %get3A_1096 : vector<16xi32> to vector<16xf32>
          %mul3A_1101 = arith.mulf %gather3A_923, %convert_element_type3A_1100 : vector<16xf32>
          %select_n3A_1102 = arith.select %lt3A_1099, %mul3A_1101, %gather3A_1093 : vector<16xi1>, vector<16xf32>
          %swap3A_1103 = arith.constant 3 : i32
          %swap3A_1104 = arith.constant 0 : i32
          %swap3A_1105 = arith.constant 0 : i32
          %swap3A_1106 = arith.constant 0 : i32
          %swap3A_1107 = tpu.memref_slice %arg10[%rem3A_143, %swap3A_1104, %swap3A_1105, %swap3A_1106] : memref<3x8x8x128xf32, #tpu.memory_space<vmem>> -> memref<1x8x8x128xf32, #tpu.memory_space<vmem>>
          %swap3A_1108 = tpu.memref_squeeze %swap3A_1107 : memref<1x8x8x128xf32, #tpu.memory_space<vmem>> -> memref<8x8x128xf32, #tpu.memory_space<vmem>>
          %swap3A_1109 = arith.index_cast %scan3A_253 : i32 to index
          %swap3A_1110 = arith.index_cast %swap3A_1103 : i32 to index
          %swap3A_1111 = arith.constant 96 : index
          %swap3A_1112 = tpu.vector_load %swap3A_1108[%swap3A_1109, %swap3A_1110, %swap3A_1111] {strides = array<i32>} : memref<8x8x128xf32, #tpu.memory_space<vmem>>, vector<16xf32>,
          tpu.vector_store %swap3A_1108[%swap3A_1109, %swap3A_1110, %swap3A_1111], %select_n3A_1102 {strides = array<i32>} : memref<8x8x128xf32, #tpu.memory_space<vmem>>, vector<16xf32>,
          %add3A_1113 = arith.constant 112 : i32
          %add3A_1114 = vector.broadcast %add3A_1113 : i32 to vector<16xi32>
          %add3A_1115 = arith.addi %add3A_1114, %iota3A : vector<16xi32>
          %gather3A_1116 = arith.constant 0 : i32
          %gather3A_1117 = arith.constant 0 : i32
          %gather3A_1118 = tpu.memref_slice %arg9[%rem3A_143, %gather3A_1116, %gather3A_1117] : memref<3x128x64xf32, #tpu.memory_space<vmem>> -> memref<1x128x64xf32, #tpu.memory_space<vmem>>
          %gather3A_1119 = tpu.memref_squeeze %gather3A_1118 : memref<1x128x64xf32, #tpu.memory_space<vmem>> -> memref<128x64xf32, #tpu.memory_space<vmem>>
          %gather3A_1120 = tpu.vector_load_idx %gather3A_1119[%add3A_1115, %broadcast_in_dim3A_922] : memref<128x64xf32, #tpu.memory_space<vmem>>[vector<16xi32>, vector<16xi32>], vector<16xf32>,
          %get3A_1121 = arith.index_cast %scan3A_141 : i32 to index
          %get3A_1122 = arith.constant 112 : index
          %get3A_1123 = tpu.vector_load %arg6[%get3A_1121, %get3A_1122] {strides = array<i32>} : memref<50x128xi32, #tpu.memory_space<vmem>>, vector<16xi32>,
          %lt3A_1124 = arith.constant 2 : i32
          %lt3A_1125 = vector.broadcast %lt3A_1124 : i32 to vector<16xi32>
          %lt3A_1126 = arith.cmpi slt, %get3A_1123, %lt3A_1125 : vector<16xi32>
          %convert_element_type3A_1127 = arith.sitofp %get3A_1123 : vector<16xi32> to vector<16xf32>
          %mul3A_1128 = arith.mulf %gather3A_923, %convert_element_type3A_1127 : vector<16xf32>
          %select_n3A_1129 = arith.select %lt3A_1126, %mul3A_1128, %gather3A_1120 : vector<16xi1>, vector<16xf32>
          %swap3A_1130 = arith.constant 3 : i32
          %swap3A_1131 = arith.constant 0 : i32
          %swap3A_1132 = arith.constant 0 : i32
          %swap3A_1133 = arith.constant 0 : i32
          %swap3A_1134 = tpu.memref_slice %arg10[%rem3A_143, %swap3A_1131, %swap3A_1132, %swap3A_1133] : memref<3x8x8x128xf32, #tpu.memory_space<vmem>> -> memref<1x8x8x128xf32, #tpu.memory_space<vmem>>
          %swap3A_1135 = tpu.memref_squeeze %swap3A_1134 : memref<1x8x8x128xf32, #tpu.memory_space<vmem>> -> memref<8x8x128xf32, #tpu.memory_space<vmem>>
          %swap3A_1136 = arith.index_cast %scan3A_253 : i32 to index
          %swap3A_1137 = arith.index_cast %swap3A_1130 : i32 to index
          %swap3A_1138 = arith.constant 112 : index
          %swap3A_1139 = tpu.vector_load %swap3A_1135[%swap3A_1136, %swap3A_1137, %swap3A_1138] {strides = array<i32>} : memref<8x8x128xf32, #tpu.memory_space<vmem>>, vector<16xf32>,
          tpu.vector_store %swap3A_1135[%swap3A_1136, %swap3A_1137, %swap3A_1138], %select_n3A_1129 {strides = array<i32>} : memref<8x8x128xf32, #tpu.memory_space<vmem>>, vector<16xf32>,
          %mul3A_1140 = arith.constant 8 : i32
          %mul3A_1141 = arith.muli %scan3A_253, %mul3A_1140 : i32
          %add3A_1142 = arith.constant 4 : i32
          %add3A_1143 = arith.addi %mul3A_1141, %add3A_1142 : i32
          %broadcast_in_dim3A_1144 = vector.broadcast %add3A_1143 : i32 to vector<16xi32>
          %gather3A_1145 = tpu.vector_load_idx %arg8[%broadcast_in_dim3A_1144] : memref<64xf32, #tpu.memory_space<vmem>>[vector<16xi32>], vector<16xf32>,
          %add3A_1146 = arith.constant 0 : i32
          %add3A_1147 = vector.broadcast %add3A_1146 : i32 to vector<16xi32>
          %add3A_1148 = arith.addi %add3A_1147, %iota3A : vector<16xi32>
          %gather3A_1149 = arith.constant 0 : i32
          %gather3A_1150 = arith.constant 0 : i32
          %gather3A_1151 = tpu.memref_slice %arg9[%rem3A_143, %gather3A_1149, %gather3A_1150] : memref<3x128x64xf32, #tpu.memory_space<vmem>> -> memref<1x128x64xf32, #tpu.memory_space<vmem>>
          %gather3A_1152 = tpu.memref_squeeze %gather3A_1151 : memref<1x128x64xf32, #tpu.memory_space<vmem>> -> memref<128x64xf32, #tpu.memory_space<vmem>>
          %gather3A_1153 = tpu.vector_load_idx %gather3A_1152[%add3A_1148, %broadcast_in_dim3A_1144] : memref<128x64xf32, #tpu.memory_space<vmem>>[vector<16xi32>, vector<16xi32>], vector<16xf32>,
          %get3A_1154 = arith.index_cast %scan3A_141 : i32 to index
          %get3A_1155 = arith.constant 0 : index
          %get3A_1156 = tpu.vector_load %arg6[%get3A_1154, %get3A_1155] {strides = array<i32>} : memref<50x128xi32, #tpu.memory_space<vmem>>, vector<16xi32>,
          %lt3A_1157 = arith.constant 2 : i32
          %lt3A_1158 = vector.broadcast %lt3A_1157 : i32 to vector<16xi32>
          %lt3A_1159 = arith.cmpi slt, %get3A_1156, %lt3A_1158 : vector<16xi32>
          %convert_element_type3A_1160 = arith.sitofp %get3A_1156 : vector<16xi32> to vector<16xf32>
          %mul3A_1161 = arith.mulf %gather3A_1145, %convert_element_type3A_1160 : vector<16xf32>
          %select_n3A_1162 = arith.select %lt3A_1159, %mul3A_1161, %gather3A_1153 : vector<16xi1>, vector<16xf32>
          %swap3A_1163 = arith.constant 4 : i32
          %swap3A_1164 = arith.constant 0 : i32
          %swap3A_1165 = arith.constant 0 : i32
          %swap3A_1166 = arith.constant 0 : i32
          %swap3A_1167 = tpu.memref_slice %arg10[%rem3A_143, %swap3A_1164, %swap3A_1165, %swap3A_1166] : memref<3x8x8x128xf32, #tpu.memory_space<vmem>> -> memref<1x8x8x128xf32, #tpu.memory_space<vmem>>
          %swap3A_1168 = tpu.memref_squeeze %swap3A_1167 : memref<1x8x8x128xf32, #tpu.memory_space<vmem>> -> memref<8x8x128xf32, #tpu.memory_space<vmem>>
          %swap3A_1169 = arith.index_cast %scan3A_253 : i32 to index
          %swap3A_1170 = arith.index_cast %swap3A_1163 : i32 to index
          %swap3A_1171 = arith.constant 0 : index
          %swap3A_1172 = tpu.vector_load %swap3A_1168[%swap3A_1169, %swap3A_1170, %swap3A_1171] {strides = array<i32>} : memref<8x8x128xf32, #tpu.memory_space<vmem>>, vector<16xf32>,
          tpu.vector_store %swap3A_1168[%swap3A_1169, %swap3A_1170, %swap3A_1171], %select_n3A_1162 {strides = array<i32>} : memref<8x8x128xf32, #tpu.memory_space<vmem>>, vector<16xf32>,
          %add3A_1173 = arith.constant 16 : i32
          %add3A_1174 = vector.broadcast %add3A_1173 : i32 to vector<16xi32>
          %add3A_1175 = arith.addi %add3A_1174, %iota3A : vector<16xi32>
          %gather3A_1176 = arith.constant 0 : i32
          %gather3A_1177 = arith.constant 0 : i32
          %gather3A_1178 = tpu.memref_slice %arg9[%rem3A_143, %gather3A_1176, %gather3A_1177] : memref<3x128x64xf32, #tpu.memory_space<vmem>> -> memref<1x128x64xf32, #tpu.memory_space<vmem>>
          %gather3A_1179 = tpu.memref_squeeze %gather3A_1178 : memref<1x128x64xf32, #tpu.memory_space<vmem>> -> memref<128x64xf32, #tpu.memory_space<vmem>>
          %gather3A_1180 = tpu.vector_load_idx %gather3A_1179[%add3A_1175, %broadcast_in_dim3A_1144] : memref<128x64xf32, #tpu.memory_space<vmem>>[vector<16xi32>, vector<16xi32>], vector<16xf32>,
          %get3A_1181 = arith.index_cast %scan3A_141 : i32 to index
          %get3A_1182 = arith.constant 16 : index
          %get3A_1183 = tpu.vector_load %arg6[%get3A_1181, %get3A_1182] {strides = array<i32>} : memref<50x128xi32, #tpu.memory_space<vmem>>, vector<16xi32>,
          %lt3A_1184 = arith.constant 2 : i32
          %lt3A_1185 = vector.broadcast %lt3A_1184 : i32 to vector<16xi32>
          %lt3A_1186 = arith.cmpi slt, %get3A_1183, %lt3A_1185 : vector<16xi32>
          %convert_element_type3A_1187 = arith.sitofp %get3A_1183 : vector<16xi32> to vector<16xf32>
          %mul3A_1188 = arith.mulf %gather3A_1145, %convert_element_type3A_1187 : vector<16xf32>
          %select_n3A_1189 = arith.select %lt3A_1186, %mul3A_1188, %gather3A_1180 : vector<16xi1>, vector<16xf32>
          %swap3A_1190 = arith.constant 4 : i32
          %swap3A_1191 = arith.constant 0 : i32
          %swap3A_1192 = arith.constant 0 : i32
          %swap3A_1193 = arith.constant 0 : i32
          %swap3A_1194 = tpu.memref_slice %arg10[%rem3A_143, %swap3A_1191, %swap3A_1192, %swap3A_1193] : memref<3x8x8x128xf32, #tpu.memory_space<vmem>> -> memref<1x8x8x128xf32, #tpu.memory_space<vmem>>
          %swap3A_1195 = tpu.memref_squeeze %swap3A_1194 : memref<1x8x8x128xf32, #tpu.memory_space<vmem>> -> memref<8x8x128xf32, #tpu.memory_space<vmem>>
          %swap3A_1196 = arith.index_cast %scan3A_253 : i32 to index
          %swap3A_1197 = arith.index_cast %swap3A_1190 : i32 to index
          %swap3A_1198 = arith.constant 16 : index
          %swap3A_1199 = tpu.vector_load %swap3A_1195[%swap3A_1196, %swap3A_1197, %swap3A_1198] {strides = array<i32>} : memref<8x8x128xf32, #tpu.memory_space<vmem>>, vector<16xf32>,
          tpu.vector_store %swap3A_1195[%swap3A_1196, %swap3A_1197, %swap3A_1198], %select_n3A_1189 {strides = array<i32>} : memref<8x8x128xf32, #tpu.memory_space<vmem>>, vector<16xf32>,
          %add3A_1200 = arith.constant 32 : i32
          %add3A_1201 = vector.broadcast %add3A_1200 : i32 to vector<16xi32>
          %add3A_1202 = arith.addi %add3A_1201, %iota3A : vector<16xi32>
          %gather3A_1203 = arith.constant 0 : i32
          %gather3A_1204 = arith.constant 0 : i32
          %gather3A_1205 = tpu.memref_slice %arg9[%rem3A_143, %gather3A_1203, %gather3A_1204] : memref<3x128x64xf32, #tpu.memory_space<vmem>> -> memref<1x128x64xf32, #tpu.memory_space<vmem>>
          %gather3A_1206 = tpu.memref_squeeze %gather3A_1205 : memref<1x128x64xf32, #tpu.memory_space<vmem>> -> memref<128x64xf32, #tpu.memory_space<vmem>>
          %gather3A_1207 = tpu.vector_load_idx %gather3A_1206[%add3A_1202, %broadcast_in_dim3A_1144] : memref<128x64xf32, #tpu.memory_space<vmem>>[vector<16xi32>, vector<16xi32>], vector<16xf32>,
          %get3A_1208 = arith.index_cast %scan3A_141 : i32 to index
          %get3A_1209 = arith.constant 32 : index
          %get3A_1210 = tpu.vector_load %arg6[%get3A_1208, %get3A_1209] {strides = array<i32>} : memref<50x128xi32, #tpu.memory_space<vmem>>, vector<16xi32>,
          %lt3A_1211 = arith.constant 2 : i32
          %lt3A_1212 = vector.broadcast %lt3A_1211 : i32 to vector<16xi32>
          %lt3A_1213 = arith.cmpi slt, %get3A_1210, %lt3A_1212 : vector<16xi32>
          %convert_element_type3A_1214 = arith.sitofp %get3A_1210 : vector<16xi32> to vector<16xf32>
          %mul3A_1215 = arith.mulf %gather3A_1145, %convert_element_type3A_1214 : vector<16xf32>
          %select_n3A_1216 = arith.select %lt3A_1213, %mul3A_1215, %gather3A_1207 : vector<16xi1>, vector<16xf32>
          %swap3A_1217 = arith.constant 4 : i32
          %swap3A_1218 = arith.constant 0 : i32
          %swap3A_1219 = arith.constant 0 : i32
          %swap3A_1220 = arith.constant 0 : i32
          %swap3A_1221 = tpu.memref_slice %arg10[%rem3A_143, %swap3A_1218, %swap3A_1219, %swap3A_1220] : memref<3x8x8x128xf32, #tpu.memory_space<vmem>> -> memref<1x8x8x128xf32, #tpu.memory_space<vmem>>
          %swap3A_1222 = tpu.memref_squeeze %swap3A_1221 : memref<1x8x8x128xf32, #tpu.memory_space<vmem>> -> memref<8x8x128xf32, #tpu.memory_space<vmem>>
          %swap3A_1223 = arith.index_cast %scan3A_253 : i32 to index
          %swap3A_1224 = arith.index_cast %swap3A_1217 : i32 to index
          %swap3A_1225 = arith.constant 32 : index
          %swap3A_1226 = tpu.vector_load %swap3A_1222[%swap3A_1223, %swap3A_1224, %swap3A_1225] {strides = array<i32>} : memref<8x8x128xf32, #tpu.memory_space<vmem>>, vector<16xf32>,
          tpu.vector_store %swap3A_1222[%swap3A_1223, %swap3A_1224, %swap3A_1225], %select_n3A_1216 {strides = array<i32>} : memref<8x8x128xf32, #tpu.memory_space<vmem>>, vector<16xf32>,
          %add3A_1227 = arith.constant 48 : i32
          %add3A_1228 = vector.broadcast %add3A_1227 : i32 to vector<16xi32>
          %add3A_1229 = arith.addi %add3A_1228, %iota3A : vector<16xi32>
          %gather3A_1230 = arith.constant 0 : i32
          %gather3A_1231 = arith.constant 0 : i32
          %gather3A_1232 = tpu.memref_slice %arg9[%rem3A_143, %gather3A_1230, %gather3A_1231] : memref<3x128x64xf32, #tpu.memory_space<vmem>> -> memref<1x128x64xf32, #tpu.memory_space<vmem>>
          %gather3A_1233 = tpu.memref_squeeze %gather3A_1232 : memref<1x128x64xf32, #tpu.memory_space<vmem>> -> memref<128x64xf32, #tpu.memory_space<vmem>>
          %gather3A_1234 = tpu.vector_load_idx %gather3A_1233[%add3A_1229, %broadcast_in_dim3A_1144] : memref<128x64xf32, #tpu.memory_space<vmem>>[vector<16xi32>, vector<16xi32>], vector<16xf32>,
          %get3A_1235 = arith.index_cast %scan3A_141 : i32 to index
          %get3A_1236 = arith.constant 48 : index
          %get3A_1237 = tpu.vector_load %arg6[%get3A_1235, %get3A_1236] {strides = array<i32>} : memref<50x128xi32, #tpu.memory_space<vmem>>, vector<16xi32>,
          %lt3A_1238 = arith.constant 2 : i32
          %lt3A_1239 = vector.broadcast %lt3A_1238 : i32 to vector<16xi32>
          %lt3A_1240 = arith.cmpi slt, %get3A_1237, %lt3A_1239 : vector<16xi32>
          %convert_element_type3A_1241 = arith.sitofp %get3A_1237 : vector<16xi32> to vector<16xf32>
          %mul3A_1242 = arith.mulf %gather3A_1145, %convert_element_type3A_1241 : vector<16xf32>
          %select_n3A_1243 = arith.select %lt3A_1240, %mul3A_1242, %gather3A_1234 : vector<16xi1>, vector<16xf32>
          %swap3A_1244 = arith.constant 4 : i32
          %swap3A_1245 = arith.constant 0 : i32
          %swap3A_1246 = arith.constant 0 : i32
          %swap3A_1247 = arith.constant 0 : i32
          %swap3A_1248 = tpu.memref_slice %arg10[%rem3A_143, %swap3A_1245, %swap3A_1246, %swap3A_1247] : memref<3x8x8x128xf32, #tpu.memory_space<vmem>> -> memref<1x8x8x128xf32, #tpu.memory_space<vmem>>
          %swap3A_1249 = tpu.memref_squeeze %swap3A_1248 : memref<1x8x8x128xf32, #tpu.memory_space<vmem>> -> memref<8x8x128xf32, #tpu.memory_space<vmem>>
          %swap3A_1250 = arith.index_cast %scan3A_253 : i32 to index
          %swap3A_1251 = arith.index_cast %swap3A_1244 : i32 to index
          %swap3A_1252 = arith.constant 48 : index
          %swap3A_1253 = tpu.vector_load %swap3A_1249[%swap3A_1250, %swap3A_1251, %swap3A_1252] {strides = array<i32>} : memref<8x8x128xf32, #tpu.memory_space<vmem>>, vector<16xf32>,
          tpu.vector_store %swap3A_1249[%swap3A_1250, %swap3A_1251, %swap3A_1252], %select_n3A_1243 {strides = array<i32>} : memref<8x8x128xf32, #tpu.memory_space<vmem>>, vector<16xf32>,
          %add3A_1254 = arith.constant 64 : i32
          %add3A_1255 = vector.broadcast %add3A_1254 : i32 to vector<16xi32>
          %add3A_1256 = arith.addi %add3A_1255, %iota3A : vector<16xi32>
          %gather3A_1257 = arith.constant 0 : i32
          %gather3A_1258 = arith.constant 0 : i32
          %gather3A_1259 = tpu.memref_slice %arg9[%rem3A_143, %gather3A_1257, %gather3A_1258] : memref<3x128x64xf32, #tpu.memory_space<vmem>> -> memref<1x128x64xf32, #tpu.memory_space<vmem>>
          %gather3A_1260 = tpu.memref_squeeze %gather3A_1259 : memref<1x128x64xf32, #tpu.memory_space<vmem>> -> memref<128x64xf32, #tpu.memory_space<vmem>>
          %gather3A_1261 = tpu.vector_load_idx %gather3A_1260[%add3A_1256, %broadcast_in_dim3A_1144] : memref<128x64xf32, #tpu.memory_space<vmem>>[vector<16xi32>, vector<16xi32>], vector<16xf32>,
          %get3A_1262 = arith.index_cast %scan3A_141 : i32 to index
          %get3A_1263 = arith.constant 64 : index
          %get3A_1264 = tpu.vector_load %arg6[%get3A_1262, %get3A_1263] {strides = array<i32>} : memref<50x128xi32, #tpu.memory_space<vmem>>, vector<16xi32>,
          %lt3A_1265 = arith.constant 2 : i32
          %lt3A_1266 = vector.broadcast %lt3A_1265 : i32 to vector<16xi32>
          %lt3A_1267 = arith.cmpi slt, %get3A_1264, %lt3A_1266 : vector<16xi32>
          %convert_element_type3A_1268 = arith.sitofp %get3A_1264 : vector<16xi32> to vector<16xf32>
          %mul3A_1269 = arith.mulf %gather3A_1145, %convert_element_type3A_1268 : vector<16xf32>
          %select_n3A_1270 = arith.select %lt3A_1267, %mul3A_1269, %gather3A_1261 : vector<16xi1>, vector<16xf32>
          %swap3A_1271 = arith.constant 4 : i32
          %swap3A_1272 = arith.constant 0 : i32
          %swap3A_1273 = arith.constant 0 : i32
          %swap3A_1274 = arith.constant 0 : i32
          %swap3A_1275 = tpu.memref_slice %arg10[%rem3A_143, %swap3A_1272, %swap3A_1273, %swap3A_1274] : memref<3x8x8x128xf32, #tpu.memory_space<vmem>> -> memref<1x8x8x128xf32, #tpu.memory_space<vmem>>
          %swap3A_1276 = tpu.memref_squeeze %swap3A_1275 : memref<1x8x8x128xf32, #tpu.memory_space<vmem>> -> memref<8x8x128xf32, #tpu.memory_space<vmem>>
          %swap3A_1277 = arith.index_cast %scan3A_253 : i32 to index
          %swap3A_1278 = arith.index_cast %swap3A_1271 : i32 to index
          %swap3A_1279 = arith.constant 64 : index
          %swap3A_1280 = tpu.vector_load %swap3A_1276[%swap3A_1277, %swap3A_1278, %swap3A_1279] {strides = array<i32>} : memref<8x8x128xf32, #tpu.memory_space<vmem>>, vector<16xf32>,
          tpu.vector_store %swap3A_1276[%swap3A_1277, %swap3A_1278, %swap3A_1279], %select_n3A_1270 {strides = array<i32>} : memref<8x8x128xf32, #tpu.memory_space<vmem>>, vector<16xf32>,
          %add3A_1281 = arith.constant 80 : i32
          %add3A_1282 = vector.broadcast %add3A_1281 : i32 to vector<16xi32>
          %add3A_1283 = arith.addi %add3A_1282, %iota3A : vector<16xi32>
          %gather3A_1284 = arith.constant 0 : i32
          %gather3A_1285 = arith.constant 0 : i32
          %gather3A_1286 = tpu.memref_slice %arg9[%rem3A_143, %gather3A_1284, %gather3A_1285] : memref<3x128x64xf32, #tpu.memory_space<vmem>> -> memref<1x128x64xf32, #tpu.memory_space<vmem>>
          %gather3A_1287 = tpu.memref_squeeze %gather3A_1286 : memref<1x128x64xf32, #tpu.memory_space<vmem>> -> memref<128x64xf32, #tpu.memory_space<vmem>>
          %gather3A_1288 = tpu.vector_load_idx %gather3A_1287[%add3A_1283, %broadcast_in_dim3A_1144] : memref<128x64xf32, #tpu.memory_space<vmem>>[vector<16xi32>, vector<16xi32>], vector<16xf32>,
          %get3A_1289 = arith.index_cast %scan3A_141 : i32 to index
          %get3A_1290 = arith.constant 80 : index
          %get3A_1291 = tpu.vector_load %arg6[%get3A_1289, %get3A_1290] {strides = array<i32>} : memref<50x128xi32, #tpu.memory_space<vmem>>, vector<16xi32>,
          %lt3A_1292 = arith.constant 2 : i32
          %lt3A_1293 = vector.broadcast %lt3A_1292 : i32 to vector<16xi32>
          %lt3A_1294 = arith.cmpi slt, %get3A_1291, %lt3A_1293 : vector<16xi32>
          %convert_element_type3A_1295 = arith.sitofp %get3A_1291 : vector<16xi32> to vector<16xf32>
          %mul3A_1296 = arith.mulf %gather3A_1145, %convert_element_type3A_1295 : vector<16xf32>
          %select_n3A_1297 = arith.select %lt3A_1294, %mul3A_1296, %gather3A_1288 : vector<16xi1>, vector<16xf32>
          %swap3A_1298 = arith.constant 4 : i32
          %swap3A_1299 = arith.constant 0 : i32
          %swap3A_1300 = arith.constant 0 : i32
          %swap3A_1301 = arith.constant 0 : i32
          %swap3A_1302 = tpu.memref_slice %arg10[%rem3A_143, %swap3A_1299, %swap3A_1300, %swap3A_1301] : memref<3x8x8x128xf32, #tpu.memory_space<vmem>> -> memref<1x8x8x128xf32, #tpu.memory_space<vmem>>
          %swap3A_1303 = tpu.memref_squeeze %swap3A_1302 : memref<1x8x8x128xf32, #tpu.memory_space<vmem>> -> memref<8x8x128xf32, #tpu.memory_space<vmem>>
          %swap3A_1304 = arith.index_cast %scan3A_253 : i32 to index
          %swap3A_1305 = arith.index_cast %swap3A_1298 : i32 to index
          %swap3A_1306 = arith.constant 80 : index
          %swap3A_1307 = tpu.vector_load %swap3A_1303[%swap3A_1304, %swap3A_1305, %swap3A_1306] {strides = array<i32>} : memref<8x8x128xf32, #tpu.memory_space<vmem>>, vector<16xf32>,
          tpu.vector_store %swap3A_1303[%swap3A_1304, %swap3A_1305, %swap3A_1306], %select_n3A_1297 {strides = array<i32>} : memref<8x8x128xf32, #tpu.memory_space<vmem>>, vector<16xf32>,
          %add3A_1308 = arith.constant 96 : i32
          %add3A_1309 = vector.broadcast %add3A_1308 : i32 to vector<16xi32>
          %add3A_1310 = arith.addi %add3A_1309, %iota3A : vector<16xi32>
          %gather3A_1311 = arith.constant 0 : i32
          %gather3A_1312 = arith.constant 0 : i32
          %gather3A_1313 = tpu.memref_slice %arg9[%rem3A_143, %gather3A_1311, %gather3A_1312] : memref<3x128x64xf32, #tpu.memory_space<vmem>> -> memref<1x128x64xf32, #tpu.memory_space<vmem>>
          %gather3A_1314 = tpu.memref_squeeze %gather3A_1313 : memref<1x128x64xf32, #tpu.memory_space<vmem>> -> memref<128x64xf32, #tpu.memory_space<vmem>>
          %gather3A_1315 = tpu.vector_load_idx %gather3A_1314[%add3A_1310, %broadcast_in_dim3A_1144] : memref<128x64xf32, #tpu.memory_space<vmem>>[vector<16xi32>, vector<16xi32>], vector<16xf32>,
          %get3A_1316 = arith.index_cast %scan3A_141 : i32 to index
          %get3A_1317 = arith.constant 96 : index
          %get3A_1318 = tpu.vector_load %arg6[%get3A_1316, %get3A_1317] {strides = array<i32>} : memref<50x128xi32, #tpu.memory_space<vmem>>, vector<16xi32>,
          %lt3A_1319 = arith.constant 2 : i32
          %lt3A_1320 = vector.broadcast %lt3A_1319 : i32 to vector<16xi32>
          %lt3A_1321 = arith.cmpi slt, %get3A_1318, %lt3A_1320 : vector<16xi32>
          %convert_element_type3A_1322 = arith.sitofp %get3A_1318 : vector<16xi32> to vector<16xf32>
          %mul3A_1323 = arith.mulf %gather3A_1145, %convert_element_type3A_1322 : vector<16xf32>
          %select_n3A_1324 = arith.select %lt3A_1321, %mul3A_1323, %gather3A_1315 : vector<16xi1>, vector<16xf32>
          %swap3A_1325 = arith.constant 4 : i32
          %swap3A_1326 = arith.constant 0 : i32
          %swap3A_1327 = arith.constant 0 : i32
          %swap3A_1328 = arith.constant 0 : i32
          %swap3A_1329 = tpu.memref_slice %arg10[%rem3A_143, %swap3A_1326, %swap3A_1327, %swap3A_1328] : memref<3x8x8x128xf32, #tpu.memory_space<vmem>> -> memref<1x8x8x128xf32, #tpu.memory_space<vmem>>
          %swap3A_1330 = tpu.memref_squeeze %swap3A_1329 : memref<1x8x8x128xf32, #tpu.memory_space<vmem>> -> memref<8x8x128xf32, #tpu.memory_space<vmem>>
          %swap3A_1331 = arith.index_cast %scan3A_253 : i32 to index
          %swap3A_1332 = arith.index_cast %swap3A_1325 : i32 to index
          %swap3A_1333 = arith.constant 96 : index
          %swap3A_1334 = tpu.vector_load %swap3A_1330[%swap3A_1331, %swap3A_1332, %swap3A_1333] {strides = array<i32>} : memref<8x8x128xf32, #tpu.memory_space<vmem>>, vector<16xf32>,
          tpu.vector_store %swap3A_1330[%swap3A_1331, %swap3A_1332, %swap3A_1333], %select_n3A_1324 {strides = array<i32>} : memref<8x8x128xf32, #tpu.memory_space<vmem>>, vector<16xf32>,
          %add3A_1335 = arith.constant 112 : i32
          %add3A_1336 = vector.broadcast %add3A_1335 : i32 to vector<16xi32>
          %add3A_1337 = arith.addi %add3A_1336, %iota3A : vector<16xi32>
          %gather3A_1338 = arith.constant 0 : i32
          %gather3A_1339 = arith.constant 0 : i32
          %gather3A_1340 = tpu.memref_slice %arg9[%rem3A_143, %gather3A_1338, %gather3A_1339] : memref<3x128x64xf32, #tpu.memory_space<vmem>> -> memref<1x128x64xf32, #tpu.memory_space<vmem>>
          %gather3A_1341 = tpu.memref_squeeze %gather3A_1340 : memref<1x128x64xf32, #tpu.memory_space<vmem>> -> memref<128x64xf32, #tpu.memory_space<vmem>>
          %gather3A_1342 = tpu.vector_load_idx %gather3A_1341[%add3A_1337, %broadcast_in_dim3A_1144] : memref<128x64xf32, #tpu.memory_space<vmem>>[vector<16xi32>, vector<16xi32>], vector<16xf32>,
          %get3A_1343 = arith.index_cast %scan3A_141 : i32 to index
          %get3A_1344 = arith.constant 112 : index
          %get3A_1345 = tpu.vector_load %arg6[%get3A_1343, %get3A_1344] {strides = array<i32>} : memref<50x128xi32, #tpu.memory_space<vmem>>, vector<16xi32>,
          %lt3A_1346 = arith.constant 2 : i32
          %lt3A_1347 = vector.broadcast %lt3A_1346 : i32 to vector<16xi32>
          %lt3A_1348 = arith.cmpi slt, %get3A_1345, %lt3A_1347 : vector<16xi32>
          %convert_element_type3A_1349 = arith.sitofp %get3A_1345 : vector<16xi32> to vector<16xf32>
          %mul3A_1350 = arith.mulf %gather3A_1145, %convert_element_type3A_1349 : vector<16xf32>
          %select_n3A_1351 = arith.select %lt3A_1348, %mul3A_1350, %gather3A_1342 : vector<16xi1>, vector<16xf32>
          %swap3A_1352 = arith.constant 4 : i32
          %swap3A_1353 = arith.constant 0 : i32
          %swap3A_1354 = arith.constant 0 : i32
          %swap3A_1355 = arith.constant 0 : i32
          %swap3A_1356 = tpu.memref_slice %arg10[%rem3A_143, %swap3A_1353, %swap3A_1354, %swap3A_1355] : memref<3x8x8x128xf32, #tpu.memory_space<vmem>> -> memref<1x8x8x128xf32, #tpu.memory_space<vmem>>
          %swap3A_1357 = tpu.memref_squeeze %swap3A_1356 : memref<1x8x8x128xf32, #tpu.memory_space<vmem>> -> memref<8x8x128xf32, #tpu.memory_space<vmem>>
          %swap3A_1358 = arith.index_cast %scan3A_253 : i32 to index
          %swap3A_1359 = arith.index_cast %swap3A_1352 : i32 to index
          %swap3A_1360 = arith.constant 112 : index
          %swap3A_1361 = tpu.vector_load %swap3A_1357[%swap3A_1358, %swap3A_1359, %swap3A_1360] {strides = array<i32>} : memref<8x8x128xf32, #tpu.memory_space<vmem>>, vector<16xf32>,
          tpu.vector_store %swap3A_1357[%swap3A_1358, %swap3A_1359, %swap3A_1360], %select_n3A_1351 {strides = array<i32>} : memref<8x8x128xf32, #tpu.memory_space<vmem>>, vector<16xf32>,
          %mul3A_1362 = arith.constant 8 : i32
          %mul3A_1363 = arith.muli %scan3A_253, %mul3A_1362 : i32
          %add3A_1364 = arith.constant 5 : i32
          %add3A_1365 = arith.addi %mul3A_1363, %add3A_1364 : i32
          %broadcast_in_dim3A_1366 = vector.broadcast %add3A_1365 : i32 to vector<16xi32>
          %gather3A_1367 = tpu.vector_load_idx %arg8[%broadcast_in_dim3A_1366] : memref<64xf32, #tpu.memory_space<vmem>>[vector<16xi32>], vector<16xf32>,
          %add3A_1368 = arith.constant 0 : i32
          %add3A_1369 = vector.broadcast %add3A_1368 : i32 to vector<16xi32>
          %add3A_1370 = arith.addi %add3A_1369, %iota3A : vector<16xi32>
          %gather3A_1371 = arith.constant 0 : i32
          %gather3A_1372 = arith.constant 0 : i32
          %gather3A_1373 = tpu.memref_slice %arg9[%rem3A_143, %gather3A_1371, %gather3A_1372] : memref<3x128x64xf32, #tpu.memory_space<vmem>> -> memref<1x128x64xf32, #tpu.memory_space<vmem>>
          %gather3A_1374 = tpu.memref_squeeze %gather3A_1373 : memref<1x128x64xf32, #tpu.memory_space<vmem>> -> memref<128x64xf32, #tpu.memory_space<vmem>>
          %gather3A_1375 = tpu.vector_load_idx %gather3A_1374[%add3A_1370, %broadcast_in_dim3A_1366] : memref<128x64xf32, #tpu.memory_space<vmem>>[vector<16xi32>, vector<16xi32>], vector<16xf32>,
          %get3A_1376 = arith.index_cast %scan3A_141 : i32 to index
          %get3A_1377 = arith.constant 0 : index
          %get3A_1378 = tpu.vector_load %arg6[%get3A_1376, %get3A_1377] {strides = array<i32>} : memref<50x128xi32, #tpu.memory_space<vmem>>, vector<16xi32>,
          %lt3A_1379 = arith.constant 2 : i32
          %lt3A_1380 = vector.broadcast %lt3A_1379 : i32 to vector<16xi32>
          %lt3A_1381 = arith.cmpi slt, %get3A_1378, %lt3A_1380 : vector<16xi32>
          %convert_element_type3A_1382 = arith.sitofp %get3A_1378 : vector<16xi32> to vector<16xf32>
          %mul3A_1383 = arith.mulf %gather3A_1367, %convert_element_type3A_1382 : vector<16xf32>
          %select_n3A_1384 = arith.select %lt3A_1381, %mul3A_1383, %gather3A_1375 : vector<16xi1>, vector<16xf32>
          %swap3A_1385 = arith.constant 5 : i32
          %swap3A_1386 = arith.constant 0 : i32
          %swap3A_1387 = arith.constant 0 : i32
          %swap3A_1388 = arith.constant 0 : i32
          %swap3A_1389 = tpu.memref_slice %arg10[%rem3A_143, %swap3A_1386, %swap3A_1387, %swap3A_1388] : memref<3x8x8x128xf32, #tpu.memory_space<vmem>> -> memref<1x8x8x128xf32, #tpu.memory_space<vmem>>
          %swap3A_1390 = tpu.memref_squeeze %swap3A_1389 : memref<1x8x8x128xf32, #tpu.memory_space<vmem>> -> memref<8x8x128xf32, #tpu.memory_space<vmem>>
          %swap3A_1391 = arith.index_cast %scan3A_253 : i32 to index
          %swap3A_1392 = arith.index_cast %swap3A_1385 : i32 to index
          %swap3A_1393 = arith.constant 0 : index
          %swap3A_1394 = tpu.vector_load %swap3A_1390[%swap3A_1391, %swap3A_1392, %swap3A_1393] {strides = array<i32>} : memref<8x8x128xf32, #tpu.memory_space<vmem>>, vector<16xf32>,
          tpu.vector_store %swap3A_1390[%swap3A_1391, %swap3A_1392, %swap3A_1393], %select_n3A_1384 {strides = array<i32>} : memref<8x8x128xf32, #tpu.memory_space<vmem>>, vector<16xf32>,
          %add3A_1395 = arith.constant 16 : i32
          %add3A_1396 = vector.broadcast %add3A_1395 : i32 to vector<16xi32>
          %add3A_1397 = arith.addi %add3A_1396, %iota3A : vector<16xi32>
          %gather3A_1398 = arith.constant 0 : i32
          %gather3A_1399 = arith.constant 0 : i32
          %gather3A_1400 = tpu.memref_slice %arg9[%rem3A_143, %gather3A_1398, %gather3A_1399] : memref<3x128x64xf32, #tpu.memory_space<vmem>> -> memref<1x128x64xf32, #tpu.memory_space<vmem>>
          %gather3A_1401 = tpu.memref_squeeze %gather3A_1400 : memref<1x128x64xf32, #tpu.memory_space<vmem>> -> memref<128x64xf32, #tpu.memory_space<vmem>>
          %gather3A_1402 = tpu.vector_load_idx %gather3A_1401[%add3A_1397, %broadcast_in_dim3A_1366] : memref<128x64xf32, #tpu.memory_space<vmem>>[vector<16xi32>, vector<16xi32>], vector<16xf32>,
          %get3A_1403 = arith.index_cast %scan3A_141 : i32 to index
          %get3A_1404 = arith.constant 16 : index
          %get3A_1405 = tpu.vector_load %arg6[%get3A_1403, %get3A_1404] {strides = array<i32>} : memref<50x128xi32, #tpu.memory_space<vmem>>, vector<16xi32>,
          %lt3A_1406 = arith.constant 2 : i32
          %lt3A_1407 = vector.broadcast %lt3A_1406 : i32 to vector<16xi32>
          %lt3A_1408 = arith.cmpi slt, %get3A_1405, %lt3A_1407 : vector<16xi32>
          %convert_element_type3A_1409 = arith.sitofp %get3A_1405 : vector<16xi32> to vector<16xf32>
          %mul3A_1410 = arith.mulf %gather3A_1367, %convert_element_type3A_1409 : vector<16xf32>
          %select_n3A_1411 = arith.select %lt3A_1408, %mul3A_1410, %gather3A_1402 : vector<16xi1>, vector<16xf32>
          %swap3A_1412 = arith.constant 5 : i32
          %swap3A_1413 = arith.constant 0 : i32
          %swap3A_1414 = arith.constant 0 : i32
          %swap3A_1415 = arith.constant 0 : i32
          %swap3A_1416 = tpu.memref_slice %arg10[%rem3A_143, %swap3A_1413, %swap3A_1414, %swap3A_1415] : memref<3x8x8x128xf32, #tpu.memory_space<vmem>> -> memref<1x8x8x128xf32, #tpu.memory_space<vmem>>
          %swap3A_1417 = tpu.memref_squeeze %swap3A_1416 : memref<1x8x8x128xf32, #tpu.memory_space<vmem>> -> memref<8x8x128xf32, #tpu.memory_space<vmem>>
          %swap3A_1418 = arith.index_cast %scan3A_253 : i32 to index
          %swap3A_1419 = arith.index_cast %swap3A_1412 : i32 to index
          %swap3A_1420 = arith.constant 16 : index
          %swap3A_1421 = tpu.vector_load %swap3A_1417[%swap3A_1418, %swap3A_1419, %swap3A_1420] {strides = array<i32>} : memref<8x8x128xf32, #tpu.memory_space<vmem>>, vector<16xf32>,
          tpu.vector_store %swap3A_1417[%swap3A_1418, %swap3A_1419, %swap3A_1420], %select_n3A_1411 {strides = array<i32>} : memref<8x8x128xf32, #tpu.memory_space<vmem>>, vector<16xf32>,
          %add3A_1422 = arith.constant 32 : i32
          %add3A_1423 = vector.broadcast %add3A_1422 : i32 to vector<16xi32>
          %add3A_1424 = arith.addi %add3A_1423, %iota3A : vector<16xi32>
          %gather3A_1425 = arith.constant 0 : i32
          %gather3A_1426 = arith.constant 0 : i32
          %gather3A_1427 = tpu.memref_slice %arg9[%rem3A_143, %gather3A_1425, %gather3A_1426] : memref<3x128x64xf32, #tpu.memory_space<vmem>> -> memref<1x128x64xf32, #tpu.memory_space<vmem>>
          %gather3A_1428 = tpu.memref_squeeze %gather3A_1427 : memref<1x128x64xf32, #tpu.memory_space<vmem>> -> memref<128x64xf32, #tpu.memory_space<vmem>>
          %gather3A_1429 = tpu.vector_load_idx %gather3A_1428[%add3A_1424, %broadcast_in_dim3A_1366] : memref<128x64xf32, #tpu.memory_space<vmem>>[vector<16xi32>, vector<16xi32>], vector<16xf32>,
          %get3A_1430 = arith.index_cast %scan3A_141 : i32 to index
          %get3A_1431 = arith.constant 32 : index
          %get3A_1432 = tpu.vector_load %arg6[%get3A_1430, %get3A_1431] {strides = array<i32>} : memref<50x128xi32, #tpu.memory_space<vmem>>, vector<16xi32>,
          %lt3A_1433 = arith.constant 2 : i32
          %lt3A_1434 = vector.broadcast %lt3A_1433 : i32 to vector<16xi32>
          %lt3A_1435 = arith.cmpi slt, %get3A_1432, %lt3A_1434 : vector<16xi32>
          %convert_element_type3A_1436 = arith.sitofp %get3A_1432 : vector<16xi32> to vector<16xf32>
          %mul3A_1437 = arith.mulf %gather3A_1367, %convert_element_type3A_1436 : vector<16xf32>
          %select_n3A_1438 = arith.select %lt3A_1435, %mul3A_1437, %gather3A_1429 : vector<16xi1>, vector<16xf32>
          %swap3A_1439 = arith.constant 5 : i32
          %swap3A_1440 = arith.constant 0 : i32
          %swap3A_1441 = arith.constant 0 : i32
          %swap3A_1442 = arith.constant 0 : i32
          %swap3A_1443 = tpu.memref_slice %arg10[%rem3A_143, %swap3A_1440, %swap3A_1441, %swap3A_1442] : memref<3x8x8x128xf32, #tpu.memory_space<vmem>> -> memref<1x8x8x128xf32, #tpu.memory_space<vmem>>
          %swap3A_1444 = tpu.memref_squeeze %swap3A_1443 : memref<1x8x8x128xf32, #tpu.memory_space<vmem>> -> memref<8x8x128xf32, #tpu.memory_space<vmem>>
          %swap3A_1445 = arith.index_cast %scan3A_253 : i32 to index
          %swap3A_1446 = arith.index_cast %swap3A_1439 : i32 to index
          %swap3A_1447 = arith.constant 32 : index
          %swap3A_1448 = tpu.vector_load %swap3A_1444[%swap3A_1445, %swap3A_1446, %swap3A_1447] {strides = array<i32>} : memref<8x8x128xf32, #tpu.memory_space<vmem>>, vector<16xf32>,
          tpu.vector_store %swap3A_1444[%swap3A_1445, %swap3A_1446, %swap3A_1447], %select_n3A_1438 {strides = array<i32>} : memref<8x8x128xf32, #tpu.memory_space<vmem>>, vector<16xf32>,
          %add3A_1449 = arith.constant 48 : i32
          %add3A_1450 = vector.broadcast %add3A_1449 : i32 to vector<16xi32>
          %add3A_1451 = arith.addi %add3A_1450, %iota3A : vector<16xi32>
          %gather3A_1452 = arith.constant 0 : i32
          %gather3A_1453 = arith.constant 0 : i32
          %gather3A_1454 = tpu.memref_slice %arg9[%rem3A_143, %gather3A_1452, %gather3A_1453] : memref<3x128x64xf32, #tpu.memory_space<vmem>> -> memref<1x128x64xf32, #tpu.memory_space<vmem>>
          %gather3A_1455 = tpu.memref_squeeze %gather3A_1454 : memref<1x128x64xf32, #tpu.memory_space<vmem>> -> memref<128x64xf32, #tpu.memory_space<vmem>>
          %gather3A_1456 = tpu.vector_load_idx %gather3A_1455[%add3A_1451, %broadcast_in_dim3A_1366] : memref<128x64xf32, #tpu.memory_space<vmem>>[vector<16xi32>, vector<16xi32>], vector<16xf32>,
          %get3A_1457 = arith.index_cast %scan3A_141 : i32 to index
          %get3A_1458 = arith.constant 48 : index
          %get3A_1459 = tpu.vector_load %arg6[%get3A_1457, %get3A_1458] {strides = array<i32>} : memref<50x128xi32, #tpu.memory_space<vmem>>, vector<16xi32>,
          %lt3A_1460 = arith.constant 2 : i32
          %lt3A_1461 = vector.broadcast %lt3A_1460 : i32 to vector<16xi32>
          %lt3A_1462 = arith.cmpi slt, %get3A_1459, %lt3A_1461 : vector<16xi32>
          %convert_element_type3A_1463 = arith.sitofp %get3A_1459 : vector<16xi32> to vector<16xf32>
          %mul3A_1464 = arith.mulf %gather3A_1367, %convert_element_type3A_1463 : vector<16xf32>
          %select_n3A_1465 = arith.select %lt3A_1462, %mul3A_1464, %gather3A_1456 : vector<16xi1>, vector<16xf32>
          %swap3A_1466 = arith.constant 5 : i32
          %swap3A_1467 = arith.constant 0 : i32
          %swap3A_1468 = arith.constant 0 : i32
          %swap3A_1469 = arith.constant 0 : i32
          %swap3A_1470 = tpu.memref_slice %arg10[%rem3A_143, %swap3A_1467, %swap3A_1468, %swap3A_1469] : memref<3x8x8x128xf32, #tpu.memory_space<vmem>> -> memref<1x8x8x128xf32, #tpu.memory_space<vmem>>
          %swap3A_1471 = tpu.memref_squeeze %swap3A_1470 : memref<1x8x8x128xf32, #tpu.memory_space<vmem>> -> memref<8x8x128xf32, #tpu.memory_space<vmem>>
          %swap3A_1472 = arith.index_cast %scan3A_253 : i32 to index
          %swap3A_1473 = arith.index_cast %swap3A_1466 : i32 to index
          %swap3A_1474 = arith.constant 48 : index
          %swap3A_1475 = tpu.vector_load %swap3A_1471[%swap3A_1472, %swap3A_1473, %swap3A_1474] {strides = array<i32>} : memref<8x8x128xf32, #tpu.memory_space<vmem>>, vector<16xf32>,
          tpu.vector_store %swap3A_1471[%swap3A_1472, %swap3A_1473, %swap3A_1474], %select_n3A_1465 {strides = array<i32>} : memref<8x8x128xf32, #tpu.memory_space<vmem>>, vector<16xf32>,
          %add3A_1476 = arith.constant 64 : i32
          %add3A_1477 = vector.broadcast %add3A_1476 : i32 to vector<16xi32>
          %add3A_1478 = arith.addi %add3A_1477, %iota3A : vector<16xi32>
          %gather3A_1479 = arith.constant 0 : i32
          %gather3A_1480 = arith.constant 0 : i32
          %gather3A_1481 = tpu.memref_slice %arg9[%rem3A_143, %gather3A_1479, %gather3A_1480] : memref<3x128x64xf32, #tpu.memory_space<vmem>> -> memref<1x128x64xf32, #tpu.memory_space<vmem>>
          %gather3A_1482 = tpu.memref_squeeze %gather3A_1481 : memref<1x128x64xf32, #tpu.memory_space<vmem>> -> memref<128x64xf32, #tpu.memory_space<vmem>>
          %gather3A_1483 = tpu.vector_load_idx %gather3A_1482[%add3A_1478, %broadcast_in_dim3A_1366] : memref<128x64xf32, #tpu.memory_space<vmem>>[vector<16xi32>, vector<16xi32>], vector<16xf32>,
          %get3A_1484 = arith.index_cast %scan3A_141 : i32 to index
          %get3A_1485 = arith.constant 64 : index
          %get3A_1486 = tpu.vector_load %arg6[%get3A_1484, %get3A_1485] {strides = array<i32>} : memref<50x128xi32, #tpu.memory_space<vmem>>, vector<16xi32>,
          %lt3A_1487 = arith.constant 2 : i32
          %lt3A_1488 = vector.broadcast %lt3A_1487 : i32 to vector<16xi32>
          %lt3A_1489 = arith.cmpi slt, %get3A_1486, %lt3A_1488 : vector<16xi32>
          %convert_element_type3A_1490 = arith.sitofp %get3A_1486 : vector<16xi32> to vector<16xf32>
          %mul3A_1491 = arith.mulf %gather3A_1367, %convert_element_type3A_1490 : vector<16xf32>
          %select_n3A_1492 = arith.select %lt3A_1489, %mul3A_1491, %gather3A_1483 : vector<16xi1>, vector<16xf32>
          %swap3A_1493 = arith.constant 5 : i32
          %swap3A_1494 = arith.constant 0 : i32
          %swap3A_1495 = arith.constant 0 : i32
          %swap3A_1496 = arith.constant 0 : i32
          %swap3A_1497 = tpu.memref_slice %arg10[%rem3A_143, %swap3A_1494, %swap3A_1495, %swap3A_1496] : memref<3x8x8x128xf32, #tpu.memory_space<vmem>> -> memref<1x8x8x128xf32, #tpu.memory_space<vmem>>
          %swap3A_1498 = tpu.memref_squeeze %swap3A_1497 : memref<1x8x8x128xf32, #tpu.memory_space<vmem>> -> memref<8x8x128xf32, #tpu.memory_space<vmem>>
          %swap3A_1499 = arith.index_cast %scan3A_253 : i32 to index
          %swap3A_1500 = arith.index_cast %swap3A_1493 : i32 to index
          %swap3A_1501 = arith.constant 64 : index
          %swap3A_1502 = tpu.vector_load %swap3A_1498[%swap3A_1499, %swap3A_1500, %swap3A_1501] {strides = array<i32>} : memref<8x8x128xf32, #tpu.memory_space<vmem>>, vector<16xf32>,
          tpu.vector_store %swap3A_1498[%swap3A_1499, %swap3A_1500, %swap3A_1501], %select_n3A_1492 {strides = array<i32>} : memref<8x8x128xf32, #tpu.memory_space<vmem>>, vector<16xf32>,
          %add3A_1503 = arith.constant 80 : i32
          %add3A_1504 = vector.broadcast %add3A_1503 : i32 to vector<16xi32>
          %add3A_1505 = arith.addi %add3A_1504, %iota3A : vector<16xi32>
          %gather3A_1506 = arith.constant 0 : i32
          %gather3A_1507 = arith.constant 0 : i32
          %gather3A_1508 = tpu.memref_slice %arg9[%rem3A_143, %gather3A_1506, %gather3A_1507] : memref<3x128x64xf32, #tpu.memory_space<vmem>> -> memref<1x128x64xf32, #tpu.memory_space<vmem>>
          %gather3A_1509 = tpu.memref_squeeze %gather3A_1508 : memref<1x128x64xf32, #tpu.memory_space<vmem>> -> memref<128x64xf32, #tpu.memory_space<vmem>>
          %gather3A_1510 = tpu.vector_load_idx %gather3A_1509[%add3A_1505, %broadcast_in_dim3A_1366] : memref<128x64xf32, #tpu.memory_space<vmem>>[vector<16xi32>, vector<16xi32>], vector<16xf32>,
          %get3A_1511 = arith.index_cast %scan3A_141 : i32 to index
          %get3A_1512 = arith.constant 80 : index
          %get3A_1513 = tpu.vector_load %arg6[%get3A_1511, %get3A_1512] {strides = array<i32>} : memref<50x128xi32, #tpu.memory_space<vmem>>, vector<16xi32>,
          %lt3A_1514 = arith.constant 2 : i32
          %lt3A_1515 = vector.broadcast %lt3A_1514 : i32 to vector<16xi32>
          %lt3A_1516 = arith.cmpi slt, %get3A_1513, %lt3A_1515 : vector<16xi32>
          %convert_element_type3A_1517 = arith.sitofp %get3A_1513 : vector<16xi32> to vector<16xf32>
          %mul3A_1518 = arith.mulf %gather3A_1367, %convert_element_type3A_1517 : vector<16xf32>
          %select_n3A_1519 = arith.select %lt3A_1516, %mul3A_1518, %gather3A_1510 : vector<16xi1>, vector<16xf32>
          %swap3A_1520 = arith.constant 5 : i32
          %swap3A_1521 = arith.constant 0 : i32
          %swap3A_1522 = arith.constant 0 : i32
          %swap3A_1523 = arith.constant 0 : i32
          %swap3A_1524 = tpu.memref_slice %arg10[%rem3A_143, %swap3A_1521, %swap3A_1522, %swap3A_1523] : memref<3x8x8x128xf32, #tpu.memory_space<vmem>> -> memref<1x8x8x128xf32, #tpu.memory_space<vmem>>
          %swap3A_1525 = tpu.memref_squeeze %swap3A_1524 : memref<1x8x8x128xf32, #tpu.memory_space<vmem>> -> memref<8x8x128xf32, #tpu.memory_space<vmem>>
          %swap3A_1526 = arith.index_cast %scan3A_253 : i32 to index
          %swap3A_1527 = arith.index_cast %swap3A_1520 : i32 to index
          %swap3A_1528 = arith.constant 80 : index
          %swap3A_1529 = tpu.vector_load %swap3A_1525[%swap3A_1526, %swap3A_1527, %swap3A_1528] {strides = array<i32>} : memref<8x8x128xf32, #tpu.memory_space<vmem>>, vector<16xf32>,
          tpu.vector_store %swap3A_1525[%swap3A_1526, %swap3A_1527, %swap3A_1528], %select_n3A_1519 {strides = array<i32>} : memref<8x8x128xf32, #tpu.memory_space<vmem>>, vector<16xf32>,
          %add3A_1530 = arith.constant 96 : i32
          %add3A_1531 = vector.broadcast %add3A_1530 : i32 to vector<16xi32>
          %add3A_1532 = arith.addi %add3A_1531, %iota3A : vector<16xi32>
          %gather3A_1533 = arith.constant 0 : i32
          %gather3A_1534 = arith.constant 0 : i32
          %gather3A_1535 = tpu.memref_slice %arg9[%rem3A_143, %gather3A_1533, %gather3A_1534] : memref<3x128x64xf32, #tpu.memory_space<vmem>> -> memref<1x128x64xf32, #tpu.memory_space<vmem>>
          %gather3A_1536 = tpu.memref_squeeze %gather3A_1535 : memref<1x128x64xf32, #tpu.memory_space<vmem>> -> memref<128x64xf32, #tpu.memory_space<vmem>>
          %gather3A_1537 = tpu.vector_load_idx %gather3A_1536[%add3A_1532, %broadcast_in_dim3A_1366] : memref<128x64xf32, #tpu.memory_space<vmem>>[vector<16xi32>, vector<16xi32>], vector<16xf32>,
          %get3A_1538 = arith.index_cast %scan3A_141 : i32 to index
          %get3A_1539 = arith.constant 96 : index
          %get3A_1540 = tpu.vector_load %arg6[%get3A_1538, %get3A_1539] {strides = array<i32>} : memref<50x128xi32, #tpu.memory_space<vmem>>, vector<16xi32>,
          %lt3A_1541 = arith.constant 2 : i32
          %lt3A_1542 = vector.broadcast %lt3A_1541 : i32 to vector<16xi32>
          %lt3A_1543 = arith.cmpi slt, %get3A_1540, %lt3A_1542 : vector<16xi32>
          %convert_element_type3A_1544 = arith.sitofp %get3A_1540 : vector<16xi32> to vector<16xf32>
          %mul3A_1545 = arith.mulf %gather3A_1367, %convert_element_type3A_1544 : vector<16xf32>
          %select_n3A_1546 = arith.select %lt3A_1543, %mul3A_1545, %gather3A_1537 : vector<16xi1>, vector<16xf32>
          %swap3A_1547 = arith.constant 5 : i32
          %swap3A_1548 = arith.constant 0 : i32
          %swap3A_1549 = arith.constant 0 : i32
          %swap3A_1550 = arith.constant 0 : i32
          %swap3A_1551 = tpu.memref_slice %arg10[%rem3A_143, %swap3A_1548, %swap3A_1549, %swap3A_1550] : memref<3x8x8x128xf32, #tpu.memory_space<vmem>> -> memref<1x8x8x128xf32, #tpu.memory_space<vmem>>
          %swap3A_1552 = tpu.memref_squeeze %swap3A_1551 : memref<1x8x8x128xf32, #tpu.memory_space<vmem>> -> memref<8x8x128xf32, #tpu.memory_space<vmem>>
          %swap3A_1553 = arith.index_cast %scan3A_253 : i32 to index
          %swap3A_1554 = arith.index_cast %swap3A_1547 : i32 to index
          %swap3A_1555 = arith.constant 96 : index
          %swap3A_1556 = tpu.vector_load %swap3A_1552[%swap3A_1553, %swap3A_1554, %swap3A_1555] {strides = array<i32>} : memref<8x8x128xf32, #tpu.memory_space<vmem>>, vector<16xf32>,
          tpu.vector_store %swap3A_1552[%swap3A_1553, %swap3A_1554, %swap3A_1555], %select_n3A_1546 {strides = array<i32>} : memref<8x8x128xf32, #tpu.memory_space<vmem>>, vector<16xf32>,
          %add3A_1557 = arith.constant 112 : i32
          %add3A_1558 = vector.broadcast %add3A_1557 : i32 to vector<16xi32>
          %add3A_1559 = arith.addi %add3A_1558, %iota3A : vector<16xi32>
          %gather3A_1560 = arith.constant 0 : i32
          %gather3A_1561 = arith.constant 0 : i32
          %gather3A_1562 = tpu.memref_slice %arg9[%rem3A_143, %gather3A_1560, %gather3A_1561] : memref<3x128x64xf32, #tpu.memory_space<vmem>> -> memref<1x128x64xf32, #tpu.memory_space<vmem>>
          %gather3A_1563 = tpu.memref_squeeze %gather3A_1562 : memref<1x128x64xf32, #tpu.memory_space<vmem>> -> memref<128x64xf32, #tpu.memory_space<vmem>>
          %gather3A_1564 = tpu.vector_load_idx %gather3A_1563[%add3A_1559, %broadcast_in_dim3A_1366] : memref<128x64xf32, #tpu.memory_space<vmem>>[vector<16xi32>, vector<16xi32>], vector<16xf32>,
          %get3A_1565 = arith.index_cast %scan3A_141 : i32 to index
          %get3A_1566 = arith.constant 112 : index
          %get3A_1567 = tpu.vector_load %arg6[%get3A_1565, %get3A_1566] {strides = array<i32>} : memref<50x128xi32, #tpu.memory_space<vmem>>, vector<16xi32>,
          %lt3A_1568 = arith.constant 2 : i32
          %lt3A_1569 = vector.broadcast %lt3A_1568 : i32 to vector<16xi32>
          %lt3A_1570 = arith.cmpi slt, %get3A_1567, %lt3A_1569 : vector<16xi32>
          %convert_element_type3A_1571 = arith.sitofp %get3A_1567 : vector<16xi32> to vector<16xf32>
          %mul3A_1572 = arith.mulf %gather3A_1367, %convert_element_type3A_1571 : vector<16xf32>
          %select_n3A_1573 = arith.select %lt3A_1570, %mul3A_1572, %gather3A_1564 : vector<16xi1>, vector<16xf32>
          %swap3A_1574 = arith.constant 5 : i32
          %swap3A_1575 = arith.constant 0 : i32
          %swap3A_1576 = arith.constant 0 : i32
          %swap3A_1577 = arith.constant 0 : i32
          %swap3A_1578 = tpu.memref_slice %arg10[%rem3A_143, %swap3A_1575, %swap3A_1576, %swap3A_1577] : memref<3x8x8x128xf32, #tpu.memory_space<vmem>> -> memref<1x8x8x128xf32, #tpu.memory_space<vmem>>
          %swap3A_1579 = tpu.memref_squeeze %swap3A_1578 : memref<1x8x8x128xf32, #tpu.memory_space<vmem>> -> memref<8x8x128xf32, #tpu.memory_space<vmem>>
          %swap3A_1580 = arith.index_cast %scan3A_253 : i32 to index
          %swap3A_1581 = arith.index_cast %swap3A_1574 : i32 to index
          %swap3A_1582 = arith.constant 112 : index
          %swap3A_1583 = tpu.vector_load %swap3A_1579[%swap3A_1580, %swap3A_1581, %swap3A_1582] {strides = array<i32>} : memref<8x8x128xf32, #tpu.memory_space<vmem>>, vector<16xf32>,
          tpu.vector_store %swap3A_1579[%swap3A_1580, %swap3A_1581, %swap3A_1582], %select_n3A_1573 {strides = array<i32>} : memref<8x8x128xf32, #tpu.memory_space<vmem>>, vector<16xf32>,
          %mul3A_1584 = arith.constant 8 : i32
          %mul3A_1585 = arith.muli %scan3A_253, %mul3A_1584 : i32
          %add3A_1586 = arith.constant 6 : i32
          %add3A_1587 = arith.addi %mul3A_1585, %add3A_1586 : i32
          %broadcast_in_dim3A_1588 = vector.broadcast %add3A_1587 : i32 to vector<16xi32>
          %gather3A_1589 = tpu.vector_load_idx %arg8[%broadcast_in_dim3A_1588] : memref<64xf32, #tpu.memory_space<vmem>>[vector<16xi32>], vector<16xf32>,
          %add3A_1590 = arith.constant 0 : i32
          %add3A_1591 = vector.broadcast %add3A_1590 : i32 to vector<16xi32>
          %add3A_1592 = arith.addi %add3A_1591, %iota3A : vector<16xi32>
          %gather3A_1593 = arith.constant 0 : i32
          %gather3A_1594 = arith.constant 0 : i32
          %gather3A_1595 = tpu.memref_slice %arg9[%rem3A_143, %gather3A_1593, %gather3A_1594] : memref<3x128x64xf32, #tpu.memory_space<vmem>> -> memref<1x128x64xf32, #tpu.memory_space<vmem>>
          %gather3A_1596 = tpu.memref_squeeze %gather3A_1595 : memref<1x128x64xf32, #tpu.memory_space<vmem>> -> memref<128x64xf32, #tpu.memory_space<vmem>>
          %gather3A_1597 = tpu.vector_load_idx %gather3A_1596[%add3A_1592, %broadcast_in_dim3A_1588] : memref<128x64xf32, #tpu.memory_space<vmem>>[vector<16xi32>, vector<16xi32>], vector<16xf32>,
          %get3A_1598 = arith.index_cast %scan3A_141 : i32 to index
          %get3A_1599 = arith.constant 0 : index
          %get3A_1600 = tpu.vector_load %arg6[%get3A_1598, %get3A_1599] {strides = array<i32>} : memref<50x128xi32, #tpu.memory_space<vmem>>, vector<16xi32>,
          %lt3A_1601 = arith.constant 2 : i32
          %lt3A_1602 = vector.broadcast %lt3A_1601 : i32 to vector<16xi32>
          %lt3A_1603 = arith.cmpi slt, %get3A_1600, %lt3A_1602 : vector<16xi32>
          %convert_element_type3A_1604 = arith.sitofp %get3A_1600 : vector<16xi32> to vector<16xf32>
          %mul3A_1605 = arith.mulf %gather3A_1589, %convert_element_type3A_1604 : vector<16xf32>
          %select_n3A_1606 = arith.select %lt3A_1603, %mul3A_1605, %gather3A_1597 : vector<16xi1>, vector<16xf32>
          %swap3A_1607 = arith.constant 6 : i32
          %swap3A_1608 = arith.constant 0 : i32
          %swap3A_1609 = arith.constant 0 : i32
          %swap3A_1610 = arith.constant 0 : i32
          %swap3A_1611 = tpu.memref_slice %arg10[%rem3A_143, %swap3A_1608, %swap3A_1609, %swap3A_1610] : memref<3x8x8x128xf32, #tpu.memory_space<vmem>> -> memref<1x8x8x128xf32, #tpu.memory_space<vmem>>
          %swap3A_1612 = tpu.memref_squeeze %swap3A_1611 : memref<1x8x8x128xf32, #tpu.memory_space<vmem>> -> memref<8x8x128xf32, #tpu.memory_space<vmem>>
          %swap3A_1613 = arith.index_cast %scan3A_253 : i32 to index
          %swap3A_1614 = arith.index_cast %swap3A_1607 : i32 to index
          %swap3A_1615 = arith.constant 0 : index
          %swap3A_1616 = tpu.vector_load %swap3A_1612[%swap3A_1613, %swap3A_1614, %swap3A_1615] {strides = array<i32>} : memref<8x8x128xf32, #tpu.memory_space<vmem>>, vector<16xf32>,
          tpu.vector_store %swap3A_1612[%swap3A_1613, %swap3A_1614, %swap3A_1615], %select_n3A_1606 {strides = array<i32>} : memref<8x8x128xf32, #tpu.memory_space<vmem>>, vector<16xf32>,
          %add3A_1617 = arith.constant 16 : i32
          %add3A_1618 = vector.broadcast %add3A_1617 : i32 to vector<16xi32>
          %add3A_1619 = arith.addi %add3A_1618, %iota3A : vector<16xi32>
          %gather3A_1620 = arith.constant 0 : i32
          %gather3A_1621 = arith.constant 0 : i32
          %gather3A_1622 = tpu.memref_slice %arg9[%rem3A_143, %gather3A_1620, %gather3A_1621] : memref<3x128x64xf32, #tpu.memory_space<vmem>> -> memref<1x128x64xf32, #tpu.memory_space<vmem>>
          %gather3A_1623 = tpu.memref_squeeze %gather3A_1622 : memref<1x128x64xf32, #tpu.memory_space<vmem>> -> memref<128x64xf32, #tpu.memory_space<vmem>>
          %gather3A_1624 = tpu.vector_load_idx %gather3A_1623[%add3A_1619, %broadcast_in_dim3A_1588] : memref<128x64xf32, #tpu.memory_space<vmem>>[vector<16xi32>, vector<16xi32>], vector<16xf32>,
          %get3A_1625 = arith.index_cast %scan3A_141 : i32 to index
          %get3A_1626 = arith.constant 16 : index
          %get3A_1627 = tpu.vector_load %arg6[%get3A_1625, %get3A_1626] {strides = array<i32>} : memref<50x128xi32, #tpu.memory_space<vmem>>, vector<16xi32>,
          %lt3A_1628 = arith.constant 2 : i32
          %lt3A_1629 = vector.broadcast %lt3A_1628 : i32 to vector<16xi32>
          %lt3A_1630 = arith.cmpi slt, %get3A_1627, %lt3A_1629 : vector<16xi32>
          %convert_element_type3A_1631 = arith.sitofp %get3A_1627 : vector<16xi32> to vector<16xf32>
          %mul3A_1632 = arith.mulf %gather3A_1589, %convert_element_type3A_1631 : vector<16xf32>
          %select_n3A_1633 = arith.select %lt3A_1630, %mul3A_1632, %gather3A_1624 : vector<16xi1>, vector<16xf32>
          %swap3A_1634 = arith.constant 6 : i32
          %swap3A_1635 = arith.constant 0 : i32
          %swap3A_1636 = arith.constant 0 : i32
          %swap3A_1637 = arith.constant 0 : i32
          %swap3A_1638 = tpu.memref_slice %arg10[%rem3A_143, %swap3A_1635, %swap3A_1636, %swap3A_1637] : memref<3x8x8x128xf32, #tpu.memory_space<vmem>> -> memref<1x8x8x128xf32, #tpu.memory_space<vmem>>
          %swap3A_1639 = tpu.memref_squeeze %swap3A_1638 : memref<1x8x8x128xf32, #tpu.memory_space<vmem>> -> memref<8x8x128xf32, #tpu.memory_space<vmem>>
          %swap3A_1640 = arith.index_cast %scan3A_253 : i32 to index
          %swap3A_1641 = arith.index_cast %swap3A_1634 : i32 to index
          %swap3A_1642 = arith.constant 16 : index
          %swap3A_1643 = tpu.vector_load %swap3A_1639[%swap3A_1640, %swap3A_1641, %swap3A_1642] {strides = array<i32>} : memref<8x8x128xf32, #tpu.memory_space<vmem>>, vector<16xf32>,
          tpu.vector_store %swap3A_1639[%swap3A_1640, %swap3A_1641, %swap3A_1642], %select_n3A_1633 {strides = array<i32>} : memref<8x8x128xf32, #tpu.memory_space<vmem>>, vector<16xf32>,
          %add3A_1644 = arith.constant 32 : i32
          %add3A_1645 = vector.broadcast %add3A_1644 : i32 to vector<16xi32>
          %add3A_1646 = arith.addi %add3A_1645, %iota3A : vector<16xi32>
          %gather3A_1647 = arith.constant 0 : i32
          %gather3A_1648 = arith.constant 0 : i32
          %gather3A_1649 = tpu.memref_slice %arg9[%rem3A_143, %gather3A_1647, %gather3A_1648] : memref<3x128x64xf32, #tpu.memory_space<vmem>> -> memref<1x128x64xf32, #tpu.memory_space<vmem>>
          %gather3A_1650 = tpu.memref_squeeze %gather3A_1649 : memref<1x128x64xf32, #tpu.memory_space<vmem>> -> memref<128x64xf32, #tpu.memory_space<vmem>>
          %gather3A_1651 = tpu.vector_load_idx %gather3A_1650[%add3A_1646, %broadcast_in_dim3A_1588] : memref<128x64xf32, #tpu.memory_space<vmem>>[vector<16xi32>, vector<16xi32>], vector<16xf32>,
          %get3A_1652 = arith.index_cast %scan3A_141 : i32 to index
          %get3A_1653 = arith.constant 32 : index
          %get3A_1654 = tpu.vector_load %arg6[%get3A_1652, %get3A_1653] {strides = array<i32>} : memref<50x128xi32, #tpu.memory_space<vmem>>, vector<16xi32>,
          %lt3A_1655 = arith.constant 2 : i32
          %lt3A_1656 = vector.broadcast %lt3A_1655 : i32 to vector<16xi32>
          %lt3A_1657 = arith.cmpi slt, %get3A_1654, %lt3A_1656 : vector<16xi32>
          %convert_element_type3A_1658 = arith.sitofp %get3A_1654 : vector<16xi32> to vector<16xf32>
          %mul3A_1659 = arith.mulf %gather3A_1589, %convert_element_type3A_1658 : vector<16xf32>
          %select_n3A_1660 = arith.select %lt3A_1657, %mul3A_1659, %gather3A_1651 : vector<16xi1>, vector<16xf32>
          %swap3A_1661 = arith.constant 6 : i32
          %swap3A_1662 = arith.constant 0 : i32
          %swap3A_1663 = arith.constant 0 : i32
          %swap3A_1664 = arith.constant 0 : i32
          %swap3A_1665 = tpu.memref_slice %arg10[%rem3A_143, %swap3A_1662, %swap3A_1663, %swap3A_1664] : memref<3x8x8x128xf32, #tpu.memory_space<vmem>> -> memref<1x8x8x128xf32, #tpu.memory_space<vmem>>
          %swap3A_1666 = tpu.memref_squeeze %swap3A_1665 : memref<1x8x8x128xf32, #tpu.memory_space<vmem>> -> memref<8x8x128xf32, #tpu.memory_space<vmem>>
          %swap3A_1667 = arith.index_cast %scan3A_253 : i32 to index
          %swap3A_1668 = arith.index_cast %swap3A_1661 : i32 to index
          %swap3A_1669 = arith.constant 32 : index
          %swap3A_1670 = tpu.vector_load %swap3A_1666[%swap3A_1667, %swap3A_1668, %swap3A_1669] {strides = array<i32>} : memref<8x8x128xf32, #tpu.memory_space<vmem>>, vector<16xf32>,
          tpu.vector_store %swap3A_1666[%swap3A_1667, %swap3A_1668, %swap3A_1669], %select_n3A_1660 {strides = array<i32>} : memref<8x8x128xf32, #tpu.memory_space<vmem>>, vector<16xf32>,
          %add3A_1671 = arith.constant 48 : i32
          %add3A_1672 = vector.broadcast %add3A_1671 : i32 to vector<16xi32>
          %add3A_1673 = arith.addi %add3A_1672, %iota3A : vector<16xi32>
          %gather3A_1674 = arith.constant 0 : i32
          %gather3A_1675 = arith.constant 0 : i32
          %gather3A_1676 = tpu.memref_slice %arg9[%rem3A_143, %gather3A_1674, %gather3A_1675] : memref<3x128x64xf32, #tpu.memory_space<vmem>> -> memref<1x128x64xf32, #tpu.memory_space<vmem>>
          %gather3A_1677 = tpu.memref_squeeze %gather3A_1676 : memref<1x128x64xf32, #tpu.memory_space<vmem>> -> memref<128x64xf32, #tpu.memory_space<vmem>>
          %gather3A_1678 = tpu.vector_load_idx %gather3A_1677[%add3A_1673, %broadcast_in_dim3A_1588] : memref<128x64xf32, #tpu.memory_space<vmem>>[vector<16xi32>, vector<16xi32>], vector<16xf32>,
          %get3A_1679 = arith.index_cast %scan3A_141 : i32 to index
          %get3A_1680 = arith.constant 48 : index
          %get3A_1681 = tpu.vector_load %arg6[%get3A_1679, %get3A_1680] {strides = array<i32>} : memref<50x128xi32, #tpu.memory_space<vmem>>, vector<16xi32>,
          %lt3A_1682 = arith.constant 2 : i32
          %lt3A_1683 = vector.broadcast %lt3A_1682 : i32 to vector<16xi32>
          %lt3A_1684 = arith.cmpi slt, %get3A_1681, %lt3A_1683 : vector<16xi32>
          %convert_element_type3A_1685 = arith.sitofp %get3A_1681 : vector<16xi32> to vector<16xf32>
          %mul3A_1686 = arith.mulf %gather3A_1589, %convert_element_type3A_1685 : vector<16xf32>
          %select_n3A_1687 = arith.select %lt3A_1684, %mul3A_1686, %gather3A_1678 : vector<16xi1>, vector<16xf32>
          %swap3A_1688 = arith.constant 6 : i32
          %swap3A_1689 = arith.constant 0 : i32
          %swap3A_1690 = arith.constant 0 : i32
          %swap3A_1691 = arith.constant 0 : i32
          %swap3A_1692 = tpu.memref_slice %arg10[%rem3A_143, %swap3A_1689, %swap3A_1690, %swap3A_1691] : memref<3x8x8x128xf32, #tpu.memory_space<vmem>> -> memref<1x8x8x128xf32, #tpu.memory_space<vmem>>
          %swap3A_1693 = tpu.memref_squeeze %swap3A_1692 : memref<1x8x8x128xf32, #tpu.memory_space<vmem>> -> memref<8x8x128xf32, #tpu.memory_space<vmem>>
          %swap3A_1694 = arith.index_cast %scan3A_253 : i32 to index
          %swap3A_1695 = arith.index_cast %swap3A_1688 : i32 to index
          %swap3A_1696 = arith.constant 48 : index
          %swap3A_1697 = tpu.vector_load %swap3A_1693[%swap3A_1694, %swap3A_1695, %swap3A_1696] {strides = array<i32>} : memref<8x8x128xf32, #tpu.memory_space<vmem>>, vector<16xf32>,
          tpu.vector_store %swap3A_1693[%swap3A_1694, %swap3A_1695, %swap3A_1696], %select_n3A_1687 {strides = array<i32>} : memref<8x8x128xf32, #tpu.memory_space<vmem>>, vector<16xf32>,
          %add3A_1698 = arith.constant 64 : i32
          %add3A_1699 = vector.broadcast %add3A_1698 : i32 to vector<16xi32>
          %add3A_1700 = arith.addi %add3A_1699, %iota3A : vector<16xi32>
          %gather3A_1701 = arith.constant 0 : i32
          %gather3A_1702 = arith.constant 0 : i32
          %gather3A_1703 = tpu.memref_slice %arg9[%rem3A_143, %gather3A_1701, %gather3A_1702] : memref<3x128x64xf32, #tpu.memory_space<vmem>> -> memref<1x128x64xf32, #tpu.memory_space<vmem>>
          %gather3A_1704 = tpu.memref_squeeze %gather3A_1703 : memref<1x128x64xf32, #tpu.memory_space<vmem>> -> memref<128x64xf32, #tpu.memory_space<vmem>>
          %gather3A_1705 = tpu.vector_load_idx %gather3A_1704[%add3A_1700, %broadcast_in_dim3A_1588] : memref<128x64xf32, #tpu.memory_space<vmem>>[vector<16xi32>, vector<16xi32>], vector<16xf32>,
          %get3A_1706 = arith.index_cast %scan3A_141 : i32 to index
          %get3A_1707 = arith.constant 64 : index
          %get3A_1708 = tpu.vector_load %arg6[%get3A_1706, %get3A_1707] {strides = array<i32>} : memref<50x128xi32, #tpu.memory_space<vmem>>, vector<16xi32>,
          %lt3A_1709 = arith.constant 2 : i32
          %lt3A_1710 = vector.broadcast %lt3A_1709 : i32 to vector<16xi32>
          %lt3A_1711 = arith.cmpi slt, %get3A_1708, %lt3A_1710 : vector<16xi32>
          %convert_element_type3A_1712 = arith.sitofp %get3A_1708 : vector<16xi32> to vector<16xf32>
          %mul3A_1713 = arith.mulf %gather3A_1589, %convert_element_type3A_1712 : vector<16xf32>
          %select_n3A_1714 = arith.select %lt3A_1711, %mul3A_1713, %gather3A_1705 : vector<16xi1>, vector<16xf32>
          %swap3A_1715 = arith.constant 6 : i32
          %swap3A_1716 = arith.constant 0 : i32
          %swap3A_1717 = arith.constant 0 : i32
          %swap3A_1718 = arith.constant 0 : i32
          %swap3A_1719 = tpu.memref_slice %arg10[%rem3A_143, %swap3A_1716, %swap3A_1717, %swap3A_1718] : memref<3x8x8x128xf32, #tpu.memory_space<vmem>> -> memref<1x8x8x128xf32, #tpu.memory_space<vmem>>
          %swap3A_1720 = tpu.memref_squeeze %swap3A_1719 : memref<1x8x8x128xf32, #tpu.memory_space<vmem>> -> memref<8x8x128xf32, #tpu.memory_space<vmem>>
          %swap3A_1721 = arith.index_cast %scan3A_253 : i32 to index
          %swap3A_1722 = arith.index_cast %swap3A_1715 : i32 to index
          %swap3A_1723 = arith.constant 64 : index
          %swap3A_1724 = tpu.vector_load %swap3A_1720[%swap3A_1721, %swap3A_1722, %swap3A_1723] {strides = array<i32>} : memref<8x8x128xf32, #tpu.memory_space<vmem>>, vector<16xf32>,
          tpu.vector_store %swap3A_1720[%swap3A_1721, %swap3A_1722, %swap3A_1723], %select_n3A_1714 {strides = array<i32>} : memref<8x8x128xf32, #tpu.memory_space<vmem>>, vector<16xf32>,
          %add3A_1725 = arith.constant 80 : i32
          %add3A_1726 = vector.broadcast %add3A_1725 : i32 to vector<16xi32>
          %add3A_1727 = arith.addi %add3A_1726, %iota3A : vector<16xi32>
          %gather3A_1728 = arith.constant 0 : i32
          %gather3A_1729 = arith.constant 0 : i32
          %gather3A_1730 = tpu.memref_slice %arg9[%rem3A_143, %gather3A_1728, %gather3A_1729] : memref<3x128x64xf32, #tpu.memory_space<vmem>> -> memref<1x128x64xf32, #tpu.memory_space<vmem>>
          %gather3A_1731 = tpu.memref_squeeze %gather3A_1730 : memref<1x128x64xf32, #tpu.memory_space<vmem>> -> memref<128x64xf32, #tpu.memory_space<vmem>>
          %gather3A_1732 = tpu.vector_load_idx %gather3A_1731[%add3A_1727, %broadcast_in_dim3A_1588] : memref<128x64xf32, #tpu.memory_space<vmem>>[vector<16xi32>, vector<16xi32>], vector<16xf32>,
          %get3A_1733 = arith.index_cast %scan3A_141 : i32 to index
          %get3A_1734 = arith.constant 80 : index
          %get3A_1735 = tpu.vector_load %arg6[%get3A_1733, %get3A_1734] {strides = array<i32>} : memref<50x128xi32, #tpu.memory_space<vmem>>, vector<16xi32>,
          %lt3A_1736 = arith.constant 2 : i32
          %lt3A_1737 = vector.broadcast %lt3A_1736 : i32 to vector<16xi32>
          %lt3A_1738 = arith.cmpi slt, %get3A_1735, %lt3A_1737 : vector<16xi32>
          %convert_element_type3A_1739 = arith.sitofp %get3A_1735 : vector<16xi32> to vector<16xf32>
          %mul3A_1740 = arith.mulf %gather3A_1589, %convert_element_type3A_1739 : vector<16xf32>
          %select_n3A_1741 = arith.select %lt3A_1738, %mul3A_1740, %gather3A_1732 : vector<16xi1>, vector<16xf32>
          %swap3A_1742 = arith.constant 6 : i32
          %swap3A_1743 = arith.constant 0 : i32
          %swap3A_1744 = arith.constant 0 : i32
          %swap3A_1745 = arith.constant 0 : i32
          %swap3A_1746 = tpu.memref_slice %arg10[%rem3A_143, %swap3A_1743, %swap3A_1744, %swap3A_1745] : memref<3x8x8x128xf32, #tpu.memory_space<vmem>> -> memref<1x8x8x128xf32, #tpu.memory_space<vmem>>
          %swap3A_1747 = tpu.memref_squeeze %swap3A_1746 : memref<1x8x8x128xf32, #tpu.memory_space<vmem>> -> memref<8x8x128xf32, #tpu.memory_space<vmem>>
          %swap3A_1748 = arith.index_cast %scan3A_253 : i32 to index
          %swap3A_1749 = arith.index_cast %swap3A_1742 : i32 to index
          %swap3A_1750 = arith.constant 80 : index
          %swap3A_1751 = tpu.vector_load %swap3A_1747[%swap3A_1748, %swap3A_1749, %swap3A_1750] {strides = array<i32>} : memref<8x8x128xf32, #tpu.memory_space<vmem>>, vector<16xf32>,
          tpu.vector_store %swap3A_1747[%swap3A_1748, %swap3A_1749, %swap3A_1750], %select_n3A_1741 {strides = array<i32>} : memref<8x8x128xf32, #tpu.memory_space<vmem>>, vector<16xf32>,
          %add3A_1752 = arith.constant 96 : i32
          %add3A_1753 = vector.broadcast %add3A_1752 : i32 to vector<16xi32>
          %add3A_1754 = arith.addi %add3A_1753, %iota3A : vector<16xi32>
          %gather3A_1755 = arith.constant 0 : i32
          %gather3A_1756 = arith.constant 0 : i32
          %gather3A_1757 = tpu.memref_slice %arg9[%rem3A_143, %gather3A_1755, %gather3A_1756] : memref<3x128x64xf32, #tpu.memory_space<vmem>> -> memref<1x128x64xf32, #tpu.memory_space<vmem>>
          %gather3A_1758 = tpu.memref_squeeze %gather3A_1757 : memref<1x128x64xf32, #tpu.memory_space<vmem>> -> memref<128x64xf32, #tpu.memory_space<vmem>>
          %gather3A_1759 = tpu.vector_load_idx %gather3A_1758[%add3A_1754, %broadcast_in_dim3A_1588] : memref<128x64xf32, #tpu.memory_space<vmem>>[vector<16xi32>, vector<16xi32>], vector<16xf32>,
          %get3A_1760 = arith.index_cast %scan3A_141 : i32 to index
          %get3A_1761 = arith.constant 96 : index
          %get3A_1762 = tpu.vector_load %arg6[%get3A_1760, %get3A_1761] {strides = array<i32>} : memref<50x128xi32, #tpu.memory_space<vmem>>, vector<16xi32>,
          %lt3A_1763 = arith.constant 2 : i32
          %lt3A_1764 = vector.broadcast %lt3A_1763 : i32 to vector<16xi32>
          %lt3A_1765 = arith.cmpi slt, %get3A_1762, %lt3A_1764 : vector<16xi32>
          %convert_element_type3A_1766 = arith.sitofp %get3A_1762 : vector<16xi32> to vector<16xf32>
          %mul3A_1767 = arith.mulf %gather3A_1589, %convert_element_type3A_1766 : vector<16xf32>
          %select_n3A_1768 = arith.select %lt3A_1765, %mul3A_1767, %gather3A_1759 : vector<16xi1>, vector<16xf32>
          %swap3A_1769 = arith.constant 6 : i32
          %swap3A_1770 = arith.constant 0 : i32
          %swap3A_1771 = arith.constant 0 : i32
          %swap3A_1772 = arith.constant 0 : i32
          %swap3A_1773 = tpu.memref_slice %arg10[%rem3A_143, %swap3A_1770, %swap3A_1771, %swap3A_1772] : memref<3x8x8x128xf32, #tpu.memory_space<vmem>> -> memref<1x8x8x128xf32, #tpu.memory_space<vmem>>
          %swap3A_1774 = tpu.memref_squeeze %swap3A_1773 : memref<1x8x8x128xf32, #tpu.memory_space<vmem>> -> memref<8x8x128xf32, #tpu.memory_space<vmem>>
          %swap3A_1775 = arith.index_cast %scan3A_253 : i32 to index
          %swap3A_1776 = arith.index_cast %swap3A_1769 : i32 to index
          %swap3A_1777 = arith.constant 96 : index
          %swap3A_1778 = tpu.vector_load %swap3A_1774[%swap3A_1775, %swap3A_1776, %swap3A_1777] {strides = array<i32>} : memref<8x8x128xf32, #tpu.memory_space<vmem>>, vector<16xf32>,
          tpu.vector_store %swap3A_1774[%swap3A_1775, %swap3A_1776, %swap3A_1777], %select_n3A_1768 {strides = array<i32>} : memref<8x8x128xf32, #tpu.memory_space<vmem>>, vector<16xf32>,
          %add3A_1779 = arith.constant 112 : i32
          %add3A_1780 = vector.broadcast %add3A_1779 : i32 to vector<16xi32>
          %add3A_1781 = arith.addi %add3A_1780, %iota3A : vector<16xi32>
          %gather3A_1782 = arith.constant 0 : i32
          %gather3A_1783 = arith.constant 0 : i32
          %gather3A_1784 = tpu.memref_slice %arg9[%rem3A_143, %gather3A_1782, %gather3A_1783] : memref<3x128x64xf32, #tpu.memory_space<vmem>> -> memref<1x128x64xf32, #tpu.memory_space<vmem>>
          %gather3A_1785 = tpu.memref_squeeze %gather3A_1784 : memref<1x128x64xf32, #tpu.memory_space<vmem>> -> memref<128x64xf32, #tpu.memory_space<vmem>>
          %gather3A_1786 = tpu.vector_load_idx %gather3A_1785[%add3A_1781, %broadcast_in_dim3A_1588] : memref<128x64xf32, #tpu.memory_space<vmem>>[vector<16xi32>, vector<16xi32>], vector<16xf32>,
          %get3A_1787 = arith.index_cast %scan3A_141 : i32 to index
          %get3A_1788 = arith.constant 112 : index
          %get3A_1789 = tpu.vector_load %arg6[%get3A_1787, %get3A_1788] {strides = array<i32>} : memref<50x128xi32, #tpu.memory_space<vmem>>, vector<16xi32>,
          %lt3A_1790 = arith.constant 2 : i32
          %lt3A_1791 = vector.broadcast %lt3A_1790 : i32 to vector<16xi32>
          %lt3A_1792 = arith.cmpi slt, %get3A_1789, %lt3A_1791 : vector<16xi32>
          %convert_element_type3A_1793 = arith.sitofp %get3A_1789 : vector<16xi32> to vector<16xf32>
          %mul3A_1794 = arith.mulf %gather3A_1589, %convert_element_type3A_1793 : vector<16xf32>
          %select_n3A_1795 = arith.select %lt3A_1792, %mul3A_1794, %gather3A_1786 : vector<16xi1>, vector<16xf32>
          %swap3A_1796 = arith.constant 6 : i32
          %swap3A_1797 = arith.constant 0 : i32
          %swap3A_1798 = arith.constant 0 : i32
          %swap3A_1799 = arith.constant 0 : i32
          %swap3A_1800 = tpu.memref_slice %arg10[%rem3A_143, %swap3A_1797, %swap3A_1798, %swap3A_1799] : memref<3x8x8x128xf32, #tpu.memory_space<vmem>> -> memref<1x8x8x128xf32, #tpu.memory_space<vmem>>
          %swap3A_1801 = tpu.memref_squeeze %swap3A_1800 : memref<1x8x8x128xf32, #tpu.memory_space<vmem>> -> memref<8x8x128xf32, #tpu.memory_space<vmem>>
          %swap3A_1802 = arith.index_cast %scan3A_253 : i32 to index
          %swap3A_1803 = arith.index_cast %swap3A_1796 : i32 to index
          %swap3A_1804 = arith.constant 112 : index
          %swap3A_1805 = tpu.vector_load %swap3A_1801[%swap3A_1802, %swap3A_1803, %swap3A_1804] {strides = array<i32>} : memref<8x8x128xf32, #tpu.memory_space<vmem>>, vector<16xf32>,
          tpu.vector_store %swap3A_1801[%swap3A_1802, %swap3A_1803, %swap3A_1804], %select_n3A_1795 {strides = array<i32>} : memref<8x8x128xf32, #tpu.memory_space<vmem>>, vector<16xf32>,
          %mul3A_1806 = arith.constant 8 : i32
          %mul3A_1807 = arith.muli %scan3A_253, %mul3A_1806 : i32
          %add3A_1808 = arith.constant 7 : i32
          %add3A_1809 = arith.addi %mul3A_1807, %add3A_1808 : i32
          %broadcast_in_dim3A_1810 = vector.broadcast %add3A_1809 : i32 to vector<16xi32>
          %gather3A_1811 = tpu.vector_load_idx %arg8[%broadcast_in_dim3A_1810] : memref<64xf32, #tpu.memory_space<vmem>>[vector<16xi32>], vector<16xf32>,
          %add3A_1812 = arith.constant 0 : i32
          %add3A_1813 = vector.broadcast %add3A_1812 : i32 to vector<16xi32>
          %add3A_1814 = arith.addi %add3A_1813, %iota3A : vector<16xi32>
          %gather3A_1815 = arith.constant 0 : i32
          %gather3A_1816 = arith.constant 0 : i32
          %gather3A_1817 = tpu.memref_slice %arg9[%rem3A_143, %gather3A_1815, %gather3A_1816] : memref<3x128x64xf32, #tpu.memory_space<vmem>> -> memref<1x128x64xf32, #tpu.memory_space<vmem>>
          %gather3A_1818 = tpu.memref_squeeze %gather3A_1817 : memref<1x128x64xf32, #tpu.memory_space<vmem>> -> memref<128x64xf32, #tpu.memory_space<vmem>>
          %gather3A_1819 = tpu.vector_load_idx %gather3A_1818[%add3A_1814, %broadcast_in_dim3A_1810] : memref<128x64xf32, #tpu.memory_space<vmem>>[vector<16xi32>, vector<16xi32>], vector<16xf32>,
          %get3A_1820 = arith.index_cast %scan3A_141 : i32 to index
          %get3A_1821 = arith.constant 0 : index
          %get3A_1822 = tpu.vector_load %arg6[%get3A_1820, %get3A_1821] {strides = array<i32>} : memref<50x128xi32, #tpu.memory_space<vmem>>, vector<16xi32>,
          %lt3A_1823 = arith.constant 2 : i32
          %lt3A_1824 = vector.broadcast %lt3A_1823 : i32 to vector<16xi32>
          %lt3A_1825 = arith.cmpi slt, %get3A_1822, %lt3A_1824 : vector<16xi32>
          %convert_element_type3A_1826 = arith.sitofp %get3A_1822 : vector<16xi32> to vector<16xf32>
          %mul3A_1827 = arith.mulf %gather3A_1811, %convert_element_type3A_1826 : vector<16xf32>
          %select_n3A_1828 = arith.select %lt3A_1825, %mul3A_1827, %gather3A_1819 : vector<16xi1>, vector<16xf32>
          %swap3A_1829 = arith.constant 7 : i32
          %swap3A_1830 = arith.constant 0 : i32
          %swap3A_1831 = arith.constant 0 : i32
          %swap3A_1832 = arith.constant 0 : i32
          %swap3A_1833 = tpu.memref_slice %arg10[%rem3A_143, %swap3A_1830, %swap3A_1831, %swap3A_1832] : memref<3x8x8x128xf32, #tpu.memory_space<vmem>> -> memref<1x8x8x128xf32, #tpu.memory_space<vmem>>
          %swap3A_1834 = tpu.memref_squeeze %swap3A_1833 : memref<1x8x8x128xf32, #tpu.memory_space<vmem>> -> memref<8x8x128xf32, #tpu.memory_space<vmem>>
          %swap3A_1835 = arith.index_cast %scan3A_253 : i32 to index
          %swap3A_1836 = arith.index_cast %swap3A_1829 : i32 to index
          %swap3A_1837 = arith.constant 0 : index
          %swap3A_1838 = tpu.vector_load %swap3A_1834[%swap3A_1835, %swap3A_1836, %swap3A_1837] {strides = array<i32>} : memref<8x8x128xf32, #tpu.memory_space<vmem>>, vector<16xf32>,
          tpu.vector_store %swap3A_1834[%swap3A_1835, %swap3A_1836, %swap3A_1837], %select_n3A_1828 {strides = array<i32>} : memref<8x8x128xf32, #tpu.memory_space<vmem>>, vector<16xf32>,
          %add3A_1839 = arith.constant 16 : i32
          %add3A_1840 = vector.broadcast %add3A_1839 : i32 to vector<16xi32>
          %add3A_1841 = arith.addi %add3A_1840, %iota3A : vector<16xi32>
          %gather3A_1842 = arith.constant 0 : i32
          %gather3A_1843 = arith.constant 0 : i32
          %gather3A_1844 = tpu.memref_slice %arg9[%rem3A_143, %gather3A_1842, %gather3A_1843] : memref<3x128x64xf32, #tpu.memory_space<vmem>> -> memref<1x128x64xf32, #tpu.memory_space<vmem>>
          %gather3A_1845 = tpu.memref_squeeze %gather3A_1844 : memref<1x128x64xf32, #tpu.memory_space<vmem>> -> memref<128x64xf32, #tpu.memory_space<vmem>>
          %gather3A_1846 = tpu.vector_load_idx %gather3A_1845[%add3A_1841, %broadcast_in_dim3A_1810] : memref<128x64xf32, #tpu.memory_space<vmem>>[vector<16xi32>, vector<16xi32>], vector<16xf32>,
          %get3A_1847 = arith.index_cast %scan3A_141 : i32 to index
          %get3A_1848 = arith.constant 16 : index
          %get3A_1849 = tpu.vector_load %arg6[%get3A_1847, %get3A_1848] {strides = array<i32>} : memref<50x128xi32, #tpu.memory_space<vmem>>, vector<16xi32>,
          %lt3A_1850 = arith.constant 2 : i32
          %lt3A_1851 = vector.broadcast %lt3A_1850 : i32 to vector<16xi32>
          %lt3A_1852 = arith.cmpi slt, %get3A_1849, %lt3A_1851 : vector<16xi32>
          %convert_element_type3A_1853 = arith.sitofp %get3A_1849 : vector<16xi32> to vector<16xf32>
          %mul3A_1854 = arith.mulf %gather3A_1811, %convert_element_type3A_1853 : vector<16xf32>
          %select_n3A_1855 = arith.select %lt3A_1852, %mul3A_1854, %gather3A_1846 : vector<16xi1>, vector<16xf32>
          %swap3A_1856 = arith.constant 7 : i32
          %swap3A_1857 = arith.constant 0 : i32
          %swap3A_1858 = arith.constant 0 : i32
          %swap3A_1859 = arith.constant 0 : i32
          %swap3A_1860 = tpu.memref_slice %arg10[%rem3A_143, %swap3A_1857, %swap3A_1858, %swap3A_1859] : memref<3x8x8x128xf32, #tpu.memory_space<vmem>> -> memref<1x8x8x128xf32, #tpu.memory_space<vmem>>
          %swap3A_1861 = tpu.memref_squeeze %swap3A_1860 : memref<1x8x8x128xf32, #tpu.memory_space<vmem>> -> memref<8x8x128xf32, #tpu.memory_space<vmem>>
          %swap3A_1862 = arith.index_cast %scan3A_253 : i32 to index
          %swap3A_1863 = arith.index_cast %swap3A_1856 : i32 to index
          %swap3A_1864 = arith.constant 16 : index
          %swap3A_1865 = tpu.vector_load %swap3A_1861[%swap3A_1862, %swap3A_1863, %swap3A_1864] {strides = array<i32>} : memref<8x8x128xf32, #tpu.memory_space<vmem>>, vector<16xf32>,
          tpu.vector_store %swap3A_1861[%swap3A_1862, %swap3A_1863, %swap3A_1864], %select_n3A_1855 {strides = array<i32>} : memref<8x8x128xf32, #tpu.memory_space<vmem>>, vector<16xf32>,
          %add3A_1866 = arith.constant 32 : i32
          %add3A_1867 = vector.broadcast %add3A_1866 : i32 to vector<16xi32>
          %add3A_1868 = arith.addi %add3A_1867, %iota3A : vector<16xi32>
          %gather3A_1869 = arith.constant 0 : i32
          %gather3A_1870 = arith.constant 0 : i32
          %gather3A_1871 = tpu.memref_slice %arg9[%rem3A_143, %gather3A_1869, %gather3A_1870] : memref<3x128x64xf32, #tpu.memory_space<vmem>> -> memref<1x128x64xf32, #tpu.memory_space<vmem>>
          %gather3A_1872 = tpu.memref_squeeze %gather3A_1871 : memref<1x128x64xf32, #tpu.memory_space<vmem>> -> memref<128x64xf32, #tpu.memory_space<vmem>>
          %gather3A_1873 = tpu.vector_load_idx %gather3A_1872[%add3A_1868, %broadcast_in_dim3A_1810] : memref<128x64xf32, #tpu.memory_space<vmem>>[vector<16xi32>, vector<16xi32>], vector<16xf32>,
          %get3A_1874 = arith.index_cast %scan3A_141 : i32 to index
          %get3A_1875 = arith.constant 32 : index
          %get3A_1876 = tpu.vector_load %arg6[%get3A_1874, %get3A_1875] {strides = array<i32>} : memref<50x128xi32, #tpu.memory_space<vmem>>, vector<16xi32>,
          %lt3A_1877 = arith.constant 2 : i32
          %lt3A_1878 = vector.broadcast %lt3A_1877 : i32 to vector<16xi32>
          %lt3A_1879 = arith.cmpi slt, %get3A_1876, %lt3A_1878 : vector<16xi32>
          %convert_element_type3A_1880 = arith.sitofp %get3A_1876 : vector<16xi32> to vector<16xf32>
          %mul3A_1881 = arith.mulf %gather3A_1811, %convert_element_type3A_1880 : vector<16xf32>
          %select_n3A_1882 = arith.select %lt3A_1879, %mul3A_1881, %gather3A_1873 : vector<16xi1>, vector<16xf32>
          %swap3A_1883 = arith.constant 7 : i32
          %swap3A_1884 = arith.constant 0 : i32
          %swap3A_1885 = arith.constant 0 : i32
          %swap3A_1886 = arith.constant 0 : i32
          %swap3A_1887 = tpu.memref_slice %arg10[%rem3A_143, %swap3A_1884, %swap3A_1885, %swap3A_1886] : memref<3x8x8x128xf32, #tpu.memory_space<vmem>> -> memref<1x8x8x128xf32, #tpu.memory_space<vmem>>
          %swap3A_1888 = tpu.memref_squeeze %swap3A_1887 : memref<1x8x8x128xf32, #tpu.memory_space<vmem>> -> memref<8x8x128xf32, #tpu.memory_space<vmem>>
          %swap3A_1889 = arith.index_cast %scan3A_253 : i32 to index
          %swap3A_1890 = arith.index_cast %swap3A_1883 : i32 to index
          %swap3A_1891 = arith.constant 32 : index
          %swap3A_1892 = tpu.vector_load %swap3A_1888[%swap3A_1889, %swap3A_1890, %swap3A_1891] {strides = array<i32>} : memref<8x8x128xf32, #tpu.memory_space<vmem>>, vector<16xf32>,
          tpu.vector_store %swap3A_1888[%swap3A_1889, %swap3A_1890, %swap3A_1891], %select_n3A_1882 {strides = array<i32>} : memref<8x8x128xf32, #tpu.memory_space<vmem>>, vector<16xf32>,
          %add3A_1893 = arith.constant 48 : i32
          %add3A_1894 = vector.broadcast %add3A_1893 : i32 to vector<16xi32>
          %add3A_1895 = arith.addi %add3A_1894, %iota3A : vector<16xi32>
          %gather3A_1896 = arith.constant 0 : i32
          %gather3A_1897 = arith.constant 0 : i32
          %gather3A_1898 = tpu.memref_slice %arg9[%rem3A_143, %gather3A_1896, %gather3A_1897] : memref<3x128x64xf32, #tpu.memory_space<vmem>> -> memref<1x128x64xf32, #tpu.memory_space<vmem>>
          %gather3A_1899 = tpu.memref_squeeze %gather3A_1898 : memref<1x128x64xf32, #tpu.memory_space<vmem>> -> memref<128x64xf32, #tpu.memory_space<vmem>>
          %gather3A_1900 = tpu.vector_load_idx %gather3A_1899[%add3A_1895, %broadcast_in_dim3A_1810] : memref<128x64xf32, #tpu.memory_space<vmem>>[vector<16xi32>, vector<16xi32>], vector<16xf32>,
          %get3A_1901 = arith.index_cast %scan3A_141 : i32 to index
          %get3A_1902 = arith.constant 48 : index
          %get3A_1903 = tpu.vector_load %arg6[%get3A_1901, %get3A_1902] {strides = array<i32>} : memref<50x128xi32, #tpu.memory_space<vmem>>, vector<16xi32>,
          %lt3A_1904 = arith.constant 2 : i32
          %lt3A_1905 = vector.broadcast %lt3A_1904 : i32 to vector<16xi32>
          %lt3A_1906 = arith.cmpi slt, %get3A_1903, %lt3A_1905 : vector<16xi32>
          %convert_element_type3A_1907 = arith.sitofp %get3A_1903 : vector<16xi32> to vector<16xf32>
          %mul3A_1908 = arith.mulf %gather3A_1811, %convert_element_type3A_1907 : vector<16xf32>
          %select_n3A_1909 = arith.select %lt3A_1906, %mul3A_1908, %gather3A_1900 : vector<16xi1>, vector<16xf32>
          %swap3A_1910 = arith.constant 7 : i32
          %swap3A_1911 = arith.constant 0 : i32
          %swap3A_1912 = arith.constant 0 : i32
          %swap3A_1913 = arith.constant 0 : i32
          %swap3A_1914 = tpu.memref_slice %arg10[%rem3A_143, %swap3A_1911, %swap3A_1912, %swap3A_1913] : memref<3x8x8x128xf32, #tpu.memory_space<vmem>> -> memref<1x8x8x128xf32, #tpu.memory_space<vmem>>
          %swap3A_1915 = tpu.memref_squeeze %swap3A_1914 : memref<1x8x8x128xf32, #tpu.memory_space<vmem>> -> memref<8x8x128xf32, #tpu.memory_space<vmem>>
          %swap3A_1916 = arith.index_cast %scan3A_253 : i32 to index
          %swap3A_1917 = arith.index_cast %swap3A_1910 : i32 to index
          %swap3A_1918 = arith.constant 48 : index
          %swap3A_1919 = tpu.vector_load %swap3A_1915[%swap3A_1916, %swap3A_1917, %swap3A_1918] {strides = array<i32>} : memref<8x8x128xf32, #tpu.memory_space<vmem>>, vector<16xf32>,
          tpu.vector_store %swap3A_1915[%swap3A_1916, %swap3A_1917, %swap3A_1918], %select_n3A_1909 {strides = array<i32>} : memref<8x8x128xf32, #tpu.memory_space<vmem>>, vector<16xf32>,
          %add3A_1920 = arith.constant 64 : i32
          %add3A_1921 = vector.broadcast %add3A_1920 : i32 to vector<16xi32>
          %add3A_1922 = arith.addi %add3A_1921, %iota3A : vector<16xi32>
          %gather3A_1923 = arith.constant 0 : i32
          %gather3A_1924 = arith.constant 0 : i32
          %gather3A_1925 = tpu.memref_slice %arg9[%rem3A_143, %gather3A_1923, %gather3A_1924] : memref<3x128x64xf32, #tpu.memory_space<vmem>> -> memref<1x128x64xf32, #tpu.memory_space<vmem>>
          %gather3A_1926 = tpu.memref_squeeze %gather3A_1925 : memref<1x128x64xf32, #tpu.memory_space<vmem>> -> memref<128x64xf32, #tpu.memory_space<vmem>>
          %gather3A_1927 = tpu.vector_load_idx %gather3A_1926[%add3A_1922, %broadcast_in_dim3A_1810] : memref<128x64xf32, #tpu.memory_space<vmem>>[vector<16xi32>, vector<16xi32>], vector<16xf32>,
          %get3A_1928 = arith.index_cast %scan3A_141 : i32 to index
          %get3A_1929 = arith.constant 64 : index
          %get3A_1930 = tpu.vector_load %arg6[%get3A_1928, %get3A_1929] {strides = array<i32>} : memref<50x128xi32, #tpu.memory_space<vmem>>, vector<16xi32>,
          %lt3A_1931 = arith.constant 2 : i32
          %lt3A_1932 = vector.broadcast %lt3A_1931 : i32 to vector<16xi32>
          %lt3A_1933 = arith.cmpi slt, %get3A_1930, %lt3A_1932 : vector<16xi32>
          %convert_element_type3A_1934 = arith.sitofp %get3A_1930 : vector<16xi32> to vector<16xf32>
          %mul3A_1935 = arith.mulf %gather3A_1811, %convert_element_type3A_1934 : vector<16xf32>
          %select_n3A_1936 = arith.select %lt3A_1933, %mul3A_1935, %gather3A_1927 : vector<16xi1>, vector<16xf32>
          %swap3A_1937 = arith.constant 7 : i32
          %swap3A_1938 = arith.constant 0 : i32
          %swap3A_1939 = arith.constant 0 : i32
          %swap3A_1940 = arith.constant 0 : i32
          %swap3A_1941 = tpu.memref_slice %arg10[%rem3A_143, %swap3A_1938, %swap3A_1939, %swap3A_1940] : memref<3x8x8x128xf32, #tpu.memory_space<vmem>> -> memref<1x8x8x128xf32, #tpu.memory_space<vmem>>
          %swap3A_1942 = tpu.memref_squeeze %swap3A_1941 : memref<1x8x8x128xf32, #tpu.memory_space<vmem>> -> memref<8x8x128xf32, #tpu.memory_space<vmem>>
          %swap3A_1943 = arith.index_cast %scan3A_253 : i32 to index
          %swap3A_1944 = arith.index_cast %swap3A_1937 : i32 to index
          %swap3A_1945 = arith.constant 64 : index
          %swap3A_1946 = tpu.vector_load %swap3A_1942[%swap3A_1943, %swap3A_1944, %swap3A_1945] {strides = array<i32>} : memref<8x8x128xf32, #tpu.memory_space<vmem>>, vector<16xf32>,
          tpu.vector_store %swap3A_1942[%swap3A_1943, %swap3A_1944, %swap3A_1945], %select_n3A_1936 {strides = array<i32>} : memref<8x8x128xf32, #tpu.memory_space<vmem>>, vector<16xf32>,
          %add3A_1947 = arith.constant 80 : i32
          %add3A_1948 = vector.broadcast %add3A_1947 : i32 to vector<16xi32>
          %add3A_1949 = arith.addi %add3A_1948, %iota3A : vector<16xi32>
          %gather3A_1950 = arith.constant 0 : i32
          %gather3A_1951 = arith.constant 0 : i32
          %gather3A_1952 = tpu.memref_slice %arg9[%rem3A_143, %gather3A_1950, %gather3A_1951] : memref<3x128x64xf32, #tpu.memory_space<vmem>> -> memref<1x128x64xf32, #tpu.memory_space<vmem>>
          %gather3A_1953 = tpu.memref_squeeze %gather3A_1952 : memref<1x128x64xf32, #tpu.memory_space<vmem>> -> memref<128x64xf32, #tpu.memory_space<vmem>>
          %gather3A_1954 = tpu.vector_load_idx %gather3A_1953[%add3A_1949, %broadcast_in_dim3A_1810] : memref<128x64xf32, #tpu.memory_space<vmem>>[vector<16xi32>, vector<16xi32>], vector<16xf32>,
          %get3A_1955 = arith.index_cast %scan3A_141 : i32 to index
          %get3A_1956 = arith.constant 80 : index
          %get3A_1957 = tpu.vector_load %arg6[%get3A_1955, %get3A_1956] {strides = array<i32>} : memref<50x128xi32, #tpu.memory_space<vmem>>, vector<16xi32>,
          %lt3A_1958 = arith.constant 2 : i32
          %lt3A_1959 = vector.broadcast %lt3A_1958 : i32 to vector<16xi32>
          %lt3A_1960 = arith.cmpi slt, %get3A_1957, %lt3A_1959 : vector<16xi32>
          %convert_element_type3A_1961 = arith.sitofp %get3A_1957 : vector<16xi32> to vector<16xf32>
          %mul3A_1962 = arith.mulf %gather3A_1811, %convert_element_type3A_1961 : vector<16xf32>
          %select_n3A_1963 = arith.select %lt3A_1960, %mul3A_1962, %gather3A_1954 : vector<16xi1>, vector<16xf32>
          %swap3A_1964 = arith.constant 7 : i32
          %swap3A_1965 = arith.constant 0 : i32
          %swap3A_1966 = arith.constant 0 : i32
          %swap3A_1967 = arith.constant 0 : i32
          %swap3A_1968 = tpu.memref_slice %arg10[%rem3A_143, %swap3A_1965, %swap3A_1966, %swap3A_1967] : memref<3x8x8x128xf32, #tpu.memory_space<vmem>> -> memref<1x8x8x128xf32, #tpu.memory_space<vmem>>
          %swap3A_1969 = tpu.memref_squeeze %swap3A_1968 : memref<1x8x8x128xf32, #tpu.memory_space<vmem>> -> memref<8x8x128xf32, #tpu.memory_space<vmem>>
          %swap3A_1970 = arith.index_cast %scan3A_253 : i32 to index
          %swap3A_1971 = arith.index_cast %swap3A_1964 : i32 to index
          %swap3A_1972 = arith.constant 80 : index
          %swap3A_1973 = tpu.vector_load %swap3A_1969[%swap3A_1970, %swap3A_1971, %swap3A_1972] {strides = array<i32>} : memref<8x8x128xf32, #tpu.memory_space<vmem>>, vector<16xf32>,
          tpu.vector_store %swap3A_1969[%swap3A_1970, %swap3A_1971, %swap3A_1972], %select_n3A_1963 {strides = array<i32>} : memref<8x8x128xf32, #tpu.memory_space<vmem>>, vector<16xf32>,
          %add3A_1974 = arith.constant 96 : i32
          %add3A_1975 = vector.broadcast %add3A_1974 : i32 to vector<16xi32>
          %add3A_1976 = arith.addi %add3A_1975, %iota3A : vector<16xi32>
          %gather3A_1977 = arith.constant 0 : i32
          %gather3A_1978 = arith.constant 0 : i32
          %gather3A_1979 = tpu.memref_slice %arg9[%rem3A_143, %gather3A_1977, %gather3A_1978] : memref<3x128x64xf32, #tpu.memory_space<vmem>> -> memref<1x128x64xf32, #tpu.memory_space<vmem>>
          %gather3A_1980 = tpu.memref_squeeze %gather3A_1979 : memref<1x128x64xf32, #tpu.memory_space<vmem>> -> memref<128x64xf32, #tpu.memory_space<vmem>>
          %gather3A_1981 = tpu.vector_load_idx %gather3A_1980[%add3A_1976, %broadcast_in_dim3A_1810] : memref<128x64xf32, #tpu.memory_space<vmem>>[vector<16xi32>, vector<16xi32>], vector<16xf32>,
          %get3A_1982 = arith.index_cast %scan3A_141 : i32 to index
          %get3A_1983 = arith.constant 96 : index
          %get3A_1984 = tpu.vector_load %arg6[%get3A_1982, %get3A_1983] {strides = array<i32>} : memref<50x128xi32, #tpu.memory_space<vmem>>, vector<16xi32>,
          %lt3A_1985 = arith.constant 2 : i32
          %lt3A_1986 = vector.broadcast %lt3A_1985 : i32 to vector<16xi32>
          %lt3A_1987 = arith.cmpi slt, %get3A_1984, %lt3A_1986 : vector<16xi32>
          %convert_element_type3A_1988 = arith.sitofp %get3A_1984 : vector<16xi32> to vector<16xf32>
          %mul3A_1989 = arith.mulf %gather3A_1811, %convert_element_type3A_1988 : vector<16xf32>
          %select_n3A_1990 = arith.select %lt3A_1987, %mul3A_1989, %gather3A_1981 : vector<16xi1>, vector<16xf32>
          %swap3A_1991 = arith.constant 7 : i32
          %swap3A_1992 = arith.constant 0 : i32
          %swap3A_1993 = arith.constant 0 : i32
          %swap3A_1994 = arith.constant 0 : i32
          %swap3A_1995 = tpu.memref_slice %arg10[%rem3A_143, %swap3A_1992, %swap3A_1993, %swap3A_1994] : memref<3x8x8x128xf32, #tpu.memory_space<vmem>> -> memref<1x8x8x128xf32, #tpu.memory_space<vmem>>
          %swap3A_1996 = tpu.memref_squeeze %swap3A_1995 : memref<1x8x8x128xf32, #tpu.memory_space<vmem>> -> memref<8x8x128xf32, #tpu.memory_space<vmem>>
          %swap3A_1997 = arith.index_cast %scan3A_253 : i32 to index
          %swap3A_1998 = arith.index_cast %swap3A_1991 : i32 to index
          %swap3A_1999 = arith.constant 96 : index
          %swap3A_2000 = tpu.vector_load %swap3A_1996[%swap3A_1997, %swap3A_1998, %swap3A_1999] {strides = array<i32>} : memref<8x8x128xf32, #tpu.memory_space<vmem>>, vector<16xf32>,
          tpu.vector_store %swap3A_1996[%swap3A_1997, %swap3A_1998, %swap3A_1999], %select_n3A_1990 {strides = array<i32>} : memref<8x8x128xf32, #tpu.memory_space<vmem>>, vector<16xf32>,
          %add3A_2001 = arith.constant 112 : i32
          %add3A_2002 = vector.broadcast %add3A_2001 : i32 to vector<16xi32>
          %add3A_2003 = arith.addi %add3A_2002, %iota3A : vector<16xi32>
          %gather3A_2004 = arith.constant 0 : i32
          %gather3A_2005 = arith.constant 0 : i32
          %gather3A_2006 = tpu.memref_slice %arg9[%rem3A_143, %gather3A_2004, %gather3A_2005] : memref<3x128x64xf32, #tpu.memory_space<vmem>> -> memref<1x128x64xf32, #tpu.memory_space<vmem>>
          %gather3A_2007 = tpu.memref_squeeze %gather3A_2006 : memref<1x128x64xf32, #tpu.memory_space<vmem>> -> memref<128x64xf32, #tpu.memory_space<vmem>>
          %gather3A_2008 = tpu.vector_load_idx %gather3A_2007[%add3A_2003, %broadcast_in_dim3A_1810] : memref<128x64xf32, #tpu.memory_space<vmem>>[vector<16xi32>, vector<16xi32>], vector<16xf32>,
          %get3A_2009 = arith.index_cast %scan3A_141 : i32 to index
          %get3A_2010 = arith.constant 112 : index
          %get3A_2011 = tpu.vector_load %arg6[%get3A_2009, %get3A_2010] {strides = array<i32>} : memref<50x128xi32, #tpu.memory_space<vmem>>, vector<16xi32>,
          %lt3A_2012 = arith.constant 2 : i32
          %lt3A_2013 = vector.broadcast %lt3A_2012 : i32 to vector<16xi32>
          %lt3A_2014 = arith.cmpi slt, %get3A_2011, %lt3A_2013 : vector<16xi32>
          %convert_element_type3A_2015 = arith.sitofp %get3A_2011 : vector<16xi32> to vector<16xf32>
          %mul3A_2016 = arith.mulf %gather3A_1811, %convert_element_type3A_2015 : vector<16xf32>
          %select_n3A_2017 = arith.select %lt3A_2014, %mul3A_2016, %gather3A_2008 : vector<16xi1>, vector<16xf32>
          %swap3A_2018 = arith.constant 7 : i32
          %swap3A_2019 = arith.constant 0 : i32
          %swap3A_2020 = arith.constant 0 : i32
          %swap3A_2021 = arith.constant 0 : i32
          %swap3A_2022 = tpu.memref_slice %arg10[%rem3A_143, %swap3A_2019, %swap3A_2020, %swap3A_2021] : memref<3x8x8x128xf32, #tpu.memory_space<vmem>> -> memref<1x8x8x128xf32, #tpu.memory_space<vmem>>
          %swap3A_2023 = tpu.memref_squeeze %swap3A_2022 : memref<1x8x8x128xf32, #tpu.memory_space<vmem>> -> memref<8x8x128xf32, #tpu.memory_space<vmem>>
          %swap3A_2024 = arith.index_cast %scan3A_253 : i32 to index
          %swap3A_2025 = arith.index_cast %swap3A_2018 : i32 to index
          %swap3A_2026 = arith.constant 112 : index
          %swap3A_2027 = tpu.vector_load %swap3A_2023[%swap3A_2024, %swap3A_2025, %swap3A_2026] {strides = array<i32>} : memref<8x8x128xf32, #tpu.memory_space<vmem>>, vector<16xf32>,
          tpu.vector_store %swap3A_2023[%swap3A_2024, %swap3A_2025, %swap3A_2026], %select_n3A_2017 {strides = array<i32>} : memref<8x8x128xf32, #tpu.memory_space<vmem>>, vector<16xf32>,
          %scan3A_2028 = arith.constant 0 : i32
          scf.yield %scan3A_2028 : i32
        }
        %scan3A_252 = arith.constant 8 : i32
      }
      %dma_start3A_216 = arith.constant 0 : i32
      %dma_start3A_217 = arith.constant 0 : i32
      %dma_start3A_218 = arith.constant 0 : i32
      %dma_start3A_219 = tpu.memref_slice %arg10[%rem3A_143, %dma_start3A_216, %dma_start3A_217, %dma_start3A_218] : memref<3x8x8x128xf32, #tpu.memory_space<vmem>> -> memref<1x8x8x128xf32, #tpu.memory_space<vmem>>
      %dma_start3A_220 = tpu.memref_squeeze %dma_start3A_219 : memref<1x8x8x128xf32, #tpu.memory_space<vmem>> -> memref<8x8x128xf32, #tpu.memory_space<vmem>>
      %dma_start3A_221 = arith.constant 0 : i32
      %dma_start3A_222 = arith.constant 0 : i32
      %dma_start3A_223 = arith.constant 0 : i32
      %dma_start3A_224 = tpu.memref_slice %arg5[%scan3A_141, %dma_start3A_221, %add3A, %dma_start3A_222, %dma_start3A_223] : memref<50x8x32x8x128xf32, #tpu.memory_space<hbm>> -> memref<1x8x1x8x128xf32, #tpu.memory_space<hbm>>
      %dma_start3A_225 = tpu.memref_squeeze %dma_start3A_224 : memref<1x8x1x8x128xf32, #tpu.memory_space<hbm>> -> memref<8x8x128xf32, #tpu.memory_space<hbm>>
      %dma_start3A_226 = tpu.memref_slice %arg12[%rem3A_143] : memref<3x!tpu.dma_semaphore, #tpu.memory_space<semaphore_mem>> -> memref<1x!tpu.dma_semaphore, #tpu.memory_space<semaphore_mem>>
      %dma_start3A_227 = tpu.memref_squeeze %dma_start3A_226 : memref<1x!tpu.dma_semaphore, #tpu.memory_space<semaphore_mem>> -> memref<!tpu.dma_semaphore, #tpu.memory_space<semaphore_mem>>
      %dma_start3A_228 = arith.constant 0 : i32
      %dma_start3A_229 = arith.constant 0 : i32
      %dma_start3A_230 = arith.constant 0 : i32
      %dma_start3A_231 = tpu.memref_slice %arg5[%scan3A_141, %dma_start3A_228, %add3A, %dma_start3A_229, %dma_start3A_230] : memref<50x8x32x8x128xf32, #tpu.memory_space<hbm>> -> memref<1x8x1x8x128xf32, #tpu.memory_space<hbm>>
      %dma_start3A_232 = tpu.memref_squeeze %dma_start3A_231 : memref<1x8x1x8x128xf32, #tpu.memory_space<hbm>> -> memref<8x8x128xf32, #tpu.memory_space<hbm>>
      %dma_start3A_233 = arith.constant 0 : i32
      %dma_start3A_234 = arith.constant 0 : i32
      %dma_start3A_235 = arith.constant 0 : i32
      %dma_start3A_236 = tpu.memref_slice %arg10[%rem3A_143, %dma_start3A_233, %dma_start3A_234, %dma_start3A_235] : memref<3x8x8x128xf32, #tpu.memory_space<vmem>> -> memref<1x8x8x128xf32, #tpu.memory_space<vmem>>
      %dma_start3A_237 = tpu.memref_squeeze %dma_start3A_236 : memref<1x8x8x128xf32, #tpu.memory_space<vmem>> -> memref<8x8x128xf32, #tpu.memory_space<vmem>>
      tpu.enqueue_dma source(%dma_start3A_237 : memref<8x8x128xf32, #tpu.memory_space<vmem>>) target(%dma_start3A_232 : memref<8x8x128xf32, #tpu.memory_space<hbm>>) target_semaphore(%dma_start3A_227 : memref<!tpu.dma_semaphore, #tpu.memory_space<semaphore_mem>>)
      %add3A_238 = arith.constant 3 : i32
      %add3A_239 = arith.addi %scan3A_141, %add3A_238 : i32
      %lt3A_240 = arith.constant 50 : i32
      %lt3A_241 = arith.cmpi slt, %add3A_239, %lt3A_240 : i32
      %convert_element_type3A_242 = arith.extui %lt3A_241 : i1 to i32
      %cond3A_243 = arith.constant 0 : i32
      %cond3A_244 = arith.cmpi ne, %convert_element_type3A_242, %cond3A_243 : i32
      scf.if %cond3A_244 {
        %add3A_246 = arith.constant 3 : i32
        %add3A_247 = arith.addi %scan3A_141, %add3A_246 : i32
        %dma_start3A_248 = arith.constant 0 : i32
        %dma_start3A_249 = arith.constant 0 : i32
        %dma_start3A_250 = tpu.memref_slice %arg9[%rem3A_143, %dma_start3A_248, %dma_start3A_249] : memref<3x128x64xf32, #tpu.memory_space<vmem>> -> memref<1x128x64xf32, #tpu.memory_space<vmem>>
        %dma_start3A_251 = tpu.memref_squeeze %dma_start3A_250 : memref<1x128x64xf32, #tpu.memory_space<vmem>> -> memref<128x64xf32, #tpu.memory_space<vmem>>
        %dma_start3A_252 = arith.constant 0 : i32
        %dma_start3A_253 = tpu.memref_slice %arg7[%add3A_247, %dma_start3A_252] : memref<50x128xi32, #tpu.memory_space<vmem>> -> memref<1x128xi32, #tpu.memory_space<vmem>>
        %dma_start3A_254 = tpu.memref_squeeze %dma_start3A_253 : memref<1x128xi32, #tpu.memory_space<vmem>> -> memref<128xi32, #tpu.memory_space<vmem>>
        %dma_start3A_255 = arith.constant 0 : i32
        %dma_start3A_256 = arith.constant 0 : i32
        %dma_start3A_257 = tpu.memref_slice %arg4[%dma_start3A_255, %dma_start3A_256] : memref<99998x64xf32, #tpu.memory_space<hbm>> -> memref<99998x64xf32, #tpu.memory_space<hbm>>
        %dma_start3A_258 = tpu.memref_slice %arg11[%rem3A_143] : memref<3x!tpu.dma_semaphore, #tpu.memory_space<semaphore_mem>> -> memref<1x!tpu.dma_semaphore, #tpu.memory_space<semaphore_mem>>
        %dma_start3A_259 = tpu.memref_squeeze %dma_start3A_258 : memref<1x!tpu.dma_semaphore, #tpu.memory_space<semaphore_mem>> -> memref<!tpu.dma_semaphore, #tpu.memory_space<semaphore_mem>>
        tpu.enqueue_indirect_dma source(%dma_start3A_257 : memref<99998x64xf32, #tpu.memory_space<hbm>>) target(%dma_start3A_251 : memref<128x64xf32, #tpu.memory_space<vmem>>) offsets(%dma_start3A_254 : memref<128xi32, #tpu.memory_space<vmem>>) semaphore(%dma_start3A_259 : memref<!tpu.dma_semaphore, #tpu.memory_space<semaphore_mem>>)
      } else {
      }
      %scan3A_245 = arith.constant 0 : i32
      scf.yield %scan3A_245 : i32
    }
    %scan3A_66 = arith.constant 50 : i32
    %dma_wait3A = arith.constant 2 : i32
    %dma_wait3A_67 = arith.constant 47 : i32
    %dma_wait3A_68 = arith.constant 2 : i32
    %dma_wait3A_69 = arith.constant 0 : i32
    %dma_wait3A_70 = arith.constant 0 : i32
    %dma_wait3A_71 = arith.constant 0 : i32
    %dma_wait3A_72 = tpu.memref_slice %arg10[%dma_wait3A, %dma_wait3A_69, %dma_wait3A_70, %dma_wait3A_71] : memref<3x8x8x128xf32, #tpu.memory_space<vmem>> -> memref<1x8x8x128xf32, #tpu.memory_space<vmem>>
    %dma_wait3A_73 = tpu.memref_squeeze %dma_wait3A_72 : memref<1x8x8x128xf32, #tpu.memory_space<vmem>> -> memref<8x8x128xf32, #tpu.memory_space<vmem>>
    %dma_wait3A_74 = arith.constant 0 : i32
    %dma_wait3A_75 = arith.constant 0 : i32
    %dma_wait3A_76 = arith.constant 0 : i32
    %dma_wait3A_77 = tpu.memref_slice %arg5[%dma_wait3A_67, %dma_wait3A_74, %add3A, %dma_wait3A_75, %dma_wait3A_76] : memref<50x8x32x8x128xf32, #tpu.memory_space<hbm>> -> memref<1x8x1x8x128xf32, #tpu.memory_space<hbm>>
    %dma_wait3A_78 = tpu.memref_squeeze %dma_wait3A_77 : memref<1x8x1x8x128xf32, #tpu.memory_space<hbm>> -> memref<8x8x128xf32, #tpu.memory_space<hbm>>
    %dma_wait3A_79 = tpu.memref_slice %arg12[%dma_wait3A_68] : memref<3x!tpu.dma_semaphore, #tpu.memory_space<semaphore_mem>> -> memref<1x!tpu.dma_semaphore, #tpu.memory_space<semaphore_mem>>
    %dma_wait3A_80 = tpu.memref_squeeze %dma_wait3A_79 : memref<1x!tpu.dma_semaphore, #tpu.memory_space<semaphore_mem>> -> memref<!tpu.dma_semaphore, #tpu.memory_space<semaphore_mem>>
    %dma_wait3A_81 = arith.constant 0 : i32
    %dma_wait3A_82 = arith.constant 0 : i32
    %dma_wait3A_83 = arith.constant 0 : i32
    %dma_wait3A_84 = tpu.memref_slice %arg5[%dma_wait3A_67, %dma_wait3A_81, %add3A, %dma_wait3A_82, %dma_wait3A_83] : memref<50x8x32x8x128xf32, #tpu.memory_space<hbm>> -> memref<1x8x1x8x128xf32, #tpu.memory_space<hbm>>
    %dma_wait3A_85 = tpu.memref_squeeze %dma_wait3A_84 : memref<1x8x1x8x128xf32, #tpu.memory_space<hbm>> -> memref<8x8x128xf32, #tpu.memory_space<hbm>>
    %dma_wait3A_86 = arith.constant 0 : i32
    %dma_wait3A_87 = arith.constant 0 : i32
    %dma_wait3A_88 = arith.constant 0 : i32
    %dma_wait3A_89 = tpu.memref_slice %arg10[%dma_wait3A, %dma_wait3A_86, %dma_wait3A_87, %dma_wait3A_88] : memref<3x8x8x128xf32, #tpu.memory_space<vmem>> -> memref<1x8x8x128xf32, #tpu.memory_space<vmem>>
    %dma_wait3A_90 = tpu.memref_squeeze %dma_wait3A_89 : memref<1x8x8x128xf32, #tpu.memory_space<vmem>> -> memref<8x8x128xf32, #tpu.memory_space<vmem>>
    tpu.wait_dma2 semaphore(%dma_wait3A_80 : memref<!tpu.dma_semaphore, #tpu.memory_space<semaphore_mem>>) src(%dma_wait3A_90 : memref<8x8x128xf32, #tpu.memory_space<vmem>>) dst(%dma_wait3A_85 : memref<8x8x128xf32, #tpu.memory_space<hbm>>)
    %dma_wait3A_91 = arith.constant 0 : i32
    %dma_wait3A_92 = arith.constant 48 : i32
    %dma_wait3A_93 = arith.constant 0 : i32
    %dma_wait3A_94 = arith.constant 0 : i32
    %dma_wait3A_95 = arith.constant 0 : i32
    %dma_wait3A_96 = arith.constant 0 : i32
    %dma_wait3A_97 = tpu.memref_slice %arg10[%dma_wait3A_91, %dma_wait3A_94, %dma_wait3A_95, %dma_wait3A_96] : memref<3x8x8x128xf32, #tpu.memory_space<vmem>> -> memref<1x8x8x128xf32, #tpu.memory_space<vmem>>
    %dma_wait3A_98 = tpu.memref_squeeze %dma_wait3A_97 : memref<1x8x8x128xf32, #tpu.memory_space<vmem>> -> memref<8x8x128xf32, #tpu.memory_space<vmem>>
    %dma_wait3A_99 = arith.constant 0 : i32
    %dma_wait3A_100 = arith.constant 0 : i32
    %dma_wait3A_101 = arith.constant 0 : i32
    %dma_wait3A_102 = tpu.memref_slice %arg5[%dma_wait3A_92, %dma_wait3A_99, %add3A, %dma_wait3A_100, %dma_wait3A_101] : memref<50x8x32x8x128xf32, #tpu.memory_space<hbm>> -> memref<1x8x1x8x128xf32, #tpu.memory_space<hbm>>
    %dma_wait3A_103 = tpu.memref_squeeze %dma_wait3A_102 : memref<1x8x1x8x128xf32, #tpu.memory_space<hbm>> -> memref<8x8x128xf32, #tpu.memory_space<hbm>>
    %dma_wait3A_104 = tpu.memref_slice %arg12[%dma_wait3A_93] : memref<3x!tpu.dma_semaphore, #tpu.memory_space<semaphore_mem>> -> memref<1x!tpu.dma_semaphore, #tpu.memory_space<semaphore_mem>>
    %dma_wait3A_105 = tpu.memref_squeeze %dma_wait3A_104 : memref<1x!tpu.dma_semaphore, #tpu.memory_space<semaphore_mem>> -> memref<!tpu.dma_semaphore, #tpu.memory_space<semaphore_mem>>
    %dma_wait3A_106 = arith.constant 0 : i32
    %dma_wait3A_107 = arith.constant 0 : i32
    %dma_wait3A_108 = arith.constant 0 : i32
    %dma_wait3A_109 = tpu.memref_slice %arg5[%dma_wait3A_92, %dma_wait3A_106, %add3A, %dma_wait3A_107, %dma_wait3A_108] : memref<50x8x32x8x128xf32, #tpu.memory_space<hbm>> -> memref<1x8x1x8x128xf32, #tpu.memory_space<hbm>>
    %dma_wait3A_110 = tpu.memref_squeeze %dma_wait3A_109 : memref<1x8x1x8x128xf32, #tpu.memory_space<hbm>> -> memref<8x8x128xf32, #tpu.memory_space<hbm>>
    %dma_wait3A_111 = arith.constant 0 : i32
    %dma_wait3A_112 = arith.constant 0 : i32
    %dma_wait3A_113 = arith.constant 0 : i32
    %dma_wait3A_114 = tpu.memref_slice %arg10[%dma_wait3A_91, %dma_wait3A_111, %dma_wait3A_112, %dma_wait3A_113] : memref<3x8x8x128xf32, #tpu.memory_space<vmem>> -> memref<1x8x8x128xf32, #tpu.memory_space<vmem>>
    %dma_wait3A_115 = tpu.memref_squeeze %dma_wait3A_114 : memref<1x8x8x128xf32, #tpu.memory_space<vmem>> -> memref<8x8x128xf32, #tpu.memory_space<vmem>>
    tpu.wait_dma2 semaphore(%dma_wait3A_105 : memref<!tpu.dma_semaphore, #tpu.memory_space<semaphore_mem>>) src(%dma_wait3A_115 : memref<8x8x128xf32, #tpu.memory_space<vmem>>) dst(%dma_wait3A_110 : memref<8x8x128xf32, #tpu.memory_space<hbm>>)
    %dma_wait3A_116 = arith.constant 1 : i32
    %dma_wait3A_117 = arith.constant 49 : i32
    %dma_wait3A_118 = arith.constant 1 : i32
    %dma_wait3A_119 = arith.constant 0 : i32
    %dma_wait3A_120 = arith.constant 0 : i32
    %dma_wait3A_121 = arith.constant 0 : i32
    %dma_wait3A_122 = tpu.memref_slice %arg10[%dma_wait3A_116, %dma_wait3A_119, %dma_wait3A_120, %dma_wait3A_121] : memref<3x8x8x128xf32, #tpu.memory_space<vmem>> -> memref<1x8x8x128xf32, #tpu.memory_space<vmem>>
    %dma_wait3A_123 = tpu.memref_squeeze %dma_wait3A_122 : memref<1x8x8x128xf32, #tpu.memory_space<vmem>> -> memref<8x8x128xf32, #tpu.memory_space<vmem>>
    %dma_wait3A_124 = arith.constant 0 : i32
    %dma_wait3A_125 = arith.constant 0 : i32
    %dma_wait3A_126 = arith.constant 0 : i32
    %dma_wait3A_127 = tpu.memref_slice %arg5[%dma_wait3A_117, %dma_wait3A_124, %add3A, %dma_wait3A_125, %dma_wait3A_126] : memref<50x8x32x8x128xf32, #tpu.memory_space<hbm>> -> memref<1x8x1x8x128xf32, #tpu.memory_space<hbm>>
    %dma_wait3A_128 = tpu.memref_squeeze %dma_wait3A_127 : memref<1x8x1x8x128xf32, #tpu.memory_space<hbm>> -> memref<8x8x128xf32, #tpu.memory_space<hbm>>
    %dma_wait3A_129 = tpu.memref_slice %arg12[%dma_wait3A_118] : memref<3x!tpu.dma_semaphore, #tpu.memory_space<semaphore_mem>> -> memref<1x!tpu.dma_semaphore, #tpu.memory_space<semaphore_mem>>
    %dma_wait3A_130 = tpu.memref_squeeze %dma_wait3A_129 : memref<1x!tpu.dma_semaphore, #tpu.memory_space<semaphore_mem>> -> memref<!tpu.dma_semaphore, #tpu.memory_space<semaphore_mem>>
    %dma_wait3A_131 = arith.constant 0 : i32
    %dma_wait3A_132 = arith.constant 0 : i32
    %dma_wait3A_133 = arith.constant 0 : i32
    %dma_wait3A_134 = tpu.memref_slice %arg5[%dma_wait3A_117, %dma_wait3A_131, %add3A, %dma_wait3A_132, %dma_wait3A_133] : memref<50x8x32x8x128xf32, #tpu.memory_space<hbm>> -> memref<1x8x1x8x128xf32, #tpu.memory_space<hbm>>
    %dma_wait3A_135 = tpu.memref_squeeze %dma_wait3A_134 : memref<1x8x1x8x128xf32, #tpu.memory_space<hbm>> -> memref<8x8x128xf32, #tpu.memory_space<hbm>>
    %dma_wait3A_136 = arith.constant 0 : i32
    %dma_wait3A_137 = arith.constant 0 : i32
    %dma_wait3A_138 = arith.constant 0 : i32
    %dma_wait3A_139 = tpu.memref_slice %arg10[%dma_wait3A_116, %dma_wait3A_136, %dma_wait3A_137, %dma_wait3A_138] : memref<3x8x8x128xf32, #tpu.memory_space<vmem>> -> memref<1x8x8x128xf32, #tpu.memory_space<vmem>>
    %dma_wait3A_140 = tpu.memref_squeeze %dma_wait3A_139 : memref<1x8x8x128xf32, #tpu.memory_space<vmem>> -> memref<8x8x128xf32, #tpu.memory_space<vmem>>
    tpu.wait_dma2 semaphore(%dma_wait3A_130 : memref<!tpu.dma_semaphore, #tpu.memory_space<semaphore_mem>>) src(%dma_wait3A_140 : memref<8x8x128xf32, #tpu.memory_space<vmem>>) dst(%dma_wait3A_135 : memref<8x8x128xf32, #tpu.memory_space<hbm>>)
    return
  }
}

</mosaic_0001>

<sc_bundles>
// kernel: kernel.3.cloned.1.call-start
scs
__scs_entry_jumppad:
0x0: {  	(pc) =	sbr.rel $0x88, $3  }
0x1: {  	(tag) =	ssettag $0x0;
	lr =	simm.s32 $0x1  }
0x2: {  	[smem:$0x3F9E] =	sst lr;
	_ =	strace $0xD0000000  }
0x3: {  	_ = 	snop  }
0x4: {  	_ = 	snop  }
0x5: {  	_ = 	snop  }
0x6: {  	_ = 	snop  }
0x7: {  	_ = 	snop  }
__scs_overlays_trampoline_lowered:
0x8: {  	[smem:$0x3FAD] =	sst s0  }
0x9: {  	[smem:$0x3FAE] =	sst s1  }
0xa: {  	[smem:$0x3FAF] =	sst s2  }
0xb: {  	[smem:$0x3FB0] =	sst s3  }
0xc: {  	[smem:$0x3FB1] =	sst s4  }
0xd: {  	[smem:$0x3FB2] =	sst s5  }
0xe: {  	[smem:$0x3FB3] =	sst s6  }
0xf: {  	[smem:$0x3FB4] =	sst s7  }
0x10: {  	[smem:$0x3FB5] =	sst s8  }
0x11: {  	[smem:$0x3FB6] =	sst s9;
	s0 =	simm.s32 @!p0 $0x0  }
0x12: {  	s1 =	sld [smem:$0x3F9C];
	s0 =	simm.s32 @p0 $0x1  }
0x13: {  	[smem:$0x3FB7] =	sst s0;
	s0 =	simm.s32 @!p1 $0x0  }
0x14: {  	s2 =	sld [smem:$0x3F9B];
	s0 =	simm.s32 @p1 $0x1  }
0x15: {  	[smem:$0x3FB8] =	sst s0;
	s0 =	simm.s32 @!p2 $0x0  }
0x16: {  	s3 =	sld [smem:$0x3FDB];
	s0 =	simm.s32 @p2 $0x1  }
0x17: {  	s4 =	simm.s32 $0x1BF5;
	[smem:$0x3FBA] =	sst s0  }
0x18: {  	s0 =	sld [smem:$0x3F9D];
	_ =	swait.ge [sflag:s4], $0x0  }
0x19: {  	s7 =	sld [smem:$0x3F9E]  }
0x1a: {  	s8 =	sadd.s32 $0xFFFFE003, lr  }
0x1b: {  	s9 =	sadd.s32 $0xFFFFFEF7, lr;
	s5 =	simm.s32 $0xFFFFFFFF;
	p2 =	slt.u32 s8, $0xFFFFF086  }
0x1c: {  	p1 =	slt.u32 s9, $0xF7A;
	s5 =	simm.s32 @!p2 $0x0  }
0x1d: {  	s5 =	simm.s32 @p1 $0x1;
	p0 =	seq.s32 s7, s2  }
0x1e: {  	s7 =	smul.u32 @!p0 $0xF7A, s2;
	p2 =	seq.s32 @!p0 s5, $0x0  }
0x1f: {  	s9 =	smul.u32 $0xF7A, s1;
	s8 =	simm.s32 @!p0 $0x1BF5;
	p2 =	por !p2, p0  }
0x20: {  	[sflag:s8] =	ssyncset.s32 @!p0 $0xFFFFF086;
	s6 =	sadd.s32 @!p0 s3, s7;
	s7 =	simm.s32 @!p0 $0x108  }
0x21: {  	s3 =	sadd.s32 s3, s9;
	s6 =	sadd.s32 @!p0 $0x88, s6;
	s7 =	simm.s32 @p2 $0x1082  }
0x22: {  	[simem:s7], [sflag:s8] =	dma.local @!p0 [hbm:s6], $0xF7A  }
0x23: {  	s9 =	sor.u32 $0xD0000000, s2;
	s6 =	simm.s32 $0x108;
	_ =	swait.ge @!p0 [sflag:s8], $0x0  }
0x24: {  	s3 =	sadd.s32 $0x88, s3;
	s6 =	simm.s32 @!p1 $0x1082;
	[sflag:s4] =	ssyncset.s32 $0xFFFFF086  }
0x25: {  	[simem:s6], [sflag:s4] =	dma.local [hbm:s3], $0xF7A  }
0x26: {  	[smem:$0x3F9E] =	sst s1;
	(tag) =	ssettag s2;
	_ =	strace s9  }
0x27: {  	s1 =	sld [smem:$0x3FAE]  }
0x28: {  	s2 =	sld [smem:$0x3FAF]  }
0x29: {  	s4 =	sld [smem:$0x3FB1]  }
0x2a: {  	p0 =	seq.s32 s5, $0x0;
	s5 =	sld [smem:$0x3FB2]  }
0x2b: {  	s6 =	sld [smem:$0x3FB3]  }
0x2c: {  	s7 =	sld [smem:$0x3FB4]  }
0x2d: {  	s3 =	simm.s32 $0x108;
	s8 =	sld [smem:$0x3FB5]  }
0x2e: {  	s3 =	simm.s32 @!p0 $0x1082;
	s9 =	sld [smem:$0x3FB6]  }
0x2f: {  	lr =	sadd.s32 s0, s3;
	s0 =	sld [smem:$0x3FAD]  }
0x30: {  	s3 =	sld [smem:$0x3FB0]  }
0x31: {  	[smem:$0x3FB9] =	sst s10  }
0x32: {  	s10 =	sld [smem:$0x3FB7];
	_ =	sdelay $0x3  }
0x33: {  	p0 =	seq.s32 s10, $0x1;
	s10 =	sld [smem:$0x3FB9];
	_ =	sdelay $0x3  }
0x34: {  	[smem:$0x3FB9] =	sst s10  }
0x35: {  	s10 =	sld [smem:$0x3FB8];
	_ =	sdelay $0x3  }
0x36: {  	p1 =	seq.s32 s10, $0x1;
	s10 =	sld [smem:$0x3FB9];
	_ =	sdelay $0x3  }
0x37: {  	[smem:$0x3FB9] =	sst s10  }
0x38: {  	s10 =	sld [smem:$0x3FBA]  }
0x39: {  	_ = 	snop;
	(pc) =	sbr.ind lr, $3  }
0x3a: {  	_ = 	snop  }
0x3b: {  	_ = 	snop  }
0x3c: {  	p2 =	seq.s32 s10, $0x1;
	s10 =	sld [smem:$0x3FB9]  }
0x3d: {  	_ =	shalt  }
0x3e: {  	_ =	shalt  }
0x3f: {  	_ =	shalt  }
0x40: {  	_ =	shalt  }
0x41: {  	_ =	shalt  }
0x42: {  	_ =	shalt  }
0x43: {  	_ =	shalt  }
0x44: {  	_ =	shalt  }
0x45: {  	_ =	shalt  }
0x46: {  	_ =	shalt  }
0x47: {  	_ =	shalt  }
0x48: {  	_ =	shalt  }
0x49: {  	_ =	shalt  }
0x4a: {  	_ =	shalt  }
0x4b: {  	_ =	shalt  }
0x4c: {  	_ =	shalt  }
0x4d: {  	_ =	shalt  }
0x4e: {  	_ =	shalt  }
0x4f: {  	_ =	shalt  }
0x50: {  	_ =	shalt  }
0x51: {  	_ =	shalt  }
0x52: {  	_ =	shalt  }
0x53: {  	_ =	shalt  }
0x54: {  	_ =	shalt  }
0x55: {  	_ =	shalt  }
0x56: {  	_ =	shalt  }
0x57: {  	_ =	shalt  }
0x58: {  	_ =	shalt  }
0x59: {  	_ =	shalt  }
0x5a: {  	_ =	shalt  }
0x5b: {  	_ =	shalt  }
0x5c: {  	_ =	shalt  }
0x5d: {  	_ =	shalt  }
0x5e: {  	_ =	shalt  }
0x5f: {  	_ =	shalt  }
0x60: {  	_ =	shalt  }
0x61: {  	_ =	shalt  }
0x62: {  	_ =	shalt  }
0x63: {  	_ =	shalt  }
0x64: {  	_ =	shalt  }
0x65: {  	_ =	shalt  }
0x66: {  	_ =	shalt  }
0x67: {  	_ =	shalt  }
0x68: {  	_ =	shalt  }
0x69: {  	_ =	shalt  }
0x6a: {  	_ =	shalt  }
0x6b: {  	_ =	shalt  }
0x6c: {  	_ =	shalt  }
0x6d: {  	_ =	shalt  }
0x6e: {  	_ =	shalt  }
0x6f: {  	_ =	shalt  }
0x70: {  	_ =	shalt  }
0x71: {  	_ =	shalt  }
0x72: {  	_ =	shalt  }
0x73: {  	_ =	shalt  }
0x74: {  	_ =	shalt  }
0x75: {  	_ =	shalt  }
0x76: {  	_ =	shalt  }
0x77: {  	_ =	shalt  }
0x78: {  	_ =	shalt  }
0x79: {  	_ =	shalt  }
0x7a: {  	_ =	shalt  }
0x7b: {  	_ =	shalt  }
0x7c: {  	_ =	shalt  }
0x7d: {  	_ =	shalt  }
0x7e: {  	_ =	shalt  }
0x7f: {  	_ =	shalt  }
0x80: {  	_ =	shalt  }
0x81: {  	_ =	shalt  }
0x82: {  	_ =	shalt  }
0x83: {  	_ =	shalt  }
0x84: {  	_ =	shalt  }
0x85: {  	_ =	shalt  }
0x86: {  	_ =	shalt  }
0x87: {  	_ =	shalt  }
.Lfunc_end0:
.L_simem_size_0:
called_computation_lowered:
.L_overlay_start_0:
0x88: {  	s2 =	sld [smem:$0x3FD9]  }
0x89: {  	s3 =	sld [smem:$0x3FFE];
	_ =	sdelay $0x1  }
0x8a: {  	s1 =	srdreg.scid  }
0x8b: {  	s0 =	sand.u32 $0x1, s1  }
0x8c: {  	s17 =	sshll.u32 s0, $0xA;
	s2 =	sadd.s32 s3, s2  }
0x8d: {  	s2 =	sadd.s32 s2, s17  }
0x8e: {  	[smem:$0x3FC5] =	sst s2  }
0x8f: {  	_ = 	snop  }
0x90: {  	s2 =	sld [smem:$0x3FC8]  }
0x91: {  	s18 =	sld [smem:$0x3FD0];
	(tm) =	ssettm $0x1  }
0x92: {  	s4 =	sld [smem:$0x3FFB];
	_ =	sdelay $0x3  }
0x93: {  	_ =	strace s4  }
0x94: {  	s4 =	sld [smem:$0x3FFC];
	_ =	sdelay $0x3  }
0x95: {  	_ =	strace s4  }
0x96: {  	s4 =	sld [smem:$0x3FFD];
	_ =	sdelay $0x3  }
0x97: {  	_ =	strace s4  }
0x98: {  	_ =	strace $0x8FFFFFFF  }
0x99: {  	s19 =	sld [smem:$0x3FDB];
	_ =	sdelay $0x1  }
0x9a: {  	s5 =	simm.s32 $_scs_section_size  }
0x9b: {  	s6 =	simm.s32 $_size__tile_overlayer_lowered;
	s7 =	simm.s32 $_tile_overlayer_lowered  }
0x9c: {  	s22 =	simm.s32 $0x1BFF;
	s21 =	sshll.u32 s7, $0x1;
	s4 =	sadd.s32 s5, s19  }
0x9d: {  	s8 =	simm.s32 $0x0;
	s20 =	sshll.u32 s6, $0x1;
	s6 =	sadd.s32 s21, s4  }
0x9e: {  	[timem:s8], [sflag:s22] =	dma.local [hbm:s6], s20  }
0x9f: {  	_ =	swait.ge [sflag:s22], s20  }
0xa0: {  	s5 =	ssub.s32 $0x0, s20;
	[sflag:s22] =	ssyncset.done $0x0  }
0xa1: {  	[sflag:s22] =	ssyncadd.s32 s5;
	_ =	sdelay $0x1  }
0xa2: {  	s23 =	simm.s32 $0x1B8B  }
0xa3: {  	_ =	swait.ge [sflag:s23], $0x1  }
0xa4: {  	[sflag:s23] =	ssyncset.done $0x0  }
0xa5: {  	s25 =	simm.s32 $0x1B8E;
	s24 =	sld [smem:$0x3FFE];
	[sflag:s23] =	ssyncadd.s32 $0xFFFFFFFF  }
0xa6: {  	s26 =	simm.s32 $execute0_lowered;
	[smem:$0x3FD2] =	sst s25  }
0xa7: {  	s6 =	sshll.u32 s26, $0x1;
	_ =	strace $0x80000046;
	[dreg:$0x1] =	wrdreg $0xFFFFFFFF  }
0xa8: {  	s28 =	simm.s32 $_size_execute0_lowered;
	s4 =	sadd.s32 s4, s6;
	[dreg:$0x0] =	wrdreg $0x0  }
0xa9: {  	s6 =	sshll.u32 s28, $0x1;
	[dreg:$0x2] =	wrdreg s4  }
0xaa: {  	[dreg:$0x3] =	wrdreg s6  }
0xab: {  	[dreg:$0x4] =	wrdreg $0xC0  }
0xac: {  	_ =	task [dreg:s8], $0x5FFFF  }
0xad: {  	[dreg:$0x1] =	wrdreg $0xFFFFFFFF  }
0xae: {  	[dreg:$0x0] =	wrdreg $0x60  }
0xaf: {  	[dreg:$0x2] =	wrdreg s24  }
0xb0: {  	[dreg:$0x3] =	wrdreg s2  }
0xb1: {  	[dreg:$0x4] =	wrdreg s18  }
0xb2: {  	[dreg:$0x5] =	wrdreg $0x9  }
0xb3: {  	_ =	task.clear_ibuf [dreg:s8], $0x6FFFF;
	_ =	strace $0x90000046  }
0xb4: {  	s29 =	simm.s32 $0x9;
	_ =	strace $0x80000048  }
0xb5: {  	_ =	swait.ge [sflag:s29], $0x1  }
0xb6: {  	[sflag:s29] =	ssyncadd.s32 $0xFFFFFFFF  }
0xb7: {  	_ =	strace $0x90000048  }
0xb8: {  	_ =	sfence  }
0xb9: {  	s30 =	sld [smem:$0x0];
	_ =	sdelay $0x2  }
0xba: {  	s31 =	sshll.u32 s1, $0xD;
	s1 =	sshrl.u32 s1, $0x2  }
0xbb: {  	s3 =	sand.u32 $0x4000, s31;
	s1 =	sadd.s32 s1, s30  }
0xbc: {  	s0 =	sor.u32 s3, s0;
	s1 =	sshll.u32 s1, $0x11  }
0xbd: {  	s0 =	sor.u32 s1, s0  }
0xbe: {  	s0 =	sadd.s32 $0x8F2B, s0  }
0xbf: {  	[sflag:s0] =	ssyncadd.remote.s32 $0x1  }
0xc0: {  	_ =	sfence.sel $0xFFFF  }
0xc1: {  	[dreg:$0x0] =	wrdreg $0xFFFFFFFF;
	(pc) =	sbr.abs _section_cstart, $3  }
0xc2: {  	[dreg:$0x1] =	wrdreg $0xFFFFFFFF  }
0xc3: {  	_ =	task.clear_ibuf [dreg:s8], $0x2FFFF;
	_ =	strace $0x9FFFFFFF  }
0xc4: {  	(tm) =	ssettm $0x7FFFFFFF  }
0xc5: {  	_ =	shalt  }
tec
execute0_lowered:
.L_overlay_start_1:
0x0: {  	(tag) =	ssettag $0x1  }
0x1: {  	v0 =	vlaneseq.u32  }
0x2: {  	s0 =	rddreg [dreg:$0x0];
	v0 =	vmul.u32 $0x40, v0  }
0x3: {  	s1 =	rddreg [dreg:$0x2]  }
0x4: {  	s2 =	srdreg.scid;
	s4 =	stileid.u32;
	s3 =	simm.s32 $0x0;
	v39 =	vor.u32 $0x400, v0  }
0x5: {  	s8 =	simm.s32 $0x80;
	s10 =	simm.s32 $0x7;
	s11 =	simm.s32 $0x3200;
	v4 =	vor.u32 $0x800, v0;
	v5 =	vor.u32 $0xC00, v0;
	v6 =	vor.u32 $0x1000, v0  }
0x6: {  	s14 =	simm.s32 $0x1980;
	s15 =	simm.s32 $0x5240;
	s16 =	simm.s32 $0x1A00;
	v7 =	vor.u32 $0x1400, v0;
	v8 =	vor.u32 $0x1800, v0;
	v9 =	vor.u32 $0x1C00, v0  }
0x7: {  	s17 =	simm.s32 $0x7240;
	s18 =	simm.s32 $0x400;
	s19 =	simm.s32 $0x8000;
	v10 =	vor.u32 $0x1, v0;
	v11 =	vor.u32 $0x401, v0;
	v12 =	vor.u32 $0x801, v0  }
0x8: {  	s20 =	simm.s32 $0x6;
	s21 =	simm.s32 $0x4;
	s22 =	simm.s32 $0x5;
	v13 =	vor.u32 $0xC01, v0;
	v14 =	vor.u32 $0x1001, v0;
	v15 =	vor.u32 $0x1401, v0  }
0x9: {  	s23 =	simm.s32 $0x0;
	s24 =	simm.s32 $0x0;
	s2 =	sand.u32 $0x1, s2;
	v16 =	vor.u32 $0x1801, v0;
	v17 =	vor.u32 $0x1C01, v0;
	v18 =	vor.u32 $0x2, v0  }
.Ltmp0:
0xa: {  	s4 =	sshll.u32 s4, $0x1;
	[smem:$0x7FF] =	sst s3;
	v19 =	vor.u32 $0x402, v0;
	v20 =	vor.u32 $0x802, v0;
	v21 =	vor.u32 $0xC02, v0;
	(pc) =	sbr.rel .LBB2_1-.Ltmp0, $4  }
0xb: {  	s6 =	sor.u32 s2, s4;
	_ =	strace $0x80000047;
	s2 =	ssub.s32 $0x2, s2;
	v22 =	vor.u32 $0x1002, v0;
	v23 =	vor.u32 $0x1402, v0;
	v24 =	vor.u32 $0x1802, v0  }
0xc: {  	s4 =	sshll.u32 s6, $0x4;
	s30 =	sshrl.u32 s2, $0x1;
	s31 =	sshll.u32 s6, $0x7;
	v25 =	vor.u32 $0x1C02, v0;
	v26 =	vor.u32 $0x3, v0;
	v27 =	vor.u32 $0x403, v0  }
0xd: {  	v28 =	vor.u32 $0x803, v0;
	v29 =	vor.u32 $0xC03, v0;
	v42 =	vor.u32 $0x1003, v0;
	s5 =	sadd.s32 s4, s0;
	s4 =	sadd.s32 $0x6800, s0;
	s0 =	ssub.s32 s2, s30  }
0xe: {  	v41 =	vor.u32 $0x1403, v0;
	v40 =	vor.u32 $0x1803, v0;
	v31 =	vor.u32 $0x1C03, v0;
	s6 =	sadd.s32 s1, s31;
	s5 =	sadd.s32 $0x400, s5;
	s7 =	smax.u32 s0, $0x1  }
.LBB2_10:
0xf: {  	_ =	swait.ge [sflag:s20], $0x2000  }
0x10: {  	[sflag:s20] =	ssyncset.done $0x0  }
0x11: {  	s23 =	sadd.s32 $0x1, s23;
	[sflag:s20] =	ssyncadd.s32 $0xFFFFE000  }
0x12: {  	p0 =	sne.s32 s23, s7;
	_ =	swait.ge [sflag:s21], $0x2000  }
.Ltmp1:
0x13: {  	[sflag:s21] =	ssyncset.done $0x0;
	(pc) =	sbr.rel @!p0 .LBB2_11-.Ltmp1, $4  }
0x14: {  	[sflag:s21] =	ssyncadd.s32 $0xFFFFE000  }
0x15: {  	_ =	swait.ge [sflag:s22], $0x2000  }
0x16: {  	[sflag:s22] =	ssyncset.done $0x0  }
0x17: {  	[sflag:s22] =	ssyncadd.s32 $0xFFFFE000  }
.LBB2_1:
0x18: {  	s0 =	simm.s32 $0x1000  }
0x19: {  	[tilespmem:s3], [sflag:$0x7] =	stream.strided.gather [hbm4b:s5+s8], $0x1900, s0, s8, $0x38;
	[tilespmem:$0xF240] =	vst v63  }
0x1a: {  	_ =	swait.ge [sflag:s10], $0x1900  }
0x1b: {  	[sflag:s10] =	ssyncset.done $0x0  }
0x1c: {  	[sflag:s10] =	ssyncadd.s32 $0xFFFFE700  }
0x1d: {  	s30 =	rddreg [dreg:$0x1]  }
0x1e: {  	[tilespmem:s11], [sflag:$0x7] =	stream.linear.gather [hbm4b:s30+s3], $0x40, $0x38;
	[tilespmem:$0xF240] =	vst v63  }
0x1f: {  	_ =	swait.ge [sflag:s10], $0x40  }
0x20: {  	[sflag:s10] =	ssyncset.done $0x0  }
0x21: {  	[sflag:s10] =	ssyncadd.s32 $0xFFFFFFC0  }
0x22: {  	v1 =	vld [tilespmem:$0x0]  }
0x23: {  	v2 =	vld [tilespmem:$0x10]  }
0x24: {  	v3 =	vld [tilespmem:$0x20]  }
0x25: {  	v32 =	vld [tilespmem:$0x30]  }
0x26: {  	v33 =	vld [tilespmem:$0x40]  }
0x27: {  	v34 =	vld [tilespmem:$0x50];
	v1 =	vadd.s32 $0xFFFFFFFE, v1  }
0x28: {  	v35 =	vld [tilespmem:$0x60];
	v2 =	vadd.s32 $0xFFFFFFFE, v2;
	vm0 =	vgt.s32 v1, $0x0  }
0x29: {  	v36 =	vld [tilespmem:$0x70];
	v3 =	vadd.s32 $0xFFFFFFFE, v3;
	v1 =	vnsel vm0, $0x0, v1;
	vm0 =	vgt.s32 v2, $0x0  }
0x2a: {  	v48 =	vld [tilespmem:$0x80];
	[tilespmem:$0x1900] =	vst v1;
	v1 =	vnsel vm0, $0x0, v2;
	vm0 =	vgt.s32 v3, $0x0;
	v2 =	vadd.s32 $0xFFFFFFFE, v32  }
0x2b: {  	v49 =	vld [tilespmem:$0x90];
	[tilespmem:$0x1910] =	vst v1;
	v1 =	vnsel vm0, $0x0, v3;
	vm0 =	vgt.s32 v2, $0x0;
	v3 =	vadd.s32 $0xFFFFFFFE, v33  }
0x2c: {  	v50 =	vld [tilespmem:$0xA0];
	[tilespmem:$0x1920] =	vst v1;
	v1 =	vnsel vm0, $0x0, v2;
	vm0 =	vgt.s32 v3, $0x0;
	v2 =	vadd.s32 $0xFFFFFFFE, v34  }
0x2d: {  	v51 =	vld [tilespmem:$0xB0];
	[tilespmem:$0x1930] =	vst v1;
	v1 =	vnsel vm0, $0x0, v3;
	vm0 =	vgt.s32 v2, $0x0;
	v3 =	vadd.s32 $0xFFFFFFFE, v35  }
0x2e: {  	v52 =	vld [tilespmem:$0xC0];
	[tilespmem:$0x1940] =	vst v1;
	v1 =	vnsel vm0, $0x0, v2;
	vm0 =	vgt.s32 v3, $0x0;
	v2 =	vadd.s32 $0xFFFFFFFE, v36  }
0x2f: {  	v53 =	vld [tilespmem:$0xD0];
	[tilespmem:$0x1950] =	vst v1;
	v1 =	vnsel vm0, $0x0, v3;
	vm0 =	vgt.s32 v2, $0x0;
	v3 =	vadd.s32 $0xFFFFFFFE, v48  }
0x30: {  	v54 =	vld [tilespmem:$0xE0];
	[tilespmem:$0x1960] =	vst v1;
	v1 =	vnsel vm0, $0x0, v2;
	vm0 =	vgt.s32 v3, $0x0;
	v2 =	vadd.s32 $0xFFFFFFFE, v49  }
0x31: {  	v55 =	vld [tilespmem:$0xF0];
	[tilespmem:$0x1970] =	vst v1;
	v1 =	vnsel vm0, $0x0, v3;
	vm0 =	vgt.s32 v2, $0x0;
	v3 =	vadd.s32 $0xFFFFFFFE, v50  }
0x32: {  	v56 =	vld [tilespmem:$0x100];
	[tilespmem:$0x1980] =	vst v1;
	v1 =	vnsel vm0, $0x0, v2;
	vm0 =	vgt.s32 v3, $0x0;
	v2 =	vadd.s32 $0xFFFFFFFE, v51  }
0x33: {  	v57 =	vld [tilespmem:$0x110];
	[tilespmem:$0x1990] =	vst v1;
	v1 =	vnsel vm0, $0x0, v3;
	vm0 =	vgt.s32 v2, $0x0;
	v3 =	vadd.s32 $0xFFFFFFFE, v52  }
0x34: {  	v58 =	vld [tilespmem:$0x120];
	[tilespmem:$0x19A0] =	vst v1;
	v1 =	vnsel vm0, $0x0, v2;
	vm0 =	vgt.s32 v3, $0x0;
	v2 =	vadd.s32 $0xFFFFFFFE, v53  }
0x35: {  	v59 =	vld [tilespmem:$0x130];
	[tilespmem:$0x19B0] =	vst v1;
	v1 =	vnsel vm0, $0x0, v3;
	vm0 =	vgt.s32 v2, $0x0;
	v3 =	vadd.s32 $0xFFFFFFFE, v54  }
0x36: {  	v60 =	vld [tilespmem:$0x140];
	[tilespmem:$0x19C0] =	vst v1;
	v1 =	vnsel vm0, $0x0, v2;
	vm0 =	vgt.s32 v3, $0x0;
	v2 =	vadd.s32 $0xFFFFFFFE, v55  }
0x37: {  	v61 =	vld [tilespmem:$0x150];
	[tilespmem:$0x19D0] =	vst v1;
	v1 =	vnsel vm0, $0x0, v3;
	vm0 =	vgt.s32 v2, $0x0;
	v3 =	vadd.s32 $0xFFFFFFFE, v56  }
0x38: {  	v62 =	vld [tilespmem:$0x160];
	[tilespmem:$0x19E0] =	vst v1;
	v1 =	vnsel vm0, $0x0, v2;
	vm0 =	vgt.s32 v3, $0x0;
	v2 =	vadd.s32 $0xFFFFFFFE, v57  }
0x39: {  	v63 =	vld [tilespmem:$0x170];
	[tilespmem:$0x19F0] =	vst v1;
	v1 =	vnsel vm0, $0x0, v3;
	vm0 =	vgt.s32 v2, $0x0;
	v3 =	vadd.s32 $0xFFFFFFFE, v58  }
0x3a: {  	[tilespmem:$0x1A00] =	vst v1;
	v1 =	vnsel vm0, $0x0, v2;
	vm0 =	vgt.s32 v3, $0x0;
	v2 =	vadd.s32 $0xFFFFFFFE, v59  }
0x3b: {  	[tilespmem:$0x1A10] =	vst v1;
	v1 =	vnsel vm0, $0x0, v3;
	vm0 =	vgt.s32 v2, $0x0;
	v3 =	vadd.s32 $0xFFFFFFFE, v60  }
0x3c: {  	[tilespmem:$0x1A20] =	vst v1;
	v1 =	vnsel vm0, $0x0, v2;
	vm0 =	vgt.s32 v3, $0x0;
	v2 =	vadd.s32 $0xFFFFFFFE, v61  }
0x3d: {  	[tilespmem:$0x1A30] =	vst v1;
	v1 =	vnsel vm0, $0x0, v3;
	vm0 =	vgt.s32 v2, $0x0;
	v3 =	vadd.s32 $0xFFFFFFFE, v62  }
0x3e: {  	[tilespmem:$0x1A40] =	vst v1;
	v1 =	vnsel vm0, $0x0, v2;
	vm0 =	vgt.s32 v3, $0x0;
	v2 =	vadd.s32 $0xFFFFFFFE, v63  }
0x3f: {  	[tilespmem:$0x1A50] =	vst v1;
	v1 =	vnsel vm0, $0x0, v3;
	vm0 =	vgt.s32 v2, $0x0  }
0x40: {  	[tilespmem:$0x1A60] =	vst v1;
	v1 =	vnsel vm0, $0x0, v2  }
0x41: {  	s31 =	simm.s32 $0x1900;
	s1 =	simm.s32 $0x3240;
	[tilespmem:$0x1A70] =	vst v1  }
0x42: {  	[tilespmem:s1], [sflag:$0x1] =	stream.indirect.gather [hbm4b:s4+s8], $0x40, s31, s8, $0xb8;
	[tilespmem:$0xF240] =	vst v63  }
0x43: {  	_ = 	snop  }
0x44: {  	[tilespmem:s15], [sflag:$0x2] =	stream.indirect.gather [hbm4b:s4+s8], $0x40, s14, s8, $0xb8;
	[tilespmem:$0xF240] =	vst v63  }
0x45: {  	s1 =	simm.s32 $0x0  }
0x46: {  	[tilespmem:s17], [sflag:$0x3] =	stream.indirect.gather [hbm4b:s4+s8], $0x40, s16, s8, $0xb8;
	[tilespmem:$0xF240] =	vst v63  }
0x47: {  	v1 =	vld [tilespmem:s1+$0x1F0]  }
0x48: {  	v2 =	vld [tilespmem:s1+$0x180]  }
0x49: {  	v3 =	vld [tilespmem:s1+$0x190]  }
0x4a: {  	v35 =	vld [tilespmem:s1+$0x1A0]  }
0x4b: {  	v34 =	vld [tilespmem:s1+$0x1B0]  }
0x4c: {  	v32 =	vld [tilespmem:s1+$0x1C0];
	v38 =	vadd.s32 $0xFFFFFFFE, v1  }
0x4d: {  	v36 =	vadd.s32 $0xFFFFFFFE, v2;
	v1 =	vld [tilespmem:s1+$0x1D0];
	vm1 =	vgt.s32 v38, $0x0  }
0x4e: {  	s2 =	simm.s32 $0x400;
	s0 =	simm.s32 $0x80;
	v33 =	vld [tilespmem:s1+$0x1E0];
	v37 =	vadd.s32 $0xFFFFFFFE, v3;
	vm0 =	vgt.s32 v36, $0x0;
	v2 =	vnsel vm1, $0x0, v38  }
.LBB2_2:
0x4f: {  	p0 =	sne.s32 s2, $0x5C00;
	v3 =	vld [tilespmem:s0+$0x1F0];
	v36 =	vnsel vm0, $0x0, v36;
	vm0 =	vgt.s32 v37, $0x0;
	v35 =	vadd.s32 $0xFFFFFFFE, v35;
	[tilespmem:s1+$0x1AF0] =	vst v2  }
0x50: {  	v2 =	vld [tilespmem:s0+$0x180];
	[tilespmem:s1+$0x1A80] =	vst v36;
	v36 =	vnsel vm0, $0x0, v37;
	vm0 =	vgt.s32 v35, $0x0;
	v34 =	vadd.s32 $0xFFFFFFFE, v34  }
0x51: {  	v37 =	vld [tilespmem:s0+$0x190];
	[tilespmem:s1+$0x1A90] =	vst v36;
	v36 =	vnsel vm0, $0x0, v35;
	vm0 =	vgt.s32 v34, $0x0;
	v32 =	vadd.s32 $0xFFFFFFFE, v32  }
.Ltmp2:
0x52: {  	v35 =	vld [tilespmem:s0+$0x1A0];
	[tilespmem:s1+$0x1AA0] =	vst v36;
	v36 =	vnsel vm0, $0x0, v34;
	vm0 =	vgt.s32 v32, $0x0;
	v1 =	vadd.s32 $0xFFFFFFFE, v1;
	(pc) =	sbr.rel @p0 .LBB2_2-.Ltmp2, $4  }
0x53: {  	v34 =	vld [tilespmem:s0+$0x1B0];
	[tilespmem:s1+$0x1AB0] =	vst v36;
	v36 =	vnsel vm0, $0x0, v32;
	vm0 =	vgt.s32 v1, $0x0;
	v33 =	vadd.s32 $0xFFFFFFFE, v33  }
0x54: {  	v32 =	vld [tilespmem:s0+$0x1C0];
	v3 =	vadd.s32 $0xFFFFFFFE, v3;
	[tilespmem:s1+$0x1AC0] =	vst v36;
	v38 =	vnsel vm0, $0x0, v1;
	vm0 =	vgt.s32 v33, $0x0  }
0x55: {  	v36 =	vadd.s32 $0xFFFFFFFE, v2;
	v1 =	vld [tilespmem:s0+$0x1D0];
	vm1 =	vgt.s32 v3, $0x0;
	[tilespmem:s1+$0x1AD0] =	vst v38;
	v38 =	vnsel vm0, $0x0, v33  }
0x56: {  	vm0 =	vgt.s32 v36, $0x0;
	v37 =	vadd.s32 $0xFFFFFFFE, v37;
	v33 =	vld [tilespmem:s0+$0x1E0];
	v2 =	vnsel vm1, $0x0, v3;
	[tilespmem:s1+$0x1AE0] =	vst v38;
	s1 =	smov.u32 s0;
	s0 =	sshra.s32 s2, $0x2;
	s2 =	sadd.s32 $0x200, s2  }
0x57: {  	v3 =	vld [tilespmem:s0+$0x1F0];
	[tilespmem:s1+$0x1AF0] =	vst v2;
	v2 =	vnsel vm0, $0x0, v36  }
0x58: {  	vm15 =	vgt.s32 v37, $0x0;
	v57 =	vld [tilespmem:s0+$0x180];
	[tilespmem:s1+$0x1A80] =	vst v2;
	v2 =	vadd.s32 $0xFFFFFFFE, v35  }
0x59: {  	v58 =	vnsel vm15, $0x0, v37;
	vm4 =	vgt.s32 v2, $0x0  }
0x5a: {  	v34 =	vadd.s32 $0xFFFFFFFE, v34;
	v59 =	vld [tilespmem:s0+$0x190];
	[tilespmem:s1+$0x1A90] =	vst v58;
	v2 =	vnsel vm4, $0x0, v2  }
0x5b: {  	vm5 =	vgt.s32 v34, $0x0;
	v35 =	vld [tilespmem:s0+$0x1A0];
	[tilespmem:s1+$0x1AA0] =	vst v2;
	v2 =	vadd.s32 $0xFFFFFFFE, v32  }
0x5c: {  	v60 =	vnsel vm5, $0x0, v34;
	vm6 =	vgt.s32 v2, $0x0  }
0x5d: {  	v1 =	vadd.s32 $0xFFFFFFFE, v1;
	v61 =	vld [tilespmem:s0+$0x1B0];
	[tilespmem:s1+$0x1AB0] =	vst v60;
	v2 =	vnsel vm6, $0x0, v2  }
0x5e: {  	vm7 =	vgt.s32 v1, $0x0;
	v32 =	vld [tilespmem:s0+$0x1C0];
	[tilespmem:s1+$0x1AC0] =	vst v2;
	v2 =	vadd.s32 $0xFFFFFFFE, v33  }
0x5f: {  	v1 =	vnsel vm7, $0x0, v1;
	v3 =	vadd.s32 $0xFFFFFFFE, v3;
	vm8 =	vgt.s32 v2, $0x0  }
0x60: {  	vm1 =	vgt.s32 v3, $0x0;
	v62 =	vld [tilespmem:s0+$0x1D0];
	[tilespmem:s1+$0x1AD0] =	vst v1;
	v1 =	vadd.s32 $0xFFFFFFFE, v57;
	v2 =	vnsel vm8, $0x0, v2  }
0x61: {  	v37 =	vadd.s32 $0xFFFFFFFE, v59;
	v3 =	vnsel vm1, $0x0, v3;
	v63 =	vld [tilespmem:s0+$0x1E0];
	vm9 =	vgt.s32 v1, $0x0;
	[tilespmem:s1+$0x1AE0] =	vst v2  }
0x62: {  	vm10 =	vgt.s32 v37, $0x0;
	v1 =	vnsel vm9, $0x0, v1;
	v2 =	vadd.s32 $0xFFFFFFFE, v35;
	[tilespmem:s0+$0x1AF0] =	vst v3  }
0x63: {  	[tilespmem:s0+$0x1A80] =	vst v1;
	v1 =	vnsel vm10, $0x0, v37;
	vm11 =	vgt.s32 v2, $0x0;
	v3 =	vadd.s32 $0xFFFFFFFE, v61  }
0x64: {  	[tilespmem:s0+$0x1A90] =	vst v1;
	v1 =	vnsel vm11, $0x0, v2;
	vm12 =	vgt.s32 v3, $0x0;
	v2 =	vadd.s32 $0xFFFFFFFE, v32  }
.Ltmp3:
0x65: {  	[tilespmem:s0+$0x1AA0] =	vst v1;
	v1 =	vnsel vm12, $0x0, v3;
	vm13 =	vgt.s32 v2, $0x0;
	v3 =	vadd.s32 $0xFFFFFFFE, v62;
	(pc) =	sbr.rel .LBB2_4-.Ltmp3, $4  }
0x66: {  	[tilespmem:s0+$0x1AB0] =	vst v1;
	v1 =	vnsel vm13, $0x0, v2;
	vm14 =	vgt.s32 v3, $0x0;
	v2 =	vadd.s32 $0xFFFFFFFE, v63  }
0x67: {  	[tilespmem:s0+$0x1AC0] =	vst v1;
	v1 =	vnsel vm14, $0x0, v3;
	vm15 =	vgt.s32 v2, $0x0  }
0x68: {  	[tilespmem:s0+$0x1AD0] =	vst v1;
	v1 =	vnsel vm15, $0x0, v2  }
0x69: {  	s25 =	simm.s32 $0x9240;
	s26 =	simm.s32 $0x0;
	[tilespmem:s0+$0x1AE0] =	vst v1  }
.LBB2_9:
0x6a: {  	s1 =	sshll.u32 s26, $0xF;
	s0 =	sadd.s32 $0x9240, s0  }
0x6b: {  	s2 =	sadd.s32 $0x4, s29;
	p0 =	sgt.u32 s26, $0x2E;
	s1 =	sadd.s32 s1, s6  }
0x6c: {  	[hbm4b:s1+s18] =	stream.strided.scatter [tilespmem:s0], [sflag:s2], $0x2000, s19, s18, $0x38;
	[tilespmem:$0xF240] =	vst v63  }
0x6d: {  	s0 =	sshrl.u32 @!p0 s30, $0x2  }
0x6e: {  	s26 =	sadd.s32 $0x1, s26;
	s1 =	simm.s32 @!p0 $0x80;
	s0 =	sadd.s32 @!p0 $0x1A80, s0  }
0x6f: {  	[tilespmem:s31], [sflag:s28] =	stream.indirect.gather @!p0 [hbm4b:s4+s1], $0x40, s0, s1, $0xb8;
	[tilespmem:$0xF240] =	vst v63  }
0x70: {  	p0 =	sne.s32 s26, $0x32  }
.Ltmp4:
0x71: {  	_ = 	snop;
	(pc) =	sbr.rel @!p0 .LBB2_10-.Ltmp4, $2  }
0x72: {  	_ =	sdelay $0x2  }
0x73: {  	s25 =	sadd.s32 $0x2000, s25  }
.LBB2_4:
0x74: {  	s0 =	smul.u32 $0xAB, s26;
	_ =	sdelay $0x1  }
0x75: {  	s0 =	sshrl.u32 s0, $0x9  }
0x76: {  	s0 =	sand.u32 $0x7F, s0  }
0x77: {  	s0 =	smul.u32 $0x3, s0;
	_ =	sdelay $0x1  }
0x78: {  	s0 =	ssub.s32 s26, s0  }
0x79: {  	s29 =	sand.u32 $0xFF, s0  }
0x7a: {  	s28 =	sadd.s32 $0x1, s29  }
0x7b: {  	_ =	swait.ge [sflag:s28], $0x2000  }
0x7c: {  	p0 =	slt.u32 s26, $0x3;
	[sflag:s28] =	ssyncset.done $0x0  }
0x7d: {  	s0 =	sadd.s32 @!p0 $0x4, s29;
	[sflag:s28] =	ssyncadd.s32 $0xFFFFE000  }
0x7e: {  	_ =	swait.ge @!p0 [sflag:s0], $0x2000  }
0x7f: {  	s30 =	sshll.u32 s26, $0x9;
	[sflag:s0] =	ssyncset.done @!p0 $0x0  }
0x80: {  	s1 =	sshrl.u32 s30, $0x2;
	[sflag:s0] =	ssyncadd.s32 @!p0 $0xFFFFE000  }
0x81: {  	v1 =	vld [tilespmem:s1+$0x0]  }
0x82: {  	v2 =	vld [tilespmem:s1+$0x10]  }
0x83: {  	v3 =	vld [tilespmem:s1+$0x20]  }
0x84: {  	v32 =	vld [tilespmem:s1+$0x30]  }
0x85: {  	v33 =	vld [tilespmem:s1+$0x40]  }
0x86: {  	v34 =	vld [tilespmem:s1+$0x50]  }
0x87: {  	vm0 =	vlt.s32 v1, $0x2;
	vm1 =	vlt.s32 v2, $0x2;
	v1 =	vld [tilespmem:s1+$0x60]  }
0x88: {  	vm10 =	vlt.s32 v3, $0x2;
	v2 =	vld [tilespmem:s1+$0x70];
	vm0 =	vmor vm0, vm1  }
0x89: {  	vm11 =	vlt.s32 v32, $0x2;
	vm0 =	vmor vm0, vm10  }
0x8a: {  	vm12 =	vlt.s32 v33, $0x2;
	vm0 =	vmor vm0, vm11  }
0x8b: {  	vm13 =	vlt.s32 v34, $0x2;
	vm0 =	vmor vm0, vm12  }
0x8c: {  	vm0 =	vmor vm0, vm13;
	vm14 =	vlt.s32 v1, $0x2  }
0x8d: {  	vm15 =	vlt.s32 v2, $0x2;
	vm0 =	vmor vm0, vm14  }
0x8e: {  	vm0 =	vmor vm0, vm15  }
0x8f: {  	v1 =	vmpcnt.ones.xlane vm0;
	_ =	sdelay $0x1  }
0x90: {  	(v2sf) =	vpush v1, $0x0;
	_ =	sdelay $0xc  }
0x91: {  	s13 =	smulhi.u32 $0xAAAAAAAB, s26;
	_ =	sdelay $0x1  }
0x92: {  	s0 =	sshrl.u32 s13, $0x1;
	s9 =	spop (v2sf)  }
0x93: {  	s0 =	smul.u32 $0xFFFE8000, s0;
	p0 =	sne.s32 s9, $0x0  }
.Ltmp5:
0x94: {  	_ = 	snop;
	(pc) =	sbr.rel @!p0 .LBB2_5-.Ltmp5, $4  }
0x95: {  	_ = 	snop  }
0x96: {  	s0 =	sshra.s32 s0, $0x2  }
0x97: {  	s2 =	sadd.s32 s0, s25;
	s0 =	sshll.u32 s29, $0xD  }
0x98: {  	s12 =	simm.s32 $0x0;
	s31 =	sadd.s32 $0x3240, s0;
	s9 =	simm.s32 $0x0  }
.LBB2_8:
0x99: {  	v1 =	vmov s9  }
0x9a: {  	v1 =	vshrl.u32 v1, $0x3  }
0x9b: {  	v1 =	vshll.u32 v1, $0x3  }
0x9c: {  	v1 =	vbroadcast v1, $0x0;
	_ =	sdelay $0x2  }
0x9d: {  	v2 =	vor.u32 v0, v1  }
0x9e: {  	v3 =	vld [tilespmem:s1+$0x0];
	_ =	sdelay $0x1  }
0x9f: {  	v32 =	vld.idx.msk [tilespmem:v1+s11+$0x0], $0xffff;
	_ =	sdelay $0x1  }
0xa0: {  	v2 =	vld.idx.msk [tilespmem:v2+s31+$0x0], $0xffff  }
0xa1: {  	v33 =	vcvt.s32.f32 v3;
	_ =	sdelay $0x1  }
0xa2: {  	v33 =	vmul.f32 v33, v32  }
0xa3: {  	s13 =	sshra.s32 s12, $0x2;
	vm0 =	vlt.s32 v3, $0x2  }
0xa4: {  	s13 =	sadd.s32 s13, s2;
	v2 =	vsel vm0, v33, v2  }
0xa5: {  	[tilespmem:s13+$0x0] =	vst v2;
	v2 =	vor.u32 v39, v1  }
0xa6: {  	v3 =	vld [tilespmem:s1+$0x10];
	_ =	sdelay $0x3  }
0xa7: {  	v2 =	vld.idx.msk [tilespmem:v2+s31+$0x0], $0xffff  }
0xa8: {  	v47 =	vcvt.s32.f32 v3;
	_ =	sdelay $0x1  }
0xa9: {  	v33 =	vmul.f32 v47, v32  }
0xaa: {  	vm13 =	vlt.s32 v3, $0x2  }
0xab: {  	v2 =	vsel vm13, v33, v2  }
0xac: {  	[tilespmem:s13+$0x10] =	vst v2;
	v2 =	vor.u32 v4, v1  }
0xad: {  	v3 =	vld [tilespmem:s1+$0x20];
	_ =	sdelay $0x3  }
0xae: {  	v2 =	vld.idx.msk [tilespmem:v2+s31+$0x0], $0xffff  }
0xaf: {  	v48 =	vcvt.s32.f32 v3;
	_ =	sdelay $0x1  }
0xb0: {  	v33 =	vmul.f32 v48, v32  }
0xb1: {  	vm14 =	vlt.s32 v3, $0x2  }
0xb2: {  	v2 =	vsel vm14, v33, v2  }
0xb3: {  	[tilespmem:s13+$0x20] =	vst v2;
	v2 =	vor.u32 v5, v1  }
0xb4: {  	v3 =	vld [tilespmem:s1+$0x30];
	_ =	sdelay $0x3  }
0xb5: {  	v2 =	vld.idx.msk [tilespmem:v2+s31+$0x0], $0xffff  }
0xb6: {  	v49 =	vcvt.s32.f32 v3;
	_ =	sdelay $0x1  }
0xb7: {  	v33 =	vmul.f32 v49, v32  }
0xb8: {  	vm15 =	vlt.s32 v3, $0x2  }
0xb9: {  	v2 =	vsel vm15, v33, v2  }
0xba: {  	[tilespmem:s13+$0x30] =	vst v2;
	v2 =	vor.u32 v6, v1  }
0xbb: {  	v3 =	vld [tilespmem:s1+$0x40];
	_ =	sdelay $0x3  }
0xbc: {  	v2 =	vld.idx.msk [tilespmem:v2+s31+$0x0], $0xffff  }
0xbd: {  	v50 =	vcvt.s32.f32 v3;
	_ =	sdelay $0x1  }
0xbe: {  	v33 =	vmul.f32 v50, v32  }
0xbf: {  	vm4 =	vlt.s32 v3, $0x2  }
0xc0: {  	v2 =	vsel vm4, v33, v2  }
0xc1: {  	[tilespmem:s13+$0x40] =	vst v2;
	v2 =	vor.u32 v7, v1  }
0xc2: {  	v3 =	vld [tilespmem:s1+$0x50];
	_ =	sdelay $0x3  }
0xc3: {  	v2 =	vld.idx.msk [tilespmem:v2+s31+$0x0], $0xffff  }
0xc4: {  	v51 =	vcvt.s32.f32 v3;
	_ =	sdelay $0x1  }
0xc5: {  	v33 =	vmul.f32 v51, v32  }
0xc6: {  	vm5 =	vlt.s32 v3, $0x2  }
0xc7: {  	v2 =	vsel vm5, v33, v2  }
0xc8: {  	[tilespmem:s13+$0x50] =	vst v2;
	v2 =	vor.u32 v8, v1  }
0xc9: {  	v3 =	vld [tilespmem:s1+$0x60];
	_ =	sdelay $0x3  }
0xca: {  	v2 =	vld.idx.msk [tilespmem:v2+s31+$0x0], $0xffff  }
0xcb: {  	v52 =	vcvt.s32.f32 v3;
	_ =	sdelay $0x1  }
0xcc: {  	v33 =	vmul.f32 v52, v32  }
0xcd: {  	vm6 =	vlt.s32 v3, $0x2  }
0xce: {  	v2 =	vsel vm6, v33, v2  }
0xcf: {  	[tilespmem:s13+$0x60] =	vst v2;
	v2 =	vor.u32 v9, v1  }
0xd0: {  	v3 =	vld [tilespmem:s1+$0x70];
	_ =	sdelay $0x3  }
0xd1: {  	v2 =	vld.idx.msk [tilespmem:v2+s31+$0x0], $0xffff  }
0xd2: {  	v53 =	vcvt.s32.f32 v3;
	_ =	sdelay $0x1  }
0xd3: {  	v32 =	vmul.f32 v53, v32  }
0xd4: {  	vm7 =	vlt.s32 v3, $0x2;
	v3 =	vor.u32 $0x1, v1  }
0xd5: {  	v2 =	vsel vm7, v32, v2  }
0xd6: {  	[tilespmem:s13+$0x70] =	vst v2;
	v2 =	vadd.s32 v10, v1  }
0xd7: {  	v54 =	vld [tilespmem:s1+$0x0];
	_ =	sdelay $0x1  }
0xd8: {  	v3 =	vld.idx.msk [tilespmem:v3+s11+$0x0], $0xffff;
	_ =	sdelay $0x1  }
0xd9: {  	v2 =	vld.idx.msk [tilespmem:v2+s31+$0x0], $0xffff  }
0xda: {  	v55 =	vcvt.s32.f32 v54;
	_ =	sdelay $0x1  }
0xdb: {  	v33 =	vmul.f32 v55, v3  }
0xdc: {  	vm8 =	vlt.s32 v54, $0x2  }
0xdd: {  	v2 =	vsel vm8, v33, v2  }
0xde: {  	[tilespmem:s13+$0x80] =	vst v2;
	v2 =	vadd.s32 v11, v1  }
0xdf: {  	v56 =	vld [tilespmem:s1+$0x10];
	_ =	sdelay $0x3  }
0xe0: {  	v2 =	vld.idx.msk [tilespmem:v2+s31+$0x0], $0xffff  }
0xe1: {  	v57 =	vcvt.s32.f32 v56;
	_ =	sdelay $0x1  }
0xe2: {  	v33 =	vmul.f32 v57, v3  }
0xe3: {  	vm9 =	vlt.s32 v56, $0x2  }
0xe4: {  	v2 =	vsel vm9, v33, v2  }
0xe5: {  	[tilespmem:s13+$0x90] =	vst v2;
	v2 =	vadd.s32 v12, v1  }
0xe6: {  	v58 =	vld [tilespmem:s1+$0x20];
	_ =	sdelay $0x3  }
0xe7: {  	v2 =	vld.idx.msk [tilespmem:v2+s31+$0x0], $0xffff  }
0xe8: {  	v59 =	vcvt.s32.f32 v58;
	_ =	sdelay $0x1  }
0xe9: {  	v33 =	vmul.f32 v59, v3  }
0xea: {  	vm10 =	vlt.s32 v58, $0x2  }
0xeb: {  	v2 =	vsel vm10, v33, v2  }
0xec: {  	[tilespmem:s13+$0xA0] =	vst v2;
	v2 =	vadd.s32 v13, v1  }
0xed: {  	v60 =	vld [tilespmem:s1+$0x30];
	_ =	sdelay $0x3  }
0xee: {  	v2 =	vld.idx.msk [tilespmem:v2+s31+$0x0], $0xffff  }
0xef: {  	v61 =	vcvt.s32.f32 v60;
	_ =	sdelay $0x1  }
0xf0: {  	v33 =	vmul.f32 v61, v3  }
0xf1: {  	vm11 =	vlt.s32 v60, $0x2  }
0xf2: {  	v2 =	vsel vm11, v33, v2  }
0xf3: {  	[tilespmem:s13+$0xB0] =	vst v2;
	v2 =	vadd.s32 v14, v1  }
0xf4: {  	v62 =	vld [tilespmem:s1+$0x40];
	_ =	sdelay $0x3  }
0xf5: {  	v2 =	vld.idx.msk [tilespmem:v2+s31+$0x0], $0xffff  }
0xf6: {  	v63 =	vcvt.s32.f32 v62;
	_ =	sdelay $0x1  }
0xf7: {  	v33 =	vmul.f32 v63, v3  }
0xf8: {  	vm12 =	vlt.s32 v62, $0x2  }
0xf9: {  	v2 =	vsel vm12, v33, v2  }
0xfa: {  	[tilespmem:s13+$0xC0] =	vst v2;
	v2 =	vadd.s32 v15, v1  }
0xfb: {  	v36 =	vld [tilespmem:s1+$0x50];
	_ =	sdelay $0x3  }
0xfc: {  	v2 =	vld.idx.msk [tilespmem:v2+s31+$0x0], $0xffff  }
0xfd: {  	v37 =	vcvt.s32.f32 v36;
	_ =	sdelay $0x1  }
0xfe: {  	v33 =	vmul.f32 v37, v3  }
0xff: {  	vm13 =	vlt.s32 v36, $0x2  }
0x100: {  	v2 =	vsel vm13, v33, v2  }
0x101: {  	[tilespmem:s13+$0xD0] =	vst v2;
	v2 =	vadd.s32 v16, v1  }
0x102: {  	v38 =	vld [tilespmem:s1+$0x60];
	_ =	sdelay $0x3  }
0x103: {  	v2 =	vld.idx.msk [tilespmem:v2+s31+$0x0], $0xffff  }
0x104: {  	v43 =	vcvt.s32.f32 v38;
	_ =	sdelay $0x1  }
0x105: {  	v33 =	vmul.f32 v43, v3  }
0x106: {  	vm14 =	vlt.s32 v38, $0x2  }
0x107: {  	v2 =	vsel vm14, v33, v2  }
0x108: {  	[tilespmem:s13+$0xE0] =	vst v2;
	v2 =	vadd.s32 v17, v1  }
0x109: {  	v44 =	vld [tilespmem:s1+$0x70];
	_ =	sdelay $0x3  }
0x10a: {  	v2 =	vld.idx.msk [tilespmem:v2+s31+$0x0], $0xffff  }
0x10b: {  	v45 =	vcvt.s32.f32 v44;
	_ =	sdelay $0x1  }
0x10c: {  	v3 =	vmul.f32 v45, v3  }
0x10d: {  	v46 =	vor.u32 $0x2, v1;
	vm15 =	vlt.s32 v44, $0x2  }
0x10e: {  	v2 =	vsel vm15, v3, v2  }
0x10f: {  	[tilespmem:s13+$0xF0] =	vst v2;
	v2 =	vadd.s32 v18, v1  }
0x110: {  	v3 =	vld [tilespmem:s1+$0x0];
	_ =	sdelay $0x1  }
0x111: {  	v32 =	vld.idx.msk [tilespmem:v46+s11+$0x0], $0xffff;
	_ =	sdelay $0x1  }
0x112: {  	v2 =	vld.idx.msk [tilespmem:v2+s31+$0x0], $0xffff  }
0x113: {  	v47 =	vcvt.s32.f32 v3;
	_ =	sdelay $0x1  }
0x114: {  	v33 =	vmul.f32 v47, v32  }
0x115: {  	vm4 =	vlt.s32 v3, $0x2  }
0x116: {  	v2 =	vsel vm4, v33, v2  }
0x117: {  	[tilespmem:s13+$0x100] =	vst v2;
	v2 =	vadd.s32 v19, v1  }
0x118: {  	v3 =	vld [tilespmem:s1+$0x10];
	_ =	sdelay $0x3  }
0x119: {  	v2 =	vld.idx.msk [tilespmem:v2+s31+$0x0], $0xffff  }
0x11a: {  	v48 =	vcvt.s32.f32 v3;
	_ =	sdelay $0x1  }
0x11b: {  	v33 =	vmul.f32 v48, v32  }
0x11c: {  	vm5 =	vlt.s32 v3, $0x2  }
0x11d: {  	v2 =	vsel vm5, v33, v2  }
0x11e: {  	[tilespmem:s13+$0x110] =	vst v2;
	v2 =	vadd.s32 v20, v1  }
0x11f: {  	v3 =	vld [tilespmem:s1+$0x20];
	_ =	sdelay $0x3  }
0x120: {  	v2 =	vld.idx.msk [tilespmem:v2+s31+$0x0], $0xffff  }
0x121: {  	v49 =	vcvt.s32.f32 v3;
	_ =	sdelay $0x1  }
0x122: {  	v33 =	vmul.f32 v49, v32  }
0x123: {  	vm6 =	vlt.s32 v3, $0x2  }
0x124: {  	v2 =	vsel vm6, v33, v2  }
0x125: {  	[tilespmem:s13+$0x120] =	vst v2;
	v2 =	vadd.s32 v21, v1  }
0x126: {  	v3 =	vld [tilespmem:s1+$0x30];
	_ =	sdelay $0x3  }
0x127: {  	v2 =	vld.idx.msk [tilespmem:v2+s31+$0x0], $0xffff  }
0x128: {  	v50 =	vcvt.s32.f32 v3;
	_ =	sdelay $0x1  }
0x129: {  	v33 =	vmul.f32 v50, v32  }
0x12a: {  	vm7 =	vlt.s32 v3, $0x2  }
0x12b: {  	v2 =	vsel vm7, v33, v2  }
0x12c: {  	[tilespmem:s13+$0x130] =	vst v2;
	v2 =	vadd.s32 v22, v1  }
0x12d: {  	v3 =	vld [tilespmem:s1+$0x40];
	_ =	sdelay $0x3  }
0x12e: {  	v2 =	vld.idx.msk [tilespmem:v2+s31+$0x0], $0xffff  }
0x12f: {  	v51 =	vcvt.s32.f32 v3;
	_ =	sdelay $0x1  }
0x130: {  	v33 =	vmul.f32 v51, v32  }
0x131: {  	vm8 =	vlt.s32 v3, $0x2  }
0x132: {  	v2 =	vsel vm8, v33, v2  }
0x133: {  	[tilespmem:s13+$0x140] =	vst v2;
	v2 =	vadd.s32 v23, v1  }
0x134: {  	v3 =	vld [tilespmem:s1+$0x50];
	_ =	sdelay $0x3  }
0x135: {  	v2 =	vld.idx.msk [tilespmem:v2+s31+$0x0], $0xffff  }
0x136: {  	v52 =	vcvt.s32.f32 v3;
	_ =	sdelay $0x1  }
0x137: {  	v33 =	vmul.f32 v52, v32  }
0x138: {  	vm9 =	vlt.s32 v3, $0x2  }
0x139: {  	v2 =	vsel vm9, v33, v2  }
0x13a: {  	[tilespmem:s13+$0x150] =	vst v2;
	v2 =	vadd.s32 v24, v1  }
0x13b: {  	v3 =	vld [tilespmem:s1+$0x60];
	_ =	sdelay $0x3  }
0x13c: {  	v2 =	vld.idx.msk [tilespmem:v2+s31+$0x0], $0xffff  }
0x13d: {  	v53 =	vcvt.s32.f32 v3;
	_ =	sdelay $0x1  }
0x13e: {  	v33 =	vmul.f32 v53, v32  }
0x13f: {  	vm10 =	vlt.s32 v3, $0x2  }
0x140: {  	v2 =	vsel vm10, v33, v2  }
0x141: {  	[tilespmem:s13+$0x160] =	vst v2;
	v2 =	vadd.s32 v25, v1  }
0x142: {  	v3 =	vld [tilespmem:s1+$0x70];
	_ =	sdelay $0x3  }
0x143: {  	v2 =	vld.idx.msk [tilespmem:v2+s31+$0x0], $0xffff  }
0x144: {  	v54 =	vcvt.s32.f32 v3;
	_ =	sdelay $0x1  }
0x145: {  	v32 =	vmul.f32 v54, v32  }
0x146: {  	vm11 =	vlt.s32 v3, $0x2;
	v3 =	vor.u32 $0x3, v1  }
0x147: {  	v2 =	vsel vm11, v32, v2  }
0x148: {  	[tilespmem:s13+$0x170] =	vst v2;
	v2 =	vadd.s32 v26, v1  }
0x149: {  	v55 =	vld [tilespmem:s1+$0x0];
	_ =	sdelay $0x1  }
0x14a: {  	v3 =	vld.idx.msk [tilespmem:v3+s11+$0x0], $0xffff;
	_ =	sdelay $0x1  }
0x14b: {  	v2 =	vld.idx.msk [tilespmem:v2+s31+$0x0], $0xffff  }
0x14c: {  	v56 =	vcvt.s32.f32 v55;
	_ =	sdelay $0x1  }
0x14d: {  	v33 =	vmul.f32 v56, v3  }
0x14e: {  	vm12 =	vlt.s32 v55, $0x2  }
0x14f: {  	v2 =	vsel vm12, v33, v2  }
0x150: {  	[tilespmem:s13+$0x180] =	vst v2;
	v2 =	vadd.s32 v27, v1  }
0x151: {  	v57 =	vld [tilespmem:s1+$0x10];
	_ =	sdelay $0x3  }
0x152: {  	v2 =	vld.idx.msk [tilespmem:v2+s31+$0x0], $0xffff  }
0x153: {  	v58 =	vcvt.s32.f32 v57;
	_ =	sdelay $0x1  }
0x154: {  	v33 =	vmul.f32 v58, v3  }
0x155: {  	vm13 =	vlt.s32 v57, $0x2  }
0x156: {  	v2 =	vsel vm13, v33, v2  }
0x157: {  	[tilespmem:s13+$0x190] =	vst v2;
	v2 =	vadd.s32 v28, v1  }
0x158: {  	v59 =	vld [tilespmem:s1+$0x20];
	_ =	sdelay $0x3  }
0x159: {  	v2 =	vld.idx.msk [tilespmem:v2+s31+$0x0], $0xffff  }
0x15a: {  	v60 =	vcvt.s32.f32 v59;
	_ =	sdelay $0x1  }
0x15b: {  	v33 =	vmul.f32 v60, v3  }
0x15c: {  	vm14 =	vlt.s32 v59, $0x2  }
0x15d: {  	v2 =	vsel vm14, v33, v2  }
0x15e: {  	[tilespmem:s13+$0x1A0] =	vst v2;
	v2 =	vadd.s32 v29, v1  }
0x15f: {  	v61 =	vld [tilespmem:s1+$0x30];
	_ =	sdelay $0x3  }
0x160: {  	v2 =	vld.idx.msk [tilespmem:v2+s31+$0x0], $0xffff  }
0x161: {  	v62 =	vcvt.s32.f32 v61;
	_ =	sdelay $0x1  }
0x162: {  	v33 =	vmul.f32 v62, v3  }
0x163: {  	vm15 =	vlt.s32 v61, $0x2  }
0x164: {  	v2 =	vsel vm15, v33, v2  }
0x165: {  	[tilespmem:s13+$0x1B0] =	vst v2;
	v2 =	vadd.s32 v42, v1  }
0x166: {  	v63 =	vld [tilespmem:s1+$0x40];
	_ =	sdelay $0x3  }
0x167: {  	v2 =	vld.idx.msk [tilespmem:v2+s31+$0x0], $0xffff  }
0x168: {  	v36 =	vcvt.s32.f32 v63;
	_ =	sdelay $0x1  }
0x169: {  	v33 =	vmul.f32 v36, v3  }
0x16a: {  	vm4 =	vlt.s32 v63, $0x2  }
0x16b: {  	v2 =	vsel vm4, v33, v2  }
0x16c: {  	[tilespmem:s13+$0x1C0] =	vst v2;
	v2 =	vadd.s32 v41, v1  }
0x16d: {  	v37 =	vld [tilespmem:s1+$0x50];
	_ =	sdelay $0x3  }
0x16e: {  	v2 =	vld.idx.msk [tilespmem:v2+s31+$0x0], $0xffff  }
0x16f: {  	v38 =	vcvt.s32.f32 v37;
	_ =	sdelay $0x1  }
0x170: {  	v33 =	vmul.f32 v38, v3  }
0x171: {  	vm5 =	vlt.s32 v37, $0x2  }
0x172: {  	v2 =	vsel vm5, v33, v2  }
0x173: {  	[tilespmem:s13+$0x1D0] =	vst v2;
	v2 =	vadd.s32 v40, v1  }
0x174: {  	v43 =	vld [tilespmem:s1+$0x60];
	_ =	sdelay $0x3  }
0x175: {  	v2 =	vld.idx.msk [tilespmem:v2+s31+$0x0], $0xffff  }
0x176: {  	v44 =	vcvt.s32.f32 v43;
	_ =	sdelay $0x1  }
0x177: {  	v33 =	vmul.f32 v44, v3  }
0x178: {  	vm6 =	vlt.s32 v43, $0x2  }
0x179: {  	v2 =	vsel vm6, v33, v2  }
0x17a: {  	[tilespmem:s13+$0x1E0] =	vst v2;
	v2 =	vadd.s32 v31, v1  }
0x17b: {  	v45 =	vld [tilespmem:s1+$0x70];
	_ =	sdelay $0x3  }
0x17c: {  	v2 =	vld.idx.msk [tilespmem:v2+s31+$0x0], $0xffff  }
0x17d: {  	v46 =	vcvt.s32.f32 v45;
	_ =	sdelay $0x1  }
0x17e: {  	v3 =	vmul.f32 v46, v3  }
0x17f: {  	v47 =	vor.u32 $0x4, v1;
	vm7 =	vlt.s32 v45, $0x2  }
0x180: {  	v2 =	vsel vm7, v3, v2;
	v3 =	vor.u32 $0x4, v0  }
0x181: {  	[tilespmem:s13+$0x1F0] =	vst v2;
	v2 =	vadd.s32 v3, v1  }
0x182: {  	v3 =	vld [tilespmem:s1+$0x0];
	_ =	sdelay $0x1  }
0x183: {  	v32 =	vld.idx.msk [tilespmem:v47+s11+$0x0], $0xffff;
	_ =	sdelay $0x1  }
0x184: {  	v2 =	vld.idx.msk [tilespmem:v2+s31+$0x0], $0xffff  }
0x185: {  	v48 =	vcvt.s32.f32 v3;
	_ =	sdelay $0x1  }
0x186: {  	v33 =	vmul.f32 v48, v32  }
0x187: {  	vm8 =	vlt.s32 v3, $0x2  }
0x188: {  	v3 =	vor.u32 $0x404, v0;
	v2 =	vsel vm8, v33, v2  }
0x189: {  	[tilespmem:s13+$0x200] =	vst v2;
	v2 =	vadd.s32 v3, v1  }
0x18a: {  	v3 =	vld [tilespmem:s1+$0x10];
	_ =	sdelay $0x3  }
0x18b: {  	v2 =	vld.idx.msk [tilespmem:v2+s31+$0x0], $0xffff  }
0x18c: {  	v49 =	vcvt.s32.f32 v3;
	_ =	sdelay $0x1  }
0x18d: {  	v33 =	vmul.f32 v49, v32  }
0x18e: {  	vm9 =	vlt.s32 v3, $0x2  }
0x18f: {  	v3 =	vor.u32 $0x804, v0;
	v2 =	vsel vm9, v33, v2  }
0x190: {  	[tilespmem:s13+$0x210] =	vst v2;
	v2 =	vadd.s32 v3, v1  }
0x191: {  	v3 =	vld [tilespmem:s1+$0x20];
	_ =	sdelay $0x3  }
0x192: {  	v2 =	vld.idx.msk [tilespmem:v2+s31+$0x0], $0xffff  }
0x193: {  	v50 =	vcvt.s32.f32 v3;
	_ =	sdelay $0x1  }
0x194: {  	v33 =	vmul.f32 v50, v32  }
0x195: {  	vm10 =	vlt.s32 v3, $0x2  }
0x196: {  	v3 =	vor.u32 $0xC04, v0;
	v2 =	vsel vm10, v33, v2  }
0x197: {  	[tilespmem:s13+$0x220] =	vst v2;
	v2 =	vadd.s32 v3, v1  }
0x198: {  	v3 =	vld [tilespmem:s1+$0x30];
	_ =	sdelay $0x3  }
0x199: {  	v2 =	vld.idx.msk [tilespmem:v2+s31+$0x0], $0xffff  }
0x19a: {  	v51 =	vcvt.s32.f32 v3;
	_ =	sdelay $0x1  }
0x19b: {  	v33 =	vmul.f32 v51, v32  }
0x19c: {  	vm11 =	vlt.s32 v3, $0x2  }
0x19d: {  	v3 =	vor.u32 $0x1004, v0;
	v2 =	vsel vm11, v33, v2  }
0x19e: {  	[tilespmem:s13+$0x230] =	vst v2;
	v2 =	vadd.s32 v3, v1  }
0x19f: {  	v3 =	vld [tilespmem:s1+$0x40];
	_ =	sdelay $0x3  }
0x1a0: {  	v2 =	vld.idx.msk [tilespmem:v2+s31+$0x0], $0xffff  }
0x1a1: {  	v52 =	vcvt.s32.f32 v3;
	_ =	sdelay $0x1  }
0x1a2: {  	v33 =	vmul.f32 v52, v32  }
0x1a3: {  	vm12 =	vlt.s32 v3, $0x2  }
0x1a4: {  	v3 =	vor.u32 $0x1404, v0;
	v2 =	vsel vm12, v33, v2  }
0x1a5: {  	[tilespmem:s13+$0x240] =	vst v2;
	v2 =	vadd.s32 v3, v1  }
0x1a6: {  	v3 =	vld [tilespmem:s1+$0x50];
	_ =	sdelay $0x3  }
0x1a7: {  	v2 =	vld.idx.msk [tilespmem:v2+s31+$0x0], $0xffff  }
0x1a8: {  	v53 =	vcvt.s32.f32 v3;
	_ =	sdelay $0x1  }
0x1a9: {  	v33 =	vmul.f32 v53, v32  }
0x1aa: {  	vm13 =	vlt.s32 v3, $0x2  }
0x1ab: {  	v3 =	vor.u32 $0x1804, v0;
	v2 =	vsel vm13, v33, v2  }
0x1ac: {  	[tilespmem:s13+$0x250] =	vst v2;
	v2 =	vadd.s32 v3, v1  }
0x1ad: {  	v3 =	vld [tilespmem:s1+$0x60];
	_ =	sdelay $0x3  }
0x1ae: {  	v2 =	vld.idx.msk [tilespmem:v2+s31+$0x0], $0xffff  }
0x1af: {  	v54 =	vcvt.s32.f32 v3;
	_ =	sdelay $0x1  }
0x1b0: {  	v33 =	vmul.f32 v54, v32  }
0x1b1: {  	vm14 =	vlt.s32 v3, $0x2  }
0x1b2: {  	v3 =	vor.u32 $0x1C04, v0;
	v2 =	vsel vm14, v33, v2  }
0x1b3: {  	[tilespmem:s13+$0x260] =	vst v2;
	v2 =	vadd.s32 v3, v1  }
0x1b4: {  	v3 =	vld [tilespmem:s1+$0x70];
	_ =	sdelay $0x3  }
0x1b5: {  	v2 =	vld.idx.msk [tilespmem:v2+s31+$0x0], $0xffff  }
0x1b6: {  	v55 =	vcvt.s32.f32 v3;
	_ =	sdelay $0x1  }
0x1b7: {  	v32 =	vmul.f32 v55, v32  }
0x1b8: {  	vm15 =	vlt.s32 v3, $0x2;
	v3 =	vor.u32 $0x5, v1  }
0x1b9: {  	v56 =	vor.u32 $0x5, v0;
	v2 =	vsel vm15, v32, v2  }
0x1ba: {  	[tilespmem:s13+$0x270] =	vst v2;
	v2 =	vadd.s32 v56, v1  }
0x1bb: {  	v57 =	vld [tilespmem:s1+$0x0];
	_ =	sdelay $0x1  }
0x1bc: {  	v3 =	vld.idx.msk [tilespmem:v3+s11+$0x0], $0xffff;
	_ =	sdelay $0x1  }
0x1bd: {  	v2 =	vld.idx.msk [tilespmem:v2+s31+$0x0], $0xffff  }
0x1be: {  	v58 =	vcvt.s32.f32 v57;
	_ =	sdelay $0x1  }
0x1bf: {  	v33 =	vmul.f32 v58, v3  }
0x1c0: {  	vm4 =	vlt.s32 v57, $0x2  }
0x1c1: {  	v59 =	vor.u32 $0x405, v0;
	v2 =	vsel vm4, v33, v2  }
0x1c2: {  	[tilespmem:s13+$0x280] =	vst v2;
	v2 =	vadd.s32 v59, v1  }
0x1c3: {  	v60 =	vld [tilespmem:s1+$0x10];
	_ =	sdelay $0x3  }
0x1c4: {  	v2 =	vld.idx.msk [tilespmem:v2+s31+$0x0], $0xffff  }
0x1c5: {  	v61 =	vcvt.s32.f32 v60;
	_ =	sdelay $0x1  }
0x1c6: {  	v33 =	vmul.f32 v61, v3  }
0x1c7: {  	vm5 =	vlt.s32 v60, $0x2  }
0x1c8: {  	v62 =	vor.u32 $0x805, v0;
	v2 =	vsel vm5, v33, v2  }
0x1c9: {  	[tilespmem:s13+$0x290] =	vst v2;
	v2 =	vadd.s32 v62, v1  }
0x1ca: {  	v63 =	vld [tilespmem:s1+$0x20];
	_ =	sdelay $0x3  }
0x1cb: {  	v2 =	vld.idx.msk [tilespmem:v2+s31+$0x0], $0xffff  }
0x1cc: {  	v36 =	vcvt.s32.f32 v63;
	_ =	sdelay $0x1  }
0x1cd: {  	v33 =	vmul.f32 v36, v3  }
0x1ce: {  	vm6 =	vlt.s32 v63, $0x2  }
0x1cf: {  	v37 =	vor.u32 $0xC05, v0;
	v2 =	vsel vm6, v33, v2  }
0x1d0: {  	[tilespmem:s13+$0x2A0] =	vst v2;
	v2 =	vadd.s32 v37, v1  }
0x1d1: {  	v38 =	vld [tilespmem:s1+$0x30];
	_ =	sdelay $0x3  }
0x1d2: {  	v2 =	vld.idx.msk [tilespmem:v2+s31+$0x0], $0xffff  }
0x1d3: {  	v43 =	vcvt.s32.f32 v38;
	_ =	sdelay $0x1  }
0x1d4: {  	v33 =	vmul.f32 v43, v3  }
0x1d5: {  	vm7 =	vlt.s32 v38, $0x2  }
0x1d6: {  	v44 =	vor.u32 $0x1005, v0;
	v2 =	vsel vm7, v33, v2  }
0x1d7: {  	[tilespmem:s13+$0x2B0] =	vst v2;
	v2 =	vadd.s32 v44, v1  }
0x1d8: {  	v45 =	vld [tilespmem:s1+$0x40];
	_ =	sdelay $0x3  }
0x1d9: {  	v2 =	vld.idx.msk [tilespmem:v2+s31+$0x0], $0xffff  }
0x1da: {  	v46 =	vcvt.s32.f32 v45;
	_ =	sdelay $0x1  }
0x1db: {  	v33 =	vmul.f32 v46, v3  }
0x1dc: {  	vm8 =	vlt.s32 v45, $0x2  }
0x1dd: {  	v47 =	vor.u32 $0x1405, v0;
	v2 =	vsel vm8, v33, v2  }
0x1de: {  	[tilespmem:s13+$0x2C0] =	vst v2;
	v2 =	vadd.s32 v47, v1  }
0x1df: {  	v48 =	vld [tilespmem:s1+$0x50];
	_ =	sdelay $0x3  }
0x1e0: {  	v2 =	vld.idx.msk [tilespmem:v2+s31+$0x0], $0xffff  }
0x1e1: {  	v49 =	vcvt.s32.f32 v48;
	_ =	sdelay $0x1  }
0x1e2: {  	v33 =	vmul.f32 v49, v3  }
0x1e3: {  	vm9 =	vlt.s32 v48, $0x2  }
0x1e4: {  	v50 =	vor.u32 $0x1805, v0;
	v2 =	vsel vm9, v33, v2  }
0x1e5: {  	[tilespmem:s13+$0x2D0] =	vst v2;
	v2 =	vadd.s32 v50, v1  }
0x1e6: {  	v51 =	vld [tilespmem:s1+$0x60];
	_ =	sdelay $0x3  }
0x1e7: {  	v2 =	vld.idx.msk [tilespmem:v2+s31+$0x0], $0xffff  }
0x1e8: {  	v52 =	vcvt.s32.f32 v51;
	_ =	sdelay $0x1  }
0x1e9: {  	v33 =	vmul.f32 v52, v3  }
0x1ea: {  	vm10 =	vlt.s32 v51, $0x2  }
0x1eb: {  	v53 =	vor.u32 $0x1C05, v0;
	v2 =	vsel vm10, v33, v2  }
0x1ec: {  	[tilespmem:s13+$0x2E0] =	vst v2;
	v2 =	vadd.s32 v53, v1  }
0x1ed: {  	v54 =	vld [tilespmem:s1+$0x70];
	_ =	sdelay $0x3  }
0x1ee: {  	v2 =	vld.idx.msk [tilespmem:v2+s31+$0x0], $0xffff  }
0x1ef: {  	v55 =	vcvt.s32.f32 v54;
	_ =	sdelay $0x1  }
0x1f0: {  	v3 =	vmul.f32 v55, v3  }
0x1f1: {  	v56 =	vor.u32 $0x6, v1;
	vm11 =	vlt.s32 v54, $0x2  }
0x1f2: {  	v2 =	vsel vm11, v3, v2;
	v3 =	vor.u32 $0x6, v0  }
0x1f3: {  	[tilespmem:s13+$0x2F0] =	vst v2;
	v2 =	vadd.s32 v3, v1  }
0x1f4: {  	v3 =	vld [tilespmem:s1+$0x0];
	_ =	sdelay $0x1  }
0x1f5: {  	v32 =	vld.idx.msk [tilespmem:v56+s11+$0x0], $0xffff;
	_ =	sdelay $0x1  }
0x1f6: {  	v2 =	vld.idx.msk [tilespmem:v2+s31+$0x0], $0xffff  }
0x1f7: {  	v57 =	vcvt.s32.f32 v3;
	_ =	sdelay $0x1  }
0x1f8: {  	v33 =	vmul.f32 v57, v32  }
0x1f9: {  	vm12 =	vlt.s32 v3, $0x2  }
0x1fa: {  	v3 =	vor.u32 $0x406, v0;
	v2 =	vsel vm12, v33, v2  }
0x1fb: {  	[tilespmem:s13+$0x300] =	vst v2;
	v2 =	vadd.s32 v3, v1  }
0x1fc: {  	v3 =	vld [tilespmem:s1+$0x10];
	_ =	sdelay $0x3  }
0x1fd: {  	v2 =	vld.idx.msk [tilespmem:v2+s31+$0x0], $0xffff  }
0x1fe: {  	v58 =	vcvt.s32.f32 v3;
	_ =	sdelay $0x1  }
0x1ff: {  	v33 =	vmul.f32 v58, v32  }
0x200: {  	vm13 =	vlt.s32 v3, $0x2  }
0x201: {  	v3 =	vor.u32 $0x806, v0;
	v2 =	vsel vm13, v33, v2  }
0x202: {  	[tilespmem:s13+$0x310] =	vst v2;
	v2 =	vadd.s32 v3, v1  }
0x203: {  	v3 =	vld [tilespmem:s1+$0x20];
	_ =	sdelay $0x3  }
0x204: {  	v2 =	vld.idx.msk [tilespmem:v2+s31+$0x0], $0xffff  }
0x205: {  	v59 =	vcvt.s32.f32 v3;
	_ =	sdelay $0x1  }
0x206: {  	v33 =	vmul.f32 v59, v32  }
0x207: {  	vm14 =	vlt.s32 v3, $0x2  }
0x208: {  	v3 =	vor.u32 $0xC06, v0;
	v2 =	vsel vm14, v33, v2  }
0x209: {  	[tilespmem:s13+$0x320] =	vst v2;
	v2 =	vadd.s32 v3, v1  }
0x20a: {  	v3 =	vld [tilespmem:s1+$0x30];
	_ =	sdelay $0x3  }
0x20b: {  	v2 =	vld.idx.msk [tilespmem:v2+s31+$0x0], $0xffff  }
0x20c: {  	v60 =	vcvt.s32.f32 v3;
	_ =	sdelay $0x1  }
0x20d: {  	v33 =	vmul.f32 v60, v32  }
0x20e: {  	vm15 =	vlt.s32 v3, $0x2  }
0x20f: {  	v3 =	vor.u32 $0x1006, v0;
	v2 =	vsel vm15, v33, v2  }
0x210: {  	[tilespmem:s13+$0x330] =	vst v2;
	v2 =	vadd.s32 v3, v1  }
0x211: {  	v3 =	vld [tilespmem:s1+$0x40];
	_ =	sdelay $0x3  }
0x212: {  	v2 =	vld.idx.msk [tilespmem:v2+s31+$0x0], $0xffff  }
0x213: {  	v61 =	vcvt.s32.f32 v3;
	_ =	sdelay $0x1  }
0x214: {  	v33 =	vmul.f32 v61, v32  }
0x215: {  	vm4 =	vlt.s32 v3, $0x2  }
0x216: {  	v3 =	vor.u32 $0x1406, v0;
	v2 =	vsel vm4, v33, v2  }
0x217: {  	[tilespmem:s13+$0x340] =	vst v2;
	v2 =	vadd.s32 v3, v1  }
0x218: {  	v3 =	vld [tilespmem:s1+$0x50];
	_ =	sdelay $0x3  }
0x219: {  	v2 =	vld.idx.msk [tilespmem:v2+s31+$0x0], $0xffff  }
0x21a: {  	v62 =	vcvt.s32.f32 v3;
	_ =	sdelay $0x1  }
0x21b: {  	v33 =	vmul.f32 v62, v32  }
0x21c: {  	vm5 =	vlt.s32 v3, $0x2  }
0x21d: {  	v3 =	vor.u32 $0x1806, v0;
	v2 =	vsel vm5, v33, v2  }
0x21e: {  	[tilespmem:s13+$0x350] =	vst v2;
	v2 =	vadd.s32 v3, v1  }
0x21f: {  	v3 =	vld [tilespmem:s1+$0x60];
	_ =	sdelay $0x3  }
0x220: {  	v2 =	vld.idx.msk [tilespmem:v2+s31+$0x0], $0xffff  }
0x221: {  	v63 =	vcvt.s32.f32 v3;
	_ =	sdelay $0x1  }
0x222: {  	v33 =	vmul.f32 v63, v32  }
0x223: {  	vm6 =	vlt.s32 v3, $0x2  }
0x224: {  	v3 =	vor.u32 $0x1C06, v0;
	v2 =	vsel vm6, v33, v2  }
0x225: {  	[tilespmem:s13+$0x360] =	vst v2;
	v2 =	vadd.s32 v3, v1  }
0x226: {  	v3 =	vld [tilespmem:s1+$0x70];
	_ =	sdelay $0x3  }
0x227: {  	v2 =	vld.idx.msk [tilespmem:v2+s31+$0x0], $0xffff  }
0x228: {  	v36 =	vcvt.s32.f32 v3;
	_ =	sdelay $0x1  }
0x229: {  	v32 =	vmul.f32 v36, v32  }
0x22a: {  	vm7 =	vlt.s32 v3, $0x2;
	v3 =	vor.u32 $0x7, v1  }
0x22b: {  	v37 =	vor.u32 $0x7, v0;
	v2 =	vsel vm7, v32, v2  }
0x22c: {  	[tilespmem:s13+$0x370] =	vst v2;
	v2 =	vadd.s32 v37, v1  }
0x22d: {  	v38 =	vld [tilespmem:s1+$0x0];
	_ =	sdelay $0x1  }
0x22e: {  	v3 =	vld.idx.msk [tilespmem:v3+s11+$0x0], $0xffff;
	_ =	sdelay $0x1  }
0x22f: {  	v2 =	vld.idx.msk [tilespmem:v2+s31+$0x0], $0xffff  }
0x230: {  	v43 =	vcvt.s32.f32 v38;
	_ =	sdelay $0x1  }
0x231: {  	v33 =	vmul.f32 v43, v3  }
0x232: {  	vm8 =	vlt.s32 v38, $0x2  }
0x233: {  	v44 =	vor.u32 $0x407, v0;
	v2 =	vsel vm8, v33, v2  }
0x234: {  	[tilespmem:s13+$0x380] =	vst v2;
	v2 =	vadd.s32 v44, v1  }
0x235: {  	v45 =	vld [tilespmem:s1+$0x10];
	_ =	sdelay $0x3  }
0x236: {  	v2 =	vld.idx.msk [tilespmem:v2+s31+$0x0], $0xffff  }
0x237: {  	v46 =	vcvt.s32.f32 v45;
	_ =	sdelay $0x1  }
0x238: {  	v33 =	vmul.f32 v46, v3  }
0x239: {  	vm9 =	vlt.s32 v45, $0x2  }
0x23a: {  	v47 =	vor.u32 $0x807, v0;
	v2 =	vsel vm9, v33, v2  }
0x23b: {  	[tilespmem:s13+$0x390] =	vst v2;
	v2 =	vadd.s32 v47, v1  }
0x23c: {  	v48 =	vld [tilespmem:s1+$0x20];
	_ =	sdelay $0x3  }
0x23d: {  	v2 =	vld.idx.msk [tilespmem:v2+s31+$0x0], $0xffff  }
0x23e: {  	v49 =	vcvt.s32.f32 v48;
	_ =	sdelay $0x1  }
0x23f: {  	v33 =	vmul.f32 v49, v3  }
0x240: {  	vm10 =	vlt.s32 v48, $0x2  }
0x241: {  	v50 =	vor.u32 $0xC07, v0;
	v2 =	vsel vm10, v33, v2  }
0x242: {  	[tilespmem:s13+$0x3A0] =	vst v2;
	v2 =	vadd.s32 v50, v1  }
0x243: {  	v51 =	vld [tilespmem:s1+$0x30];
	_ =	sdelay $0x3  }
0x244: {  	v2 =	vld.idx.msk [tilespmem:v2+s31+$0x0], $0xffff  }
0x245: {  	v52 =	vcvt.s32.f32 v51;
	_ =	sdelay $0x1  }
0x246: {  	v33 =	vmul.f32 v52, v3  }
0x247: {  	vm11 =	vlt.s32 v51, $0x2  }
0x248: {  	v53 =	vor.u32 $0x1007, v0;
	v2 =	vsel vm11, v33, v2  }
0x249: {  	[tilespmem:s13+$0x3B0] =	vst v2;
	v2 =	vadd.s32 v53, v1  }
0x24a: {  	v54 =	vld [tilespmem:s1+$0x40];
	_ =	sdelay $0x3  }
0x24b: {  	v2 =	vld.idx.msk [tilespmem:v2+s31+$0x0], $0xffff  }
0x24c: {  	v55 =	vcvt.s32.f32 v54;
	_ =	sdelay $0x1  }
0x24d: {  	v33 =	vmul.f32 v55, v3  }
0x24e: {  	vm12 =	vlt.s32 v54, $0x2  }
0x24f: {  	v56 =	vor.u32 $0x1407, v0;
	v2 =	vsel vm12, v33, v2  }
0x250: {  	[tilespmem:s13+$0x3C0] =	vst v2;
	v2 =	vadd.s32 v56, v1  }
0x251: {  	v57 =	vld [tilespmem:s1+$0x50];
	_ =	sdelay $0x3  }
0x252: {  	v2 =	vld.idx.msk [tilespmem:v2+s31+$0x0], $0xffff  }
0x253: {  	v58 =	vcvt.s32.f32 v57;
	_ =	sdelay $0x1  }
0x254: {  	v33 =	vmul.f32 v58, v3  }
0x255: {  	vm13 =	vlt.s32 v57, $0x2  }
0x256: {  	v59 =	vor.u32 $0x1807, v0;
	v2 =	vsel vm13, v33, v2  }
0x257: {  	[tilespmem:s13+$0x3D0] =	vst v2;
	v2 =	vadd.s32 v59, v1  }
0x258: {  	v60 =	vld [tilespmem:s1+$0x60];
	_ =	sdelay $0x3  }
0x259: {  	v2 =	vld.idx.msk [tilespmem:v2+s31+$0x0], $0xffff  }
0x25a: {  	v61 =	vcvt.s32.f32 v60;
	_ =	sdelay $0x1  }
0x25b: {  	v33 =	vmul.f32 v61, v3  }
0x25c: {  	vm14 =	vlt.s32 v60, $0x2  }
0x25d: {  	v62 =	vor.u32 $0x1C07, v0;
	v2 =	vsel vm14, v33, v2  }
0x25e: {  	v1 =	vadd.s32 v62, v1;
	[tilespmem:s13+$0x3E0] =	vst v2  }
0x25f: {  	v2 =	vld [tilespmem:s1+$0x70];
	_ =	sdelay $0x3  }
0x260: {  	v1 =	vld.idx.msk [tilespmem:v1+s31+$0x0], $0xffff  }
0x261: {  	p0 =	sne.s32 s12, $0x7000;
	v63 =	vcvt.s32.f32 v2  }
.Ltmp6:
0x262: {  	_ = 	snop;
	(pc) =	sbr.rel @p0 .LBB2_8-.Ltmp6, $4  }
0x263: {  	v3 =	vmul.f32 v63, v3  }
0x264: {  	vm15 =	vlt.s32 v2, $0x2  }
0x265: {  	v1 =	vsel vm15, v3, v1  }
0x266: {  	s9 =	sadd.s32 $0x8, s9;
	s12 =	sadd.s32 $0x1000, s12;
	[tilespmem:s13+$0x3F0] =	vst v1  }
.Ltmp7:
0x267: {  	_ = 	snop;
	(pc) =	sbr.rel .LBB2_9-.Ltmp7, $1  }
0x268: {  	_ =	sdelay $0x3  }
.LBB2_5:
0x269: {  	v1 =	vmov s24  }
0x26a: {  	v1 =	vshrl.u32 v1, $0x3  }
0x26b: {  	v1 =	vshll.u32 v1, $0x3  }
0x26c: {  	v1 =	vbroadcast v1, $0x0;
	_ =	sdelay $0x1  }
0x26d: {  	v2 =	vor.u32 v0, v1;
	_ =	sdelay $0x4  }
0x26e: {  	v2 =	vld.idx.msk [tilespmem:v2+s31+$0x0], $0xffff  }
0x26f: {  	v3 =	vor.u32 v39, v1;
	_ =	sdelay $0x2  }
0x270: {  	s1 =	sadd.s32 $0x0, s2  }
0x271: {  	[tilespmem:s1+$0x0] =	vst v2  }
0x272: {  	v2 =	vld.idx.msk [tilespmem:v3+s31+$0x0], $0xffff  }
0x273: {  	v3 =	vor.u32 v4, v1;
	_ =	sdelay $0x3  }
0x274: {  	[tilespmem:s1+$0x10] =	vst v2  }
0x275: {  	v2 =	vld.idx.msk [tilespmem:v3+s31+$0x0], $0xffff  }
0x276: {  	v3 =	vor.u32 v5, v1;
	_ =	sdelay $0x3  }
0x277: {  	[tilespmem:s1+$0x20] =	vst v2  }
0x278: {  	v2 =	vld.idx.msk [tilespmem:v3+s31+$0x0], $0xffff  }
0x279: {  	v3 =	vor.u32 v6, v1;
	_ =	sdelay $0x3  }
0x27a: {  	[tilespmem:s1+$0x30] =	vst v2  }
0x27b: {  	v2 =	vld.idx.msk [tilespmem:v3+s31+$0x0], $0xffff  }
0x27c: {  	v3 =	vor.u32 v7, v1;
	_ =	sdelay $0x3  }
0x27d: {  	[tilespmem:s1+$0x40] =	vst v2  }
0x27e: {  	v2 =	vld.idx.msk [tilespmem:v3+s31+$0x0], $0xffff  }
0x27f: {  	v3 =	vor.u32 v8, v1;
	_ =	sdelay $0x3  }
0x280: {  	[tilespmem:s1+$0x50] =	vst v2  }
0x281: {  	v2 =	vld.idx.msk [tilespmem:v3+s31+$0x0], $0xffff  }
0x282: {  	v3 =	vor.u32 v9, v1;
	_ =	sdelay $0x3  }
0x283: {  	[tilespmem:s1+$0x60] =	vst v2  }
0x284: {  	v2 =	vld.idx.msk [tilespmem:v3+s31+$0x0], $0xffff  }
0x285: {  	v3 =	vadd.s32 v10, v1;
	_ =	sdelay $0x3  }
0x286: {  	[tilespmem:s1+$0x70] =	vst v2  }
0x287: {  	v2 =	vld.idx.msk [tilespmem:v3+s31+$0x0], $0xffff  }
0x288: {  	v3 =	vadd.s32 v11, v1;
	_ =	sdelay $0x3  }
0x289: {  	[tilespmem:s1+$0x80] =	vst v2  }
0x28a: {  	v2 =	vld.idx.msk [tilespmem:v3+s31+$0x0], $0xffff  }
0x28b: {  	v3 =	vadd.s32 v12, v1;
	_ =	sdelay $0x3  }
0x28c: {  	[tilespmem:s1+$0x90] =	vst v2  }
0x28d: {  	v2 =	vld.idx.msk [tilespmem:v3+s31+$0x0], $0xffff  }
0x28e: {  	v3 =	vadd.s32 v13, v1;
	_ =	sdelay $0x3  }
0x28f: {  	[tilespmem:s1+$0xA0] =	vst v2  }
0x290: {  	v2 =	vld.idx.msk [tilespmem:v3+s31+$0x0], $0xffff  }
0x291: {  	v3 =	vadd.s32 v14, v1;
	_ =	sdelay $0x3  }
0x292: {  	[tilespmem:s1+$0xB0] =	vst v2  }
0x293: {  	v2 =	vld.idx.msk [tilespmem:v3+s31+$0x0], $0xffff  }
0x294: {  	v3 =	vadd.s32 v15, v1;
	_ =	sdelay $0x3  }
0x295: {  	[tilespmem:s1+$0xC0] =	vst v2  }
0x296: {  	v2 =	vld.idx.msk [tilespmem:v3+s31+$0x0], $0xffff  }
0x297: {  	v3 =	vadd.s32 v16, v1;
	_ =	sdelay $0x3  }
0x298: {  	[tilespmem:s1+$0xD0] =	vst v2  }
0x299: {  	v2 =	vld.idx.msk [tilespmem:v3+s31+$0x0], $0xffff  }
0x29a: {  	v3 =	vadd.s32 v17, v1;
	_ =	sdelay $0x3  }
0x29b: {  	[tilespmem:s1+$0xE0] =	vst v2  }
0x29c: {  	v2 =	vld.idx.msk [tilespmem:v3+s31+$0x0], $0xffff  }
0x29d: {  	v3 =	vadd.s32 v18, v1;
	_ =	sdelay $0x3  }
0x29e: {  	[tilespmem:s1+$0xF0] =	vst v2  }
0x29f: {  	v2 =	vld.idx.msk [tilespmem:v3+s31+$0x0], $0xffff  }
0x2a0: {  	v3 =	vadd.s32 v19, v1;
	_ =	sdelay $0x3  }
0x2a1: {  	[tilespmem:s1+$0x100] =	vst v2  }
0x2a2: {  	v2 =	vld.idx.msk [tilespmem:v3+s31+$0x0], $0xffff  }
0x2a3: {  	v3 =	vadd.s32 v20, v1;
	_ =	sdelay $0x3  }
0x2a4: {  	[tilespmem:s1+$0x110] =	vst v2  }
0x2a5: {  	v2 =	vld.idx.msk [tilespmem:v3+s31+$0x0], $0xffff  }
0x2a6: {  	v3 =	vadd.s32 v21, v1;
	_ =	sdelay $0x3  }
0x2a7: {  	[tilespmem:s1+$0x120] =	vst v2  }
0x2a8: {  	v2 =	vld.idx.msk [tilespmem:v3+s31+$0x0], $0xffff  }
0x2a9: {  	v3 =	vadd.s32 v22, v1;
	_ =	sdelay $0x3  }
0x2aa: {  	[tilespmem:s1+$0x130] =	vst v2  }
0x2ab: {  	v2 =	vld.idx.msk [tilespmem:v3+s31+$0x0], $0xffff  }
0x2ac: {  	v3 =	vadd.s32 v23, v1;
	_ =	sdelay $0x3  }
0x2ad: {  	[tilespmem:s1+$0x140] =	vst v2  }
0x2ae: {  	v2 =	vld.idx.msk [tilespmem:v3+s31+$0x0], $0xffff  }
0x2af: {  	v3 =	vadd.s32 v24, v1;
	_ =	sdelay $0x3  }
0x2b0: {  	[tilespmem:s1+$0x150] =	vst v2  }
0x2b1: {  	v2 =	vld.idx.msk [tilespmem:v3+s31+$0x0], $0xffff  }
0x2b2: {  	v3 =	vadd.s32 v25, v1;
	_ =	sdelay $0x3  }
0x2b3: {  	[tilespmem:s1+$0x160] =	vst v2  }
0x2b4: {  	v2 =	vld.idx.msk [tilespmem:v3+s31+$0x0], $0xffff  }
0x2b5: {  	v3 =	vadd.s32 v26, v1;
	_ =	sdelay $0x3  }
0x2b6: {  	[tilespmem:s1+$0x170] =	vst v2  }
0x2b7: {  	v2 =	vld.idx.msk [tilespmem:v3+s31+$0x0], $0xffff  }
0x2b8: {  	v3 =	vadd.s32 v27, v1;
	_ =	sdelay $0x3  }
0x2b9: {  	[tilespmem:s1+$0x180] =	vst v2  }
0x2ba: {  	v2 =	vld.idx.msk [tilespmem:v3+s31+$0x0], $0xffff  }
0x2bb: {  	v3 =	vadd.s32 v28, v1;
	_ =	sdelay $0x3  }
0x2bc: {  	[tilespmem:s1+$0x190] =	vst v2  }
0x2bd: {  	v2 =	vld.idx.msk [tilespmem:v3+s31+$0x0], $0xffff  }
0x2be: {  	v3 =	vadd.s32 v29, v1;
	_ =	sdelay $0x3  }
0x2bf: {  	[tilespmem:s1+$0x1A0] =	vst v2  }
0x2c0: {  	v2 =	vld.idx.msk [tilespmem:v3+s31+$0x0], $0xffff  }
0x2c1: {  	v3 =	vadd.s32 v42, v1;
	_ =	sdelay $0x3  }
0x2c2: {  	[tilespmem:s1+$0x1B0] =	vst v2  }
0x2c3: {  	v2 =	vld.idx.msk [tilespmem:v3+s31+$0x0], $0xffff  }
0x2c4: {  	v3 =	vadd.s32 v41, v1;
	_ =	sdelay $0x3  }
0x2c5: {  	[tilespmem:s1+$0x1C0] =	vst v2  }
0x2c6: {  	v2 =	vld.idx.msk [tilespmem:v3+s31+$0x0], $0xffff  }
0x2c7: {  	v3 =	vadd.s32 v40, v1;
	_ =	sdelay $0x3  }
0x2c8: {  	[tilespmem:s1+$0x1D0] =	vst v2  }
0x2c9: {  	v2 =	vld.idx.msk [tilespmem:v3+s31+$0x0], $0xffff  }
0x2ca: {  	v3 =	vadd.s32 v31, v1;
	_ =	sdelay $0x3  }
0x2cb: {  	[tilespmem:s1+$0x1E0] =	vst v2  }
0x2cc: {  	v2 =	vld.idx.msk [tilespmem:v3+s31+$0x0], $0xffff;
	v3 =	vor.u32 $0x4, v0  }
0x2cd: {  	[tilespmem:$0x1FFD0] =	vst v3;
	v3 =	vadd.s32 v3, v1;
	_ =	sdelay $0x3  }
0x2ce: {  	[tilespmem:s1+$0x1F0] =	vst v2  }
0x2cf: {  	v2 =	vld.idx.msk [tilespmem:v3+s31+$0x0], $0xffff;
	v3 =	vor.u32 $0x404, v0  }
0x2d0: {  	[tilespmem:$0x1FFE0] =	vst v3;
	v3 =	vadd.s32 v3, v1;
	_ =	sdelay $0x3  }
0x2d1: {  	[tilespmem:s1+$0x200] =	vst v2  }
0x2d2: {  	v2 =	vld.idx.msk [tilespmem:v3+s31+$0x0], $0xffff;
	v3 =	vor.u32 $0x804, v0  }
0x2d3: {  	[tilespmem:$0x1FFF0] =	vst v3;
	v3 =	vadd.s32 v3, v1;
	_ =	sdelay $0x3  }
0x2d4: {  	[tilespmem:s1+$0x210] =	vst v2  }
0x2d5: {  	v2 =	vld.idx.msk [tilespmem:v3+s31+$0x0], $0xffff;
	v3 =	vor.u32 $0xC04, v0  }
0x2d6: {  	v38 =	vmov v3;
	v3 =	vadd.s32 v3, v1;
	_ =	sdelay $0x3  }
0x2d7: {  	[tilespmem:s1+$0x220] =	vst v2  }
0x2d8: {  	v2 =	vld.idx.msk [tilespmem:v3+s31+$0x0], $0xffff;
	v3 =	vor.u32 $0x1004, v0  }
0x2d9: {  	v34 =	vmov v3;
	v3 =	vadd.s32 v3, v1;
	_ =	sdelay $0x3  }
0x2da: {  	[tilespmem:s1+$0x230] =	vst v2  }
0x2db: {  	v2 =	vld.idx.msk [tilespmem:v3+s31+$0x0], $0xffff;
	v3 =	vor.u32 $0x1404, v0  }
0x2dc: {  	v32 =	vmov v3;
	v3 =	vadd.s32 v3, v1;
	_ =	sdelay $0x3  }
0x2dd: {  	[tilespmem:s1+$0x240] =	vst v2  }
0x2de: {  	v2 =	vld.idx.msk [tilespmem:v3+s31+$0x0], $0xffff;
	v3 =	vor.u32 $0x1804, v0  }
0x2df: {  	v35 =	vmov v3;
	v3 =	vadd.s32 v3, v1;
	_ =	sdelay $0x3  }
0x2e0: {  	[tilespmem:s1+$0x250] =	vst v2  }
0x2e1: {  	v2 =	vld.idx.msk [tilespmem:v3+s31+$0x0], $0xffff;
	v3 =	vor.u32 $0x1C04, v0  }
0x2e2: {  	v30 =	vmov v3;
	v3 =	vadd.s32 v3, v1;
	_ =	sdelay $0x3  }
0x2e3: {  	[tilespmem:s1+$0x260] =	vst v2  }
0x2e4: {  	v2 =	vld.idx.msk [tilespmem:v3+s31+$0x0], $0xffff;
	v3 =	vor.u32 $0x5, v0  }
0x2e5: {  	v33 =	vmov v3;
	v3 =	vadd.s32 v3, v1;
	_ =	sdelay $0x3  }
0x2e6: {  	[tilespmem:s1+$0x270] =	vst v2  }
0x2e7: {  	v2 =	vld.idx.msk [tilespmem:v3+s31+$0x0], $0xffff;
	v3 =	vor.u32 $0x405, v0  }
0x2e8: {  	v36 =	vmov v3;
	v3 =	vadd.s32 v3, v1;
	_ =	sdelay $0x3  }
0x2e9: {  	[tilespmem:s1+$0x280] =	vst v2  }
0x2ea: {  	v2 =	vld.idx.msk [tilespmem:v3+s31+$0x0], $0xffff;
	v3 =	vor.u32 $0x805, v0  }
0x2eb: {  	v37 =	vmov v3;
	v3 =	vadd.s32 v3, v1;
	_ =	sdelay $0x3  }
0x2ec: {  	[tilespmem:s1+$0x290] =	vst v2  }
0x2ed: {  	v43 =	vor.u32 $0xC05, v0;
	v2 =	vld.idx.msk [tilespmem:v3+s31+$0x0], $0xffff  }
0x2ee: {  	v3 =	vadd.s32 v43, v1;
	_ =	sdelay $0x3  }
0x2ef: {  	[tilespmem:s1+$0x2A0] =	vst v2  }
0x2f0: {  	v44 =	vor.u32 $0x1005, v0;
	v2 =	vld.idx.msk [tilespmem:v3+s31+$0x0], $0xffff  }
0x2f1: {  	v3 =	vadd.s32 v44, v1;
	_ =	sdelay $0x3  }
0x2f2: {  	[tilespmem:s1+$0x2B0] =	vst v2  }
0x2f3: {  	v45 =	vor.u32 $0x1405, v0;
	v2 =	vld.idx.msk [tilespmem:v3+s31+$0x0], $0xffff  }
0x2f4: {  	v3 =	vadd.s32 v45, v1;
	_ =	sdelay $0x3  }
0x2f5: {  	[tilespmem:s1+$0x2C0] =	vst v2  }
0x2f6: {  	v46 =	vor.u32 $0x1805, v0;
	v2 =	vld.idx.msk [tilespmem:v3+s31+$0x0], $0xffff  }
0x2f7: {  	v3 =	vadd.s32 v46, v1;
	_ =	sdelay $0x3  }
0x2f8: {  	[tilespmem:s1+$0x2D0] =	vst v2  }
0x2f9: {  	v47 =	vor.u32 $0x1C05, v0;
	v2 =	vld.idx.msk [tilespmem:v3+s31+$0x0], $0xffff  }
0x2fa: {  	v3 =	vadd.s32 v47, v1;
	_ =	sdelay $0x3  }
0x2fb: {  	[tilespmem:s1+$0x2E0] =	vst v2  }
0x2fc: {  	v48 =	vor.u32 $0x6, v0;
	v2 =	vld.idx.msk [tilespmem:v3+s31+$0x0], $0xffff  }
0x2fd: {  	v3 =	vadd.s32 v48, v1;
	_ =	sdelay $0x3  }
0x2fe: {  	[tilespmem:s1+$0x2F0] =	vst v2  }
0x2ff: {  	v49 =	vor.u32 $0x406, v0;
	v2 =	vld.idx.msk [tilespmem:v3+s31+$0x0], $0xffff  }
0x300: {  	v3 =	vadd.s32 v49, v1;
	_ =	sdelay $0x3  }
0x301: {  	[tilespmem:s1+$0x300] =	vst v2  }
0x302: {  	v50 =	vor.u32 $0x806, v0;
	v2 =	vld.idx.msk [tilespmem:v3+s31+$0x0], $0xffff  }
0x303: {  	v3 =	vadd.s32 v50, v1;
	_ =	sdelay $0x3  }
0x304: {  	[tilespmem:s1+$0x310] =	vst v2  }
0x305: {  	v51 =	vor.u32 $0xC06, v0;
	v2 =	vld.idx.msk [tilespmem:v3+s31+$0x0], $0xffff  }
0x306: {  	v3 =	vadd.s32 v51, v1;
	_ =	sdelay $0x3  }
0x307: {  	[tilespmem:s1+$0x320] =	vst v2  }
0x308: {  	v52 =	vor.u32 $0x1006, v0;
	v2 =	vld.idx.msk [tilespmem:v3+s31+$0x0], $0xffff  }
0x309: {  	v3 =	vadd.s32 v52, v1;
	_ =	sdelay $0x3  }
0x30a: {  	[tilespmem:s1+$0x330] =	vst v2  }
0x30b: {  	v53 =	vor.u32 $0x1406, v0;
	v2 =	vld.idx.msk [tilespmem:v3+s31+$0x0], $0xffff  }
0x30c: {  	v3 =	vadd.s32 v53, v1;
	_ =	sdelay $0x3  }
0x30d: {  	[tilespmem:s1+$0x340] =	vst v2  }
0x30e: {  	v54 =	vor.u32 $0x1806, v0;
	v2 =	vld.idx.msk [tilespmem:v3+s31+$0x0], $0xffff  }
0x30f: {  	v3 =	vadd.s32 v54, v1;
	_ =	sdelay $0x3  }
0x310: {  	[tilespmem:s1+$0x350] =	vst v2  }
0x311: {  	v55 =	vor.u32 $0x1C06, v0;
	v2 =	vld.idx.msk [tilespmem:v3+s31+$0x0], $0xffff  }
0x312: {  	v3 =	vadd.s32 v55, v1;
	_ =	sdelay $0x3  }
0x313: {  	[tilespmem:s1+$0x360] =	vst v2  }
0x314: {  	v56 =	vor.u32 $0x7, v0;
	v2 =	vld.idx.msk [tilespmem:v3+s31+$0x0], $0xffff  }
0x315: {  	v3 =	vadd.s32 v56, v1;
	_ =	sdelay $0x3  }
0x316: {  	[tilespmem:s1+$0x370] =	vst v2  }
0x317: {  	v57 =	vor.u32 $0x407, v0;
	v2 =	vld.idx.msk [tilespmem:v3+s31+$0x0], $0xffff  }
0x318: {  	v3 =	vadd.s32 v57, v1;
	_ =	sdelay $0x3  }
0x319: {  	[tilespmem:s1+$0x380] =	vst v2  }
0x31a: {  	v58 =	vor.u32 $0x807, v0;
	v2 =	vld.idx.msk [tilespmem:v3+s31+$0x0], $0xffff  }
0x31b: {  	v3 =	vadd.s32 v58, v1;
	_ =	sdelay $0x3  }
0x31c: {  	[tilespmem:s1+$0x390] =	vst v2  }
0x31d: {  	v59 =	vor.u32 $0xC07, v0;
	v2 =	vld.idx.msk [tilespmem:v3+s31+$0x0], $0xffff  }
0x31e: {  	v3 =	vadd.s32 v59, v1;
	_ =	sdelay $0x3  }
0x31f: {  	[tilespmem:s1+$0x3A0] =	vst v2  }
0x320: {  	v60 =	vor.u32 $0x1007, v0;
	v2 =	vld.idx.msk [tilespmem:v3+s31+$0x0], $0xffff  }
0x321: {  	v3 =	vadd.s32 v60, v1;
	_ =	sdelay $0x3  }
0x322: {  	[tilespmem:s1+$0x3B0] =	vst v2  }
0x323: {  	v61 =	vor.u32 $0x1407, v0;
	v2 =	vld.idx.msk [tilespmem:v3+s31+$0x0], $0xffff  }
0x324: {  	v3 =	vadd.s32 v61, v1;
	_ =	sdelay $0x3  }
0x325: {  	[tilespmem:s1+$0x3C0] =	vst v2  }
0x326: {  	v62 =	vor.u32 $0x1807, v0;
	v2 =	vld.idx.msk [tilespmem:v3+s31+$0x0], $0xffff  }
0x327: {  	v3 =	vadd.s32 v62, v1;
	_ =	sdelay $0x3  }
0x328: {  	v63 =	vor.u32 $0x1C07, v0;
	s12 =	simm.s32 $0x8;
	[tilespmem:s1+$0x3D0] =	vst v2  }
0x329: {  	s9 =	simm.s32 $0x1000;
	s13 =	simm.s32 $0x2000;
	v2 =	vadd.s32 v63, v1;
	v1 =	vmov s12;
	v3 =	vld.idx.msk [tilespmem:v3+s31+$0x0], $0xffff  }
.LBB2_6:
0x32a: {  	_ =	sdelay $0x1  }
0x32b: {  	v1 =	vshrl.u32 v1, $0x3  }
0x32c: {  	v1 =	vshll.u32 v1, $0x3  }
0x32d: {  	v1 =	vbroadcast v1, $0x0;
	[tilespmem:s1+$0x3E0] =	vst v3  }
0x32e: {  	v2 =	vld.idx.msk [tilespmem:v2+s31+$0x0], $0xffff  }
0x32f: {  	v3 =	vor.u32 v0, v1;
	_ =	sdelay $0x3  }
0x330: {  	[tilespmem:s1+$0x3F0] =	vst v2  }
0x331: {  	v2 =	vld.idx.msk [tilespmem:v3+s31+$0x0], $0xffff  }
0x332: {  	v3 =	vor.u32 v39, v1;
	_ =	sdelay $0x1  }
0x333: {  	s1 =	sshra.s32 s9, $0x2  }
0x334: {  	s1 =	sadd.s32 s1, s2  }
0x335: {  	[tilespmem:s1+$0x0] =	vst v2  }
0x336: {  	v2 =	vld.idx.msk [tilespmem:v3+s31+$0x0], $0xffff  }
0x337: {  	v3 =	vor.u32 v4, v1;
	_ =	sdelay $0x3  }
0x338: {  	[tilespmem:s1+$0x10] =	vst v2  }
0x339: {  	v2 =	vld.idx.msk [tilespmem:v3+s31+$0x0], $0xffff  }
0x33a: {  	v3 =	vor.u32 v5, v1;
	_ =	sdelay $0x3  }
0x33b: {  	[tilespmem:s1+$0x20] =	vst v2  }
0x33c: {  	v2 =	vld.idx.msk [tilespmem:v3+s31+$0x0], $0xffff  }
0x33d: {  	v3 =	vor.u32 v6, v1;
	_ =	sdelay $0x3  }
0x33e: {  	[tilespmem:s1+$0x30] =	vst v2  }
0x33f: {  	v2 =	vld.idx.msk [tilespmem:v3+s31+$0x0], $0xffff  }
0x340: {  	v3 =	vor.u32 v7, v1;
	_ =	sdelay $0x3  }
0x341: {  	[tilespmem:s1+$0x40] =	vst v2  }
0x342: {  	v2 =	vld.idx.msk [tilespmem:v3+s31+$0x0], $0xffff  }
0x343: {  	v3 =	vor.u32 v8, v1;
	_ =	sdelay $0x3  }
0x344: {  	[tilespmem:s1+$0x50] =	vst v2  }
0x345: {  	v2 =	vld.idx.msk [tilespmem:v3+s31+$0x0], $0xffff  }
0x346: {  	v3 =	vor.u32 v9, v1;
	_ =	sdelay $0x3  }
0x347: {  	[tilespmem:s1+$0x60] =	vst v2  }
0x348: {  	v2 =	vld.idx.msk [tilespmem:v3+s31+$0x0], $0xffff  }
0x349: {  	v3 =	vadd.s32 v10, v1;
	_ =	sdelay $0x3  }
0x34a: {  	[tilespmem:s1+$0x70] =	vst v2  }
0x34b: {  	v2 =	vld.idx.msk [tilespmem:v3+s31+$0x0], $0xffff  }
0x34c: {  	v3 =	vadd.s32 v11, v1;
	_ =	sdelay $0x3  }
0x34d: {  	[tilespmem:s1+$0x80] =	vst v2  }
0x34e: {  	v2 =	vld.idx.msk [tilespmem:v3+s31+$0x0], $0xffff  }
0x34f: {  	v3 =	vadd.s32 v12, v1;
	_ =	sdelay $0x3  }
0x350: {  	[tilespmem:s1+$0x90] =	vst v2  }
0x351: {  	v2 =	vld.idx.msk [tilespmem:v3+s31+$0x0], $0xffff  }
0x352: {  	v3 =	vadd.s32 v13, v1;
	_ =	sdelay $0x3  }
0x353: {  	[tilespmem:s1+$0xA0] =	vst v2  }
0x354: {  	v2 =	vld.idx.msk [tilespmem:v3+s31+$0x0], $0xffff  }
0x355: {  	v3 =	vadd.s32 v14, v1;
	_ =	sdelay $0x3  }
0x356: {  	[tilespmem:s1+$0xB0] =	vst v2  }
0x357: {  	v2 =	vld.idx.msk [tilespmem:v3+s31+$0x0], $0xffff  }
0x358: {  	v3 =	vadd.s32 v15, v1;
	_ =	sdelay $0x3  }
0x359: {  	[tilespmem:s1+$0xC0] =	vst v2  }
0x35a: {  	v2 =	vld.idx.msk [tilespmem:v3+s31+$0x0], $0xffff  }
0x35b: {  	v3 =	vadd.s32 v16, v1;
	_ =	sdelay $0x3  }
0x35c: {  	[tilespmem:s1+$0xD0] =	vst v2  }
0x35d: {  	v2 =	vld.idx.msk [tilespmem:v3+s31+$0x0], $0xffff  }
0x35e: {  	v3 =	vadd.s32 v17, v1;
	_ =	sdelay $0x3  }
0x35f: {  	[tilespmem:s1+$0xE0] =	vst v2  }
0x360: {  	v2 =	vld.idx.msk [tilespmem:v3+s31+$0x0], $0xffff  }
0x361: {  	v3 =	vadd.s32 v18, v1;
	_ =	sdelay $0x3  }
0x362: {  	[tilespmem:s1+$0xF0] =	vst v2  }
0x363: {  	v2 =	vld.idx.msk [tilespmem:v3+s31+$0x0], $0xffff  }
0x364: {  	v3 =	vadd.s32 v19, v1;
	_ =	sdelay $0x3  }
0x365: {  	[tilespmem:s1+$0x100] =	vst v2  }
0x366: {  	v2 =	vld.idx.msk [tilespmem:v3+s31+$0x0], $0xffff  }
0x367: {  	v3 =	vadd.s32 v20, v1;
	_ =	sdelay $0x3  }
0x368: {  	[tilespmem:s1+$0x110] =	vst v2  }
0x369: {  	v2 =	vld.idx.msk [tilespmem:v3+s31+$0x0], $0xffff  }
0x36a: {  	v3 =	vadd.s32 v21, v1;
	_ =	sdelay $0x3  }
0x36b: {  	[tilespmem:s1+$0x120] =	vst v2  }
0x36c: {  	v2 =	vld.idx.msk [tilespmem:v3+s31+$0x0], $0xffff  }
0x36d: {  	v3 =	vadd.s32 v22, v1;
	_ =	sdelay $0x3  }
0x36e: {  	[tilespmem:s1+$0x130] =	vst v2  }
0x36f: {  	v2 =	vld.idx.msk [tilespmem:v3+s31+$0x0], $0xffff  }
0x370: {  	v3 =	vadd.s32 v23, v1;
	_ =	sdelay $0x3  }
0x371: {  	[tilespmem:s1+$0x140] =	vst v2  }
0x372: {  	v2 =	vld.idx.msk [tilespmem:v3+s31+$0x0], $0xffff  }
0x373: {  	v3 =	vadd.s32 v24, v1;
	_ =	sdelay $0x3  }
0x374: {  	[tilespmem:s1+$0x150] =	vst v2  }
0x375: {  	v2 =	vld.idx.msk [tilespmem:v3+s31+$0x0], $0xffff  }
0x376: {  	v3 =	vadd.s32 v25, v1;
	_ =	sdelay $0x3  }
0x377: {  	[tilespmem:s1+$0x160] =	vst v2  }
0x378: {  	v2 =	vld.idx.msk [tilespmem:v3+s31+$0x0], $0xffff  }
0x379: {  	v3 =	vadd.s32 v26, v1;
	_ =	sdelay $0x3  }
0x37a: {  	[tilespmem:s1+$0x170] =	vst v2  }
0x37b: {  	v2 =	vld.idx.msk [tilespmem:v3+s31+$0x0], $0xffff  }
0x37c: {  	v3 =	vadd.s32 v27, v1;
	_ =	sdelay $0x3  }
0x37d: {  	[tilespmem:s1+$0x180] =	vst v2  }
0x37e: {  	v2 =	vld.idx.msk [tilespmem:v3+s31+$0x0], $0xffff  }
0x37f: {  	v3 =	vadd.s32 v28, v1;
	_ =	sdelay $0x3  }
0x380: {  	[tilespmem:s1+$0x190] =	vst v2  }
0x381: {  	v2 =	vld.idx.msk [tilespmem:v3+s31+$0x0], $0xffff  }
0x382: {  	v3 =	vadd.s32 v29, v1;
	_ =	sdelay $0x3  }
0x383: {  	[tilespmem:s1+$0x1A0] =	vst v2  }
0x384: {  	v2 =	vld.idx.msk [tilespmem:v3+s31+$0x0], $0xffff  }
0x385: {  	v3 =	vadd.s32 v42, v1;
	_ =	sdelay $0x3  }
0x386: {  	[tilespmem:s1+$0x1B0] =	vst v2  }
0x387: {  	v2 =	vld.idx.msk [tilespmem:v3+s31+$0x0], $0xffff  }
0x388: {  	v3 =	vadd.s32 v41, v1;
	_ =	sdelay $0x3  }
0x389: {  	[tilespmem:s1+$0x1C0] =	vst v2  }
0x38a: {  	v2 =	vld.idx.msk [tilespmem:v3+s31+$0x0], $0xffff  }
0x38b: {  	v3 =	vadd.s32 v40, v1;
	_ =	sdelay $0x3  }
0x38c: {  	[tilespmem:s1+$0x1D0] =	vst v2  }
0x38d: {  	v2 =	vld.idx.msk [tilespmem:v3+s31+$0x0], $0xffff  }
0x38e: {  	v3 =	vadd.s32 v31, v1;
	_ =	sdelay $0x3  }
0x38f: {  	[tilespmem:s1+$0x1E0] =	vst v2  }
0x390: {  	v2 =	vld.idx.msk [tilespmem:v3+s31+$0x0], $0xffff  }
0x391: {  	v3 =	vld [tilespmem:$0x1FFD0];
	_ =	sdelay $0x4  }
0x392: {  	v3 =	vadd.s32 v3, v1;
	_ =	sdelay $0x3  }
0x393: {  	[tilespmem:s1+$0x1F0] =	vst v2  }
0x394: {  	v2 =	vld.idx.msk [tilespmem:v3+s31+$0x0], $0xffff  }
0x395: {  	v3 =	vld [tilespmem:$0x1FFE0];
	_ =	sdelay $0x4  }
0x396: {  	v3 =	vadd.s32 v3, v1;
	_ =	sdelay $0x3  }
0x397: {  	[tilespmem:s1+$0x200] =	vst v2  }
0x398: {  	v2 =	vld.idx.msk [tilespmem:v3+s31+$0x0], $0xffff  }
0x399: {  	v3 =	vld [tilespmem:$0x1FFF0];
	_ =	sdelay $0x4  }
0x39a: {  	v3 =	vadd.s32 v3, v1;
	_ =	sdelay $0x3  }
0x39b: {  	[tilespmem:s1+$0x210] =	vst v2  }
0x39c: {  	v2 =	vld.idx.msk [tilespmem:v3+s31+$0x0], $0xffff  }
0x39d: {  	v3 =	vadd.s32 v38, v1;
	_ =	sdelay $0x3  }
0x39e: {  	[tilespmem:s1+$0x220] =	vst v2  }
0x39f: {  	v2 =	vld.idx.msk [tilespmem:v3+s31+$0x0], $0xffff  }
0x3a0: {  	v3 =	vadd.s32 v34, v1;
	_ =	sdelay $0x3  }
0x3a1: {  	[tilespmem:s1+$0x230] =	vst v2  }
0x3a2: {  	v2 =	vld.idx.msk [tilespmem:v3+s31+$0x0], $0xffff  }
0x3a3: {  	v3 =	vadd.s32 v32, v1;
	_ =	sdelay $0x3  }
0x3a4: {  	[tilespmem:s1+$0x240] =	vst v2  }
0x3a5: {  	v2 =	vld.idx.msk [tilespmem:v3+s31+$0x0], $0xffff  }
0x3a6: {  	v3 =	vadd.s32 v35, v1;
	_ =	sdelay $0x3  }
0x3a7: {  	[tilespmem:s1+$0x250] =	vst v2  }
0x3a8: {  	v2 =	vld.idx.msk [tilespmem:v3+s31+$0x0], $0xffff  }
0x3a9: {  	v3 =	vadd.s32 v30, v1;
	_ =	sdelay $0x3  }
0x3aa: {  	[tilespmem:s1+$0x260] =	vst v2  }
0x3ab: {  	v2 =	vld.idx.msk [tilespmem:v3+s31+$0x0], $0xffff  }
0x3ac: {  	v3 =	vadd.s32 v33, v1;
	_ =	sdelay $0x3  }
0x3ad: {  	[tilespmem:s1+$0x270] =	vst v2  }
0x3ae: {  	v2 =	vld.idx.msk [tilespmem:v3+s31+$0x0], $0xffff  }
0x3af: {  	v3 =	vadd.s32 v36, v1;
	_ =	sdelay $0x3  }
0x3b0: {  	[tilespmem:s1+$0x280] =	vst v2  }
0x3b1: {  	v2 =	vld.idx.msk [tilespmem:v3+s31+$0x0], $0xffff  }
0x3b2: {  	v3 =	vadd.s32 v37, v1;
	_ =	sdelay $0x3  }
0x3b3: {  	[tilespmem:s1+$0x290] =	vst v2  }
0x3b4: {  	v2 =	vld.idx.msk [tilespmem:v3+s31+$0x0], $0xffff  }
0x3b5: {  	v3 =	vadd.s32 v43, v1;
	_ =	sdelay $0x3  }
0x3b6: {  	[tilespmem:s1+$0x2A0] =	vst v2  }
0x3b7: {  	v2 =	vld.idx.msk [tilespmem:v3+s31+$0x0], $0xffff  }
0x3b8: {  	v3 =	vadd.s32 v44, v1;
	_ =	sdelay $0x3  }
0x3b9: {  	[tilespmem:s1+$0x2B0] =	vst v2  }
0x3ba: {  	v2 =	vld.idx.msk [tilespmem:v3+s31+$0x0], $0xffff  }
0x3bb: {  	v3 =	vadd.s32 v45, v1;
	_ =	sdelay $0x3  }
0x3bc: {  	[tilespmem:s1+$0x2C0] =	vst v2  }
0x3bd: {  	v2 =	vld.idx.msk [tilespmem:v3+s31+$0x0], $0xffff  }
0x3be: {  	v3 =	vadd.s32 v46, v1;
	_ =	sdelay $0x3  }
0x3bf: {  	[tilespmem:s1+$0x2D0] =	vst v2  }
0x3c0: {  	v2 =	vld.idx.msk [tilespmem:v3+s31+$0x0], $0xffff  }
0x3c1: {  	v3 =	vadd.s32 v47, v1;
	_ =	sdelay $0x3  }
0x3c2: {  	[tilespmem:s1+$0x2E0] =	vst v2  }
0x3c3: {  	v2 =	vld.idx.msk [tilespmem:v3+s31+$0x0], $0xffff  }
0x3c4: {  	v3 =	vadd.s32 v48, v1;
	_ =	sdelay $0x3  }
0x3c5: {  	[tilespmem:s1+$0x2F0] =	vst v2  }
0x3c6: {  	v2 =	vld.idx.msk [tilespmem:v3+s31+$0x0], $0xffff  }
0x3c7: {  	v3 =	vadd.s32 v49, v1;
	_ =	sdelay $0x3  }
0x3c8: {  	[tilespmem:s1+$0x300] =	vst v2  }
0x3c9: {  	v2 =	vld.idx.msk [tilespmem:v3+s31+$0x0], $0xffff  }
0x3ca: {  	v3 =	vadd.s32 v50, v1;
	_ =	sdelay $0x3  }
0x3cb: {  	[tilespmem:s1+$0x310] =	vst v2  }
0x3cc: {  	v2 =	vld.idx.msk [tilespmem:v3+s31+$0x0], $0xffff  }
0x3cd: {  	v3 =	vadd.s32 v51, v1;
	_ =	sdelay $0x3  }
0x3ce: {  	[tilespmem:s1+$0x320] =	vst v2  }
0x3cf: {  	v2 =	vld.idx.msk [tilespmem:v3+s31+$0x0], $0xffff  }
0x3d0: {  	v3 =	vadd.s32 v52, v1;
	_ =	sdelay $0x3  }
0x3d1: {  	[tilespmem:s1+$0x330] =	vst v2  }
0x3d2: {  	v2 =	vld.idx.msk [tilespmem:v3+s31+$0x0], $0xffff  }
0x3d3: {  	v3 =	vadd.s32 v53, v1;
	_ =	sdelay $0x3  }
0x3d4: {  	[tilespmem:s1+$0x340] =	vst v2  }
0x3d5: {  	v2 =	vld.idx.msk [tilespmem:v3+s31+$0x0], $0xffff  }
0x3d6: {  	v3 =	vadd.s32 v54, v1;
	_ =	sdelay $0x3  }
0x3d7: {  	[tilespmem:s1+$0x350] =	vst v2  }
0x3d8: {  	v2 =	vld.idx.msk [tilespmem:v3+s31+$0x0], $0xffff  }
0x3d9: {  	v3 =	vadd.s32 v55, v1;
	_ =	sdelay $0x3  }
0x3da: {  	[tilespmem:s1+$0x360] =	vst v2  }
0x3db: {  	v2 =	vld.idx.msk [tilespmem:v3+s31+$0x0], $0xffff  }
0x3dc: {  	v3 =	vadd.s32 v56, v1;
	_ =	sdelay $0x3  }
0x3dd: {  	[tilespmem:s1+$0x370] =	vst v2  }
0x3de: {  	v2 =	vld.idx.msk [tilespmem:v3+s31+$0x0], $0xffff  }
0x3df: {  	v3 =	vadd.s32 v57, v1;
	_ =	sdelay $0x3  }
0x3e0: {  	[tilespmem:s1+$0x380] =	vst v2  }
0x3e1: {  	v2 =	vld.idx.msk [tilespmem:v3+s31+$0x0], $0xffff  }
0x3e2: {  	v3 =	vadd.s32 v58, v1;
	_ =	sdelay $0x3  }
0x3e3: {  	[tilespmem:s1+$0x390] =	vst v2  }
0x3e4: {  	v2 =	vld.idx.msk [tilespmem:v3+s31+$0x0], $0xffff  }
0x3e5: {  	v3 =	vadd.s32 v59, v1;
	_ =	sdelay $0x3  }
0x3e6: {  	[tilespmem:s1+$0x3A0] =	vst v2  }
0x3e7: {  	v2 =	vld.idx.msk [tilespmem:v3+s31+$0x0], $0xffff  }
0x3e8: {  	v3 =	vadd.s32 v60, v1;
	_ =	sdelay $0x3  }
0x3e9: {  	[tilespmem:s1+$0x3B0] =	vst v2  }
0x3ea: {  	v2 =	vld.idx.msk [tilespmem:v3+s31+$0x0], $0xffff  }
0x3eb: {  	v3 =	vadd.s32 v61, v1;
	_ =	sdelay $0x3  }
0x3ec: {  	[tilespmem:s1+$0x3C0] =	vst v2  }
0x3ed: {  	v2 =	vld.idx.msk [tilespmem:v3+s31+$0x0], $0xffff  }
0x3ee: {  	p0 =	seq.s32 s13, $0x7000;
	v3 =	vadd.s32 v62, v1  }
.Ltmp8:
0x3ef: {  	_ = 	snop;
	(pc) =	sbr.rel @!p0 .LBB2_6-.Ltmp8, $3  }
0x3f0: {  	_ =	sdelay $0x1  }
0x3f1: {  	s12 =	sadd.s32 $0x8, s12;
	[tilespmem:s1+$0x3D0] =	vst v2  }
0x3f2: {  	s9 =	smov.u32 s13;
	s13 =	sadd.s32 $0x1000, s13;
	v2 =	vadd.s32 v63, v1;
	v1 =	vmov s12;
	v3 =	vld.idx.msk [tilespmem:v3+s31+$0x0], $0xffff  }
0x3f3: {  	_ =	sdelay $0x1  }
0x3f4: {  	v1 =	vshrl.u32 v1, $0x3  }
0x3f5: {  	v1 =	vshll.u32 v1, $0x3  }
0x3f6: {  	v1 =	vbroadcast v1, $0x0;
	[tilespmem:s1+$0x3E0] =	vst v3  }
0x3f7: {  	v2 =	vld.idx.msk [tilespmem:v2+s31+$0x0], $0xffff  }
0x3f8: {  	v3 =	vor.u32 v0, v1;
	_ =	sdelay $0x3  }
0x3f9: {  	[tilespmem:s1+$0x3F0] =	vst v2  }
0x3fa: {  	v2 =	vld.idx.msk [tilespmem:v3+s31+$0x0], $0xffff  }
0x3fb: {  	v3 =	vor.u32 v39, v1;
	_ =	sdelay $0x1  }
0x3fc: {  	s13 =	sshra.s32 s9, $0x2  }
0x3fd: {  	s1 =	sadd.s32 s13, s2  }
0x3fe: {  	[tilespmem:s1+$0x0] =	vst v2  }
0x3ff: {  	v2 =	vld.idx.msk [tilespmem:v3+s31+$0x0], $0xffff  }
0x400: {  	v3 =	vor.u32 v4, v1;
	_ =	sdelay $0x3  }
0x401: {  	[tilespmem:s1+$0x10] =	vst v2  }
0x402: {  	v2 =	vld.idx.msk [tilespmem:v3+s31+$0x0], $0xffff  }
0x403: {  	v3 =	vor.u32 v5, v1;
	_ =	sdelay $0x3  }
0x404: {  	[tilespmem:s1+$0x20] =	vst v2  }
0x405: {  	v2 =	vld.idx.msk [tilespmem:v3+s31+$0x0], $0xffff  }
0x406: {  	v3 =	vor.u32 v6, v1;
	_ =	sdelay $0x3  }
0x407: {  	[tilespmem:s1+$0x30] =	vst v2  }
0x408: {  	v2 =	vld.idx.msk [tilespmem:v3+s31+$0x0], $0xffff  }
0x409: {  	v3 =	vor.u32 v7, v1;
	_ =	sdelay $0x3  }
0x40a: {  	[tilespmem:s1+$0x40] =	vst v2  }
0x40b: {  	v2 =	vld.idx.msk [tilespmem:v3+s31+$0x0], $0xffff  }
0x40c: {  	v3 =	vor.u32 v8, v1;
	_ =	sdelay $0x3  }
0x40d: {  	[tilespmem:s1+$0x50] =	vst v2  }
0x40e: {  	v2 =	vld.idx.msk [tilespmem:v3+s31+$0x0], $0xffff  }
0x40f: {  	v3 =	vor.u32 v9, v1;
	_ =	sdelay $0x3  }
0x410: {  	[tilespmem:s1+$0x60] =	vst v2  }
0x411: {  	v2 =	vld.idx.msk [tilespmem:v3+s31+$0x0], $0xffff  }
0x412: {  	v3 =	vadd.s32 v10, v1;
	_ =	sdelay $0x3  }
0x413: {  	[tilespmem:s1+$0x70] =	vst v2  }
0x414: {  	v2 =	vld.idx.msk [tilespmem:v3+s31+$0x0], $0xffff  }
0x415: {  	v3 =	vadd.s32 v11, v1;
	_ =	sdelay $0x3  }
0x416: {  	[tilespmem:s1+$0x80] =	vst v2  }
0x417: {  	v2 =	vld.idx.msk [tilespmem:v3+s31+$0x0], $0xffff  }
0x418: {  	v3 =	vadd.s32 v12, v1;
	_ =	sdelay $0x3  }
0x419: {  	[tilespmem:s1+$0x90] =	vst v2  }
0x41a: {  	v2 =	vld.idx.msk [tilespmem:v3+s31+$0x0], $0xffff  }
0x41b: {  	v3 =	vadd.s32 v13, v1;
	_ =	sdelay $0x3  }
0x41c: {  	[tilespmem:s1+$0xA0] =	vst v2  }
0x41d: {  	v2 =	vld.idx.msk [tilespmem:v3+s31+$0x0], $0xffff  }
0x41e: {  	v3 =	vadd.s32 v14, v1;
	_ =	sdelay $0x3  }
0x41f: {  	[tilespmem:s1+$0xB0] =	vst v2  }
0x420: {  	v2 =	vld.idx.msk [tilespmem:v3+s31+$0x0], $0xffff  }
0x421: {  	v3 =	vadd.s32 v15, v1;
	_ =	sdelay $0x3  }
0x422: {  	[tilespmem:s1+$0xC0] =	vst v2  }
0x423: {  	v2 =	vld.idx.msk [tilespmem:v3+s31+$0x0], $0xffff  }
0x424: {  	v3 =	vadd.s32 v16, v1;
	_ =	sdelay $0x3  }
0x425: {  	[tilespmem:s1+$0xD0] =	vst v2  }
0x426: {  	v2 =	vld.idx.msk [tilespmem:v3+s31+$0x0], $0xffff  }
0x427: {  	v3 =	vadd.s32 v17, v1;
	_ =	sdelay $0x3  }
0x428: {  	[tilespmem:s1+$0xE0] =	vst v2  }
0x429: {  	v2 =	vld.idx.msk [tilespmem:v3+s31+$0x0], $0xffff  }
0x42a: {  	v3 =	vadd.s32 v18, v1;
	_ =	sdelay $0x3  }
0x42b: {  	[tilespmem:s1+$0xF0] =	vst v2  }
0x42c: {  	v2 =	vld.idx.msk [tilespmem:v3+s31+$0x0], $0xffff  }
0x42d: {  	v3 =	vadd.s32 v19, v1;
	_ =	sdelay $0x3  }
0x42e: {  	[tilespmem:s1+$0x100] =	vst v2  }
0x42f: {  	v2 =	vld.idx.msk [tilespmem:v3+s31+$0x0], $0xffff  }
0x430: {  	v3 =	vadd.s32 v20, v1;
	_ =	sdelay $0x3  }
0x431: {  	[tilespmem:s1+$0x110] =	vst v2  }
0x432: {  	v2 =	vld.idx.msk [tilespmem:v3+s31+$0x0], $0xffff  }
0x433: {  	v3 =	vadd.s32 v21, v1;
	_ =	sdelay $0x3  }
0x434: {  	[tilespmem:s1+$0x120] =	vst v2  }
0x435: {  	v2 =	vld.idx.msk [tilespmem:v3+s31+$0x0], $0xffff  }
0x436: {  	v3 =	vadd.s32 v22, v1;
	_ =	sdelay $0x3  }
0x437: {  	[tilespmem:s1+$0x130] =	vst v2  }
0x438: {  	v2 =	vld.idx.msk [tilespmem:v3+s31+$0x0], $0xffff  }
0x439: {  	v3 =	vadd.s32 v23, v1;
	_ =	sdelay $0x3  }
0x43a: {  	[tilespmem:s1+$0x140] =	vst v2  }
0x43b: {  	v2 =	vld.idx.msk [tilespmem:v3+s31+$0x0], $0xffff  }
0x43c: {  	v3 =	vadd.s32 v24, v1;
	_ =	sdelay $0x3  }
0x43d: {  	[tilespmem:s1+$0x150] =	vst v2  }
0x43e: {  	v2 =	vld.idx.msk [tilespmem:v3+s31+$0x0], $0xffff  }
0x43f: {  	v3 =	vadd.s32 v25, v1;
	_ =	sdelay $0x3  }
0x440: {  	[tilespmem:s1+$0x160] =	vst v2  }
0x441: {  	v2 =	vld.idx.msk [tilespmem:v3+s31+$0x0], $0xffff  }
0x442: {  	v3 =	vadd.s32 v26, v1;
	_ =	sdelay $0x3  }
0x443: {  	[tilespmem:s1+$0x170] =	vst v2  }
0x444: {  	v2 =	vld.idx.msk [tilespmem:v3+s31+$0x0], $0xffff  }
0x445: {  	v3 =	vadd.s32 v27, v1;
	_ =	sdelay $0x3  }
0x446: {  	[tilespmem:s1+$0x180] =	vst v2  }
0x447: {  	v2 =	vld.idx.msk [tilespmem:v3+s31+$0x0], $0xffff  }
0x448: {  	v3 =	vadd.s32 v28, v1;
	_ =	sdelay $0x3  }
0x449: {  	[tilespmem:s1+$0x190] =	vst v2  }
0x44a: {  	v2 =	vld.idx.msk [tilespmem:v3+s31+$0x0], $0xffff  }
0x44b: {  	v3 =	vadd.s32 v29, v1;
	_ =	sdelay $0x3  }
0x44c: {  	[tilespmem:s1+$0x1A0] =	vst v2  }
0x44d: {  	v2 =	vld.idx.msk [tilespmem:v3+s31+$0x0], $0xffff  }
0x44e: {  	v3 =	vadd.s32 v42, v1;
	_ =	sdelay $0x3  }
0x44f: {  	[tilespmem:s1+$0x1B0] =	vst v2  }
0x450: {  	v2 =	vld.idx.msk [tilespmem:v3+s31+$0x0], $0xffff  }
0x451: {  	v3 =	vadd.s32 v41, v1;
	_ =	sdelay $0x3  }
0x452: {  	[tilespmem:s1+$0x1C0] =	vst v2  }
0x453: {  	v2 =	vld.idx.msk [tilespmem:v3+s31+$0x0], $0xffff  }
0x454: {  	v3 =	vadd.s32 v40, v1;
	_ =	sdelay $0x3  }
0x455: {  	[tilespmem:s1+$0x1D0] =	vst v2  }
0x456: {  	v2 =	vld.idx.msk [tilespmem:v3+s31+$0x0], $0xffff  }
0x457: {  	v3 =	vadd.s32 v31, v1;
	_ =	sdelay $0x3  }
0x458: {  	[tilespmem:s1+$0x1E0] =	vst v2  }
0x459: {  	v2 =	vld.idx.msk [tilespmem:v3+s31+$0x0], $0xffff  }
0x45a: {  	v3 =	vld [tilespmem:$0x1FFD0];
	_ =	sdelay $0x4  }
0x45b: {  	v3 =	vadd.s32 v3, v1;
	_ =	sdelay $0x3  }
0x45c: {  	[tilespmem:s1+$0x1F0] =	vst v2  }
0x45d: {  	v2 =	vld.idx.msk [tilespmem:v3+s31+$0x0], $0xffff  }
0x45e: {  	v3 =	vld [tilespmem:$0x1FFE0];
	_ =	sdelay $0x4  }
0x45f: {  	v3 =	vadd.s32 v3, v1;
	_ =	sdelay $0x3  }
0x460: {  	[tilespmem:s1+$0x200] =	vst v2  }
0x461: {  	v2 =	vld.idx.msk [tilespmem:v3+s31+$0x0], $0xffff  }
0x462: {  	v3 =	vld [tilespmem:$0x1FFF0];
	_ =	sdelay $0x4  }
0x463: {  	v3 =	vadd.s32 v3, v1;
	_ =	sdelay $0x3  }
0x464: {  	[tilespmem:s1+$0x210] =	vst v2  }
0x465: {  	v2 =	vld.idx.msk [tilespmem:v3+s31+$0x0], $0xffff  }
0x466: {  	v3 =	vadd.s32 v38, v1;
	_ =	sdelay $0x3  }
0x467: {  	[tilespmem:s1+$0x220] =	vst v2  }
0x468: {  	v2 =	vld.idx.msk [tilespmem:v3+s31+$0x0], $0xffff  }
0x469: {  	v3 =	vadd.s32 v34, v1;
	_ =	sdelay $0x3  }
0x46a: {  	[tilespmem:s1+$0x230] =	vst v2  }
0x46b: {  	v2 =	vld.idx.msk [tilespmem:v3+s31+$0x0], $0xffff  }
0x46c: {  	v3 =	vadd.s32 v32, v1;
	_ =	sdelay $0x3  }
0x46d: {  	[tilespmem:s1+$0x240] =	vst v2  }
0x46e: {  	v2 =	vld.idx.msk [tilespmem:v3+s31+$0x0], $0xffff  }
0x46f: {  	v3 =	vadd.s32 v35, v1;
	_ =	sdelay $0x3  }
0x470: {  	[tilespmem:s1+$0x250] =	vst v2  }
0x471: {  	v2 =	vld.idx.msk [tilespmem:v3+s31+$0x0], $0xffff  }
0x472: {  	v3 =	vadd.s32 v30, v1;
	_ =	sdelay $0x3  }
0x473: {  	[tilespmem:s1+$0x260] =	vst v2  }
0x474: {  	v2 =	vld.idx.msk [tilespmem:v3+s31+$0x0], $0xffff  }
0x475: {  	v3 =	vadd.s32 v33, v1;
	_ =	sdelay $0x3  }
0x476: {  	[tilespmem:s1+$0x270] =	vst v2  }
0x477: {  	v2 =	vld.idx.msk [tilespmem:v3+s31+$0x0], $0xffff  }
0x478: {  	v3 =	vadd.s32 v36, v1;
	_ =	sdelay $0x3  }
0x479: {  	[tilespmem:s1+$0x280] =	vst v2  }
0x47a: {  	v2 =	vld.idx.msk [tilespmem:v3+s31+$0x0], $0xffff  }
0x47b: {  	v3 =	vadd.s32 v37, v1;
	_ =	sdelay $0x3  }
0x47c: {  	[tilespmem:s1+$0x290] =	vst v2  }
0x47d: {  	v2 =	vld.idx.msk [tilespmem:v3+s31+$0x0], $0xffff  }
0x47e: {  	v3 =	vadd.s32 v43, v1;
	_ =	sdelay $0x3  }
0x47f: {  	[tilespmem:s1+$0x2A0] =	vst v2  }
0x480: {  	v2 =	vld.idx.msk [tilespmem:v3+s31+$0x0], $0xffff  }
0x481: {  	v3 =	vadd.s32 v44, v1;
	_ =	sdelay $0x3  }
0x482: {  	[tilespmem:s1+$0x2B0] =	vst v2  }
0x483: {  	v2 =	vld.idx.msk [tilespmem:v3+s31+$0x0], $0xffff  }
0x484: {  	v3 =	vadd.s32 v45, v1;
	_ =	sdelay $0x3  }
0x485: {  	[tilespmem:s1+$0x2C0] =	vst v2  }
0x486: {  	v2 =	vld.idx.msk [tilespmem:v3+s31+$0x0], $0xffff  }
0x487: {  	v3 =	vadd.s32 v46, v1;
	_ =	sdelay $0x3  }
0x488: {  	[tilespmem:s1+$0x2D0] =	vst v2  }
0x489: {  	v2 =	vld.idx.msk [tilespmem:v3+s31+$0x0], $0xffff  }
0x48a: {  	v3 =	vadd.s32 v47, v1;
	_ =	sdelay $0x3  }
0x48b: {  	[tilespmem:s1+$0x2E0] =	vst v2  }
0x48c: {  	v2 =	vld.idx.msk [tilespmem:v3+s31+$0x0], $0xffff  }
0x48d: {  	v3 =	vadd.s32 v48, v1;
	_ =	sdelay $0x3  }
0x48e: {  	[tilespmem:s1+$0x2F0] =	vst v2  }
0x48f: {  	v2 =	vld.idx.msk [tilespmem:v3+s31+$0x0], $0xffff  }
0x490: {  	v3 =	vadd.s32 v49, v1;
	_ =	sdelay $0x3  }
0x491: {  	[tilespmem:s1+$0x300] =	vst v2  }
0x492: {  	v2 =	vld.idx.msk [tilespmem:v3+s31+$0x0], $0xffff  }
0x493: {  	v3 =	vadd.s32 v50, v1;
	_ =	sdelay $0x3  }
0x494: {  	[tilespmem:s1+$0x310] =	vst v2  }
0x495: {  	v2 =	vld.idx.msk [tilespmem:v3+s31+$0x0], $0xffff  }
0x496: {  	v3 =	vadd.s32 v51, v1;
	_ =	sdelay $0x3  }
0x497: {  	[tilespmem:s1+$0x320] =	vst v2  }
0x498: {  	v2 =	vld.idx.msk [tilespmem:v3+s31+$0x0], $0xffff  }
0x499: {  	v3 =	vadd.s32 v52, v1;
	_ =	sdelay $0x3  }
0x49a: {  	[tilespmem:s1+$0x330] =	vst v2  }
0x49b: {  	v2 =	vld.idx.msk [tilespmem:v3+s31+$0x0], $0xffff  }
0x49c: {  	v3 =	vadd.s32 v53, v1;
	_ =	sdelay $0x3  }
0x49d: {  	[tilespmem:s1+$0x340] =	vst v2  }
0x49e: {  	v2 =	vld.idx.msk [tilespmem:v3+s31+$0x0], $0xffff  }
0x49f: {  	v3 =	vadd.s32 v54, v1;
	_ =	sdelay $0x3  }
0x4a0: {  	[tilespmem:s1+$0x350] =	vst v2  }
0x4a1: {  	v2 =	vld.idx.msk [tilespmem:v3+s31+$0x0], $0xffff  }
0x4a2: {  	v3 =	vadd.s32 v55, v1;
	_ =	sdelay $0x3  }
0x4a3: {  	[tilespmem:s1+$0x360] =	vst v2  }
0x4a4: {  	v2 =	vld.idx.msk [tilespmem:v3+s31+$0x0], $0xffff  }
0x4a5: {  	v3 =	vadd.s32 v56, v1;
	_ =	sdelay $0x3  }
0x4a6: {  	[tilespmem:s1+$0x370] =	vst v2  }
0x4a7: {  	v2 =	vld.idx.msk [tilespmem:v3+s31+$0x0], $0xffff  }
0x4a8: {  	v3 =	vadd.s32 v57, v1;
	_ =	sdelay $0x3  }
0x4a9: {  	[tilespmem:s1+$0x380] =	vst v2  }
0x4aa: {  	v2 =	vld.idx.msk [tilespmem:v3+s31+$0x0], $0xffff  }
0x4ab: {  	v3 =	vadd.s32 v58, v1;
	_ =	sdelay $0x3  }
0x4ac: {  	[tilespmem:s1+$0x390] =	vst v2  }
0x4ad: {  	v2 =	vld.idx.msk [tilespmem:v3+s31+$0x0], $0xffff  }
0x4ae: {  	v3 =	vadd.s32 v59, v1;
	_ =	sdelay $0x3  }
0x4af: {  	[tilespmem:s1+$0x3A0] =	vst v2  }
0x4b0: {  	v2 =	vld.idx.msk [tilespmem:v3+s31+$0x0], $0xffff  }
0x4b1: {  	v3 =	vadd.s32 v60, v1;
	_ =	sdelay $0x3  }
0x4b2: {  	[tilespmem:s1+$0x3B0] =	vst v2  }
0x4b3: {  	v2 =	vld.idx.msk [tilespmem:v3+s31+$0x0], $0xffff  }
0x4b4: {  	v3 =	vadd.s32 v61, v1;
	_ =	sdelay $0x3  }
0x4b5: {  	[tilespmem:s1+$0x3C0] =	vst v2  }
0x4b6: {  	v2 =	vld.idx.msk [tilespmem:v3+s31+$0x0], $0xffff  }
0x4b7: {  	v3 =	vadd.s32 v62, v1;
	_ =	sdelay $0x3  }
0x4b8: {  	[tilespmem:s1+$0x3D0] =	vst v2  }
0x4b9: {  	v2 =	vld.idx.msk [tilespmem:v3+s31+$0x0], $0xffff  }
0x4ba: {  	v1 =	vadd.s32 v63, v1;
	_ =	sdelay $0x3  }
0x4bb: {  	[tilespmem:s1+$0x3E0] =	vst v2  }
0x4bc: {  	v1 =	vld.idx.msk [tilespmem:v1+s31+$0x0], $0xffff  }
.Ltmp9:
0x4bd: {  	_ = 	snop;
	(pc) =	sbr.rel .LBB2_9-.Ltmp9, $2  }
0x4be: {  	_ =	sdelay $0x2  }
0x4bf: {  	[tilespmem:s1+$0x3F0] =	vst v1  }
.LBB2_11:
0x4c0: {  	_ =	sfence.sel $0x180000  }
0x4c1: {  	[bflag:$0x0] =	sbarrier.arrive $0xFFFF  }
0x4c2: {  	_ =	strace $0x90000047  }
0x4c3: {  	s0 =	stileid.u32;
	[bflag:$0x2] =	sbarrier.arrive $0xFFFF  }
0x4c4: {  	p0 =	sne.s32 s0, $0x0;
	s0 =	rddreg [dreg:$0x3]  }
0x4c5: {  	s0 =	sadd.s32 @!p0 $0x100000, s0  }
0x4c6: {  	[sflag:s0] =	ssyncadd.tile.s32 @!p0 $0x1;
	_ =	shalt  }
.Lfunc_end2:
_tile_overlayer_lowered:
.L_overlay_start_2:
0x4c7: {  	(tag) =	ssettag $0x2  }
0x4c8: {  	s0 =	rddreg [dreg:$0x0];
	s2 =	stileid.u32  }
0x4c9: {  	s1 =	rddreg [dreg:$0x1];
	p0 =	sne.s32 s2, $0x0  }
0x4ca: {  	s3 =	rddreg [dreg:$0x2];
	[bflag:$0x3] =	sbarrier.arrive $0xFFFF;
	s2 =	simm.s32 @!p0 $0x1C07  }
0x4cb: {  	[timem:s3], [sflag:s2] =	dma.local @!p0 [hbm:s0], s1  }
0x4cc: {  	s0 =	simm.s32 @!p0 $0x7  }
0x4cd: {  	_ =	swait.ge @!p0 [sflag:s0], s1  }
0x4ce: {  	s1 =	ssub.s32 @!p0 $0x0, s1;
	[sflag:s0] =	ssyncset.done @!p0 $0x0  }
0x4cf: {  	[sflag:s0] =	ssyncadd.s32 @!p0 s1  }
0x4d0: {  	[bflag:$0x3] =	sbarrier.arrive $0xFFFF  }
0x4d1: {  	_ =	shalt  }

</sc_bundles>
